<compile_context>
chip_gen: v7x
topology: tpu7x:2x2x1
jax: 0.10.2.dev20260603
libtpu: 0.0.44.dev20260713+nightly
codegen_flags: <defaults>
</compile_context>

<pallas_src>
import functools

import jax
import jax.numpy as jnp
from jax import lax
from jax.experimental import pallas as pl
from jax.experimental.pallas import tpu as pltpu
from jax.experimental.pallas import tpu_sc as plsc

NC = 2
NS = 16
L = 16
NW = NC * NS

_LOG1P_C = (
    0.0009253039606846869, 0.9797518253326416, -0.3935335576534271,
    0.10668396204710007,
)


def _log1p_poly(e, like):
    c0, c1, c2, c3 = (jnp.float32(c) for c in _LOG1P_C)
    return (c0 + c1 * e) + (e * e) * (c2 + c3 * e)


def _elem_terms(x, t):
    e = jnp.exp(-jnp.abs(x))
    l = jnp.maximum(x, 0.0) + _log1p_poly(e, x) - t * x
    pp = jnp.where(x > 0.0, 1.0, 0.0).astype(jnp.float32)
    return t * l, l, t, pp, t * pp


def _make_sc_kernel(n, offset=0, num_cores=NC):
    nw = num_cores * NS
    slab = n // nw
    ch = min(16384, slab)
    nch = slab // ch
    vi = ch // L

    mesh = plsc.VectorSubcoreMesh(
        core_axis_name="c", subcore_axis_name="s", num_cores=num_cores)

    @functools.partial(
        pl.kernel,
        out_type=jax.ShapeDtypeStruct((nw, 8, L), jnp.float32),
        mesh=mesh,
        scratch_types=[
            pltpu.VMEM((ch,), jnp.float32),
            pltpu.VMEM((ch,), jnp.float32),
            pltpu.VMEM((ch,), jnp.float32),
            pltpu.VMEM((ch,), jnp.float32),
            pltpu.VMEM((8, L), jnp.float32),
            pltpu.SemaphoreType.DMA,
            pltpu.SemaphoreType.DMA,
        ],
    )
    def body(pred_hbm, tgt_hbm, out_hbm, pb0, pb1, tb0, tb1, accv, sem0, sem1):
        wid = lax.axis_index("c") * NS + lax.axis_index("s")
        base = offset + wid * slab
        pbufs = (pb0, pb1)
        tbufs = (tb0, tb1)
        sems = (sem0, sem1)

        def start(c, slot):
            off = base + c * ch
            cp = pltpu.async_copy(pred_hbm.at[pl.ds(off, ch)], pbufs[slot], sems[slot])
            ct = pltpu.async_copy(tgt_hbm.at[pl.ds(off, ch)], tbufs[slot], sems[slot])
            return cp, ct

        def wait(cp_ct):
            cp_ct[0].wait()
            cp_ct[1].wait()

        zero = jnp.zeros((L,), jnp.float32)
        acc = (zero, zero, zero, zero, zero)

        def chunk_compute(pbuf, tbuf, acc):
            def it(j, acc):
                x = pbuf[pl.ds(j * L, L)]
                t = tbuf[pl.ds(j * L, L)]
                terms = _elem_terms(x, t)
                return tuple(a + v for a, v in zip(acc, terms))
            return lax.fori_loop(0, vi, it, acc, unroll=4)

        pend = start(0, 0)
        for c in range(nch):
            slot = c % 2
            wait(pend)
            if c + 1 < nch:
                pend = start(c + 1, (c + 1) % 2)
            acc = chunk_compute(pbufs[slot], tbufs[slot], acc)

        for i in range(5):
            accv[i, :] = acc[i]
        for i in range(5, 8):
            accv[i, :] = zero
        pltpu.sync_copy(accv, out_hbm.at[wid])

    return body


_CR = 8
_BL = 524288


def _make_tc_kernel(block0, nblocks, with_carry=False):
    bl, cr = _BL, _CR
    rows = bl // 128

    def body(*refs):
        if with_carry:
            x_ref, t_ref, c_ref, out_ref, xs, ts = refs
        else:
            x_ref, t_ref, out_ref, xs, ts = refs
        i = pl.program_id(0)

        @pl.when(i == 0)
        def _init():
            out_ref[...] = jnp.zeros_like(out_ref)

        xs[...] = x_ref[...].reshape(rows, 128)
        ts[...] = t_ref[...].reshape(rows, 128)

        z = jnp.zeros((cr, 128), jnp.float32)

        def it(j, acc):
            x = xs[pl.ds(j * cr, cr), :]
            t = ts[pl.ds(j * cr, cr), :]
            terms = _elem_terms(x, t)
            return tuple(a + v for a, v in zip(acc, terms))

        acc = lax.fori_loop(0, rows // cr, it, (z, z, z, z, z), unroll=64)
        for k, a in enumerate(acc):
            out_ref[k * cr:(k + 1) * cr, :] += a

        if with_carry:
            @pl.when(i == nblocks - 1)
            def _fold():
                out_ref[...] += c_ref[...]

    in_specs = [
        pl.BlockSpec((bl,), lambda i: (i + block0,)),
        pl.BlockSpec((bl,), lambda i: (i + block0,)),
    ]
    if with_carry:
        in_specs.append(pl.BlockSpec((5 * cr, 128), lambda i: (0, 0)))

    return pl.pallas_call(
        body,
        grid=(nblocks,),
        in_specs=in_specs,
        out_specs=pl.BlockSpec((5 * cr, 128), lambda i: (0, 0)),
        out_shape=jax.ShapeDtypeStruct((5 * cr, 128), jnp.float32),
        scratch_shapes=[
            pltpu.VMEM((rows, 128), jnp.float32),
            pltpu.VMEM((rows, 128), jnp.float32),
        ],
    )


_N_SC = 1048576


def kernel(predictions, targets):
    n = predictions.shape[0]
    n_sc = _N_SC if n > 2 * _N_SC else n // 2
    n_tc = n - n_sc
    nb = n_tc // _BL

    sc = _make_sc_kernel(n_sc, offset=n_tc, num_cores=2)(predictions, targets)
    tc = _make_tc_kernel(0, nb)(predictions, targets)

    sums = (jnp.sum(sc, axis=(0, 2))[:5]
            + jnp.sum(tc.reshape(5, -1), axis=1))
    s_pl, s_l, s_t, s_pp, s_tpp = sums[0], sums[1], sums[2], sums[3], sums[4]
    nf = jnp.float32(n)
    s_nl = s_l - s_pl
    neg_cnt = nf - s_t
    pos_loss = jnp.where(s_t > 0, 0.5 * s_pl / jnp.maximum(s_t, 1.0), 0.0)
    neg_loss = jnp.where(neg_cnt > 0, 0.5 * s_nl / jnp.maximum(neg_cnt, 1.0), 0.0)
    total_loss = pos_loss + neg_loss
    pos_correct = s_tpp.astype(jnp.int32)
    pos_true = s_t.astype(jnp.int32)
    neg_correct = (nf - s_t - s_pp + s_tpp).astype(jnp.int32)
    neg_true = (nf - s_t).astype(jnp.int32)
    return (total_loss, pos_correct, pos_true, neg_correct, neg_true)

# --- scband reference (transcript-rebuilt; emitter-appended) ---
"""Pipeline reference for scband-loss-67310727463164 (READ-ONLY COPY).

The authoritative reference and input builder live on the scoring server;
editing this copy changes nothing except your own understanding.
"""

import jax, jax.numpy as jnp
import numpy as np

N = 4194304


def setup_inputs(seed: int = 0) -> dict:
    key = jax.random.key(seed)
    k1, k2 = jax.random.split(key)
    predictions = jax.random.normal(k1, (N,), dtype=jnp.float32)
    targets = jax.random.randint(k2, (N,), 0, 2).astype(jnp.float32)
    return {"predictions": predictions, "targets": targets}


def _bce_mean(p, t):
    eps = 1e-12
    p = jnp.clip(p, eps, 1.0 - eps)
    return jnp.mean(-(t * jnp.log(p) + (1.0 - t) * jnp.log1p(-p)))


def reference(predictions, targets):
    # enable_mining=False path of the torch module
    preds = jax.nn.sigmoid(predictions)

    pos_mask = targets > 0.5
    neg_mask = targets < 0.5

    eps = 1e-12
    p = jnp.clip(preds, eps, 1.0 - eps)
    elem_loss = -(targets * jnp.log(p) + (1.0 - targets) * jnp.log1p(-p))

    pos_count = jnp.sum(pos_mask)
    neg_count = jnp.sum(neg_mask)
    pos_sum = jnp.sum(jnp.where(pos_mask, elem_loss, 0.0))
    neg_sum = jnp.sum(jnp.where(neg_mask, elem_loss, 0.0))

    pos_count_f = jnp.maximum(pos_count, 1).astype(jnp.float32)
    neg_count_f = jnp.maximum(neg_count, 1).astype(jnp.float32)
    positive_loss = jnp.where(pos_count > 0, 0.5 * (pos_sum / pos_count_f), 0.0)
    negative_loss = jnp.where(neg_count > 0, 0.5 * (neg_sum / neg_count_f), 0.0)
    total_loss = positive_loss + negative_loss

    pred_bin = (preds > 0.5).astype(jnp.float32)
    pos_true = jnp.sum(targets == 1.0)
    neg_true = jnp.sum(targets == 0.0)
    pos_correct = jnp.sum((pred_bin + targets) == 2.0)
    neg_correct = jnp.sum((pred_bin + targets) == 0.0)

    return (total_loss, pos_correct, pos_true, neg_correct, neg_true)

if __name__ == "__main__":
    import jax
    _d = setup_inputs()
    print(jax.jit(kernel)(*tuple(_d.values())))

</pallas_src>

<mosaic_0001>
#map = affine_map<(d0, d1) -> (0)>
#map1 = affine_map<(d0, d1) -> (0, 0, 0)>
module attributes {stable_mosaic.version = 14 : i64} {
  func.func @body(%arg0: i32, %arg1: i32, %arg2: memref<4194304xf32, #tpu.memory_space<hbm>>, %arg3: memref<4194304xf32, #tpu.memory_space<hbm>>, %arg4: memref<32x8x16xf32, #tpu.memory_space<hbm>>, %arg5: memref<16384xf32, #tpu.memory_space<vmem>>, %arg6: memref<16384xf32, #tpu.memory_space<vmem>>, %arg7: memref<16384xf32, #tpu.memory_space<vmem>>, %arg8: memref<16384xf32, #tpu.memory_space<vmem>>, %arg9: memref<8x16xf32, #tpu.memory_space<vmem>>, %arg10: memref<!tpu.dma_semaphore, #tpu.memory_space<semaphore_mem>>, %arg11: memref<!tpu.dma_semaphore, #tpu.memory_space<semaphore_mem>>) attributes {dimension_semantics = [#tpu.dimension_semantics<core_parallel>, #tpu.dimension_semantics<subcore_parallel>], iteration_bounds = array<i64: 2, 16>, scalar_prefetch = 0 : i64, scratch_operands = 7 : i64, tpu.core_type = #tpu.core_type<sc_vector_subcore>, window_params = [{transform_indices = #map}, {transform_indices = #map}, {transform_indices = #map1}]} {
    %mul3A = arith.constant 16 : i32
    %mul3A_0 = arith.muli %arg0, %mul3A : i32
    %add3A = arith.addi %mul3A_0, %arg1 : i32
    %mul3A_1 = arith.constant 32768 : i32
    %mul3A_2 = arith.muli %add3A, %mul3A_1 : i32
    %add3A_3 = arith.constant 3145728 : i32
    %add3A_4 = arith.addi %add3A_3, %mul3A_2 : i32
    %broadcast_in_dim3A = arith.constant 0.000000e+00 : f32
    %broadcast_in_dim3A_5 = vector.broadcast %broadcast_in_dim3A : f32 to vector<16xf32>
    %add3A_6 = arith.constant 0 : i32
    %add3A_7 = arith.addi %add3A_4, %add3A_6 : i32
    %dma_start3A = tpu.memref_slice %arg2[%add3A_7] : memref<4194304xf32, #tpu.memory_space<hbm>> -> memref<16384xf32, #tpu.memory_space<hbm>>
    %dma_start3A_8 = tpu.memref_slice %arg2[%add3A_7] : memref<4194304xf32, #tpu.memory_space<hbm>> -> memref<16384xf32, #tpu.memory_space<hbm>>
    tpu.enqueue_dma source(%dma_start3A_8 : memref<16384xf32, #tpu.memory_space<hbm>>) target(%arg5 : memref<16384xf32, #tpu.memory_space<vmem>>) target_semaphore(%arg10 : memref<!tpu.dma_semaphore, #tpu.memory_space<semaphore_mem>>)
    %dma_start3A_9 = tpu.memref_slice %arg3[%add3A_7] : memref<4194304xf32, #tpu.memory_space<hbm>> -> memref<16384xf32, #tpu.memory_space<hbm>>
    %dma_start3A_10 = tpu.memref_slice %arg3[%add3A_7] : memref<4194304xf32, #tpu.memory_space<hbm>> -> memref<16384xf32, #tpu.memory_space<hbm>>
    tpu.enqueue_dma source(%dma_start3A_10 : memref<16384xf32, #tpu.memory_space<hbm>>) target(%arg7 : memref<16384xf32, #tpu.memory_space<vmem>>) target_semaphore(%arg10 : memref<!tpu.dma_semaphore, #tpu.memory_space<semaphore_mem>>)
    %dma_wait3A = tpu.memref_slice %arg2[%add3A_7] : memref<4194304xf32, #tpu.memory_space<hbm>> -> memref<16384xf32, #tpu.memory_space<hbm>>
    %dma_wait3A_11 = tpu.memref_slice %arg2[%add3A_7] : memref<4194304xf32, #tpu.memory_space<hbm>> -> memref<16384xf32, #tpu.memory_space<hbm>>
    tpu.wait_dma2 semaphore(%arg10 : memref<!tpu.dma_semaphore, #tpu.memory_space<semaphore_mem>>) src(%dma_wait3A_11 : memref<16384xf32, #tpu.memory_space<hbm>>) dst(%arg5 : memref<16384xf32, #tpu.memory_space<vmem>>)
    %dma_wait3A_12 = tpu.memref_slice %arg3[%add3A_7] : memref<4194304xf32, #tpu.memory_space<hbm>> -> memref<16384xf32, #tpu.memory_space<hbm>>
    %dma_wait3A_13 = tpu.memref_slice %arg3[%add3A_7] : memref<4194304xf32, #tpu.memory_space<hbm>> -> memref<16384xf32, #tpu.memory_space<hbm>>
    tpu.wait_dma2 semaphore(%arg10 : memref<!tpu.dma_semaphore, #tpu.memory_space<semaphore_mem>>) src(%dma_wait3A_13 : memref<16384xf32, #tpu.memory_space<hbm>>) dst(%arg7 : memref<16384xf32, #tpu.memory_space<vmem>>)
    %add3A_14 = arith.constant 16384 : i32
    %add3A_15 = arith.addi %add3A_4, %add3A_14 : i32
    %dma_start3A_16 = tpu.memref_slice %arg2[%add3A_15] : memref<4194304xf32, #tpu.memory_space<hbm>> -> memref<16384xf32, #tpu.memory_space<hbm>>
    %dma_start3A_17 = tpu.memref_slice %arg2[%add3A_15] : memref<4194304xf32, #tpu.memory_space<hbm>> -> memref<16384xf32, #tpu.memory_space<hbm>>
    tpu.enqueue_dma source(%dma_start3A_17 : memref<16384xf32, #tpu.memory_space<hbm>>) target(%arg6 : memref<16384xf32, #tpu.memory_space<vmem>>) target_semaphore(%arg11 : memref<!tpu.dma_semaphore, #tpu.memory_space<semaphore_mem>>)
    %dma_start3A_18 = tpu.memref_slice %arg3[%add3A_15] : memref<4194304xf32, #tpu.memory_space<hbm>> -> memref<16384xf32, #tpu.memory_space<hbm>>
    %dma_start3A_19 = tpu.memref_slice %arg3[%add3A_15] : memref<4194304xf32, #tpu.memory_space<hbm>> -> memref<16384xf32, #tpu.memory_space<hbm>>
    tpu.enqueue_dma source(%dma_start3A_19 : memref<16384xf32, #tpu.memory_space<hbm>>) target(%arg8 : memref<16384xf32, #tpu.memory_space<vmem>>) target_semaphore(%arg11 : memref<!tpu.dma_semaphore, #tpu.memory_space<semaphore_mem>>)
    %scan3A = arith.constant 0 : i32
    %scan3A_20 = arith.constant 1024 : i32
    %scan3A_21 = arith.addi %scan3A, %scan3A_20 : i32
    %scan3A_22 = arith.constant 4 : i32
    %scan3A_23:5 = scf.for %scan3A_82 = %scan3A to %scan3A_21 step %scan3A_22 iter_args(%scan3A_83 = %broadcast_in_dim3A_5, %scan3A_84 = %broadcast_in_dim3A_5, %scan3A_85 = %broadcast_in_dim3A_5, %scan3A_86 = %broadcast_in_dim3A_5, %scan3A_87 = %broadcast_in_dim3A_5) -> (vector<16xf32>, vector<16xf32>, vector<16xf32>, vector<16xf32>, vector<16xf32>)  : i32 {
      %mul3A_88 = arith.constant 16 : i32
      %mul3A_89 = arith.muli %scan3A_82, %mul3A_88 : i32
      %get3A = arith.index_cast %mul3A_89 : i32 to index
      %get3A_90 = tpu.vector_load %arg5[%get3A] {strides = array<i32>} : memref<16384xf32, #tpu.memory_space<vmem>>, vector<16xf32>,
      %get3A_91 = vector.shape_cast %get3A_90 : vector<16xf32> to vector<16xf32>
      %mul3A_92 = arith.constant 16 : i32
      %mul3A_93 = arith.muli %scan3A_82, %mul3A_92 : i32
      %get3A_94 = arith.index_cast %mul3A_93 : i32 to index
      %get3A_95 = tpu.vector_load %arg7[%get3A_94] {strides = array<i32>} : memref<16384xf32, #tpu.memory_space<vmem>>, vector<16xf32>,
      %get3A_96 = vector.shape_cast %get3A_95 : vector<16xf32> to vector<16xf32>
      %abs3A = math.absf %get3A_91 : vector<16xf32>
      %neg3A = arith.constant 0.000000e+00 : f32
      %neg3A_97 = vector.broadcast %neg3A : f32 to vector<16xf32>
      %neg3A_98 = arith.subf %neg3A_97, %abs3A : vector<16xf32>
      %exp3A = math.exp %neg3A_98 : vector<16xf32>
      %max3A = arith.constant 0.000000e+00 : f32
      %max3A_99 = vector.broadcast %max3A : f32 to vector<16xf32>
      %max3A_100 = arith.maximumf %get3A_91, %max3A_99 : vector<16xf32>
      %mul3A_101 = arith.constant 0.979751825 : f32
      %mul3A_102 = vector.broadcast %mul3A_101 : f32 to vector<16xf32>
      %mul3A_103 = arith.mulf %mul3A_102, %exp3A : vector<16xf32>
      %add3A_104 = arith.constant 9.25303961E-4 : f32
      %add3A_105 = vector.broadcast %add3A_104 : f32 to vector<16xf32>
      %add3A_106 = arith.addf %add3A_105, %mul3A_103 : vector<16xf32>
      %mul3A_107 = arith.mulf %exp3A, %exp3A : vector<16xf32>
      %mul3A_108 = arith.constant 0.106683962 : f32
      %mul3A_109 = vector.broadcast %mul3A_108 : f32 to vector<16xf32>
      %mul3A_110 = arith.mulf %mul3A_109, %exp3A : vector<16xf32>
      %add3A_111 = arith.constant -0.393533558 : f32
      %add3A_112 = vector.broadcast %add3A_111 : f32 to vector<16xf32>
      %add3A_113 = arith.addf %add3A_112, %mul3A_110 : vector<16xf32>
      %mul3A_114 = arith.mulf %mul3A_107, %add3A_113 : vector<16xf32>
      %add3A_115 = arith.addf %add3A_106, %mul3A_114 : vector<16xf32>
      %add3A_116 = arith.addf %max3A_100, %add3A_115 : vector<16xf32>
      %mul3A_117 = arith.mulf %get3A_96, %get3A_91 : vector<16xf32>
      %sub3A = arith.subf %add3A_116, %mul3A_117 : vector<16xf32>
      %gt3A = arith.constant 0.000000e+00 : f32
      %gt3A_118 = vector.broadcast %gt3A : f32 to vector<16xf32>
      %gt3A_119 = arith.cmpf ogt, %get3A_91, %gt3A_118 : vector<16xf32>
      %jit3A = arith.constant 1.000000e+00 : f32
      %jit3A_120 = arith.constant 0.000000e+00 : f32
      %broadcast_in_dim3A_121 = vector.broadcast %jit3A : f32 to vector<16xf32>
      %broadcast_in_dim3A_122 = vector.broadcast %jit3A_120 : f32 to vector<16xf32>
      %select_n3A = arith.select %gt3A_119, %broadcast_in_dim3A_121, %broadcast_in_dim3A_122 : vector<16xi1>, vector<16xf32>
      %mul3A_123 = arith.mulf %get3A_96, %sub3A : vector<16xf32>
      %mul3A_124 = arith.mulf %get3A_96, %select_n3A : vector<16xf32>
      %add3A_125 = arith.addf %scan3A_83, %mul3A_123 : vector<16xf32>
      %add3A_126 = arith.addf %scan3A_84, %sub3A : vector<16xf32>
      %add3A_127 = arith.addf %scan3A_85, %get3A_96 : vector<16xf32>
      %add3A_128 = arith.addf %scan3A_86, %select_n3A : vector<16xf32>
      %add3A_129 = arith.addf %scan3A_87, %mul3A_124 : vector<16xf32>
      %scan3A_130 = arith.constant 1 : i32
      %scan3A_131 = arith.addi %scan3A_82, %scan3A_130 : i32
      %mul3A_132 = arith.constant 16 : i32
      %mul3A_133 = arith.muli %scan3A_131, %mul3A_132 : i32
      %get3A_134 = arith.index_cast %mul3A_133 : i32 to index
      %get3A_135 = tpu.vector_load %arg5[%get3A_134] {strides = array<i32>} : memref<16384xf32, #tpu.memory_space<vmem>>, vector<16xf32>,
      %get3A_136 = vector.shape_cast %get3A_135 : vector<16xf32> to vector<16xf32>
      %mul3A_137 = arith.constant 16 : i32
      %mul3A_138 = arith.muli %scan3A_131, %mul3A_137 : i32
      %get3A_139 = arith.index_cast %mul3A_138 : i32 to index
      %get3A_140 = tpu.vector_load %arg7[%get3A_139] {strides = array<i32>} : memref<16384xf32, #tpu.memory_space<vmem>>, vector<16xf32>,
      %get3A_141 = vector.shape_cast %get3A_140 : vector<16xf32> to vector<16xf32>
      %abs3A_142 = math.absf %get3A_136 : vector<16xf32>
      %neg3A_143 = arith.constant 0.000000e+00 : f32
      %neg3A_144 = vector.broadcast %neg3A_143 : f32 to vector<16xf32>
      %neg3A_145 = arith.subf %neg3A_144, %abs3A_142 : vector<16xf32>
      %exp3A_146 = math.exp %neg3A_145 : vector<16xf32>
      %max3A_147 = arith.constant 0.000000e+00 : f32
      %max3A_148 = vector.broadcast %max3A_147 : f32 to vector<16xf32>
      %max3A_149 = arith.maximumf %get3A_136, %max3A_148 : vector<16xf32>
      %mul3A_150 = arith.constant 0.979751825 : f32
      %mul3A_151 = vector.broadcast %mul3A_150 : f32 to vector<16xf32>
      %mul3A_152 = arith.mulf %mul3A_151, %exp3A_146 : vector<16xf32>
      %add3A_153 = arith.constant 9.25303961E-4 : f32
      %add3A_154 = vector.broadcast %add3A_153 : f32 to vector<16xf32>
      %add3A_155 = arith.addf %add3A_154, %mul3A_152 : vector<16xf32>
      %mul3A_156 = arith.mulf %exp3A_146, %exp3A_146 : vector<16xf32>
      %mul3A_157 = arith.constant 0.106683962 : f32
      %mul3A_158 = vector.broadcast %mul3A_157 : f32 to vector<16xf32>
      %mul3A_159 = arith.mulf %mul3A_158, %exp3A_146 : vector<16xf32>
      %add3A_160 = arith.constant -0.393533558 : f32
      %add3A_161 = vector.broadcast %add3A_160 : f32 to vector<16xf32>
      %add3A_162 = arith.addf %add3A_161, %mul3A_159 : vector<16xf32>
      %mul3A_163 = arith.mulf %mul3A_156, %add3A_162 : vector<16xf32>
      %add3A_164 = arith.addf %add3A_155, %mul3A_163 : vector<16xf32>
      %add3A_165 = arith.addf %max3A_149, %add3A_164 : vector<16xf32>
      %mul3A_166 = arith.mulf %get3A_141, %get3A_136 : vector<16xf32>
      %sub3A_167 = arith.subf %add3A_165, %mul3A_166 : vector<16xf32>
      %gt3A_168 = arith.constant 0.000000e+00 : f32
      %gt3A_169 = vector.broadcast %gt3A_168 : f32 to vector<16xf32>
      %gt3A_170 = arith.cmpf ogt, %get3A_136, %gt3A_169 : vector<16xf32>
      %jit3A_171 = arith.constant 1.000000e+00 : f32
      %jit3A_172 = arith.constant 0.000000e+00 : f32
      %broadcast_in_dim3A_173 = vector.broadcast %jit3A_171 : f32 to vector<16xf32>
      %broadcast_in_dim3A_174 = vector.broadcast %jit3A_172 : f32 to vector<16xf32>
      %select_n3A_175 = arith.select %gt3A_170, %broadcast_in_dim3A_173, %broadcast_in_dim3A_174 : vector<16xi1>, vector<16xf32>
      %mul3A_176 = arith.mulf %get3A_141, %sub3A_167 : vector<16xf32>
      %mul3A_177 = arith.mulf %get3A_141, %select_n3A_175 : vector<16xf32>
      %add3A_178 = arith.addf %add3A_125, %mul3A_176 : vector<16xf32>
      %add3A_179 = arith.addf %add3A_126, %sub3A_167 : vector<16xf32>
      %add3A_180 = arith.addf %add3A_127, %get3A_141 : vector<16xf32>
      %add3A_181 = arith.addf %add3A_128, %select_n3A_175 : vector<16xf32>
      %add3A_182 = arith.addf %add3A_129, %mul3A_177 : vector<16xf32>
      %scan3A_183 = arith.constant 2 : i32
      %scan3A_184 = arith.addi %scan3A_82, %scan3A_183 : i32
      %mul3A_185 = arith.constant 16 : i32
      %mul3A_186 = arith.muli %scan3A_184, %mul3A_185 : i32
      %get3A_187 = arith.index_cast %mul3A_186 : i32 to index
      %get3A_188 = tpu.vector_load %arg5[%get3A_187] {strides = array<i32>} : memref<16384xf32, #tpu.memory_space<vmem>>, vector<16xf32>,
      %get3A_189 = vector.shape_cast %get3A_188 : vector<16xf32> to vector<16xf32>
      %mul3A_190 = arith.constant 16 : i32
      %mul3A_191 = arith.muli %scan3A_184, %mul3A_190 : i32
      %get3A_192 = arith.index_cast %mul3A_191 : i32 to index
      %get3A_193 = tpu.vector_load %arg7[%get3A_192] {strides = array<i32>} : memref<16384xf32, #tpu.memory_space<vmem>>, vector<16xf32>,
      %get3A_194 = vector.shape_cast %get3A_193 : vector<16xf32> to vector<16xf32>
      %abs3A_195 = math.absf %get3A_189 : vector<16xf32>
      %neg3A_196 = arith.constant 0.000000e+00 : f32
      %neg3A_197 = vector.broadcast %neg3A_196 : f32 to vector<16xf32>
      %neg3A_198 = arith.subf %neg3A_197, %abs3A_195 : vector<16xf32>
      %exp3A_199 = math.exp %neg3A_198 : vector<16xf32>
      %max3A_200 = arith.constant 0.000000e+00 : f32
      %max3A_201 = vector.broadcast %max3A_200 : f32 to vector<16xf32>
      %max3A_202 = arith.maximumf %get3A_189, %max3A_201 : vector<16xf32>
      %mul3A_203 = arith.constant 0.979751825 : f32
      %mul3A_204 = vector.broadcast %mul3A_203 : f32 to vector<16xf32>
      %mul3A_205 = arith.mulf %mul3A_204, %exp3A_199 : vector<16xf32>
      %add3A_206 = arith.constant 9.25303961E-4 : f32
      %add3A_207 = vector.broadcast %add3A_206 : f32 to vector<16xf32>
      %add3A_208 = arith.addf %add3A_207, %mul3A_205 : vector<16xf32>
      %mul3A_209 = arith.mulf %exp3A_199, %exp3A_199 : vector<16xf32>
      %mul3A_210 = arith.constant 0.106683962 : f32
      %mul3A_211 = vector.broadcast %mul3A_210 : f32 to vector<16xf32>
      %mul3A_212 = arith.mulf %mul3A_211, %exp3A_199 : vector<16xf32>
      %add3A_213 = arith.constant -0.393533558 : f32
      %add3A_214 = vector.broadcast %add3A_213 : f32 to vector<16xf32>
      %add3A_215 = arith.addf %add3A_214, %mul3A_212 : vector<16xf32>
      %mul3A_216 = arith.mulf %mul3A_209, %add3A_215 : vector<16xf32>
      %add3A_217 = arith.addf %add3A_208, %mul3A_216 : vector<16xf32>
      %add3A_218 = arith.addf %max3A_202, %add3A_217 : vector<16xf32>
      %mul3A_219 = arith.mulf %get3A_194, %get3A_189 : vector<16xf32>
      %sub3A_220 = arith.subf %add3A_218, %mul3A_219 : vector<16xf32>
      %gt3A_221 = arith.constant 0.000000e+00 : f32
      %gt3A_222 = vector.broadcast %gt3A_221 : f32 to vector<16xf32>
      %gt3A_223 = arith.cmpf ogt, %get3A_189, %gt3A_222 : vector<16xf32>
      %jit3A_224 = arith.constant 1.000000e+00 : f32
      %jit3A_225 = arith.constant 0.000000e+00 : f32
      %broadcast_in_dim3A_226 = vector.broadcast %jit3A_224 : f32 to vector<16xf32>
      %broadcast_in_dim3A_227 = vector.broadcast %jit3A_225 : f32 to vector<16xf32>
      %select_n3A_228 = arith.select %gt3A_223, %broadcast_in_dim3A_226, %broadcast_in_dim3A_227 : vector<16xi1>, vector<16xf32>
      %mul3A_229 = arith.mulf %get3A_194, %sub3A_220 : vector<16xf32>
      %mul3A_230 = arith.mulf %get3A_194, %select_n3A_228 : vector<16xf32>
      %add3A_231 = arith.addf %add3A_178, %mul3A_229 : vector<16xf32>
      %add3A_232 = arith.addf %add3A_179, %sub3A_220 : vector<16xf32>
      %add3A_233 = arith.addf %add3A_180, %get3A_194 : vector<16xf32>
      %add3A_234 = arith.addf %add3A_181, %select_n3A_228 : vector<16xf32>
      %add3A_235 = arith.addf %add3A_182, %mul3A_230 : vector<16xf32>
      %scan3A_236 = arith.constant 3 : i32
      %scan3A_237 = arith.addi %scan3A_82, %scan3A_236 : i32
      %mul3A_238 = arith.constant 16 : i32
      %mul3A_239 = arith.muli %scan3A_237, %mul3A_238 : i32
      %get3A_240 = arith.index_cast %mul3A_239 : i32 to index
      %get3A_241 = tpu.vector_load %arg5[%get3A_240] {strides = array<i32>} : memref<16384xf32, #tpu.memory_space<vmem>>, vector<16xf32>,
      %get3A_242 = vector.shape_cast %get3A_241 : vector<16xf32> to vector<16xf32>
      %mul3A_243 = arith.constant 16 : i32
      %mul3A_244 = arith.muli %scan3A_237, %mul3A_243 : i32
      %get3A_245 = arith.index_cast %mul3A_244 : i32 to index
      %get3A_246 = tpu.vector_load %arg7[%get3A_245] {strides = array<i32>} : memref<16384xf32, #tpu.memory_space<vmem>>, vector<16xf32>,
      %get3A_247 = vector.shape_cast %get3A_246 : vector<16xf32> to vector<16xf32>
      %abs3A_248 = math.absf %get3A_242 : vector<16xf32>
      %neg3A_249 = arith.constant 0.000000e+00 : f32
      %neg3A_250 = vector.broadcast %neg3A_249 : f32 to vector<16xf32>
      %neg3A_251 = arith.subf %neg3A_250, %abs3A_248 : vector<16xf32>
      %exp3A_252 = math.exp %neg3A_251 : vector<16xf32>
      %max3A_253 = arith.constant 0.000000e+00 : f32
      %max3A_254 = vector.broadcast %max3A_253 : f32 to vector<16xf32>
      %max3A_255 = arith.maximumf %get3A_242, %max3A_254 : vector<16xf32>
      %mul3A_256 = arith.constant 0.979751825 : f32
      %mul3A_257 = vector.broadcast %mul3A_256 : f32 to vector<16xf32>
      %mul3A_258 = arith.mulf %mul3A_257, %exp3A_252 : vector<16xf32>
      %add3A_259 = arith.constant 9.25303961E-4 : f32
      %add3A_260 = vector.broadcast %add3A_259 : f32 to vector<16xf32>
      %add3A_261 = arith.addf %add3A_260, %mul3A_258 : vector<16xf32>
      %mul3A_262 = arith.mulf %exp3A_252, %exp3A_252 : vector<16xf32>
      %mul3A_263 = arith.constant 0.106683962 : f32
      %mul3A_264 = vector.broadcast %mul3A_263 : f32 to vector<16xf32>
      %mul3A_265 = arith.mulf %mul3A_264, %exp3A_252 : vector<16xf32>
      %add3A_266 = arith.constant -0.393533558 : f32
      %add3A_267 = vector.broadcast %add3A_266 : f32 to vector<16xf32>
      %add3A_268 = arith.addf %add3A_267, %mul3A_265 : vector<16xf32>
      %mul3A_269 = arith.mulf %mul3A_262, %add3A_268 : vector<16xf32>
      %add3A_270 = arith.addf %add3A_261, %mul3A_269 : vector<16xf32>
      %add3A_271 = arith.addf %max3A_255, %add3A_270 : vector<16xf32>
      %mul3A_272 = arith.mulf %get3A_247, %get3A_242 : vector<16xf32>
      %sub3A_273 = arith.subf %add3A_271, %mul3A_272 : vector<16xf32>
      %gt3A_274 = arith.constant 0.000000e+00 : f32
      %gt3A_275 = vector.broadcast %gt3A_274 : f32 to vector<16xf32>
      %gt3A_276 = arith.cmpf ogt, %get3A_242, %gt3A_275 : vector<16xf32>
      %jit3A_277 = arith.constant 1.000000e+00 : f32
      %jit3A_278 = arith.constant 0.000000e+00 : f32
      %broadcast_in_dim3A_279 = vector.broadcast %jit3A_277 : f32 to vector<16xf32>
      %broadcast_in_dim3A_280 = vector.broadcast %jit3A_278 : f32 to vector<16xf32>
      %select_n3A_281 = arith.select %gt3A_276, %broadcast_in_dim3A_279, %broadcast_in_dim3A_280 : vector<16xi1>, vector<16xf32>
      %mul3A_282 = arith.mulf %get3A_247, %sub3A_273 : vector<16xf32>
      %mul3A_283 = arith.mulf %get3A_247, %select_n3A_281 : vector<16xf32>
      %add3A_284 = arith.addf %add3A_231, %mul3A_282 : vector<16xf32>
      %add3A_285 = arith.addf %add3A_232, %sub3A_273 : vector<16xf32>
      %add3A_286 = arith.addf %add3A_233, %get3A_247 : vector<16xf32>
      %add3A_287 = arith.addf %add3A_234, %select_n3A_281 : vector<16xf32>
      %add3A_288 = arith.addf %add3A_235, %mul3A_283 : vector<16xf32>
      scf.yield %add3A_284, %add3A_285, %add3A_286, %add3A_287, %add3A_288 : vector<16xf32>, vector<16xf32>, vector<16xf32>, vector<16xf32>, vector<16xf32>
    }
    %scan3A_24 = arith.constant 1024 : i32
    %dma_wait3A_25 = tpu.memref_slice %arg2[%add3A_15] : memref<4194304xf32, #tpu.memory_space<hbm>> -> memref<16384xf32, #tpu.memory_space<hbm>>
    %dma_wait3A_26 = tpu.memref_slice %arg2[%add3A_15] : memref<4194304xf32, #tpu.memory_space<hbm>> -> memref<16384xf32, #tpu.memory_space<hbm>>
    tpu.wait_dma2 semaphore(%arg11 : memref<!tpu.dma_semaphore, #tpu.memory_space<semaphore_mem>>) src(%dma_wait3A_26 : memref<16384xf32, #tpu.memory_space<hbm>>) dst(%arg6 : memref<16384xf32, #tpu.memory_space<vmem>>)
    %dma_wait3A_27 = tpu.memref_slice %arg3[%add3A_15] : memref<4194304xf32, #tpu.memory_space<hbm>> -> memref<16384xf32, #tpu.memory_space<hbm>>
    %dma_wait3A_28 = tpu.memref_slice %arg3[%add3A_15] : memref<4194304xf32, #tpu.memory_space<hbm>> -> memref<16384xf32, #tpu.memory_space<hbm>>
    tpu.wait_dma2 semaphore(%arg11 : memref<!tpu.dma_semaphore, #tpu.memory_space<semaphore_mem>>) src(%dma_wait3A_28 : memref<16384xf32, #tpu.memory_space<hbm>>) dst(%arg8 : memref<16384xf32, #tpu.memory_space<vmem>>)
    %scan3A_29 = arith.constant 0 : i32
    %scan3A_30 = arith.constant 1024 : i32
    %scan3A_31 = arith.addi %scan3A_29, %scan3A_30 : i32
    %scan3A_32 = arith.constant 4 : i32
    %scan3A_33:5 = scf.for %scan3A_82 = %scan3A_29 to %scan3A_31 step %scan3A_32 iter_args(%scan3A_83 = %scan3A_23#0, %scan3A_84 = %scan3A_23#1, %scan3A_85 = %scan3A_23#2, %scan3A_86 = %scan3A_23#3, %scan3A_87 = %scan3A_23#4) -> (vector<16xf32>, vector<16xf32>, vector<16xf32>, vector<16xf32>, vector<16xf32>)  : i32 {
      %mul3A_88 = arith.constant 16 : i32
      %mul3A_89 = arith.muli %scan3A_82, %mul3A_88 : i32
      %get3A = arith.index_cast %mul3A_89 : i32 to index
      %get3A_90 = tpu.vector_load %arg6[%get3A] {strides = array<i32>} : memref<16384xf32, #tpu.memory_space<vmem>>, vector<16xf32>,
      %get3A_91 = vector.shape_cast %get3A_90 : vector<16xf32> to vector<16xf32>
      %mul3A_92 = arith.constant 16 : i32
      %mul3A_93 = arith.muli %scan3A_82, %mul3A_92 : i32
      %get3A_94 = arith.index_cast %mul3A_93 : i32 to index
      %get3A_95 = tpu.vector_load %arg8[%get3A_94] {strides = array<i32>} : memref<16384xf32, #tpu.memory_space<vmem>>, vector<16xf32>,
      %get3A_96 = vector.shape_cast %get3A_95 : vector<16xf32> to vector<16xf32>
      %abs3A = math.absf %get3A_91 : vector<16xf32>
      %neg3A = arith.constant 0.000000e+00 : f32
      %neg3A_97 = vector.broadcast %neg3A : f32 to vector<16xf32>
      %neg3A_98 = arith.subf %neg3A_97, %abs3A : vector<16xf32>
      %exp3A = math.exp %neg3A_98 : vector<16xf32>
      %max3A = arith.constant 0.000000e+00 : f32
      %max3A_99 = vector.broadcast %max3A : f32 to vector<16xf32>
      %max3A_100 = arith.maximumf %get3A_91, %max3A_99 : vector<16xf32>
      %mul3A_101 = arith.constant 0.979751825 : f32
      %mul3A_102 = vector.broadcast %mul3A_101 : f32 to vector<16xf32>
      %mul3A_103 = arith.mulf %mul3A_102, %exp3A : vector<16xf32>
      %add3A_104 = arith.constant 9.25303961E-4 : f32
      %add3A_105 = vector.broadcast %add3A_104 : f32 to vector<16xf32>
      %add3A_106 = arith.addf %add3A_105, %mul3A_103 : vector<16xf32>
      %mul3A_107 = arith.mulf %exp3A, %exp3A : vector<16xf32>
      %mul3A_108 = arith.constant 0.106683962 : f32
      %mul3A_109 = vector.broadcast %mul3A_108 : f32 to vector<16xf32>
      %mul3A_110 = arith.mulf %mul3A_109, %exp3A : vector<16xf32>
      %add3A_111 = arith.constant -0.393533558 : f32
      %add3A_112 = vector.broadcast %add3A_111 : f32 to vector<16xf32>
      %add3A_113 = arith.addf %add3A_112, %mul3A_110 : vector<16xf32>
      %mul3A_114 = arith.mulf %mul3A_107, %add3A_113 : vector<16xf32>
      %add3A_115 = arith.addf %add3A_106, %mul3A_114 : vector<16xf32>
      %add3A_116 = arith.addf %max3A_100, %add3A_115 : vector<16xf32>
      %mul3A_117 = arith.mulf %get3A_96, %get3A_91 : vector<16xf32>
      %sub3A = arith.subf %add3A_116, %mul3A_117 : vector<16xf32>
      %gt3A = arith.constant 0.000000e+00 : f32
      %gt3A_118 = vector.broadcast %gt3A : f32 to vector<16xf32>
      %gt3A_119 = arith.cmpf ogt, %get3A_91, %gt3A_118 : vector<16xf32>
      %jit3A = arith.constant 1.000000e+00 : f32
      %jit3A_120 = arith.constant 0.000000e+00 : f32
      %broadcast_in_dim3A_121 = vector.broadcast %jit3A : f32 to vector<16xf32>
      %broadcast_in_dim3A_122 = vector.broadcast %jit3A_120 : f32 to vector<16xf32>
      %select_n3A = arith.select %gt3A_119, %broadcast_in_dim3A_121, %broadcast_in_dim3A_122 : vector<16xi1>, vector<16xf32>
      %mul3A_123 = arith.mulf %get3A_96, %sub3A : vector<16xf32>
      %mul3A_124 = arith.mulf %get3A_96, %select_n3A : vector<16xf32>
      %add3A_125 = arith.addf %scan3A_83, %mul3A_123 : vector<16xf32>
      %add3A_126 = arith.addf %scan3A_84, %sub3A : vector<16xf32>
      %add3A_127 = arith.addf %scan3A_85, %get3A_96 : vector<16xf32>
      %add3A_128 = arith.addf %scan3A_86, %select_n3A : vector<16xf32>
      %add3A_129 = arith.addf %scan3A_87, %mul3A_124 : vector<16xf32>
      %scan3A_130 = arith.constant 1 : i32
      %scan3A_131 = arith.addi %scan3A_82, %scan3A_130 : i32
      %mul3A_132 = arith.constant 16 : i32
      %mul3A_133 = arith.muli %scan3A_131, %mul3A_132 : i32
      %get3A_134 = arith.index_cast %mul3A_133 : i32 to index
      %get3A_135 = tpu.vector_load %arg6[%get3A_134] {strides = array<i32>} : memref<16384xf32, #tpu.memory_space<vmem>>, vector<16xf32>,
      %get3A_136 = vector.shape_cast %get3A_135 : vector<16xf32> to vector<16xf32>
      %mul3A_137 = arith.constant 16 : i32
      %mul3A_138 = arith.muli %scan3A_131, %mul3A_137 : i32
      %get3A_139 = arith.index_cast %mul3A_138 : i32 to index
      %get3A_140 = tpu.vector_load %arg8[%get3A_139] {strides = array<i32>} : memref<16384xf32, #tpu.memory_space<vmem>>, vector<16xf32>,
      %get3A_141 = vector.shape_cast %get3A_140 : vector<16xf32> to vector<16xf32>
      %abs3A_142 = math.absf %get3A_136 : vector<16xf32>
      %neg3A_143 = arith.constant 0.000000e+00 : f32
      %neg3A_144 = vector.broadcast %neg3A_143 : f32 to vector<16xf32>
      %neg3A_145 = arith.subf %neg3A_144, %abs3A_142 : vector<16xf32>
      %exp3A_146 = math.exp %neg3A_145 : vector<16xf32>
      %max3A_147 = arith.constant 0.000000e+00 : f32
      %max3A_148 = vector.broadcast %max3A_147 : f32 to vector<16xf32>
      %max3A_149 = arith.maximumf %get3A_136, %max3A_148 : vector<16xf32>
      %mul3A_150 = arith.constant 0.979751825 : f32
      %mul3A_151 = vector.broadcast %mul3A_150 : f32 to vector<16xf32>
      %mul3A_152 = arith.mulf %mul3A_151, %exp3A_146 : vector<16xf32>
      %add3A_153 = arith.constant 9.25303961E-4 : f32
      %add3A_154 = vector.broadcast %add3A_153 : f32 to vector<16xf32>
      %add3A_155 = arith.addf %add3A_154, %mul3A_152 : vector<16xf32>
      %mul3A_156 = arith.mulf %exp3A_146, %exp3A_146 : vector<16xf32>
      %mul3A_157 = arith.constant 0.106683962 : f32
      %mul3A_158 = vector.broadcast %mul3A_157 : f32 to vector<16xf32>
      %mul3A_159 = arith.mulf %mul3A_158, %exp3A_146 : vector<16xf32>
      %add3A_160 = arith.constant -0.393533558 : f32
      %add3A_161 = vector.broadcast %add3A_160 : f32 to vector<16xf32>
      %add3A_162 = arith.addf %add3A_161, %mul3A_159 : vector<16xf32>
      %mul3A_163 = arith.mulf %mul3A_156, %add3A_162 : vector<16xf32>
      %add3A_164 = arith.addf %add3A_155, %mul3A_163 : vector<16xf32>
      %add3A_165 = arith.addf %max3A_149, %add3A_164 : vector<16xf32>
      %mul3A_166 = arith.mulf %get3A_141, %get3A_136 : vector<16xf32>
      %sub3A_167 = arith.subf %add3A_165, %mul3A_166 : vector<16xf32>
      %gt3A_168 = arith.constant 0.000000e+00 : f32
      %gt3A_169 = vector.broadcast %gt3A_168 : f32 to vector<16xf32>
      %gt3A_170 = arith.cmpf ogt, %get3A_136, %gt3A_169 : vector<16xf32>
      %jit3A_171 = arith.constant 1.000000e+00 : f32
      %jit3A_172 = arith.constant 0.000000e+00 : f32
      %broadcast_in_dim3A_173 = vector.broadcast %jit3A_171 : f32 to vector<16xf32>
      %broadcast_in_dim3A_174 = vector.broadcast %jit3A_172 : f32 to vector<16xf32>
      %select_n3A_175 = arith.select %gt3A_170, %broadcast_in_dim3A_173, %broadcast_in_dim3A_174 : vector<16xi1>, vector<16xf32>
      %mul3A_176 = arith.mulf %get3A_141, %sub3A_167 : vector<16xf32>
      %mul3A_177 = arith.mulf %get3A_141, %select_n3A_175 : vector<16xf32>
      %add3A_178 = arith.addf %add3A_125, %mul3A_176 : vector<16xf32>
      %add3A_179 = arith.addf %add3A_126, %sub3A_167 : vector<16xf32>
      %add3A_180 = arith.addf %add3A_127, %get3A_141 : vector<16xf32>
      %add3A_181 = arith.addf %add3A_128, %select_n3A_175 : vector<16xf32>
      %add3A_182 = arith.addf %add3A_129, %mul3A_177 : vector<16xf32>
      %scan3A_183 = arith.constant 2 : i32
      %scan3A_184 = arith.addi %scan3A_82, %scan3A_183 : i32
      %mul3A_185 = arith.constant 16 : i32
      %mul3A_186 = arith.muli %scan3A_184, %mul3A_185 : i32
      %get3A_187 = arith.index_cast %mul3A_186 : i32 to index
      %get3A_188 = tpu.vector_load %arg6[%get3A_187] {strides = array<i32>} : memref<16384xf32, #tpu.memory_space<vmem>>, vector<16xf32>,
      %get3A_189 = vector.shape_cast %get3A_188 : vector<16xf32> to vector<16xf32>
      %mul3A_190 = arith.constant 16 : i32
      %mul3A_191 = arith.muli %scan3A_184, %mul3A_190 : i32
      %get3A_192 = arith.index_cast %mul3A_191 : i32 to index
      %get3A_193 = tpu.vector_load %arg8[%get3A_192] {strides = array<i32>} : memref<16384xf32, #tpu.memory_space<vmem>>, vector<16xf32>,
      %get3A_194 = vector.shape_cast %get3A_193 : vector<16xf32> to vector<16xf32>
      %abs3A_195 = math.absf %get3A_189 : vector<16xf32>
      %neg3A_196 = arith.constant 0.000000e+00 : f32
      %neg3A_197 = vector.broadcast %neg3A_196 : f32 to vector<16xf32>
      %neg3A_198 = arith.subf %neg3A_197, %abs3A_195 : vector<16xf32>
      %exp3A_199 = math.exp %neg3A_198 : vector<16xf32>
      %max3A_200 = arith.constant 0.000000e+00 : f32
      %max3A_201 = vector.broadcast %max3A_200 : f32 to vector<16xf32>
      %max3A_202 = arith.maximumf %get3A_189, %max3A_201 : vector<16xf32>
      %mul3A_203 = arith.constant 0.979751825 : f32
      %mul3A_204 = vector.broadcast %mul3A_203 : f32 to vector<16xf32>
      %mul3A_205 = arith.mulf %mul3A_204, %exp3A_199 : vector<16xf32>
      %add3A_206 = arith.constant 9.25303961E-4 : f32
      %add3A_207 = vector.broadcast %add3A_206 : f32 to vector<16xf32>
      %add3A_208 = arith.addf %add3A_207, %mul3A_205 : vector<16xf32>
      %mul3A_209 = arith.mulf %exp3A_199, %exp3A_199 : vector<16xf32>
      %mul3A_210 = arith.constant 0.106683962 : f32
      %mul3A_211 = vector.broadcast %mul3A_210 : f32 to vector<16xf32>
      %mul3A_212 = arith.mulf %mul3A_211, %exp3A_199 : vector<16xf32>
      %add3A_213 = arith.constant -0.393533558 : f32
      %add3A_214 = vector.broadcast %add3A_213 : f32 to vector<16xf32>
      %add3A_215 = arith.addf %add3A_214, %mul3A_212 : vector<16xf32>
      %mul3A_216 = arith.mulf %mul3A_209, %add3A_215 : vector<16xf32>
      %add3A_217 = arith.addf %add3A_208, %mul3A_216 : vector<16xf32>
      %add3A_218 = arith.addf %max3A_202, %add3A_217 : vector<16xf32>
      %mul3A_219 = arith.mulf %get3A_194, %get3A_189 : vector<16xf32>
      %sub3A_220 = arith.subf %add3A_218, %mul3A_219 : vector<16xf32>
      %gt3A_221 = arith.constant 0.000000e+00 : f32
      %gt3A_222 = vector.broadcast %gt3A_221 : f32 to vector<16xf32>
      %gt3A_223 = arith.cmpf ogt, %get3A_189, %gt3A_222 : vector<16xf32>
      %jit3A_224 = arith.constant 1.000000e+00 : f32
      %jit3A_225 = arith.constant 0.000000e+00 : f32
      %broadcast_in_dim3A_226 = vector.broadcast %jit3A_224 : f32 to vector<16xf32>
      %broadcast_in_dim3A_227 = vector.broadcast %jit3A_225 : f32 to vector<16xf32>
      %select_n3A_228 = arith.select %gt3A_223, %broadcast_in_dim3A_226, %broadcast_in_dim3A_227 : vector<16xi1>, vector<16xf32>
      %mul3A_229 = arith.mulf %get3A_194, %sub3A_220 : vector<16xf32>
      %mul3A_230 = arith.mulf %get3A_194, %select_n3A_228 : vector<16xf32>
      %add3A_231 = arith.addf %add3A_178, %mul3A_229 : vector<16xf32>
      %add3A_232 = arith.addf %add3A_179, %sub3A_220 : vector<16xf32>
      %add3A_233 = arith.addf %add3A_180, %get3A_194 : vector<16xf32>
      %add3A_234 = arith.addf %add3A_181, %select_n3A_228 : vector<16xf32>
      %add3A_235 = arith.addf %add3A_182, %mul3A_230 : vector<16xf32>
      %scan3A_236 = arith.constant 3 : i32
      %scan3A_237 = arith.addi %scan3A_82, %scan3A_236 : i32
      %mul3A_238 = arith.constant 16 : i32
      %mul3A_239 = arith.muli %scan3A_237, %mul3A_238 : i32
      %get3A_240 = arith.index_cast %mul3A_239 : i32 to index
      %get3A_241 = tpu.vector_load %arg6[%get3A_240] {strides = array<i32>} : memref<16384xf32, #tpu.memory_space<vmem>>, vector<16xf32>,
      %get3A_242 = vector.shape_cast %get3A_241 : vector<16xf32> to vector<16xf32>
      %mul3A_243 = arith.constant 16 : i32
      %mul3A_244 = arith.muli %scan3A_237, %mul3A_243 : i32
      %get3A_245 = arith.index_cast %mul3A_244 : i32 to index
      %get3A_246 = tpu.vector_load %arg8[%get3A_245] {strides = array<i32>} : memref<16384xf32, #tpu.memory_space<vmem>>, vector<16xf32>,
      %get3A_247 = vector.shape_cast %get3A_246 : vector<16xf32> to vector<16xf32>
      %abs3A_248 = math.absf %get3A_242 : vector<16xf32>
      %neg3A_249 = arith.constant 0.000000e+00 : f32
      %neg3A_250 = vector.broadcast %neg3A_249 : f32 to vector<16xf32>
      %neg3A_251 = arith.subf %neg3A_250, %abs3A_248 : vector<16xf32>
      %exp3A_252 = math.exp %neg3A_251 : vector<16xf32>
      %max3A_253 = arith.constant 0.000000e+00 : f32
      %max3A_254 = vector.broadcast %max3A_253 : f32 to vector<16xf32>
      %max3A_255 = arith.maximumf %get3A_242, %max3A_254 : vector<16xf32>
      %mul3A_256 = arith.constant 0.979751825 : f32
      %mul3A_257 = vector.broadcast %mul3A_256 : f32 to vector<16xf32>
      %mul3A_258 = arith.mulf %mul3A_257, %exp3A_252 : vector<16xf32>
      %add3A_259 = arith.constant 9.25303961E-4 : f32
      %add3A_260 = vector.broadcast %add3A_259 : f32 to vector<16xf32>
      %add3A_261 = arith.addf %add3A_260, %mul3A_258 : vector<16xf32>
      %mul3A_262 = arith.mulf %exp3A_252, %exp3A_252 : vector<16xf32>
      %mul3A_263 = arith.constant 0.106683962 : f32
      %mul3A_264 = vector.broadcast %mul3A_263 : f32 to vector<16xf32>
      %mul3A_265 = arith.mulf %mul3A_264, %exp3A_252 : vector<16xf32>
      %add3A_266 = arith.constant -0.393533558 : f32
      %add3A_267 = vector.broadcast %add3A_266 : f32 to vector<16xf32>
      %add3A_268 = arith.addf %add3A_267, %mul3A_265 : vector<16xf32>
      %mul3A_269 = arith.mulf %mul3A_262, %add3A_268 : vector<16xf32>
      %add3A_270 = arith.addf %add3A_261, %mul3A_269 : vector<16xf32>
      %add3A_271 = arith.addf %max3A_255, %add3A_270 : vector<16xf32>
      %mul3A_272 = arith.mulf %get3A_247, %get3A_242 : vector<16xf32>
      %sub3A_273 = arith.subf %add3A_271, %mul3A_272 : vector<16xf32>
      %gt3A_274 = arith.constant 0.000000e+00 : f32
      %gt3A_275 = vector.broadcast %gt3A_274 : f32 to vector<16xf32>
      %gt3A_276 = arith.cmpf ogt, %get3A_242, %gt3A_275 : vector<16xf32>
      %jit3A_277 = arith.constant 1.000000e+00 : f32
      %jit3A_278 = arith.constant 0.000000e+00 : f32
      %broadcast_in_dim3A_279 = vector.broadcast %jit3A_277 : f32 to vector<16xf32>
      %broadcast_in_dim3A_280 = vector.broadcast %jit3A_278 : f32 to vector<16xf32>
      %select_n3A_281 = arith.select %gt3A_276, %broadcast_in_dim3A_279, %broadcast_in_dim3A_280 : vector<16xi1>, vector<16xf32>
      %mul3A_282 = arith.mulf %get3A_247, %sub3A_273 : vector<16xf32>
      %mul3A_283 = arith.mulf %get3A_247, %select_n3A_281 : vector<16xf32>
      %add3A_284 = arith.addf %add3A_231, %mul3A_282 : vector<16xf32>
      %add3A_285 = arith.addf %add3A_232, %sub3A_273 : vector<16xf32>
      %add3A_286 = arith.addf %add3A_233, %get3A_247 : vector<16xf32>
      %add3A_287 = arith.addf %add3A_234, %select_n3A_281 : vector<16xf32>
      %add3A_288 = arith.addf %add3A_235, %mul3A_283 : vector<16xf32>
      scf.yield %add3A_284, %add3A_285, %add3A_286, %add3A_287, %add3A_288 : vector<16xf32>, vector<16xf32>, vector<16xf32>, vector<16xf32>, vector<16xf32>
    }
    %scan3A_34 = arith.constant 1024 : i32
    %swap3A = arith.constant 0 : i32
    %swap3A_35 = arith.index_cast %swap3A : i32 to index
    %swap3A_36 = arith.constant 0 : index
    %swap3A_37 = tpu.vector_load %arg9[%swap3A_35, %swap3A_36] {strides = array<i32>} : memref<8x16xf32, #tpu.memory_space<vmem>>, vector<1x16xf32>,
    %swap3A_38 = vector.shape_cast %swap3A_37 : vector<1x16xf32> to vector<16xf32>
    %swap3A_39 = vector.shape_cast %scan3A_33#0 : vector<16xf32> to vector<1x16xf32>
    tpu.vector_store %arg9[%swap3A_35, %swap3A_36], %swap3A_39 {strides = array<i32>} : memref<8x16xf32, #tpu.memory_space<vmem>>, vector<1x16xf32>,
    %swap3A_40 = arith.constant 1 : i32
    %swap3A_41 = arith.index_cast %swap3A_40 : i32 to index
    %swap3A_42 = arith.constant 0 : index
    %swap3A_43 = tpu.vector_load %arg9[%swap3A_41, %swap3A_42] {strides = array<i32>} : memref<8x16xf32, #tpu.memory_space<vmem>>, vector<1x16xf32>,
    %swap3A_44 = vector.shape_cast %swap3A_43 : vector<1x16xf32> to vector<16xf32>
    %swap3A_45 = vector.shape_cast %scan3A_33#1 : vector<16xf32> to vector<1x16xf32>
    tpu.vector_store %arg9[%swap3A_41, %swap3A_42], %swap3A_45 {strides = array<i32>} : memref<8x16xf32, #tpu.memory_space<vmem>>, vector<1x16xf32>,
    %swap3A_46 = arith.constant 2 : i32
    %swap3A_47 = arith.index_cast %swap3A_46 : i32 to index
    %swap3A_48 = arith.constant 0 : index
    %swap3A_49 = tpu.vector_load %arg9[%swap3A_47, %swap3A_48] {strides = array<i32>} : memref<8x16xf32, #tpu.memory_space<vmem>>, vector<1x16xf32>,
    %swap3A_50 = vector.shape_cast %swap3A_49 : vector<1x16xf32> to vector<16xf32>
    %swap3A_51 = vector.shape_cast %scan3A_33#2 : vector<16xf32> to vector<1x16xf32>
    tpu.vector_store %arg9[%swap3A_47, %swap3A_48], %swap3A_51 {strides = array<i32>} : memref<8x16xf32, #tpu.memory_space<vmem>>, vector<1x16xf32>,
    %swap3A_52 = arith.constant 3 : i32
    %swap3A_53 = arith.index_cast %swap3A_52 : i32 to index
    %swap3A_54 = arith.constant 0 : index
    %swap3A_55 = tpu.vector_load %arg9[%swap3A_53, %swap3A_54] {strides = array<i32>} : memref<8x16xf32, #tpu.memory_space<vmem>>, vector<1x16xf32>,
    %swap3A_56 = vector.shape_cast %swap3A_55 : vector<1x16xf32> to vector<16xf32>
    %swap3A_57 = vector.shape_cast %scan3A_33#3 : vector<16xf32> to vector<1x16xf32>
    tpu.vector_store %arg9[%swap3A_53, %swap3A_54], %swap3A_57 {strides = array<i32>} : memref<8x16xf32, #tpu.memory_space<vmem>>, vector<1x16xf32>,
    %swap3A_58 = arith.constant 4 : i32
    %swap3A_59 = arith.index_cast %swap3A_58 : i32 to index
    %swap3A_60 = arith.constant 0 : index
    %swap3A_61 = tpu.vector_load %arg9[%swap3A_59, %swap3A_60] {strides = array<i32>} : memref<8x16xf32, #tpu.memory_space<vmem>>, vector<1x16xf32>,
    %swap3A_62 = vector.shape_cast %swap3A_61 : vector<1x16xf32> to vector<16xf32>
    %swap3A_63 = vector.shape_cast %scan3A_33#4 : vector<16xf32> to vector<1x16xf32>
    tpu.vector_store %arg9[%swap3A_59, %swap3A_60], %swap3A_63 {strides = array<i32>} : memref<8x16xf32, #tpu.memory_space<vmem>>, vector<1x16xf32>,
    %swap3A_64 = arith.constant 5 : i32
    %swap3A_65 = arith.index_cast %swap3A_64 : i32 to index
    %swap3A_66 = arith.constant 0 : index
    %swap3A_67 = tpu.vector_load %arg9[%swap3A_65, %swap3A_66] {strides = array<i32>} : memref<8x16xf32, #tpu.memory_space<vmem>>, vector<1x16xf32>,
    %swap3A_68 = vector.shape_cast %swap3A_67 : vector<1x16xf32> to vector<16xf32>
    %swap3A_69 = vector.shape_cast %broadcast_in_dim3A_5 : vector<16xf32> to vector<1x16xf32>
    tpu.vector_store %arg9[%swap3A_65, %swap3A_66], %swap3A_69 {strides = array<i32>} : memref<8x16xf32, #tpu.memory_space<vmem>>, vector<1x16xf32>,
    %swap3A_70 = arith.constant 6 : i32
    %swap3A_71 = arith.index_cast %swap3A_70 : i32 to index
    %swap3A_72 = arith.constant 0 : index
    %swap3A_73 = tpu.vector_load %arg9[%swap3A_71, %swap3A_72] {strides = array<i32>} : memref<8x16xf32, #tpu.memory_space<vmem>>, vector<1x16xf32>,
    %swap3A_74 = vector.shape_cast %swap3A_73 : vector<1x16xf32> to vector<16xf32>
    %swap3A_75 = vector.shape_cast %broadcast_in_dim3A_5 : vector<16xf32> to vector<1x16xf32>
    tpu.vector_store %arg9[%swap3A_71, %swap3A_72], %swap3A_75 {strides = array<i32>} : memref<8x16xf32, #tpu.memory_space<vmem>>, vector<1x16xf32>,
    %swap3A_76 = arith.constant 7 : i32
    %swap3A_77 = arith.index_cast %swap3A_76 : i32 to index
    %swap3A_78 = arith.constant 0 : index
    %swap3A_79 = tpu.vector_load %arg9[%swap3A_77, %swap3A_78] {strides = array<i32>} : memref<8x16xf32, #tpu.memory_space<vmem>>, vector<1x16xf32>,
    %swap3A_80 = vector.shape_cast %swap3A_79 : vector<1x16xf32> to vector<16xf32>
    %swap3A_81 = vector.shape_cast %broadcast_in_dim3A_5 : vector<16xf32> to vector<1x16xf32>
    tpu.vector_store %arg9[%swap3A_77, %swap3A_78], %swap3A_81 {strides = array<i32>} : memref<8x16xf32, #tpu.memory_space<vmem>>, vector<1x16xf32>,
    "tpu.region"() ({
      %run_scoped3A = tpu.sem_alloc : memref<!tpu.dma_semaphore, #tpu.memory_space<semaphore_mem>>
      %dma_start3A_82 = arith.constant 0 : i32
      %dma_start3A_83 = arith.constant 0 : i32
      %dma_start3A_84 = tpu.memref_slice %arg4[%add3A, %dma_start3A_82, %dma_start3A_83] : memref<32x8x16xf32, #tpu.memory_space<hbm>> -> memref<1x8x16xf32, #tpu.memory_space<hbm>>
      %dma_start3A_85 = tpu.memref_squeeze %dma_start3A_84 : memref<1x8x16xf32, #tpu.memory_space<hbm>> -> memref<8x16xf32, #tpu.memory_space<hbm>>
      %dma_start3A_86 = arith.constant 0 : i32
      %dma_start3A_87 = arith.constant 0 : i32
      %dma_start3A_88 = tpu.memref_slice %arg4[%add3A, %dma_start3A_86, %dma_start3A_87] : memref<32x8x16xf32, #tpu.memory_space<hbm>> -> memref<1x8x16xf32, #tpu.memory_space<hbm>>
      %dma_start3A_89 = tpu.memref_squeeze %dma_start3A_88 : memref<1x8x16xf32, #tpu.memory_space<hbm>> -> memref<8x16xf32, #tpu.memory_space<hbm>>
      tpu.enqueue_dma source(%arg9 : memref<8x16xf32, #tpu.memory_space<vmem>>) target(%dma_start3A_89 : memref<8x16xf32, #tpu.memory_space<hbm>>) target_semaphore(%run_scoped3A : memref<!tpu.dma_semaphore, #tpu.memory_space<semaphore_mem>>)
      %dma_wait3A_90 = arith.constant 0 : i32
      %dma_wait3A_91 = arith.constant 0 : i32
      %dma_wait3A_92 = tpu.memref_slice %arg4[%add3A, %dma_wait3A_90, %dma_wait3A_91] : memref<32x8x16xf32, #tpu.memory_space<hbm>> -> memref<1x8x16xf32, #tpu.memory_space<hbm>>
      %dma_wait3A_93 = tpu.memref_squeeze %dma_wait3A_92 : memref<1x8x16xf32, #tpu.memory_space<hbm>> -> memref<8x16xf32, #tpu.memory_space<hbm>>
      %dma_wait3A_94 = arith.constant 0 : i32
      %dma_wait3A_95 = arith.constant 0 : i32
      %dma_wait3A_96 = tpu.memref_slice %arg4[%add3A, %dma_wait3A_94, %dma_wait3A_95] : memref<32x8x16xf32, #tpu.memory_space<hbm>> -> memref<1x8x16xf32, #tpu.memory_space<hbm>>
      %dma_wait3A_97 = tpu.memref_squeeze %dma_wait3A_96 : memref<1x8x16xf32, #tpu.memory_space<hbm>> -> memref<8x16xf32, #tpu.memory_space<hbm>>
      tpu.wait_dma2 semaphore(%run_scoped3A : memref<!tpu.dma_semaphore, #tpu.memory_space<semaphore_mem>>) src(%arg9 : memref<8x16xf32, #tpu.memory_space<vmem>>) dst(%dma_wait3A_97 : memref<8x16xf32, #tpu.memory_space<hbm>>)
      tpu.yield
    }) : () -> ()
    return
  }
}

module attributes {stable_mosaic.version = 14 : i64} {
  func.func @body(%arg0: i32, %arg1: memref<524288xf32, #tpu.memory_space<vmem>>, %arg2: memref<524288xf32, #tpu.memory_space<vmem>>, %arg3: memref<40x128xf32, #tpu.memory_space<vmem>>, %arg4: memref<4096x128xf32, #tpu.memory_space<vmem>>, %arg5: memref<4096x128xf32, #tpu.memory_space<vmem>>) attributes {dimension_semantics = [#tpu.dimension_semantics<arbitrary>], iteration_bounds = array<i64: 6>, scalar_prefetch = 0 : i64, scratch_operands = 2 : i64, tpu.core_type = #tpu.core_type<tc>, window_params = [{transform_indices = @transform_0, window_bounds = array<i64: 524288>}, {transform_indices = @transform_1, window_bounds = array<i64: 524288>}, {pipeline_mode = #tpu.pipeline_mode<synchronous>, transform_indices = @transform_2, window_bounds = array<i64: 40, 128>}]} {
    %eq3A = arith.constant 0 : i32
    %eq3A_0 = arith.cmpi eq, %arg0, %eq3A : i32
    %convert_element_type3A = arith.extui %eq3A_0 : i1 to i32
    %cond3A = arith.constant 0 : i32
    %cond3A_1 = arith.cmpi ne, %convert_element_type3A, %cond3A : i32
    scf.if %cond3A_1 {
      %broadcast_in_dim3A_51 = arith.constant 0.000000e+00 : f32
      %broadcast_in_dim3A_52 = vector.broadcast %broadcast_in_dim3A_51 : f32 to vector<40x128xf32>
      %swap3A_53 = arith.constant 0 : index
      %swap3A_54 = arith.constant 0 : index
      %swap3A_55 = vector.load %arg3[%swap3A_53, %swap3A_54] : memref<40x128xf32, #tpu.memory_space<vmem>>, vector<40x128xf32>
      tpu.vector_store %arg3[%swap3A_53, %swap3A_54], %broadcast_in_dim3A_52 {strides = array<i32>} : memref<40x128xf32, #tpu.memory_space<vmem>>, vector<40x128xf32>,
    } else {
    }
    %get3A = arith.constant 0 : index
    %get3A_2 = vector.load %arg1[%get3A] : memref<524288xf32, #tpu.memory_space<vmem>>, vector<524288xf32>
    %reshape3A = vector.shape_cast %get3A_2 : vector<524288xf32> to vector<4096x128xf32>
    %swap3A = arith.constant 0 : index
    %swap3A_3 = arith.constant 0 : index
    %swap3A_4 = vector.load %arg4[%swap3A, %swap3A_3] : memref<4096x128xf32, #tpu.memory_space<vmem>>, vector<4096x128xf32>
    tpu.vector_store %arg4[%swap3A, %swap3A_3], %reshape3A {strides = array<i32>} : memref<4096x128xf32, #tpu.memory_space<vmem>>, vector<4096x128xf32>,
    %get3A_5 = arith.constant 0 : index
    %get3A_6 = vector.load %arg2[%get3A_5] : memref<524288xf32, #tpu.memory_space<vmem>>, vector<524288xf32>
    %reshape3A_7 = vector.shape_cast %get3A_6 : vector<524288xf32> to vector<4096x128xf32>
    %swap3A_8 = arith.constant 0 : index
    %swap3A_9 = arith.constant 0 : index
    %swap3A_10 = vector.load %arg5[%swap3A_8, %swap3A_9] : memref<4096x128xf32, #tpu.memory_space<vmem>>, vector<4096x128xf32>
    tpu.vector_store %arg5[%swap3A_8, %swap3A_9], %reshape3A_7 {strides = array<i32>} : memref<4096x128xf32, #tpu.memory_space<vmem>>, vector<4096x128xf32>,
    %broadcast_in_dim3A = arith.constant 0.000000e+00 : f32
    %broadcast_in_dim3A_11 = vector.broadcast %broadcast_in_dim3A : f32 to vector<8x128xf32>
    %scan3A = arith.constant 0 : i32
    %scan3A_12 = arith.constant 512 : i32
    %scan3A_13 = arith.addi %scan3A, %scan3A_12 : i32
    %scan3A_14 = arith.constant 64 : i32
    %scan3A_15:5 = scf.for %scan3A_51 = %scan3A to %scan3A_13 step %scan3A_14 iter_args(%scan3A_52 = %broadcast_in_dim3A_11, %scan3A_53 = %broadcast_in_dim3A_11, %scan3A_54 = %broadcast_in_dim3A_11, %scan3A_55 = %broadcast_in_dim3A_11, %scan3A_56 = %broadcast_in_dim3A_11) -> (vector<8x128xf32>, vector<8x128xf32>, vector<8x128xf32>, vector<8x128xf32>, vector<8x128xf32>)  : i32 {
      %mul3A = arith.constant 8 : i32
      %mul3A_57 = arith.muli %scan3A_51, %mul3A : i32
      %get3A_58 = arith.index_cast %mul3A_57 : i32 to index
      %get3A_59 = arith.constant 0 : index
      %get3A_60 = vector.load %arg4[%get3A_58, %get3A_59] : memref<4096x128xf32, #tpu.memory_space<vmem>>, vector<8x128xf32>
      %mul3A_61 = arith.constant 8 : i32
      %mul3A_62 = arith.muli %scan3A_51, %mul3A_61 : i32
      %get3A_63 = arith.index_cast %mul3A_62 : i32 to index
      %get3A_64 = arith.constant 0 : index
      %get3A_65 = vector.load %arg5[%get3A_63, %get3A_64] : memref<4096x128xf32, #tpu.memory_space<vmem>>, vector<8x128xf32>
      %abs3A = math.absf %get3A_60 : vector<8x128xf32>
      %neg3A = arith.constant 0.000000e+00 : f32
      %neg3A_66 = vector.broadcast %neg3A : f32 to vector<8x128xf32>
      %neg3A_67 = arith.subf %neg3A_66, %abs3A : vector<8x128xf32>
      %exp3A = math.exp %neg3A_67 : vector<8x128xf32>
      %max3A = arith.constant 0.000000e+00 : f32
      %max3A_68 = vector.broadcast %max3A : f32 to vector<8x128xf32>
      %max3A_69 = arith.maximumf %get3A_60, %max3A_68 : vector<8x128xf32>
      %mul3A_70 = arith.constant 0.979751825 : f32
      %mul3A_71 = vector.broadcast %mul3A_70 : f32 to vector<8x128xf32>
      %mul3A_72 = arith.mulf %mul3A_71, %exp3A : vector<8x128xf32>
      %add3A_73 = arith.constant 9.25303961E-4 : f32
      %add3A_74 = vector.broadcast %add3A_73 : f32 to vector<8x128xf32>
      %add3A_75 = arith.addf %add3A_74, %mul3A_72 : vector<8x128xf32>
      %mul3A_76 = arith.mulf %exp3A, %exp3A : vector<8x128xf32>
      %mul3A_77 = arith.constant 0.106683962 : f32
      %mul3A_78 = vector.broadcast %mul3A_77 : f32 to vector<8x128xf32>
      %mul3A_79 = arith.mulf %mul3A_78, %exp3A : vector<8x128xf32>
      %add3A_80 = arith.constant -0.393533558 : f32
      %add3A_81 = vector.broadcast %add3A_80 : f32 to vector<8x128xf32>
      %add3A_82 = arith.addf %add3A_81, %mul3A_79 : vector<8x128xf32>
      %mul3A_83 = arith.mulf %mul3A_76, %add3A_82 : vector<8x128xf32>
      %add3A_84 = arith.addf %add3A_75, %mul3A_83 : vector<8x128xf32>
      %add3A_85 = arith.addf %max3A_69, %add3A_84 : vector<8x128xf32>
      %mul3A_86 = arith.mulf %get3A_65, %get3A_60 : vector<8x128xf32>
      %sub3A = arith.subf %add3A_85, %mul3A_86 : vector<8x128xf32>
      %gt3A = arith.constant 0.000000e+00 : f32
      %gt3A_87 = vector.broadcast %gt3A : f32 to vector<8x128xf32>
      %gt3A_88 = arith.cmpf ogt, %get3A_60, %gt3A_87 : vector<8x128xf32>
      %jit3A = arith.constant 1.000000e+00 : f32
      %jit3A_89 = arith.constant 0.000000e+00 : f32
      %broadcast_in_dim3A_90 = vector.broadcast %jit3A : f32 to vector<8x128xf32>
      %broadcast_in_dim3A_91 = vector.broadcast %jit3A_89 : f32 to vector<8x128xf32>
      %select_n3A = arith.select %gt3A_88, %broadcast_in_dim3A_90, %broadcast_in_dim3A_91 : vector<8x128xi1>, vector<8x128xf32>
      %mul3A_92 = arith.mulf %get3A_65, %sub3A : vector<8x128xf32>
      %mul3A_93 = arith.mulf %get3A_65, %select_n3A : vector<8x128xf32>
      %add3A_94 = arith.addf %scan3A_52, %mul3A_92 : vector<8x128xf32>
      %add3A_95 = arith.addf %scan3A_53, %sub3A : vector<8x128xf32>
      %add3A_96 = arith.addf %scan3A_54, %get3A_65 : vector<8x128xf32>
      %add3A_97 = arith.addf %scan3A_55, %select_n3A : vector<8x128xf32>
      %add3A_98 = arith.addf %scan3A_56, %mul3A_93 : vector<8x128xf32>
      %scan3A_99 = arith.constant 1 : i32
      %scan3A_100 = arith.addi %scan3A_51, %scan3A_99 : i32
      %mul3A_101 = arith.constant 8 : i32
      %mul3A_102 = arith.muli %scan3A_100, %mul3A_101 : i32
      %get3A_103 = arith.index_cast %mul3A_102 : i32 to index
      %get3A_104 = arith.constant 0 : index
      %get3A_105 = vector.load %arg4[%get3A_103, %get3A_104] : memref<4096x128xf32, #tpu.memory_space<vmem>>, vector<8x128xf32>
      %mul3A_106 = arith.constant 8 : i32
      %mul3A_107 = arith.muli %scan3A_100, %mul3A_106 : i32
      %get3A_108 = arith.index_cast %mul3A_107 : i32 to index
      %get3A_109 = arith.constant 0 : index
      %get3A_110 = vector.load %arg5[%get3A_108, %get3A_109] : memref<4096x128xf32, #tpu.memory_space<vmem>>, vector<8x128xf32>
      %abs3A_111 = math.absf %get3A_105 : vector<8x128xf32>
      %neg3A_112 = arith.constant 0.000000e+00 : f32
      %neg3A_113 = vector.broadcast %neg3A_112 : f32 to vector<8x128xf32>
      %neg3A_114 = arith.subf %neg3A_113, %abs3A_111 : vector<8x128xf32>
      %exp3A_115 = math.exp %neg3A_114 : vector<8x128xf32>
      %max3A_116 = arith.constant 0.000000e+00 : f32
      %max3A_117 = vector.broadcast %max3A_116 : f32 to vector<8x128xf32>
      %max3A_118 = arith.maximumf %get3A_105, %max3A_117 : vector<8x128xf32>
      %mul3A_119 = arith.constant 0.979751825 : f32
      %mul3A_120 = vector.broadcast %mul3A_119 : f32 to vector<8x128xf32>
      %mul3A_121 = arith.mulf %mul3A_120, %exp3A_115 : vector<8x128xf32>
      %add3A_122 = arith.constant 9.25303961E-4 : f32
      %add3A_123 = vector.broadcast %add3A_122 : f32 to vector<8x128xf32>
      %add3A_124 = arith.addf %add3A_123, %mul3A_121 : vector<8x128xf32>
      %mul3A_125 = arith.mulf %exp3A_115, %exp3A_115 : vector<8x128xf32>
      %mul3A_126 = arith.constant 0.106683962 : f32
      %mul3A_127 = vector.broadcast %mul3A_126 : f32 to vector<8x128xf32>
      %mul3A_128 = arith.mulf %mul3A_127, %exp3A_115 : vector<8x128xf32>
      %add3A_129 = arith.constant -0.393533558 : f32
      %add3A_130 = vector.broadcast %add3A_129 : f32 to vector<8x128xf32>
      %add3A_131 = arith.addf %add3A_130, %mul3A_128 : vector<8x128xf32>
      %mul3A_132 = arith.mulf %mul3A_125, %add3A_131 : vector<8x128xf32>
      %add3A_133 = arith.addf %add3A_124, %mul3A_132 : vector<8x128xf32>
      %add3A_134 = arith.addf %max3A_118, %add3A_133 : vector<8x128xf32>
      %mul3A_135 = arith.mulf %get3A_110, %get3A_105 : vector<8x128xf32>
      %sub3A_136 = arith.subf %add3A_134, %mul3A_135 : vector<8x128xf32>
      %gt3A_137 = arith.constant 0.000000e+00 : f32
      %gt3A_138 = vector.broadcast %gt3A_137 : f32 to vector<8x128xf32>
      %gt3A_139 = arith.cmpf ogt, %get3A_105, %gt3A_138 : vector<8x128xf32>
      %jit3A_140 = arith.constant 1.000000e+00 : f32
      %jit3A_141 = arith.constant 0.000000e+00 : f32
      %broadcast_in_dim3A_142 = vector.broadcast %jit3A_140 : f32 to vector<8x128xf32>
      %broadcast_in_dim3A_143 = vector.broadcast %jit3A_141 : f32 to vector<8x128xf32>
      %select_n3A_144 = arith.select %gt3A_139, %broadcast_in_dim3A_142, %broadcast_in_dim3A_143 : vector<8x128xi1>, vector<8x128xf32>
      %mul3A_145 = arith.mulf %get3A_110, %sub3A_136 : vector<8x128xf32>
      %mul3A_146 = arith.mulf %get3A_110, %select_n3A_144 : vector<8x128xf32>
      %add3A_147 = arith.addf %add3A_94, %mul3A_145 : vector<8x128xf32>
      %add3A_148 = arith.addf %add3A_95, %sub3A_136 : vector<8x128xf32>
      %add3A_149 = arith.addf %add3A_96, %get3A_110 : vector<8x128xf32>
      %add3A_150 = arith.addf %add3A_97, %select_n3A_144 : vector<8x128xf32>
      %add3A_151 = arith.addf %add3A_98, %mul3A_146 : vector<8x128xf32>
      %scan3A_152 = arith.constant 2 : i32
      %scan3A_153 = arith.addi %scan3A_51, %scan3A_152 : i32
      %mul3A_154 = arith.constant 8 : i32
      %mul3A_155 = arith.muli %scan3A_153, %mul3A_154 : i32
      %get3A_156 = arith.index_cast %mul3A_155 : i32 to index
      %get3A_157 = arith.constant 0 : index
      %get3A_158 = vector.load %arg4[%get3A_156, %get3A_157] : memref<4096x128xf32, #tpu.memory_space<vmem>>, vector<8x128xf32>
      %mul3A_159 = arith.constant 8 : i32
      %mul3A_160 = arith.muli %scan3A_153, %mul3A_159 : i32
      %get3A_161 = arith.index_cast %mul3A_160 : i32 to index
      %get3A_162 = arith.constant 0 : index
      %get3A_163 = vector.load %arg5[%get3A_161, %get3A_162] : memref<4096x128xf32, #tpu.memory_space<vmem>>, vector<8x128xf32>
      %abs3A_164 = math.absf %get3A_158 : vector<8x128xf32>
      %neg3A_165 = arith.constant 0.000000e+00 : f32
      %neg3A_166 = vector.broadcast %neg3A_165 : f32 to vector<8x128xf32>
      %neg3A_167 = arith.subf %neg3A_166, %abs3A_164 : vector<8x128xf32>
      %exp3A_168 = math.exp %neg3A_167 : vector<8x128xf32>
      %max3A_169 = arith.constant 0.000000e+00 : f32
      %max3A_170 = vector.broadcast %max3A_169 : f32 to vector<8x128xf32>
      %max3A_171 = arith.maximumf %get3A_158, %max3A_170 : vector<8x128xf32>
      %mul3A_172 = arith.constant 0.979751825 : f32
      %mul3A_173 = vector.broadcast %mul3A_172 : f32 to vector<8x128xf32>
      %mul3A_174 = arith.mulf %mul3A_173, %exp3A_168 : vector<8x128xf32>
      %add3A_175 = arith.constant 9.25303961E-4 : f32
      %add3A_176 = vector.broadcast %add3A_175 : f32 to vector<8x128xf32>
      %add3A_177 = arith.addf %add3A_176, %mul3A_174 : vector<8x128xf32>
      %mul3A_178 = arith.mulf %exp3A_168, %exp3A_168 : vector<8x128xf32>
      %mul3A_179 = arith.constant 0.106683962 : f32
      %mul3A_180 = vector.broadcast %mul3A_179 : f32 to vector<8x128xf32>
      %mul3A_181 = arith.mulf %mul3A_180, %exp3A_168 : vector<8x128xf32>
      %add3A_182 = arith.constant -0.393533558 : f32
      %add3A_183 = vector.broadcast %add3A_182 : f32 to vector<8x128xf32>
      %add3A_184 = arith.addf %add3A_183, %mul3A_181 : vector<8x128xf32>
      %mul3A_185 = arith.mulf %mul3A_178, %add3A_184 : vector<8x128xf32>
      %add3A_186 = arith.addf %add3A_177, %mul3A_185 : vector<8x128xf32>
      %add3A_187 = arith.addf %max3A_171, %add3A_186 : vector<8x128xf32>
      %mul3A_188 = arith.mulf %get3A_163, %get3A_158 : vector<8x128xf32>
      %sub3A_189 = arith.subf %add3A_187, %mul3A_188 : vector<8x128xf32>
      %gt3A_190 = arith.constant 0.000000e+00 : f32
      %gt3A_191 = vector.broadcast %gt3A_190 : f32 to vector<8x128xf32>
      %gt3A_192 = arith.cmpf ogt, %get3A_158, %gt3A_191 : vector<8x128xf32>
      %jit3A_193 = arith.constant 1.000000e+00 : f32
      %jit3A_194 = arith.constant 0.000000e+00 : f32
      %broadcast_in_dim3A_195 = vector.broadcast %jit3A_193 : f32 to vector<8x128xf32>
      %broadcast_in_dim3A_196 = vector.broadcast %jit3A_194 : f32 to vector<8x128xf32>
      %select_n3A_197 = arith.select %gt3A_192, %broadcast_in_dim3A_195, %broadcast_in_dim3A_196 : vector<8x128xi1>, vector<8x128xf32>
      %mul3A_198 = arith.mulf %get3A_163, %sub3A_189 : vector<8x128xf32>
      %mul3A_199 = arith.mulf %get3A_163, %select_n3A_197 : vector<8x128xf32>
      %add3A_200 = arith.addf %add3A_147, %mul3A_198 : vector<8x128xf32>
      %add3A_201 = arith.addf %add3A_148, %sub3A_189 : vector<8x128xf32>
      %add3A_202 = arith.addf %add3A_149, %get3A_163 : vector<8x128xf32>
      %add3A_203 = arith.addf %add3A_150, %select_n3A_197 : vector<8x128xf32>
      %add3A_204 = arith.addf %add3A_151, %mul3A_199 : vector<8x128xf32>
      %scan3A_205 = arith.constant 3 : i32
      %scan3A_206 = arith.addi %scan3A_51, %scan3A_205 : i32
      %mul3A_207 = arith.constant 8 : i32
      %mul3A_208 = arith.muli %scan3A_206, %mul3A_207 : i32
      %get3A_209 = arith.index_cast %mul3A_208 : i32 to index
      %get3A_210 = arith.constant 0 : index
      %get3A_211 = vector.load %arg4[%get3A_209, %get3A_210] : memref<4096x128xf32, #tpu.memory_space<vmem>>, vector<8x128xf32>
      %mul3A_212 = arith.constant 8 : i32
      %mul3A_213 = arith.muli %scan3A_206, %mul3A_212 : i32
      %get3A_214 = arith.index_cast %mul3A_213 : i32 to index
      %get3A_215 = arith.constant 0 : index
      %get3A_216 = vector.load %arg5[%get3A_214, %get3A_215] : memref<4096x128xf32, #tpu.memory_space<vmem>>, vector<8x128xf32>
      %abs3A_217 = math.absf %get3A_211 : vector<8x128xf32>
      %neg3A_218 = arith.constant 0.000000e+00 : f32
      %neg3A_219 = vector.broadcast %neg3A_218 : f32 to vector<8x128xf32>
      %neg3A_220 = arith.subf %neg3A_219, %abs3A_217 : vector<8x128xf32>
      %exp3A_221 = math.exp %neg3A_220 : vector<8x128xf32>
      %max3A_222 = arith.constant 0.000000e+00 : f32
      %max3A_223 = vector.broadcast %max3A_222 : f32 to vector<8x128xf32>
      %max3A_224 = arith.maximumf %get3A_211, %max3A_223 : vector<8x128xf32>
      %mul3A_225 = arith.constant 0.979751825 : f32
      %mul3A_226 = vector.broadcast %mul3A_225 : f32 to vector<8x128xf32>
      %mul3A_227 = arith.mulf %mul3A_226, %exp3A_221 : vector<8x128xf32>
      %add3A_228 = arith.constant 9.25303961E-4 : f32
      %add3A_229 = vector.broadcast %add3A_228 : f32 to vector<8x128xf32>
      %add3A_230 = arith.addf %add3A_229, %mul3A_227 : vector<8x128xf32>
      %mul3A_231 = arith.mulf %exp3A_221, %exp3A_221 : vector<8x128xf32>
      %mul3A_232 = arith.constant 0.106683962 : f32
      %mul3A_233 = vector.broadcast %mul3A_232 : f32 to vector<8x128xf32>
      %mul3A_234 = arith.mulf %mul3A_233, %exp3A_221 : vector<8x128xf32>
      %add3A_235 = arith.constant -0.393533558 : f32
      %add3A_236 = vector.broadcast %add3A_235 : f32 to vector<8x128xf32>
      %add3A_237 = arith.addf %add3A_236, %mul3A_234 : vector<8x128xf32>
      %mul3A_238 = arith.mulf %mul3A_231, %add3A_237 : vector<8x128xf32>
      %add3A_239 = arith.addf %add3A_230, %mul3A_238 : vector<8x128xf32>
      %add3A_240 = arith.addf %max3A_224, %add3A_239 : vector<8x128xf32>
      %mul3A_241 = arith.mulf %get3A_216, %get3A_211 : vector<8x128xf32>
      %sub3A_242 = arith.subf %add3A_240, %mul3A_241 : vector<8x128xf32>
      %gt3A_243 = arith.constant 0.000000e+00 : f32
      %gt3A_244 = vector.broadcast %gt3A_243 : f32 to vector<8x128xf32>
      %gt3A_245 = arith.cmpf ogt, %get3A_211, %gt3A_244 : vector<8x128xf32>
      %jit3A_246 = arith.constant 1.000000e+00 : f32
      %jit3A_247 = arith.constant 0.000000e+00 : f32
      %broadcast_in_dim3A_248 = vector.broadcast %jit3A_246 : f32 to vector<8x128xf32>
      %broadcast_in_dim3A_249 = vector.broadcast %jit3A_247 : f32 to vector<8x128xf32>
      %select_n3A_250 = arith.select %gt3A_245, %broadcast_in_dim3A_248, %broadcast_in_dim3A_249 : vector<8x128xi1>, vector<8x128xf32>
      %mul3A_251 = arith.mulf %get3A_216, %sub3A_242 : vector<8x128xf32>
      %mul3A_252 = arith.mulf %get3A_216, %select_n3A_250 : vector<8x128xf32>
      %add3A_253 = arith.addf %add3A_200, %mul3A_251 : vector<8x128xf32>
      %add3A_254 = arith.addf %add3A_201, %sub3A_242 : vector<8x128xf32>
      %add3A_255 = arith.addf %add3A_202, %get3A_216 : vector<8x128xf32>
      %add3A_256 = arith.addf %add3A_203, %select_n3A_250 : vector<8x128xf32>
      %add3A_257 = arith.addf %add3A_204, %mul3A_252 : vector<8x128xf32>
      %scan3A_258 = arith.constant 4 : i32
      %scan3A_259 = arith.addi %scan3A_51, %scan3A_258 : i32
      %mul3A_260 = arith.constant 8 : i32
      %mul3A_261 = arith.muli %scan3A_259, %mul3A_260 : i32
      %get3A_262 = arith.index_cast %mul3A_261 : i32 to index
      %get3A_263 = arith.constant 0 : index
      %get3A_264 = vector.load %arg4[%get3A_262, %get3A_263] : memref<4096x128xf32, #tpu.memory_space<vmem>>, vector<8x128xf32>
      %mul3A_265 = arith.constant 8 : i32
      %mul3A_266 = arith.muli %scan3A_259, %mul3A_265 : i32
      %get3A_267 = arith.index_cast %mul3A_266 : i32 to index
      %get3A_268 = arith.constant 0 : index
      %get3A_269 = vector.load %arg5[%get3A_267, %get3A_268] : memref<4096x128xf32, #tpu.memory_space<vmem>>, vector<8x128xf32>
      %abs3A_270 = math.absf %get3A_264 : vector<8x128xf32>
      %neg3A_271 = arith.constant 0.000000e+00 : f32
      %neg3A_272 = vector.broadcast %neg3A_271 : f32 to vector<8x128xf32>
      %neg3A_273 = arith.subf %neg3A_272, %abs3A_270 : vector<8x128xf32>
      %exp3A_274 = math.exp %neg3A_273 : vector<8x128xf32>
      %max3A_275 = arith.constant 0.000000e+00 : f32
      %max3A_276 = vector.broadcast %max3A_275 : f32 to vector<8x128xf32>
      %max3A_277 = arith.maximumf %get3A_264, %max3A_276 : vector<8x128xf32>
      %mul3A_278 = arith.constant 0.979751825 : f32
      %mul3A_279 = vector.broadcast %mul3A_278 : f32 to vector<8x128xf32>
      %mul3A_280 = arith.mulf %mul3A_279, %exp3A_274 : vector<8x128xf32>
      %add3A_281 = arith.constant 9.25303961E-4 : f32
      %add3A_282 = vector.broadcast %add3A_281 : f32 to vector<8x128xf32>
      %add3A_283 = arith.addf %add3A_282, %mul3A_280 : vector<8x128xf32>
      %mul3A_284 = arith.mulf %exp3A_274, %exp3A_274 : vector<8x128xf32>
      %mul3A_285 = arith.constant 0.106683962 : f32
      %mul3A_286 = vector.broadcast %mul3A_285 : f32 to vector<8x128xf32>
      %mul3A_287 = arith.mulf %mul3A_286, %exp3A_274 : vector<8x128xf32>
      %add3A_288 = arith.constant -0.393533558 : f32
      %add3A_289 = vector.broadcast %add3A_288 : f32 to vector<8x128xf32>
      %add3A_290 = arith.addf %add3A_289, %mul3A_287 : vector<8x128xf32>
      %mul3A_291 = arith.mulf %mul3A_284, %add3A_290 : vector<8x128xf32>
      %add3A_292 = arith.addf %add3A_283, %mul3A_291 : vector<8x128xf32>
      %add3A_293 = arith.addf %max3A_277, %add3A_292 : vector<8x128xf32>
      %mul3A_294 = arith.mulf %get3A_269, %get3A_264 : vector<8x128xf32>
      %sub3A_295 = arith.subf %add3A_293, %mul3A_294 : vector<8x128xf32>
      %gt3A_296 = arith.constant 0.000000e+00 : f32
      %gt3A_297 = vector.broadcast %gt3A_296 : f32 to vector<8x128xf32>
      %gt3A_298 = arith.cmpf ogt, %get3A_264, %gt3A_297 : vector<8x128xf32>
      %jit3A_299 = arith.constant 1.000000e+00 : f32
      %jit3A_300 = arith.constant 0.000000e+00 : f32
      %broadcast_in_dim3A_301 = vector.broadcast %jit3A_299 : f32 to vector<8x128xf32>
      %broadcast_in_dim3A_302 = vector.broadcast %jit3A_300 : f32 to vector<8x128xf32>
      %select_n3A_303 = arith.select %gt3A_298, %broadcast_in_dim3A_301, %broadcast_in_dim3A_302 : vector<8x128xi1>, vector<8x128xf32>
      %mul3A_304 = arith.mulf %get3A_269, %sub3A_295 : vector<8x128xf32>
      %mul3A_305 = arith.mulf %get3A_269, %select_n3A_303 : vector<8x128xf32>
      %add3A_306 = arith.addf %add3A_253, %mul3A_304 : vector<8x128xf32>
      %add3A_307 = arith.addf %add3A_254, %sub3A_295 : vector<8x128xf32>
      %add3A_308 = arith.addf %add3A_255, %get3A_269 : vector<8x128xf32>
      %add3A_309 = arith.addf %add3A_256, %select_n3A_303 : vector<8x128xf32>
      %add3A_310 = arith.addf %add3A_257, %mul3A_305 : vector<8x128xf32>
      %scan3A_311 = arith.constant 5 : i32
      %scan3A_312 = arith.addi %scan3A_51, %scan3A_311 : i32
      %mul3A_313 = arith.constant 8 : i32
      %mul3A_314 = arith.muli %scan3A_312, %mul3A_313 : i32
      %get3A_315 = arith.index_cast %mul3A_314 : i32 to index
      %get3A_316 = arith.constant 0 : index
      %get3A_317 = vector.load %arg4[%get3A_315, %get3A_316] : memref<4096x128xf32, #tpu.memory_space<vmem>>, vector<8x128xf32>
      %mul3A_318 = arith.constant 8 : i32
      %mul3A_319 = arith.muli %scan3A_312, %mul3A_318 : i32
      %get3A_320 = arith.index_cast %mul3A_319 : i32 to index
      %get3A_321 = arith.constant 0 : index
      %get3A_322 = vector.load %arg5[%get3A_320, %get3A_321] : memref<4096x128xf32, #tpu.memory_space<vmem>>, vector<8x128xf32>
      %abs3A_323 = math.absf %get3A_317 : vector<8x128xf32>
      %neg3A_324 = arith.constant 0.000000e+00 : f32
      %neg3A_325 = vector.broadcast %neg3A_324 : f32 to vector<8x128xf32>
      %neg3A_326 = arith.subf %neg3A_325, %abs3A_323 : vector<8x128xf32>
      %exp3A_327 = math.exp %neg3A_326 : vector<8x128xf32>
      %max3A_328 = arith.constant 0.000000e+00 : f32
      %max3A_329 = vector.broadcast %max3A_328 : f32 to vector<8x128xf32>
      %max3A_330 = arith.maximumf %get3A_317, %max3A_329 : vector<8x128xf32>
      %mul3A_331 = arith.constant 0.979751825 : f32
      %mul3A_332 = vector.broadcast %mul3A_331 : f32 to vector<8x128xf32>
      %mul3A_333 = arith.mulf %mul3A_332, %exp3A_327 : vector<8x128xf32>
      %add3A_334 = arith.constant 9.25303961E-4 : f32
      %add3A_335 = vector.broadcast %add3A_334 : f32 to vector<8x128xf32>
      %add3A_336 = arith.addf %add3A_335, %mul3A_333 : vector<8x128xf32>
      %mul3A_337 = arith.mulf %exp3A_327, %exp3A_327 : vector<8x128xf32>
      %mul3A_338 = arith.constant 0.106683962 : f32
      %mul3A_339 = vector.broadcast %mul3A_338 : f32 to vector<8x128xf32>
      %mul3A_340 = arith.mulf %mul3A_339, %exp3A_327 : vector<8x128xf32>
      %add3A_341 = arith.constant -0.393533558 : f32
      %add3A_342 = vector.broadcast %add3A_341 : f32 to vector<8x128xf32>
      %add3A_343 = arith.addf %add3A_342, %mul3A_340 : vector<8x128xf32>
      %mul3A_344 = arith.mulf %mul3A_337, %add3A_343 : vector<8x128xf32>
      %add3A_345 = arith.addf %add3A_336, %mul3A_344 : vector<8x128xf32>
      %add3A_346 = arith.addf %max3A_330, %add3A_345 : vector<8x128xf32>
      %mul3A_347 = arith.mulf %get3A_322, %get3A_317 : vector<8x128xf32>
      %sub3A_348 = arith.subf %add3A_346, %mul3A_347 : vector<8x128xf32>
      %gt3A_349 = arith.constant 0.000000e+00 : f32
      %gt3A_350 = vector.broadcast %gt3A_349 : f32 to vector<8x128xf32>
      %gt3A_351 = arith.cmpf ogt, %get3A_317, %gt3A_350 : vector<8x128xf32>
      %jit3A_352 = arith.constant 1.000000e+00 : f32
      %jit3A_353 = arith.constant 0.000000e+00 : f32
      %broadcast_in_dim3A_354 = vector.broadcast %jit3A_352 : f32 to vector<8x128xf32>
      %broadcast_in_dim3A_355 = vector.broadcast %jit3A_353 : f32 to vector<8x128xf32>
      %select_n3A_356 = arith.select %gt3A_351, %broadcast_in_dim3A_354, %broadcast_in_dim3A_355 : vector<8x128xi1>, vector<8x128xf32>
      %mul3A_357 = arith.mulf %get3A_322, %sub3A_348 : vector<8x128xf32>
      %mul3A_358 = arith.mulf %get3A_322, %select_n3A_356 : vector<8x128xf32>
      %add3A_359 = arith.addf %add3A_306, %mul3A_357 : vector<8x128xf32>
      %add3A_360 = arith.addf %add3A_307, %sub3A_348 : vector<8x128xf32>
      %add3A_361 = arith.addf %add3A_308, %get3A_322 : vector<8x128xf32>
      %add3A_362 = arith.addf %add3A_309, %select_n3A_356 : vector<8x128xf32>
      %add3A_363 = arith.addf %add3A_310, %mul3A_358 : vector<8x128xf32>
      %scan3A_364 = arith.constant 6 : i32
      %scan3A_365 = arith.addi %scan3A_51, %scan3A_364 : i32
      %mul3A_366 = arith.constant 8 : i32
      %mul3A_367 = arith.muli %scan3A_365, %mul3A_366 : i32
      %get3A_368 = arith.index_cast %mul3A_367 : i32 to index
      %get3A_369 = arith.constant 0 : index
      %get3A_370 = vector.load %arg4[%get3A_368, %get3A_369] : memref<4096x128xf32, #tpu.memory_space<vmem>>, vector<8x128xf32>
      %mul3A_371 = arith.constant 8 : i32
      %mul3A_372 = arith.muli %scan3A_365, %mul3A_371 : i32
      %get3A_373 = arith.index_cast %mul3A_372 : i32 to index
      %get3A_374 = arith.constant 0 : index
      %get3A_375 = vector.load %arg5[%get3A_373, %get3A_374] : memref<4096x128xf32, #tpu.memory_space<vmem>>, vector<8x128xf32>
      %abs3A_376 = math.absf %get3A_370 : vector<8x128xf32>
      %neg3A_377 = arith.constant 0.000000e+00 : f32
      %neg3A_378 = vector.broadcast %neg3A_377 : f32 to vector<8x128xf32>
      %neg3A_379 = arith.subf %neg3A_378, %abs3A_376 : vector<8x128xf32>
      %exp3A_380 = math.exp %neg3A_379 : vector<8x128xf32>
      %max3A_381 = arith.constant 0.000000e+00 : f32
      %max3A_382 = vector.broadcast %max3A_381 : f32 to vector<8x128xf32>
      %max3A_383 = arith.maximumf %get3A_370, %max3A_382 : vector<8x128xf32>
      %mul3A_384 = arith.constant 0.979751825 : f32
      %mul3A_385 = vector.broadcast %mul3A_384 : f32 to vector<8x128xf32>
      %mul3A_386 = arith.mulf %mul3A_385, %exp3A_380 : vector<8x128xf32>
      %add3A_387 = arith.constant 9.25303961E-4 : f32
      %add3A_388 = vector.broadcast %add3A_387 : f32 to vector<8x128xf32>
      %add3A_389 = arith.addf %add3A_388, %mul3A_386 : vector<8x128xf32>
      %mul3A_390 = arith.mulf %exp3A_380, %exp3A_380 : vector<8x128xf32>
      %mul3A_391 = arith.constant 0.106683962 : f32
      %mul3A_392 = vector.broadcast %mul3A_391 : f32 to vector<8x128xf32>
      %mul3A_393 = arith.mulf %mul3A_392, %exp3A_380 : vector<8x128xf32>
      %add3A_394 = arith.constant -0.393533558 : f32
      %add3A_395 = vector.broadcast %add3A_394 : f32 to vector<8x128xf32>
      %add3A_396 = arith.addf %add3A_395, %mul3A_393 : vector<8x128xf32>
      %mul3A_397 = arith.mulf %mul3A_390, %add3A_396 : vector<8x128xf32>
      %add3A_398 = arith.addf %add3A_389, %mul3A_397 : vector<8x128xf32>
      %add3A_399 = arith.addf %max3A_383, %add3A_398 : vector<8x128xf32>
      %mul3A_400 = arith.mulf %get3A_375, %get3A_370 : vector<8x128xf32>
      %sub3A_401 = arith.subf %add3A_399, %mul3A_400 : vector<8x128xf32>
      %gt3A_402 = arith.constant 0.000000e+00 : f32
      %gt3A_403 = vector.broadcast %gt3A_402 : f32 to vector<8x128xf32>
      %gt3A_404 = arith.cmpf ogt, %get3A_370, %gt3A_403 : vector<8x128xf32>
      %jit3A_405 = arith.constant 1.000000e+00 : f32
      %jit3A_406 = arith.constant 0.000000e+00 : f32
      %broadcast_in_dim3A_407 = vector.broadcast %jit3A_405 : f32 to vector<8x128xf32>
      %broadcast_in_dim3A_408 = vector.broadcast %jit3A_406 : f32 to vector<8x128xf32>
      %select_n3A_409 = arith.select %gt3A_404, %broadcast_in_dim3A_407, %broadcast_in_dim3A_408 : vector<8x128xi1>, vector<8x128xf32>
      %mul3A_410 = arith.mulf %get3A_375, %sub3A_401 : vector<8x128xf32>
      %mul3A_411 = arith.mulf %get3A_375, %select_n3A_409 : vector<8x128xf32>
      %add3A_412 = arith.addf %add3A_359, %mul3A_410 : vector<8x128xf32>
      %add3A_413 = arith.addf %add3A_360, %sub3A_401 : vector<8x128xf32>
      %add3A_414 = arith.addf %add3A_361, %get3A_375 : vector<8x128xf32>
      %add3A_415 = arith.addf %add3A_362, %select_n3A_409 : vector<8x128xf32>
      %add3A_416 = arith.addf %add3A_363, %mul3A_411 : vector<8x128xf32>
      %scan3A_417 = arith.constant 7 : i32
      %scan3A_418 = arith.addi %scan3A_51, %scan3A_417 : i32
      %mul3A_419 = arith.constant 8 : i32
      %mul3A_420 = arith.muli %scan3A_418, %mul3A_419 : i32
      %get3A_421 = arith.index_cast %mul3A_420 : i32 to index
      %get3A_422 = arith.constant 0 : index
      %get3A_423 = vector.load %arg4[%get3A_421, %get3A_422] : memref<4096x128xf32, #tpu.memory_space<vmem>>, vector<8x128xf32>
      %mul3A_424 = arith.constant 8 : i32
      %mul3A_425 = arith.muli %scan3A_418, %mul3A_424 : i32
      %get3A_426 = arith.index_cast %mul3A_425 : i32 to index
      %get3A_427 = arith.constant 0 : index
      %get3A_428 = vector.load %arg5[%get3A_426, %get3A_427] : memref<4096x128xf32, #tpu.memory_space<vmem>>, vector<8x128xf32>
      %abs3A_429 = math.absf %get3A_423 : vector<8x128xf32>
      %neg3A_430 = arith.constant 0.000000e+00 : f32
      %neg3A_431 = vector.broadcast %neg3A_430 : f32 to vector<8x128xf32>
      %neg3A_432 = arith.subf %neg3A_431, %abs3A_429 : vector<8x128xf32>
      %exp3A_433 = math.exp %neg3A_432 : vector<8x128xf32>
      %max3A_434 = arith.constant 0.000000e+00 : f32
      %max3A_435 = vector.broadcast %max3A_434 : f32 to vector<8x128xf32>
      %max3A_436 = arith.maximumf %get3A_423, %max3A_435 : vector<8x128xf32>
      %mul3A_437 = arith.constant 0.979751825 : f32
      %mul3A_438 = vector.broadcast %mul3A_437 : f32 to vector<8x128xf32>
      %mul3A_439 = arith.mulf %mul3A_438, %exp3A_433 : vector<8x128xf32>
      %add3A_440 = arith.constant 9.25303961E-4 : f32
      %add3A_441 = vector.broadcast %add3A_440 : f32 to vector<8x128xf32>
      %add3A_442 = arith.addf %add3A_441, %mul3A_439 : vector<8x128xf32>
      %mul3A_443 = arith.mulf %exp3A_433, %exp3A_433 : vector<8x128xf32>
      %mul3A_444 = arith.constant 0.106683962 : f32
      %mul3A_445 = vector.broadcast %mul3A_444 : f32 to vector<8x128xf32>
      %mul3A_446 = arith.mulf %mul3A_445, %exp3A_433 : vector<8x128xf32>
      %add3A_447 = arith.constant -0.393533558 : f32
      %add3A_448 = vector.broadcast %add3A_447 : f32 to vector<8x128xf32>
      %add3A_449 = arith.addf %add3A_448, %mul3A_446 : vector<8x128xf32>
      %mul3A_450 = arith.mulf %mul3A_443, %add3A_449 : vector<8x128xf32>
      %add3A_451 = arith.addf %add3A_442, %mul3A_450 : vector<8x128xf32>
      %add3A_452 = arith.addf %max3A_436, %add3A_451 : vector<8x128xf32>
      %mul3A_453 = arith.mulf %get3A_428, %get3A_423 : vector<8x128xf32>
      %sub3A_454 = arith.subf %add3A_452, %mul3A_453 : vector<8x128xf32>
      %gt3A_455 = arith.constant 0.000000e+00 : f32
      %gt3A_456 = vector.broadcast %gt3A_455 : f32 to vector<8x128xf32>
      %gt3A_457 = arith.cmpf ogt, %get3A_423, %gt3A_456 : vector<8x128xf32>
      %jit3A_458 = arith.constant 1.000000e+00 : f32
      %jit3A_459 = arith.constant 0.000000e+00 : f32
      %broadcast_in_dim3A_460 = vector.broadcast %jit3A_458 : f32 to vector<8x128xf32>
      %broadcast_in_dim3A_461 = vector.broadcast %jit3A_459 : f32 to vector<8x128xf32>
      %select_n3A_462 = arith.select %gt3A_457, %broadcast_in_dim3A_460, %broadcast_in_dim3A_461 : vector<8x128xi1>, vector<8x128xf32>
      %mul3A_463 = arith.mulf %get3A_428, %sub3A_454 : vector<8x128xf32>
      %mul3A_464 = arith.mulf %get3A_428, %select_n3A_462 : vector<8x128xf32>
      %add3A_465 = arith.addf %add3A_412, %mul3A_463 : vector<8x128xf32>
      %add3A_466 = arith.addf %add3A_413, %sub3A_454 : vector<8x128xf32>
      %add3A_467 = arith.addf %add3A_414, %get3A_428 : vector<8x128xf32>
      %add3A_468 = arith.addf %add3A_415, %select_n3A_462 : vector<8x128xf32>
      %add3A_469 = arith.addf %add3A_416, %mul3A_464 : vector<8x128xf32>
      %scan3A_470 = arith.constant 8 : i32
      %scan3A_471 = arith.addi %scan3A_51, %scan3A_470 : i32
      %mul3A_472 = arith.constant 8 : i32
      %mul3A_473 = arith.muli %scan3A_471, %mul3A_472 : i32
      %get3A_474 = arith.index_cast %mul3A_473 : i32 to index
      %get3A_475 = arith.constant 0 : index
      %get3A_476 = vector.load %arg4[%get3A_474, %get3A_475] : memref<4096x128xf32, #tpu.memory_space<vmem>>, vector<8x128xf32>
      %mul3A_477 = arith.constant 8 : i32
      %mul3A_478 = arith.muli %scan3A_471, %mul3A_477 : i32
      %get3A_479 = arith.index_cast %mul3A_478 : i32 to index
      %get3A_480 = arith.constant 0 : index
      %get3A_481 = vector.load %arg5[%get3A_479, %get3A_480] : memref<4096x128xf32, #tpu.memory_space<vmem>>, vector<8x128xf32>
      %abs3A_482 = math.absf %get3A_476 : vector<8x128xf32>
      %neg3A_483 = arith.constant 0.000000e+00 : f32
      %neg3A_484 = vector.broadcast %neg3A_483 : f32 to vector<8x128xf32>
      %neg3A_485 = arith.subf %neg3A_484, %abs3A_482 : vector<8x128xf32>
      %exp3A_486 = math.exp %neg3A_485 : vector<8x128xf32>
      %max3A_487 = arith.constant 0.000000e+00 : f32
      %max3A_488 = vector.broadcast %max3A_487 : f32 to vector<8x128xf32>
      %max3A_489 = arith.maximumf %get3A_476, %max3A_488 : vector<8x128xf32>
      %mul3A_490 = arith.constant 0.979751825 : f32
      %mul3A_491 = vector.broadcast %mul3A_490 : f32 to vector<8x128xf32>
      %mul3A_492 = arith.mulf %mul3A_491, %exp3A_486 : vector<8x128xf32>
      %add3A_493 = arith.constant 9.25303961E-4 : f32
      %add3A_494 = vector.broadcast %add3A_493 : f32 to vector<8x128xf32>
      %add3A_495 = arith.addf %add3A_494, %mul3A_492 : vector<8x128xf32>
      %mul3A_496 = arith.mulf %exp3A_486, %exp3A_486 : vector<8x128xf32>
      %mul3A_497 = arith.constant 0.106683962 : f32
      %mul3A_498 = vector.broadcast %mul3A_497 : f32 to vector<8x128xf32>
      %mul3A_499 = arith.mulf %mul3A_498, %exp3A_486 : vector<8x128xf32>
      %add3A_500 = arith.constant -0.393533558 : f32
      %add3A_501 = vector.broadcast %add3A_500 : f32 to vector<8x128xf32>
      %add3A_502 = arith.addf %add3A_501, %mul3A_499 : vector<8x128xf32>
      %mul3A_503 = arith.mulf %mul3A_496, %add3A_502 : vector<8x128xf32>
      %add3A_504 = arith.addf %add3A_495, %mul3A_503 : vector<8x128xf32>
      %add3A_505 = arith.addf %max3A_489, %add3A_504 : vector<8x128xf32>
      %mul3A_506 = arith.mulf %get3A_481, %get3A_476 : vector<8x128xf32>
      %sub3A_507 = arith.subf %add3A_505, %mul3A_506 : vector<8x128xf32>
      %gt3A_508 = arith.constant 0.000000e+00 : f32
      %gt3A_509 = vector.broadcast %gt3A_508 : f32 to vector<8x128xf32>
      %gt3A_510 = arith.cmpf ogt, %get3A_476, %gt3A_509 : vector<8x128xf32>
      %jit3A_511 = arith.constant 1.000000e+00 : f32
      %jit3A_512 = arith.constant 0.000000e+00 : f32
      %broadcast_in_dim3A_513 = vector.broadcast %jit3A_511 : f32 to vector<8x128xf32>
      %broadcast_in_dim3A_514 = vector.broadcast %jit3A_512 : f32 to vector<8x128xf32>
      %select_n3A_515 = arith.select %gt3A_510, %broadcast_in_dim3A_513, %broadcast_in_dim3A_514 : vector<8x128xi1>, vector<8x128xf32>
      %mul3A_516 = arith.mulf %get3A_481, %sub3A_507 : vector<8x128xf32>
      %mul3A_517 = arith.mulf %get3A_481, %select_n3A_515 : vector<8x128xf32>
      %add3A_518 = arith.addf %add3A_465, %mul3A_516 : vector<8x128xf32>
      %add3A_519 = arith.addf %add3A_466, %sub3A_507 : vector<8x128xf32>
      %add3A_520 = arith.addf %add3A_467, %get3A_481 : vector<8x128xf32>
      %add3A_521 = arith.addf %add3A_468, %select_n3A_515 : vector<8x128xf32>
      %add3A_522 = arith.addf %add3A_469, %mul3A_517 : vector<8x128xf32>
      %scan3A_523 = arith.constant 9 : i32
      %scan3A_524 = arith.addi %scan3A_51, %scan3A_523 : i32
      %mul3A_525 = arith.constant 8 : i32
      %mul3A_526 = arith.muli %scan3A_524, %mul3A_525 : i32
      %get3A_527 = arith.index_cast %mul3A_526 : i32 to index
      %get3A_528 = arith.constant 0 : index
      %get3A_529 = vector.load %arg4[%get3A_527, %get3A_528] : memref<4096x128xf32, #tpu.memory_space<vmem>>, vector<8x128xf32>
      %mul3A_530 = arith.constant 8 : i32
      %mul3A_531 = arith.muli %scan3A_524, %mul3A_530 : i32
      %get3A_532 = arith.index_cast %mul3A_531 : i32 to index
      %get3A_533 = arith.constant 0 : index
      %get3A_534 = vector.load %arg5[%get3A_532, %get3A_533] : memref<4096x128xf32, #tpu.memory_space<vmem>>, vector<8x128xf32>
      %abs3A_535 = math.absf %get3A_529 : vector<8x128xf32>
      %neg3A_536 = arith.constant 0.000000e+00 : f32
      %neg3A_537 = vector.broadcast %neg3A_536 : f32 to vector<8x128xf32>
      %neg3A_538 = arith.subf %neg3A_537, %abs3A_535 : vector<8x128xf32>
      %exp3A_539 = math.exp %neg3A_538 : vector<8x128xf32>
      %max3A_540 = arith.constant 0.000000e+00 : f32
      %max3A_541 = vector.broadcast %max3A_540 : f32 to vector<8x128xf32>
      %max3A_542 = arith.maximumf %get3A_529, %max3A_541 : vector<8x128xf32>
      %mul3A_543 = arith.constant 0.979751825 : f32
      %mul3A_544 = vector.broadcast %mul3A_543 : f32 to vector<8x128xf32>
      %mul3A_545 = arith.mulf %mul3A_544, %exp3A_539 : vector<8x128xf32>
      %add3A_546 = arith.constant 9.25303961E-4 : f32
      %add3A_547 = vector.broadcast %add3A_546 : f32 to vector<8x128xf32>
      %add3A_548 = arith.addf %add3A_547, %mul3A_545 : vector<8x128xf32>
      %mul3A_549 = arith.mulf %exp3A_539, %exp3A_539 : vector<8x128xf32>
      %mul3A_550 = arith.constant 0.106683962 : f32
      %mul3A_551 = vector.broadcast %mul3A_550 : f32 to vector<8x128xf32>
      %mul3A_552 = arith.mulf %mul3A_551, %exp3A_539 : vector<8x128xf32>
      %add3A_553 = arith.constant -0.393533558 : f32
      %add3A_554 = vector.broadcast %add3A_553 : f32 to vector<8x128xf32>
      %add3A_555 = arith.addf %add3A_554, %mul3A_552 : vector<8x128xf32>
      %mul3A_556 = arith.mulf %mul3A_549, %add3A_555 : vector<8x128xf32>
      %add3A_557 = arith.addf %add3A_548, %mul3A_556 : vector<8x128xf32>
      %add3A_558 = arith.addf %max3A_542, %add3A_557 : vector<8x128xf32>
      %mul3A_559 = arith.mulf %get3A_534, %get3A_529 : vector<8x128xf32>
      %sub3A_560 = arith.subf %add3A_558, %mul3A_559 : vector<8x128xf32>
      %gt3A_561 = arith.constant 0.000000e+00 : f32
      %gt3A_562 = vector.broadcast %gt3A_561 : f32 to vector<8x128xf32>
      %gt3A_563 = arith.cmpf ogt, %get3A_529, %gt3A_562 : vector<8x128xf32>
      %jit3A_564 = arith.constant 1.000000e+00 : f32
      %jit3A_565 = arith.constant 0.000000e+00 : f32
      %broadcast_in_dim3A_566 = vector.broadcast %jit3A_564 : f32 to vector<8x128xf32>
      %broadcast_in_dim3A_567 = vector.broadcast %jit3A_565 : f32 to vector<8x128xf32>
      %select_n3A_568 = arith.select %gt3A_563, %broadcast_in_dim3A_566, %broadcast_in_dim3A_567 : vector<8x128xi1>, vector<8x128xf32>
      %mul3A_569 = arith.mulf %get3A_534, %sub3A_560 : vector<8x128xf32>
      %mul3A_570 = arith.mulf %get3A_534, %select_n3A_568 : vector<8x128xf32>
      %add3A_571 = arith.addf %add3A_518, %mul3A_569 : vector<8x128xf32>
      %add3A_572 = arith.addf %add3A_519, %sub3A_560 : vector<8x128xf32>
      %add3A_573 = arith.addf %add3A_520, %get3A_534 : vector<8x128xf32>
      %add3A_574 = arith.addf %add3A_521, %select_n3A_568 : vector<8x128xf32>
      %add3A_575 = arith.addf %add3A_522, %mul3A_570 : vector<8x128xf32>
      %scan3A_576 = arith.constant 10 : i32
      %scan3A_577 = arith.addi %scan3A_51, %scan3A_576 : i32
      %mul3A_578 = arith.constant 8 : i32
      %mul3A_579 = arith.muli %scan3A_577, %mul3A_578 : i32
      %get3A_580 = arith.index_cast %mul3A_579 : i32 to index
      %get3A_581 = arith.constant 0 : index
      %get3A_582 = vector.load %arg4[%get3A_580, %get3A_581] : memref<4096x128xf32, #tpu.memory_space<vmem>>, vector<8x128xf32>
      %mul3A_583 = arith.constant 8 : i32
      %mul3A_584 = arith.muli %scan3A_577, %mul3A_583 : i32
      %get3A_585 = arith.index_cast %mul3A_584 : i32 to index
      %get3A_586 = arith.constant 0 : index
      %get3A_587 = vector.load %arg5[%get3A_585, %get3A_586] : memref<4096x128xf32, #tpu.memory_space<vmem>>, vector<8x128xf32>
      %abs3A_588 = math.absf %get3A_582 : vector<8x128xf32>
      %neg3A_589 = arith.constant 0.000000e+00 : f32
      %neg3A_590 = vector.broadcast %neg3A_589 : f32 to vector<8x128xf32>
      %neg3A_591 = arith.subf %neg3A_590, %abs3A_588 : vector<8x128xf32>
      %exp3A_592 = math.exp %neg3A_591 : vector<8x128xf32>
      %max3A_593 = arith.constant 0.000000e+00 : f32
      %max3A_594 = vector.broadcast %max3A_593 : f32 to vector<8x128xf32>
      %max3A_595 = arith.maximumf %get3A_582, %max3A_594 : vector<8x128xf32>
      %mul3A_596 = arith.constant 0.979751825 : f32
      %mul3A_597 = vector.broadcast %mul3A_596 : f32 to vector<8x128xf32>
      %mul3A_598 = arith.mulf %mul3A_597, %exp3A_592 : vector<8x128xf32>
      %add3A_599 = arith.constant 9.25303961E-4 : f32
      %add3A_600 = vector.broadcast %add3A_599 : f32 to vector<8x128xf32>
      %add3A_601 = arith.addf %add3A_600, %mul3A_598 : vector<8x128xf32>
      %mul3A_602 = arith.mulf %exp3A_592, %exp3A_592 : vector<8x128xf32>
      %mul3A_603 = arith.constant 0.106683962 : f32
      %mul3A_604 = vector.broadcast %mul3A_603 : f32 to vector<8x128xf32>
      %mul3A_605 = arith.mulf %mul3A_604, %exp3A_592 : vector<8x128xf32>
      %add3A_606 = arith.constant -0.393533558 : f32
      %add3A_607 = vector.broadcast %add3A_606 : f32 to vector<8x128xf32>
      %add3A_608 = arith.addf %add3A_607, %mul3A_605 : vector<8x128xf32>
      %mul3A_609 = arith.mulf %mul3A_602, %add3A_608 : vector<8x128xf32>
      %add3A_610 = arith.addf %add3A_601, %mul3A_609 : vector<8x128xf32>
      %add3A_611 = arith.addf %max3A_595, %add3A_610 : vector<8x128xf32>
      %mul3A_612 = arith.mulf %get3A_587, %get3A_582 : vector<8x128xf32>
      %sub3A_613 = arith.subf %add3A_611, %mul3A_612 : vector<8x128xf32>
      %gt3A_614 = arith.constant 0.000000e+00 : f32
      %gt3A_615 = vector.broadcast %gt3A_614 : f32 to vector<8x128xf32>
      %gt3A_616 = arith.cmpf ogt, %get3A_582, %gt3A_615 : vector<8x128xf32>
      %jit3A_617 = arith.constant 1.000000e+00 : f32
      %jit3A_618 = arith.constant 0.000000e+00 : f32
      %broadcast_in_dim3A_619 = vector.broadcast %jit3A_617 : f32 to vector<8x128xf32>
      %broadcast_in_dim3A_620 = vector.broadcast %jit3A_618 : f32 to vector<8x128xf32>
      %select_n3A_621 = arith.select %gt3A_616, %broadcast_in_dim3A_619, %broadcast_in_dim3A_620 : vector<8x128xi1>, vector<8x128xf32>
      %mul3A_622 = arith.mulf %get3A_587, %sub3A_613 : vector<8x128xf32>
      %mul3A_623 = arith.mulf %get3A_587, %select_n3A_621 : vector<8x128xf32>
      %add3A_624 = arith.addf %add3A_571, %mul3A_622 : vector<8x128xf32>
      %add3A_625 = arith.addf %add3A_572, %sub3A_613 : vector<8x128xf32>
      %add3A_626 = arith.addf %add3A_573, %get3A_587 : vector<8x128xf32>
      %add3A_627 = arith.addf %add3A_574, %select_n3A_621 : vector<8x128xf32>
      %add3A_628 = arith.addf %add3A_575, %mul3A_623 : vector<8x128xf32>
      %scan3A_629 = arith.constant 11 : i32
      %scan3A_630 = arith.addi %scan3A_51, %scan3A_629 : i32
      %mul3A_631 = arith.constant 8 : i32
      %mul3A_632 = arith.muli %scan3A_630, %mul3A_631 : i32
      %get3A_633 = arith.index_cast %mul3A_632 : i32 to index
      %get3A_634 = arith.constant 0 : index
      %get3A_635 = vector.load %arg4[%get3A_633, %get3A_634] : memref<4096x128xf32, #tpu.memory_space<vmem>>, vector<8x128xf32>
      %mul3A_636 = arith.constant 8 : i32
      %mul3A_637 = arith.muli %scan3A_630, %mul3A_636 : i32
      %get3A_638 = arith.index_cast %mul3A_637 : i32 to index
      %get3A_639 = arith.constant 0 : index
      %get3A_640 = vector.load %arg5[%get3A_638, %get3A_639] : memref<4096x128xf32, #tpu.memory_space<vmem>>, vector<8x128xf32>
      %abs3A_641 = math.absf %get3A_635 : vector<8x128xf32>
      %neg3A_642 = arith.constant 0.000000e+00 : f32
      %neg3A_643 = vector.broadcast %neg3A_642 : f32 to vector<8x128xf32>
      %neg3A_644 = arith.subf %neg3A_643, %abs3A_641 : vector<8x128xf32>
      %exp3A_645 = math.exp %neg3A_644 : vector<8x128xf32>
      %max3A_646 = arith.constant 0.000000e+00 : f32
      %max3A_647 = vector.broadcast %max3A_646 : f32 to vector<8x128xf32>
      %max3A_648 = arith.maximumf %get3A_635, %max3A_647 : vector<8x128xf32>
      %mul3A_649 = arith.constant 0.979751825 : f32
      %mul3A_650 = vector.broadcast %mul3A_649 : f32 to vector<8x128xf32>
      %mul3A_651 = arith.mulf %mul3A_650, %exp3A_645 : vector<8x128xf32>
      %add3A_652 = arith.constant 9.25303961E-4 : f32
      %add3A_653 = vector.broadcast %add3A_652 : f32 to vector<8x128xf32>
      %add3A_654 = arith.addf %add3A_653, %mul3A_651 : vector<8x128xf32>
      %mul3A_655 = arith.mulf %exp3A_645, %exp3A_645 : vector<8x128xf32>
      %mul3A_656 = arith.constant 0.106683962 : f32
      %mul3A_657 = vector.broadcast %mul3A_656 : f32 to vector<8x128xf32>
      %mul3A_658 = arith.mulf %mul3A_657, %exp3A_645 : vector<8x128xf32>
      %add3A_659 = arith.constant -0.393533558 : f32
      %add3A_660 = vector.broadcast %add3A_659 : f32 to vector<8x128xf32>
      %add3A_661 = arith.addf %add3A_660, %mul3A_658 : vector<8x128xf32>
      %mul3A_662 = arith.mulf %mul3A_655, %add3A_661 : vector<8x128xf32>
      %add3A_663 = arith.addf %add3A_654, %mul3A_662 : vector<8x128xf32>
      %add3A_664 = arith.addf %max3A_648, %add3A_663 : vector<8x128xf32>
      %mul3A_665 = arith.mulf %get3A_640, %get3A_635 : vector<8x128xf32>
      %sub3A_666 = arith.subf %add3A_664, %mul3A_665 : vector<8x128xf32>
      %gt3A_667 = arith.constant 0.000000e+00 : f32
      %gt3A_668 = vector.broadcast %gt3A_667 : f32 to vector<8x128xf32>
      %gt3A_669 = arith.cmpf ogt, %get3A_635, %gt3A_668 : vector<8x128xf32>
      %jit3A_670 = arith.constant 1.000000e+00 : f32
      %jit3A_671 = arith.constant 0.000000e+00 : f32
      %broadcast_in_dim3A_672 = vector.broadcast %jit3A_670 : f32 to vector<8x128xf32>
      %broadcast_in_dim3A_673 = vector.broadcast %jit3A_671 : f32 to vector<8x128xf32>
      %select_n3A_674 = arith.select %gt3A_669, %broadcast_in_dim3A_672, %broadcast_in_dim3A_673 : vector<8x128xi1>, vector<8x128xf32>
      %mul3A_675 = arith.mulf %get3A_640, %sub3A_666 : vector<8x128xf32>
      %mul3A_676 = arith.mulf %get3A_640, %select_n3A_674 : vector<8x128xf32>
      %add3A_677 = arith.addf %add3A_624, %mul3A_675 : vector<8x128xf32>
      %add3A_678 = arith.addf %add3A_625, %sub3A_666 : vector<8x128xf32>
      %add3A_679 = arith.addf %add3A_626, %get3A_640 : vector<8x128xf32>
      %add3A_680 = arith.addf %add3A_627, %select_n3A_674 : vector<8x128xf32>
      %add3A_681 = arith.addf %add3A_628, %mul3A_676 : vector<8x128xf32>
      %scan3A_682 = arith.constant 12 : i32
      %scan3A_683 = arith.addi %scan3A_51, %scan3A_682 : i32
      %mul3A_684 = arith.constant 8 : i32
      %mul3A_685 = arith.muli %scan3A_683, %mul3A_684 : i32
      %get3A_686 = arith.index_cast %mul3A_685 : i32 to index
      %get3A_687 = arith.constant 0 : index
      %get3A_688 = vector.load %arg4[%get3A_686, %get3A_687] : memref<4096x128xf32, #tpu.memory_space<vmem>>, vector<8x128xf32>
      %mul3A_689 = arith.constant 8 : i32
      %mul3A_690 = arith.muli %scan3A_683, %mul3A_689 : i32
      %get3A_691 = arith.index_cast %mul3A_690 : i32 to index
      %get3A_692 = arith.constant 0 : index
      %get3A_693 = vector.load %arg5[%get3A_691, %get3A_692] : memref<4096x128xf32, #tpu.memory_space<vmem>>, vector<8x128xf32>
      %abs3A_694 = math.absf %get3A_688 : vector<8x128xf32>
      %neg3A_695 = arith.constant 0.000000e+00 : f32
      %neg3A_696 = vector.broadcast %neg3A_695 : f32 to vector<8x128xf32>
      %neg3A_697 = arith.subf %neg3A_696, %abs3A_694 : vector<8x128xf32>
      %exp3A_698 = math.exp %neg3A_697 : vector<8x128xf32>
      %max3A_699 = arith.constant 0.000000e+00 : f32
      %max3A_700 = vector.broadcast %max3A_699 : f32 to vector<8x128xf32>
      %max3A_701 = arith.maximumf %get3A_688, %max3A_700 : vector<8x128xf32>
      %mul3A_702 = arith.constant 0.979751825 : f32
      %mul3A_703 = vector.broadcast %mul3A_702 : f32 to vector<8x128xf32>
      %mul3A_704 = arith.mulf %mul3A_703, %exp3A_698 : vector<8x128xf32>
      %add3A_705 = arith.constant 9.25303961E-4 : f32
      %add3A_706 = vector.broadcast %add3A_705 : f32 to vector<8x128xf32>
      %add3A_707 = arith.addf %add3A_706, %mul3A_704 : vector<8x128xf32>
      %mul3A_708 = arith.mulf %exp3A_698, %exp3A_698 : vector<8x128xf32>
      %mul3A_709 = arith.constant 0.106683962 : f32
      %mul3A_710 = vector.broadcast %mul3A_709 : f32 to vector<8x128xf32>
      %mul3A_711 = arith.mulf %mul3A_710, %exp3A_698 : vector<8x128xf32>
      %add3A_712 = arith.constant -0.393533558 : f32
      %add3A_713 = vector.broadcast %add3A_712 : f32 to vector<8x128xf32>
      %add3A_714 = arith.addf %add3A_713, %mul3A_711 : vector<8x128xf32>
      %mul3A_715 = arith.mulf %mul3A_708, %add3A_714 : vector<8x128xf32>
      %add3A_716 = arith.addf %add3A_707, %mul3A_715 : vector<8x128xf32>
      %add3A_717 = arith.addf %max3A_701, %add3A_716 : vector<8x128xf32>
      %mul3A_718 = arith.mulf %get3A_693, %get3A_688 : vector<8x128xf32>
      %sub3A_719 = arith.subf %add3A_717, %mul3A_718 : vector<8x128xf32>
      %gt3A_720 = arith.constant 0.000000e+00 : f32
      %gt3A_721 = vector.broadcast %gt3A_720 : f32 to vector<8x128xf32>
      %gt3A_722 = arith.cmpf ogt, %get3A_688, %gt3A_721 : vector<8x128xf32>
      %jit3A_723 = arith.constant 1.000000e+00 : f32
      %jit3A_724 = arith.constant 0.000000e+00 : f32
      %broadcast_in_dim3A_725 = vector.broadcast %jit3A_723 : f32 to vector<8x128xf32>
      %broadcast_in_dim3A_726 = vector.broadcast %jit3A_724 : f32 to vector<8x128xf32>
      %select_n3A_727 = arith.select %gt3A_722, %broadcast_in_dim3A_725, %broadcast_in_dim3A_726 : vector<8x128xi1>, vector<8x128xf32>
      %mul3A_728 = arith.mulf %get3A_693, %sub3A_719 : vector<8x128xf32>
      %mul3A_729 = arith.mulf %get3A_693, %select_n3A_727 : vector<8x128xf32>
      %add3A_730 = arith.addf %add3A_677, %mul3A_728 : vector<8x128xf32>
      %add3A_731 = arith.addf %add3A_678, %sub3A_719 : vector<8x128xf32>
      %add3A_732 = arith.addf %add3A_679, %get3A_693 : vector<8x128xf32>
      %add3A_733 = arith.addf %add3A_680, %select_n3A_727 : vector<8x128xf32>
      %add3A_734 = arith.addf %add3A_681, %mul3A_729 : vector<8x128xf32>
      %scan3A_735 = arith.constant 13 : i32
      %scan3A_736 = arith.addi %scan3A_51, %scan3A_735 : i32
      %mul3A_737 = arith.constant 8 : i32
      %mul3A_738 = arith.muli %scan3A_736, %mul3A_737 : i32
      %get3A_739 = arith.index_cast %mul3A_738 : i32 to index
      %get3A_740 = arith.constant 0 : index
      %get3A_741 = vector.load %arg4[%get3A_739, %get3A_740] : memref<4096x128xf32, #tpu.memory_space<vmem>>, vector<8x128xf32>
      %mul3A_742 = arith.constant 8 : i32
      %mul3A_743 = arith.muli %scan3A_736, %mul3A_742 : i32
      %get3A_744 = arith.index_cast %mul3A_743 : i32 to index
      %get3A_745 = arith.constant 0 : index
      %get3A_746 = vector.load %arg5[%get3A_744, %get3A_745] : memref<4096x128xf32, #tpu.memory_space<vmem>>, vector<8x128xf32>
      %abs3A_747 = math.absf %get3A_741 : vector<8x128xf32>
      %neg3A_748 = arith.constant 0.000000e+00 : f32
      %neg3A_749 = vector.broadcast %neg3A_748 : f32 to vector<8x128xf32>
      %neg3A_750 = arith.subf %neg3A_749, %abs3A_747 : vector<8x128xf32>
      %exp3A_751 = math.exp %neg3A_750 : vector<8x128xf32>
      %max3A_752 = arith.constant 0.000000e+00 : f32
      %max3A_753 = vector.broadcast %max3A_752 : f32 to vector<8x128xf32>
      %max3A_754 = arith.maximumf %get3A_741, %max3A_753 : vector<8x128xf32>
      %mul3A_755 = arith.constant 0.979751825 : f32
      %mul3A_756 = vector.broadcast %mul3A_755 : f32 to vector<8x128xf32>
      %mul3A_757 = arith.mulf %mul3A_756, %exp3A_751 : vector<8x128xf32>
      %add3A_758 = arith.constant 9.25303961E-4 : f32
      %add3A_759 = vector.broadcast %add3A_758 : f32 to vector<8x128xf32>
      %add3A_760 = arith.addf %add3A_759, %mul3A_757 : vector<8x128xf32>
      %mul3A_761 = arith.mulf %exp3A_751, %exp3A_751 : vector<8x128xf32>
      %mul3A_762 = arith.constant 0.106683962 : f32
      %mul3A_763 = vector.broadcast %mul3A_762 : f32 to vector<8x128xf32>
      %mul3A_764 = arith.mulf %mul3A_763, %exp3A_751 : vector<8x128xf32>
      %add3A_765 = arith.constant -0.393533558 : f32
      %add3A_766 = vector.broadcast %add3A_765 : f32 to vector<8x128xf32>
      %add3A_767 = arith.addf %add3A_766, %mul3A_764 : vector<8x128xf32>
      %mul3A_768 = arith.mulf %mul3A_761, %add3A_767 : vector<8x128xf32>
      %add3A_769 = arith.addf %add3A_760, %mul3A_768 : vector<8x128xf32>
      %add3A_770 = arith.addf %max3A_754, %add3A_769 : vector<8x128xf32>
      %mul3A_771 = arith.mulf %get3A_746, %get3A_741 : vector<8x128xf32>
      %sub3A_772 = arith.subf %add3A_770, %mul3A_771 : vector<8x128xf32>
      %gt3A_773 = arith.constant 0.000000e+00 : f32
      %gt3A_774 = vector.broadcast %gt3A_773 : f32 to vector<8x128xf32>
      %gt3A_775 = arith.cmpf ogt, %get3A_741, %gt3A_774 : vector<8x128xf32>
      %jit3A_776 = arith.constant 1.000000e+00 : f32
      %jit3A_777 = arith.constant 0.000000e+00 : f32
      %broadcast_in_dim3A_778 = vector.broadcast %jit3A_776 : f32 to vector<8x128xf32>
      %broadcast_in_dim3A_779 = vector.broadcast %jit3A_777 : f32 to vector<8x128xf32>
      %select_n3A_780 = arith.select %gt3A_775, %broadcast_in_dim3A_778, %broadcast_in_dim3A_779 : vector<8x128xi1>, vector<8x128xf32>
      %mul3A_781 = arith.mulf %get3A_746, %sub3A_772 : vector<8x128xf32>
      %mul3A_782 = arith.mulf %get3A_746, %select_n3A_780 : vector<8x128xf32>
      %add3A_783 = arith.addf %add3A_730, %mul3A_781 : vector<8x128xf32>
      %add3A_784 = arith.addf %add3A_731, %sub3A_772 : vector<8x128xf32>
      %add3A_785 = arith.addf %add3A_732, %get3A_746 : vector<8x128xf32>
      %add3A_786 = arith.addf %add3A_733, %select_n3A_780 : vector<8x128xf32>
      %add3A_787 = arith.addf %add3A_734, %mul3A_782 : vector<8x128xf32>
      %scan3A_788 = arith.constant 14 : i32
      %scan3A_789 = arith.addi %scan3A_51, %scan3A_788 : i32
      %mul3A_790 = arith.constant 8 : i32
      %mul3A_791 = arith.muli %scan3A_789, %mul3A_790 : i32
      %get3A_792 = arith.index_cast %mul3A_791 : i32 to index
      %get3A_793 = arith.constant 0 : index
      %get3A_794 = vector.load %arg4[%get3A_792, %get3A_793] : memref<4096x128xf32, #tpu.memory_space<vmem>>, vector<8x128xf32>
      %mul3A_795 = arith.constant 8 : i32
      %mul3A_796 = arith.muli %scan3A_789, %mul3A_795 : i32
      %get3A_797 = arith.index_cast %mul3A_796 : i32 to index
      %get3A_798 = arith.constant 0 : index
      %get3A_799 = vector.load %arg5[%get3A_797, %get3A_798] : memref<4096x128xf32, #tpu.memory_space<vmem>>, vector<8x128xf32>
      %abs3A_800 = math.absf %get3A_794 : vector<8x128xf32>
      %neg3A_801 = arith.constant 0.000000e+00 : f32
      %neg3A_802 = vector.broadcast %neg3A_801 : f32 to vector<8x128xf32>
      %neg3A_803 = arith.subf %neg3A_802, %abs3A_800 : vector<8x128xf32>
      %exp3A_804 = math.exp %neg3A_803 : vector<8x128xf32>
      %max3A_805 = arith.constant 0.000000e+00 : f32
      %max3A_806 = vector.broadcast %max3A_805 : f32 to vector<8x128xf32>
      %max3A_807 = arith.maximumf %get3A_794, %max3A_806 : vector<8x128xf32>
      %mul3A_808 = arith.constant 0.979751825 : f32
      %mul3A_809 = vector.broadcast %mul3A_808 : f32 to vector<8x128xf32>
      %mul3A_810 = arith.mulf %mul3A_809, %exp3A_804 : vector<8x128xf32>
      %add3A_811 = arith.constant 9.25303961E-4 : f32
      %add3A_812 = vector.broadcast %add3A_811 : f32 to vector<8x128xf32>
      %add3A_813 = arith.addf %add3A_812, %mul3A_810 : vector<8x128xf32>
      %mul3A_814 = arith.mulf %exp3A_804, %exp3A_804 : vector<8x128xf32>
      %mul3A_815 = arith.constant 0.106683962 : f32
      %mul3A_816 = vector.broadcast %mul3A_815 : f32 to vector<8x128xf32>
      %mul3A_817 = arith.mulf %mul3A_816, %exp3A_804 : vector<8x128xf32>
      %add3A_818 = arith.constant -0.393533558 : f32
      %add3A_819 = vector.broadcast %add3A_818 : f32 to vector<8x128xf32>
      %add3A_820 = arith.addf %add3A_819, %mul3A_817 : vector<8x128xf32>
      %mul3A_821 = arith.mulf %mul3A_814, %add3A_820 : vector<8x128xf32>
      %add3A_822 = arith.addf %add3A_813, %mul3A_821 : vector<8x128xf32>
      %add3A_823 = arith.addf %max3A_807, %add3A_822 : vector<8x128xf32>
      %mul3A_824 = arith.mulf %get3A_799, %get3A_794 : vector<8x128xf32>
      %sub3A_825 = arith.subf %add3A_823, %mul3A_824 : vector<8x128xf32>
      %gt3A_826 = arith.constant 0.000000e+00 : f32
      %gt3A_827 = vector.broadcast %gt3A_826 : f32 to vector<8x128xf32>
      %gt3A_828 = arith.cmpf ogt, %get3A_794, %gt3A_827 : vector<8x128xf32>
      %jit3A_829 = arith.constant 1.000000e+00 : f32
      %jit3A_830 = arith.constant 0.000000e+00 : f32
      %broadcast_in_dim3A_831 = vector.broadcast %jit3A_829 : f32 to vector<8x128xf32>
      %broadcast_in_dim3A_832 = vector.broadcast %jit3A_830 : f32 to vector<8x128xf32>
      %select_n3A_833 = arith.select %gt3A_828, %broadcast_in_dim3A_831, %broadcast_in_dim3A_832 : vector<8x128xi1>, vector<8x128xf32>
      %mul3A_834 = arith.mulf %get3A_799, %sub3A_825 : vector<8x128xf32>
      %mul3A_835 = arith.mulf %get3A_799, %select_n3A_833 : vector<8x128xf32>
      %add3A_836 = arith.addf %add3A_783, %mul3A_834 : vector<8x128xf32>
      %add3A_837 = arith.addf %add3A_784, %sub3A_825 : vector<8x128xf32>
      %add3A_838 = arith.addf %add3A_785, %get3A_799 : vector<8x128xf32>
      %add3A_839 = arith.addf %add3A_786, %select_n3A_833 : vector<8x128xf32>
      %add3A_840 = arith.addf %add3A_787, %mul3A_835 : vector<8x128xf32>
      %scan3A_841 = arith.constant 15 : i32
      %scan3A_842 = arith.addi %scan3A_51, %scan3A_841 : i32
      %mul3A_843 = arith.constant 8 : i32
      %mul3A_844 = arith.muli %scan3A_842, %mul3A_843 : i32
      %get3A_845 = arith.index_cast %mul3A_844 : i32 to index
      %get3A_846 = arith.constant 0 : index
      %get3A_847 = vector.load %arg4[%get3A_845, %get3A_846] : memref<4096x128xf32, #tpu.memory_space<vmem>>, vector<8x128xf32>
      %mul3A_848 = arith.constant 8 : i32
      %mul3A_849 = arith.muli %scan3A_842, %mul3A_848 : i32
      %get3A_850 = arith.index_cast %mul3A_849 : i32 to index
      %get3A_851 = arith.constant 0 : index
      %get3A_852 = vector.load %arg5[%get3A_850, %get3A_851] : memref<4096x128xf32, #tpu.memory_space<vmem>>, vector<8x128xf32>
      %abs3A_853 = math.absf %get3A_847 : vector<8x128xf32>
      %neg3A_854 = arith.constant 0.000000e+00 : f32
      %neg3A_855 = vector.broadcast %neg3A_854 : f32 to vector<8x128xf32>
      %neg3A_856 = arith.subf %neg3A_855, %abs3A_853 : vector<8x128xf32>
      %exp3A_857 = math.exp %neg3A_856 : vector<8x128xf32>
      %max3A_858 = arith.constant 0.000000e+00 : f32
      %max3A_859 = vector.broadcast %max3A_858 : f32 to vector<8x128xf32>
      %max3A_860 = arith.maximumf %get3A_847, %max3A_859 : vector<8x128xf32>
      %mul3A_861 = arith.constant 0.979751825 : f32
      %mul3A_862 = vector.broadcast %mul3A_861 : f32 to vector<8x128xf32>
      %mul3A_863 = arith.mulf %mul3A_862, %exp3A_857 : vector<8x128xf32>
      %add3A_864 = arith.constant 9.25303961E-4 : f32
      %add3A_865 = vector.broadcast %add3A_864 : f32 to vector<8x128xf32>
      %add3A_866 = arith.addf %add3A_865, %mul3A_863 : vector<8x128xf32>
      %mul3A_867 = arith.mulf %exp3A_857, %exp3A_857 : vector<8x128xf32>
      %mul3A_868 = arith.constant 0.106683962 : f32
      %mul3A_869 = vector.broadcast %mul3A_868 : f32 to vector<8x128xf32>
      %mul3A_870 = arith.mulf %mul3A_869, %exp3A_857 : vector<8x128xf32>
      %add3A_871 = arith.constant -0.393533558 : f32
      %add3A_872 = vector.broadcast %add3A_871 : f32 to vector<8x128xf32>
      %add3A_873 = arith.addf %add3A_872, %mul3A_870 : vector<8x128xf32>
      %mul3A_874 = arith.mulf %mul3A_867, %add3A_873 : vector<8x128xf32>
      %add3A_875 = arith.addf %add3A_866, %mul3A_874 : vector<8x128xf32>
      %add3A_876 = arith.addf %max3A_860, %add3A_875 : vector<8x128xf32>
      %mul3A_877 = arith.mulf %get3A_852, %get3A_847 : vector<8x128xf32>
      %sub3A_878 = arith.subf %add3A_876, %mul3A_877 : vector<8x128xf32>
      %gt3A_879 = arith.constant 0.000000e+00 : f32
      %gt3A_880 = vector.broadcast %gt3A_879 : f32 to vector<8x128xf32>
      %gt3A_881 = arith.cmpf ogt, %get3A_847, %gt3A_880 : vector<8x128xf32>
      %jit3A_882 = arith.constant 1.000000e+00 : f32
      %jit3A_883 = arith.constant 0.000000e+00 : f32
      %broadcast_in_dim3A_884 = vector.broadcast %jit3A_882 : f32 to vector<8x128xf32>
      %broadcast_in_dim3A_885 = vector.broadcast %jit3A_883 : f32 to vector<8x128xf32>
      %select_n3A_886 = arith.select %gt3A_881, %broadcast_in_dim3A_884, %broadcast_in_dim3A_885 : vector<8x128xi1>, vector<8x128xf32>
      %mul3A_887 = arith.mulf %get3A_852, %sub3A_878 : vector<8x128xf32>
      %mul3A_888 = arith.mulf %get3A_852, %select_n3A_886 : vector<8x128xf32>
      %add3A_889 = arith.addf %add3A_836, %mul3A_887 : vector<8x128xf32>
      %add3A_890 = arith.addf %add3A_837, %sub3A_878 : vector<8x128xf32>
      %add3A_891 = arith.addf %add3A_838, %get3A_852 : vector<8x128xf32>
      %add3A_892 = arith.addf %add3A_839, %select_n3A_886 : vector<8x128xf32>
      %add3A_893 = arith.addf %add3A_840, %mul3A_888 : vector<8x128xf32>
      %scan3A_894 = arith.constant 16 : i32
      %scan3A_895 = arith.addi %scan3A_51, %scan3A_894 : i32
      %mul3A_896 = arith.constant 8 : i32
      %mul3A_897 = arith.muli %scan3A_895, %mul3A_896 : i32
      %get3A_898 = arith.index_cast %mul3A_897 : i32 to index
      %get3A_899 = arith.constant 0 : index
      %get3A_900 = vector.load %arg4[%get3A_898, %get3A_899] : memref<4096x128xf32, #tpu.memory_space<vmem>>, vector<8x128xf32>
      %mul3A_901 = arith.constant 8 : i32
      %mul3A_902 = arith.muli %scan3A_895, %mul3A_901 : i32
      %get3A_903 = arith.index_cast %mul3A_902 : i32 to index
      %get3A_904 = arith.constant 0 : index
      %get3A_905 = vector.load %arg5[%get3A_903, %get3A_904] : memref<4096x128xf32, #tpu.memory_space<vmem>>, vector<8x128xf32>
      %abs3A_906 = math.absf %get3A_900 : vector<8x128xf32>
      %neg3A_907 = arith.constant 0.000000e+00 : f32
      %neg3A_908 = vector.broadcast %neg3A_907 : f32 to vector<8x128xf32>
      %neg3A_909 = arith.subf %neg3A_908, %abs3A_906 : vector<8x128xf32>
      %exp3A_910 = math.exp %neg3A_909 : vector<8x128xf32>
      %max3A_911 = arith.constant 0.000000e+00 : f32
      %max3A_912 = vector.broadcast %max3A_911 : f32 to vector<8x128xf32>
      %max3A_913 = arith.maximumf %get3A_900, %max3A_912 : vector<8x128xf32>
      %mul3A_914 = arith.constant 0.979751825 : f32
      %mul3A_915 = vector.broadcast %mul3A_914 : f32 to vector<8x128xf32>
      %mul3A_916 = arith.mulf %mul3A_915, %exp3A_910 : vector<8x128xf32>
      %add3A_917 = arith.constant 9.25303961E-4 : f32
      %add3A_918 = vector.broadcast %add3A_917 : f32 to vector<8x128xf32>
      %add3A_919 = arith.addf %add3A_918, %mul3A_916 : vector<8x128xf32>
      %mul3A_920 = arith.mulf %exp3A_910, %exp3A_910 : vector<8x128xf32>
      %mul3A_921 = arith.constant 0.106683962 : f32
      %mul3A_922 = vector.broadcast %mul3A_921 : f32 to vector<8x128xf32>
      %mul3A_923 = arith.mulf %mul3A_922, %exp3A_910 : vector<8x128xf32>
      %add3A_924 = arith.constant -0.393533558 : f32
      %add3A_925 = vector.broadcast %add3A_924 : f32 to vector<8x128xf32>
      %add3A_926 = arith.addf %add3A_925, %mul3A_923 : vector<8x128xf32>
      %mul3A_927 = arith.mulf %mul3A_920, %add3A_926 : vector<8x128xf32>
      %add3A_928 = arith.addf %add3A_919, %mul3A_927 : vector<8x128xf32>
      %add3A_929 = arith.addf %max3A_913, %add3A_928 : vector<8x128xf32>
      %mul3A_930 = arith.mulf %get3A_905, %get3A_900 : vector<8x128xf32>
      %sub3A_931 = arith.subf %add3A_929, %mul3A_930 : vector<8x128xf32>
      %gt3A_932 = arith.constant 0.000000e+00 : f32
      %gt3A_933 = vector.broadcast %gt3A_932 : f32 to vector<8x128xf32>
      %gt3A_934 = arith.cmpf ogt, %get3A_900, %gt3A_933 : vector<8x128xf32>
      %jit3A_935 = arith.constant 1.000000e+00 : f32
      %jit3A_936 = arith.constant 0.000000e+00 : f32
      %broadcast_in_dim3A_937 = vector.broadcast %jit3A_935 : f32 to vector<8x128xf32>
      %broadcast_in_dim3A_938 = vector.broadcast %jit3A_936 : f32 to vector<8x128xf32>
      %select_n3A_939 = arith.select %gt3A_934, %broadcast_in_dim3A_937, %broadcast_in_dim3A_938 : vector<8x128xi1>, vector<8x128xf32>
      %mul3A_940 = arith.mulf %get3A_905, %sub3A_931 : vector<8x128xf32>
      %mul3A_941 = arith.mulf %get3A_905, %select_n3A_939 : vector<8x128xf32>
      %add3A_942 = arith.addf %add3A_889, %mul3A_940 : vector<8x128xf32>
      %add3A_943 = arith.addf %add3A_890, %sub3A_931 : vector<8x128xf32>
      %add3A_944 = arith.addf %add3A_891, %get3A_905 : vector<8x128xf32>
      %add3A_945 = arith.addf %add3A_892, %select_n3A_939 : vector<8x128xf32>
      %add3A_946 = arith.addf %add3A_893, %mul3A_941 : vector<8x128xf32>
      %scan3A_947 = arith.constant 17 : i32
      %scan3A_948 = arith.addi %scan3A_51, %scan3A_947 : i32
      %mul3A_949 = arith.constant 8 : i32
      %mul3A_950 = arith.muli %scan3A_948, %mul3A_949 : i32
      %get3A_951 = arith.index_cast %mul3A_950 : i32 to index
      %get3A_952 = arith.constant 0 : index
      %get3A_953 = vector.load %arg4[%get3A_951, %get3A_952] : memref<4096x128xf32, #tpu.memory_space<vmem>>, vector<8x128xf32>
      %mul3A_954 = arith.constant 8 : i32
      %mul3A_955 = arith.muli %scan3A_948, %mul3A_954 : i32
      %get3A_956 = arith.index_cast %mul3A_955 : i32 to index
      %get3A_957 = arith.constant 0 : index
      %get3A_958 = vector.load %arg5[%get3A_956, %get3A_957] : memref<4096x128xf32, #tpu.memory_space<vmem>>, vector<8x128xf32>
      %abs3A_959 = math.absf %get3A_953 : vector<8x128xf32>
      %neg3A_960 = arith.constant 0.000000e+00 : f32
      %neg3A_961 = vector.broadcast %neg3A_960 : f32 to vector<8x128xf32>
      %neg3A_962 = arith.subf %neg3A_961, %abs3A_959 : vector<8x128xf32>
      %exp3A_963 = math.exp %neg3A_962 : vector<8x128xf32>
      %max3A_964 = arith.constant 0.000000e+00 : f32
      %max3A_965 = vector.broadcast %max3A_964 : f32 to vector<8x128xf32>
      %max3A_966 = arith.maximumf %get3A_953, %max3A_965 : vector<8x128xf32>
      %mul3A_967 = arith.constant 0.979751825 : f32
      %mul3A_968 = vector.broadcast %mul3A_967 : f32 to vector<8x128xf32>
      %mul3A_969 = arith.mulf %mul3A_968, %exp3A_963 : vector<8x128xf32>
      %add3A_970 = arith.constant 9.25303961E-4 : f32
      %add3A_971 = vector.broadcast %add3A_970 : f32 to vector<8x128xf32>
      %add3A_972 = arith.addf %add3A_971, %mul3A_969 : vector<8x128xf32>
      %mul3A_973 = arith.mulf %exp3A_963, %exp3A_963 : vector<8x128xf32>
      %mul3A_974 = arith.constant 0.106683962 : f32
      %mul3A_975 = vector.broadcast %mul3A_974 : f32 to vector<8x128xf32>
      %mul3A_976 = arith.mulf %mul3A_975, %exp3A_963 : vector<8x128xf32>
      %add3A_977 = arith.constant -0.393533558 : f32
      %add3A_978 = vector.broadcast %add3A_977 : f32 to vector<8x128xf32>
      %add3A_979 = arith.addf %add3A_978, %mul3A_976 : vector<8x128xf32>
      %mul3A_980 = arith.mulf %mul3A_973, %add3A_979 : vector<8x128xf32>
      %add3A_981 = arith.addf %add3A_972, %mul3A_980 : vector<8x128xf32>
      %add3A_982 = arith.addf %max3A_966, %add3A_981 : vector<8x128xf32>
      %mul3A_983 = arith.mulf %get3A_958, %get3A_953 : vector<8x128xf32>
      %sub3A_984 = arith.subf %add3A_982, %mul3A_983 : vector<8x128xf32>
      %gt3A_985 = arith.constant 0.000000e+00 : f32
      %gt3A_986 = vector.broadcast %gt3A_985 : f32 to vector<8x128xf32>
      %gt3A_987 = arith.cmpf ogt, %get3A_953, %gt3A_986 : vector<8x128xf32>
      %jit3A_988 = arith.constant 1.000000e+00 : f32
      %jit3A_989 = arith.constant 0.000000e+00 : f32
      %broadcast_in_dim3A_990 = vector.broadcast %jit3A_988 : f32 to vector<8x128xf32>
      %broadcast_in_dim3A_991 = vector.broadcast %jit3A_989 : f32 to vector<8x128xf32>
      %select_n3A_992 = arith.select %gt3A_987, %broadcast_in_dim3A_990, %broadcast_in_dim3A_991 : vector<8x128xi1>, vector<8x128xf32>
      %mul3A_993 = arith.mulf %get3A_958, %sub3A_984 : vector<8x128xf32>
      %mul3A_994 = arith.mulf %get3A_958, %select_n3A_992 : vector<8x128xf32>
      %add3A_995 = arith.addf %add3A_942, %mul3A_993 : vector<8x128xf32>
      %add3A_996 = arith.addf %add3A_943, %sub3A_984 : vector<8x128xf32>
      %add3A_997 = arith.addf %add3A_944, %get3A_958 : vector<8x128xf32>
      %add3A_998 = arith.addf %add3A_945, %select_n3A_992 : vector<8x128xf32>
      %add3A_999 = arith.addf %add3A_946, %mul3A_994 : vector<8x128xf32>
      %scan3A_1000 = arith.constant 18 : i32
      %scan3A_1001 = arith.addi %scan3A_51, %scan3A_1000 : i32
      %mul3A_1002 = arith.constant 8 : i32
      %mul3A_1003 = arith.muli %scan3A_1001, %mul3A_1002 : i32
      %get3A_1004 = arith.index_cast %mul3A_1003 : i32 to index
      %get3A_1005 = arith.constant 0 : index
      %get3A_1006 = vector.load %arg4[%get3A_1004, %get3A_1005] : memref<4096x128xf32, #tpu.memory_space<vmem>>, vector<8x128xf32>
      %mul3A_1007 = arith.constant 8 : i32
      %mul3A_1008 = arith.muli %scan3A_1001, %mul3A_1007 : i32
      %get3A_1009 = arith.index_cast %mul3A_1008 : i32 to index
      %get3A_1010 = arith.constant 0 : index
      %get3A_1011 = vector.load %arg5[%get3A_1009, %get3A_1010] : memref<4096x128xf32, #tpu.memory_space<vmem>>, vector<8x128xf32>
      %abs3A_1012 = math.absf %get3A_1006 : vector<8x128xf32>
      %neg3A_1013 = arith.constant 0.000000e+00 : f32
      %neg3A_1014 = vector.broadcast %neg3A_1013 : f32 to vector<8x128xf32>
      %neg3A_1015 = arith.subf %neg3A_1014, %abs3A_1012 : vector<8x128xf32>
      %exp3A_1016 = math.exp %neg3A_1015 : vector<8x128xf32>
      %max3A_1017 = arith.constant 0.000000e+00 : f32
      %max3A_1018 = vector.broadcast %max3A_1017 : f32 to vector<8x128xf32>
      %max3A_1019 = arith.maximumf %get3A_1006, %max3A_1018 : vector<8x128xf32>
      %mul3A_1020 = arith.constant 0.979751825 : f32
      %mul3A_1021 = vector.broadcast %mul3A_1020 : f32 to vector<8x128xf32>
      %mul3A_1022 = arith.mulf %mul3A_1021, %exp3A_1016 : vector<8x128xf32>
      %add3A_1023 = arith.constant 9.25303961E-4 : f32
      %add3A_1024 = vector.broadcast %add3A_1023 : f32 to vector<8x128xf32>
      %add3A_1025 = arith.addf %add3A_1024, %mul3A_1022 : vector<8x128xf32>
      %mul3A_1026 = arith.mulf %exp3A_1016, %exp3A_1016 : vector<8x128xf32>
      %mul3A_1027 = arith.constant 0.106683962 : f32
      %mul3A_1028 = vector.broadcast %mul3A_1027 : f32 to vector<8x128xf32>
      %mul3A_1029 = arith.mulf %mul3A_1028, %exp3A_1016 : vector<8x128xf32>
      %add3A_1030 = arith.constant -0.393533558 : f32
      %add3A_1031 = vector.broadcast %add3A_1030 : f32 to vector<8x128xf32>
      %add3A_1032 = arith.addf %add3A_1031, %mul3A_1029 : vector<8x128xf32>
      %mul3A_1033 = arith.mulf %mul3A_1026, %add3A_1032 : vector<8x128xf32>
      %add3A_1034 = arith.addf %add3A_1025, %mul3A_1033 : vector<8x128xf32>
      %add3A_1035 = arith.addf %max3A_1019, %add3A_1034 : vector<8x128xf32>
      %mul3A_1036 = arith.mulf %get3A_1011, %get3A_1006 : vector<8x128xf32>
      %sub3A_1037 = arith.subf %add3A_1035, %mul3A_1036 : vector<8x128xf32>
      %gt3A_1038 = arith.constant 0.000000e+00 : f32
      %gt3A_1039 = vector.broadcast %gt3A_1038 : f32 to vector<8x128xf32>
      %gt3A_1040 = arith.cmpf ogt, %get3A_1006, %gt3A_1039 : vector<8x128xf32>
      %jit3A_1041 = arith.constant 1.000000e+00 : f32
      %jit3A_1042 = arith.constant 0.000000e+00 : f32
      %broadcast_in_dim3A_1043 = vector.broadcast %jit3A_1041 : f32 to vector<8x128xf32>
      %broadcast_in_dim3A_1044 = vector.broadcast %jit3A_1042 : f32 to vector<8x128xf32>
      %select_n3A_1045 = arith.select %gt3A_1040, %broadcast_in_dim3A_1043, %broadcast_in_dim3A_1044 : vector<8x128xi1>, vector<8x128xf32>
      %mul3A_1046 = arith.mulf %get3A_1011, %sub3A_1037 : vector<8x128xf32>
      %mul3A_1047 = arith.mulf %get3A_1011, %select_n3A_1045 : vector<8x128xf32>
      %add3A_1048 = arith.addf %add3A_995, %mul3A_1046 : vector<8x128xf32>
      %add3A_1049 = arith.addf %add3A_996, %sub3A_1037 : vector<8x128xf32>
      %add3A_1050 = arith.addf %add3A_997, %get3A_1011 : vector<8x128xf32>
      %add3A_1051 = arith.addf %add3A_998, %select_n3A_1045 : vector<8x128xf32>
      %add3A_1052 = arith.addf %add3A_999, %mul3A_1047 : vector<8x128xf32>
      %scan3A_1053 = arith.constant 19 : i32
      %scan3A_1054 = arith.addi %scan3A_51, %scan3A_1053 : i32
      %mul3A_1055 = arith.constant 8 : i32
      %mul3A_1056 = arith.muli %scan3A_1054, %mul3A_1055 : i32
      %get3A_1057 = arith.index_cast %mul3A_1056 : i32 to index
      %get3A_1058 = arith.constant 0 : index
      %get3A_1059 = vector.load %arg4[%get3A_1057, %get3A_1058] : memref<4096x128xf32, #tpu.memory_space<vmem>>, vector<8x128xf32>
      %mul3A_1060 = arith.constant 8 : i32
      %mul3A_1061 = arith.muli %scan3A_1054, %mul3A_1060 : i32
      %get3A_1062 = arith.index_cast %mul3A_1061 : i32 to index
      %get3A_1063 = arith.constant 0 : index
      %get3A_1064 = vector.load %arg5[%get3A_1062, %get3A_1063] : memref<4096x128xf32, #tpu.memory_space<vmem>>, vector<8x128xf32>
      %abs3A_1065 = math.absf %get3A_1059 : vector<8x128xf32>
      %neg3A_1066 = arith.constant 0.000000e+00 : f32
      %neg3A_1067 = vector.broadcast %neg3A_1066 : f32 to vector<8x128xf32>
      %neg3A_1068 = arith.subf %neg3A_1067, %abs3A_1065 : vector<8x128xf32>
      %exp3A_1069 = math.exp %neg3A_1068 : vector<8x128xf32>
      %max3A_1070 = arith.constant 0.000000e+00 : f32
      %max3A_1071 = vector.broadcast %max3A_1070 : f32 to vector<8x128xf32>
      %max3A_1072 = arith.maximumf %get3A_1059, %max3A_1071 : vector<8x128xf32>
      %mul3A_1073 = arith.constant 0.979751825 : f32
      %mul3A_1074 = vector.broadcast %mul3A_1073 : f32 to vector<8x128xf32>
      %mul3A_1075 = arith.mulf %mul3A_1074, %exp3A_1069 : vector<8x128xf32>
      %add3A_1076 = arith.constant 9.25303961E-4 : f32
      %add3A_1077 = vector.broadcast %add3A_1076 : f32 to vector<8x128xf32>
      %add3A_1078 = arith.addf %add3A_1077, %mul3A_1075 : vector<8x128xf32>
      %mul3A_1079 = arith.mulf %exp3A_1069, %exp3A_1069 : vector<8x128xf32>
      %mul3A_1080 = arith.constant 0.106683962 : f32
      %mul3A_1081 = vector.broadcast %mul3A_1080 : f32 to vector<8x128xf32>
      %mul3A_1082 = arith.mulf %mul3A_1081, %exp3A_1069 : vector<8x128xf32>
      %add3A_1083 = arith.constant -0.393533558 : f32
      %add3A_1084 = vector.broadcast %add3A_1083 : f32 to vector<8x128xf32>
      %add3A_1085 = arith.addf %add3A_1084, %mul3A_1082 : vector<8x128xf32>
      %mul3A_1086 = arith.mulf %mul3A_1079, %add3A_1085 : vector<8x128xf32>
      %add3A_1087 = arith.addf %add3A_1078, %mul3A_1086 : vector<8x128xf32>
      %add3A_1088 = arith.addf %max3A_1072, %add3A_1087 : vector<8x128xf32>
      %mul3A_1089 = arith.mulf %get3A_1064, %get3A_1059 : vector<8x128xf32>
      %sub3A_1090 = arith.subf %add3A_1088, %mul3A_1089 : vector<8x128xf32>
      %gt3A_1091 = arith.constant 0.000000e+00 : f32
      %gt3A_1092 = vector.broadcast %gt3A_1091 : f32 to vector<8x128xf32>
      %gt3A_1093 = arith.cmpf ogt, %get3A_1059, %gt3A_1092 : vector<8x128xf32>
      %jit3A_1094 = arith.constant 1.000000e+00 : f32
      %jit3A_1095 = arith.constant 0.000000e+00 : f32
      %broadcast_in_dim3A_1096 = vector.broadcast %jit3A_1094 : f32 to vector<8x128xf32>
      %broadcast_in_dim3A_1097 = vector.broadcast %jit3A_1095 : f32 to vector<8x128xf32>
      %select_n3A_1098 = arith.select %gt3A_1093, %broadcast_in_dim3A_1096, %broadcast_in_dim3A_1097 : vector<8x128xi1>, vector<8x128xf32>
      %mul3A_1099 = arith.mulf %get3A_1064, %sub3A_1090 : vector<8x128xf32>
      %mul3A_1100 = arith.mulf %get3A_1064, %select_n3A_1098 : vector<8x128xf32>
      %add3A_1101 = arith.addf %add3A_1048, %mul3A_1099 : vector<8x128xf32>
      %add3A_1102 = arith.addf %add3A_1049, %sub3A_1090 : vector<8x128xf32>
      %add3A_1103 = arith.addf %add3A_1050, %get3A_1064 : vector<8x128xf32>
      %add3A_1104 = arith.addf %add3A_1051, %select_n3A_1098 : vector<8x128xf32>
      %add3A_1105 = arith.addf %add3A_1052, %mul3A_1100 : vector<8x128xf32>
      %scan3A_1106 = arith.constant 20 : i32
      %scan3A_1107 = arith.addi %scan3A_51, %scan3A_1106 : i32
      %mul3A_1108 = arith.constant 8 : i32
      %mul3A_1109 = arith.muli %scan3A_1107, %mul3A_1108 : i32
      %get3A_1110 = arith.index_cast %mul3A_1109 : i32 to index
      %get3A_1111 = arith.constant 0 : index
      %get3A_1112 = vector.load %arg4[%get3A_1110, %get3A_1111] : memref<4096x128xf32, #tpu.memory_space<vmem>>, vector<8x128xf32>
      %mul3A_1113 = arith.constant 8 : i32
      %mul3A_1114 = arith.muli %scan3A_1107, %mul3A_1113 : i32
      %get3A_1115 = arith.index_cast %mul3A_1114 : i32 to index
      %get3A_1116 = arith.constant 0 : index
      %get3A_1117 = vector.load %arg5[%get3A_1115, %get3A_1116] : memref<4096x128xf32, #tpu.memory_space<vmem>>, vector<8x128xf32>
      %abs3A_1118 = math.absf %get3A_1112 : vector<8x128xf32>
      %neg3A_1119 = arith.constant 0.000000e+00 : f32
      %neg3A_1120 = vector.broadcast %neg3A_1119 : f32 to vector<8x128xf32>
      %neg3A_1121 = arith.subf %neg3A_1120, %abs3A_1118 : vector<8x128xf32>
      %exp3A_1122 = math.exp %neg3A_1121 : vector<8x128xf32>
      %max3A_1123 = arith.constant 0.000000e+00 : f32
      %max3A_1124 = vector.broadcast %max3A_1123 : f32 to vector<8x128xf32>
      %max3A_1125 = arith.maximumf %get3A_1112, %max3A_1124 : vector<8x128xf32>
      %mul3A_1126 = arith.constant 0.979751825 : f32
      %mul3A_1127 = vector.broadcast %mul3A_1126 : f32 to vector<8x128xf32>
      %mul3A_1128 = arith.mulf %mul3A_1127, %exp3A_1122 : vector<8x128xf32>
      %add3A_1129 = arith.constant 9.25303961E-4 : f32
      %add3A_1130 = vector.broadcast %add3A_1129 : f32 to vector<8x128xf32>
      %add3A_1131 = arith.addf %add3A_1130, %mul3A_1128 : vector<8x128xf32>
      %mul3A_1132 = arith.mulf %exp3A_1122, %exp3A_1122 : vector<8x128xf32>
      %mul3A_1133 = arith.constant 0.106683962 : f32
      %mul3A_1134 = vector.broadcast %mul3A_1133 : f32 to vector<8x128xf32>
      %mul3A_1135 = arith.mulf %mul3A_1134, %exp3A_1122 : vector<8x128xf32>
      %add3A_1136 = arith.constant -0.393533558 : f32
      %add3A_1137 = vector.broadcast %add3A_1136 : f32 to vector<8x128xf32>
      %add3A_1138 = arith.addf %add3A_1137, %mul3A_1135 : vector<8x128xf32>
      %mul3A_1139 = arith.mulf %mul3A_1132, %add3A_1138 : vector<8x128xf32>
      %add3A_1140 = arith.addf %add3A_1131, %mul3A_1139 : vector<8x128xf32>
      %add3A_1141 = arith.addf %max3A_1125, %add3A_1140 : vector<8x128xf32>
      %mul3A_1142 = arith.mulf %get3A_1117, %get3A_1112 : vector<8x128xf32>
      %sub3A_1143 = arith.subf %add3A_1141, %mul3A_1142 : vector<8x128xf32>
      %gt3A_1144 = arith.constant 0.000000e+00 : f32
      %gt3A_1145 = vector.broadcast %gt3A_1144 : f32 to vector<8x128xf32>
      %gt3A_1146 = arith.cmpf ogt, %get3A_1112, %gt3A_1145 : vector<8x128xf32>
      %jit3A_1147 = arith.constant 1.000000e+00 : f32
      %jit3A_1148 = arith.constant 0.000000e+00 : f32
      %broadcast_in_dim3A_1149 = vector.broadcast %jit3A_1147 : f32 to vector<8x128xf32>
      %broadcast_in_dim3A_1150 = vector.broadcast %jit3A_1148 : f32 to vector<8x128xf32>
      %select_n3A_1151 = arith.select %gt3A_1146, %broadcast_in_dim3A_1149, %broadcast_in_dim3A_1150 : vector<8x128xi1>, vector<8x128xf32>
      %mul3A_1152 = arith.mulf %get3A_1117, %sub3A_1143 : vector<8x128xf32>
      %mul3A_1153 = arith.mulf %get3A_1117, %select_n3A_1151 : vector<8x128xf32>
      %add3A_1154 = arith.addf %add3A_1101, %mul3A_1152 : vector<8x128xf32>
      %add3A_1155 = arith.addf %add3A_1102, %sub3A_1143 : vector<8x128xf32>
      %add3A_1156 = arith.addf %add3A_1103, %get3A_1117 : vector<8x128xf32>
      %add3A_1157 = arith.addf %add3A_1104, %select_n3A_1151 : vector<8x128xf32>
      %add3A_1158 = arith.addf %add3A_1105, %mul3A_1153 : vector<8x128xf32>
      %scan3A_1159 = arith.constant 21 : i32
      %scan3A_1160 = arith.addi %scan3A_51, %scan3A_1159 : i32
      %mul3A_1161 = arith.constant 8 : i32
      %mul3A_1162 = arith.muli %scan3A_1160, %mul3A_1161 : i32
      %get3A_1163 = arith.index_cast %mul3A_1162 : i32 to index
      %get3A_1164 = arith.constant 0 : index
      %get3A_1165 = vector.load %arg4[%get3A_1163, %get3A_1164] : memref<4096x128xf32, #tpu.memory_space<vmem>>, vector<8x128xf32>
      %mul3A_1166 = arith.constant 8 : i32
      %mul3A_1167 = arith.muli %scan3A_1160, %mul3A_1166 : i32
      %get3A_1168 = arith.index_cast %mul3A_1167 : i32 to index
      %get3A_1169 = arith.constant 0 : index
      %get3A_1170 = vector.load %arg5[%get3A_1168, %get3A_1169] : memref<4096x128xf32, #tpu.memory_space<vmem>>, vector<8x128xf32>
      %abs3A_1171 = math.absf %get3A_1165 : vector<8x128xf32>
      %neg3A_1172 = arith.constant 0.000000e+00 : f32
      %neg3A_1173 = vector.broadcast %neg3A_1172 : f32 to vector<8x128xf32>
      %neg3A_1174 = arith.subf %neg3A_1173, %abs3A_1171 : vector<8x128xf32>
      %exp3A_1175 = math.exp %neg3A_1174 : vector<8x128xf32>
      %max3A_1176 = arith.constant 0.000000e+00 : f32
      %max3A_1177 = vector.broadcast %max3A_1176 : f32 to vector<8x128xf32>
      %max3A_1178 = arith.maximumf %get3A_1165, %max3A_1177 : vector<8x128xf32>
      %mul3A_1179 = arith.constant 0.979751825 : f32
      %mul3A_1180 = vector.broadcast %mul3A_1179 : f32 to vector<8x128xf32>
      %mul3A_1181 = arith.mulf %mul3A_1180, %exp3A_1175 : vector<8x128xf32>
      %add3A_1182 = arith.constant 9.25303961E-4 : f32
      %add3A_1183 = vector.broadcast %add3A_1182 : f32 to vector<8x128xf32>
      %add3A_1184 = arith.addf %add3A_1183, %mul3A_1181 : vector<8x128xf32>
      %mul3A_1185 = arith.mulf %exp3A_1175, %exp3A_1175 : vector<8x128xf32>
      %mul3A_1186 = arith.constant 0.106683962 : f32
      %mul3A_1187 = vector.broadcast %mul3A_1186 : f32 to vector<8x128xf32>
      %mul3A_1188 = arith.mulf %mul3A_1187, %exp3A_1175 : vector<8x128xf32>
      %add3A_1189 = arith.constant -0.393533558 : f32
      %add3A_1190 = vector.broadcast %add3A_1189 : f32 to vector<8x128xf32>
      %add3A_1191 = arith.addf %add3A_1190, %mul3A_1188 : vector<8x128xf32>
      %mul3A_1192 = arith.mulf %mul3A_1185, %add3A_1191 : vector<8x128xf32>
      %add3A_1193 = arith.addf %add3A_1184, %mul3A_1192 : vector<8x128xf32>
      %add3A_1194 = arith.addf %max3A_1178, %add3A_1193 : vector<8x128xf32>
      %mul3A_1195 = arith.mulf %get3A_1170, %get3A_1165 : vector<8x128xf32>
      %sub3A_1196 = arith.subf %add3A_1194, %mul3A_1195 : vector<8x128xf32>
      %gt3A_1197 = arith.constant 0.000000e+00 : f32
      %gt3A_1198 = vector.broadcast %gt3A_1197 : f32 to vector<8x128xf32>
      %gt3A_1199 = arith.cmpf ogt, %get3A_1165, %gt3A_1198 : vector<8x128xf32>
      %jit3A_1200 = arith.constant 1.000000e+00 : f32
      %jit3A_1201 = arith.constant 0.000000e+00 : f32
      %broadcast_in_dim3A_1202 = vector.broadcast %jit3A_1200 : f32 to vector<8x128xf32>
      %broadcast_in_dim3A_1203 = vector.broadcast %jit3A_1201 : f32 to vector<8x128xf32>
      %select_n3A_1204 = arith.select %gt3A_1199, %broadcast_in_dim3A_1202, %broadcast_in_dim3A_1203 : vector<8x128xi1>, vector<8x128xf32>
      %mul3A_1205 = arith.mulf %get3A_1170, %sub3A_1196 : vector<8x128xf32>
      %mul3A_1206 = arith.mulf %get3A_1170, %select_n3A_1204 : vector<8x128xf32>
      %add3A_1207 = arith.addf %add3A_1154, %mul3A_1205 : vector<8x128xf32>
      %add3A_1208 = arith.addf %add3A_1155, %sub3A_1196 : vector<8x128xf32>
      %add3A_1209 = arith.addf %add3A_1156, %get3A_1170 : vector<8x128xf32>
      %add3A_1210 = arith.addf %add3A_1157, %select_n3A_1204 : vector<8x128xf32>
      %add3A_1211 = arith.addf %add3A_1158, %mul3A_1206 : vector<8x128xf32>
      %scan3A_1212 = arith.constant 22 : i32
      %scan3A_1213 = arith.addi %scan3A_51, %scan3A_1212 : i32
      %mul3A_1214 = arith.constant 8 : i32
      %mul3A_1215 = arith.muli %scan3A_1213, %mul3A_1214 : i32
      %get3A_1216 = arith.index_cast %mul3A_1215 : i32 to index
      %get3A_1217 = arith.constant 0 : index
      %get3A_1218 = vector.load %arg4[%get3A_1216, %get3A_1217] : memref<4096x128xf32, #tpu.memory_space<vmem>>, vector<8x128xf32>
      %mul3A_1219 = arith.constant 8 : i32
      %mul3A_1220 = arith.muli %scan3A_1213, %mul3A_1219 : i32
      %get3A_1221 = arith.index_cast %mul3A_1220 : i32 to index
      %get3A_1222 = arith.constant 0 : index
      %get3A_1223 = vector.load %arg5[%get3A_1221, %get3A_1222] : memref<4096x128xf32, #tpu.memory_space<vmem>>, vector<8x128xf32>
      %abs3A_1224 = math.absf %get3A_1218 : vector<8x128xf32>
      %neg3A_1225 = arith.constant 0.000000e+00 : f32
      %neg3A_1226 = vector.broadcast %neg3A_1225 : f32 to vector<8x128xf32>
      %neg3A_1227 = arith.subf %neg3A_1226, %abs3A_1224 : vector<8x128xf32>
      %exp3A_1228 = math.exp %neg3A_1227 : vector<8x128xf32>
      %max3A_1229 = arith.constant 0.000000e+00 : f32
      %max3A_1230 = vector.broadcast %max3A_1229 : f32 to vector<8x128xf32>
      %max3A_1231 = arith.maximumf %get3A_1218, %max3A_1230 : vector<8x128xf32>
      %mul3A_1232 = arith.constant 0.979751825 : f32
      %mul3A_1233 = vector.broadcast %mul3A_1232 : f32 to vector<8x128xf32>
      %mul3A_1234 = arith.mulf %mul3A_1233, %exp3A_1228 : vector<8x128xf32>
      %add3A_1235 = arith.constant 9.25303961E-4 : f32
      %add3A_1236 = vector.broadcast %add3A_1235 : f32 to vector<8x128xf32>
      %add3A_1237 = arith.addf %add3A_1236, %mul3A_1234 : vector<8x128xf32>
      %mul3A_1238 = arith.mulf %exp3A_1228, %exp3A_1228 : vector<8x128xf32>
      %mul3A_1239 = arith.constant 0.106683962 : f32
      %mul3A_1240 = vector.broadcast %mul3A_1239 : f32 to vector<8x128xf32>
      %mul3A_1241 = arith.mulf %mul3A_1240, %exp3A_1228 : vector<8x128xf32>
      %add3A_1242 = arith.constant -0.393533558 : f32
      %add3A_1243 = vector.broadcast %add3A_1242 : f32 to vector<8x128xf32>
      %add3A_1244 = arith.addf %add3A_1243, %mul3A_1241 : vector<8x128xf32>
      %mul3A_1245 = arith.mulf %mul3A_1238, %add3A_1244 : vector<8x128xf32>
      %add3A_1246 = arith.addf %add3A_1237, %mul3A_1245 : vector<8x128xf32>
      %add3A_1247 = arith.addf %max3A_1231, %add3A_1246 : vector<8x128xf32>
      %mul3A_1248 = arith.mulf %get3A_1223, %get3A_1218 : vector<8x128xf32>
      %sub3A_1249 = arith.subf %add3A_1247, %mul3A_1248 : vector<8x128xf32>
      %gt3A_1250 = arith.constant 0.000000e+00 : f32
      %gt3A_1251 = vector.broadcast %gt3A_1250 : f32 to vector<8x128xf32>
      %gt3A_1252 = arith.cmpf ogt, %get3A_1218, %gt3A_1251 : vector<8x128xf32>
      %jit3A_1253 = arith.constant 1.000000e+00 : f32
      %jit3A_1254 = arith.constant 0.000000e+00 : f32
      %broadcast_in_dim3A_1255 = vector.broadcast %jit3A_1253 : f32 to vector<8x128xf32>
      %broadcast_in_dim3A_1256 = vector.broadcast %jit3A_1254 : f32 to vector<8x128xf32>
      %select_n3A_1257 = arith.select %gt3A_1252, %broadcast_in_dim3A_1255, %broadcast_in_dim3A_1256 : vector<8x128xi1>, vector<8x128xf32>
      %mul3A_1258 = arith.mulf %get3A_1223, %sub3A_1249 : vector<8x128xf32>
      %mul3A_1259 = arith.mulf %get3A_1223, %select_n3A_1257 : vector<8x128xf32>
      %add3A_1260 = arith.addf %add3A_1207, %mul3A_1258 : vector<8x128xf32>
      %add3A_1261 = arith.addf %add3A_1208, %sub3A_1249 : vector<8x128xf32>
      %add3A_1262 = arith.addf %add3A_1209, %get3A_1223 : vector<8x128xf32>
      %add3A_1263 = arith.addf %add3A_1210, %select_n3A_1257 : vector<8x128xf32>
      %add3A_1264 = arith.addf %add3A_1211, %mul3A_1259 : vector<8x128xf32>
      %scan3A_1265 = arith.constant 23 : i32
      %scan3A_1266 = arith.addi %scan3A_51, %scan3A_1265 : i32
      %mul3A_1267 = arith.constant 8 : i32
      %mul3A_1268 = arith.muli %scan3A_1266, %mul3A_1267 : i32
      %get3A_1269 = arith.index_cast %mul3A_1268 : i32 to index
      %get3A_1270 = arith.constant 0 : index
      %get3A_1271 = vector.load %arg4[%get3A_1269, %get3A_1270] : memref<4096x128xf32, #tpu.memory_space<vmem>>, vector<8x128xf32>
      %mul3A_1272 = arith.constant 8 : i32
      %mul3A_1273 = arith.muli %scan3A_1266, %mul3A_1272 : i32
      %get3A_1274 = arith.index_cast %mul3A_1273 : i32 to index
      %get3A_1275 = arith.constant 0 : index
      %get3A_1276 = vector.load %arg5[%get3A_1274, %get3A_1275] : memref<4096x128xf32, #tpu.memory_space<vmem>>, vector<8x128xf32>
      %abs3A_1277 = math.absf %get3A_1271 : vector<8x128xf32>
      %neg3A_1278 = arith.constant 0.000000e+00 : f32
      %neg3A_1279 = vector.broadcast %neg3A_1278 : f32 to vector<8x128xf32>
      %neg3A_1280 = arith.subf %neg3A_1279, %abs3A_1277 : vector<8x128xf32>
      %exp3A_1281 = math.exp %neg3A_1280 : vector<8x128xf32>
      %max3A_1282 = arith.constant 0.000000e+00 : f32
      %max3A_1283 = vector.broadcast %max3A_1282 : f32 to vector<8x128xf32>
      %max3A_1284 = arith.maximumf %get3A_1271, %max3A_1283 : vector<8x128xf32>
      %mul3A_1285 = arith.constant 0.979751825 : f32
      %mul3A_1286 = vector.broadcast %mul3A_1285 : f32 to vector<8x128xf32>
      %mul3A_1287 = arith.mulf %mul3A_1286, %exp3A_1281 : vector<8x128xf32>
      %add3A_1288 = arith.constant 9.25303961E-4 : f32
      %add3A_1289 = vector.broadcast %add3A_1288 : f32 to vector<8x128xf32>
      %add3A_1290 = arith.addf %add3A_1289, %mul3A_1287 : vector<8x128xf32>
      %mul3A_1291 = arith.mulf %exp3A_1281, %exp3A_1281 : vector<8x128xf32>
      %mul3A_1292 = arith.constant 0.106683962 : f32
      %mul3A_1293 = vector.broadcast %mul3A_1292 : f32 to vector<8x128xf32>
      %mul3A_1294 = arith.mulf %mul3A_1293, %exp3A_1281 : vector<8x128xf32>
      %add3A_1295 = arith.constant -0.393533558 : f32
      %add3A_1296 = vector.broadcast %add3A_1295 : f32 to vector<8x128xf32>
      %add3A_1297 = arith.addf %add3A_1296, %mul3A_1294 : vector<8x128xf32>
      %mul3A_1298 = arith.mulf %mul3A_1291, %add3A_1297 : vector<8x128xf32>
      %add3A_1299 = arith.addf %add3A_1290, %mul3A_1298 : vector<8x128xf32>
      %add3A_1300 = arith.addf %max3A_1284, %add3A_1299 : vector<8x128xf32>
      %mul3A_1301 = arith.mulf %get3A_1276, %get3A_1271 : vector<8x128xf32>
      %sub3A_1302 = arith.subf %add3A_1300, %mul3A_1301 : vector<8x128xf32>
      %gt3A_1303 = arith.constant 0.000000e+00 : f32
      %gt3A_1304 = vector.broadcast %gt3A_1303 : f32 to vector<8x128xf32>
      %gt3A_1305 = arith.cmpf ogt, %get3A_1271, %gt3A_1304 : vector<8x128xf32>
      %jit3A_1306 = arith.constant 1.000000e+00 : f32
      %jit3A_1307 = arith.constant 0.000000e+00 : f32
      %broadcast_in_dim3A_1308 = vector.broadcast %jit3A_1306 : f32 to vector<8x128xf32>
      %broadcast_in_dim3A_1309 = vector.broadcast %jit3A_1307 : f32 to vector<8x128xf32>
      %select_n3A_1310 = arith.select %gt3A_1305, %broadcast_in_dim3A_1308, %broadcast_in_dim3A_1309 : vector<8x128xi1>, vector<8x128xf32>
      %mul3A_1311 = arith.mulf %get3A_1276, %sub3A_1302 : vector<8x128xf32>
      %mul3A_1312 = arith.mulf %get3A_1276, %select_n3A_1310 : vector<8x128xf32>
      %add3A_1313 = arith.addf %add3A_1260, %mul3A_1311 : vector<8x128xf32>
      %add3A_1314 = arith.addf %add3A_1261, %sub3A_1302 : vector<8x128xf32>
      %add3A_1315 = arith.addf %add3A_1262, %get3A_1276 : vector<8x128xf32>
      %add3A_1316 = arith.addf %add3A_1263, %select_n3A_1310 : vector<8x128xf32>
      %add3A_1317 = arith.addf %add3A_1264, %mul3A_1312 : vector<8x128xf32>
      %scan3A_1318 = arith.constant 24 : i32
      %scan3A_1319 = arith.addi %scan3A_51, %scan3A_1318 : i32
      %mul3A_1320 = arith.constant 8 : i32
      %mul3A_1321 = arith.muli %scan3A_1319, %mul3A_1320 : i32
      %get3A_1322 = arith.index_cast %mul3A_1321 : i32 to index
      %get3A_1323 = arith.constant 0 : index
      %get3A_1324 = vector.load %arg4[%get3A_1322, %get3A_1323] : memref<4096x128xf32, #tpu.memory_space<vmem>>, vector<8x128xf32>
      %mul3A_1325 = arith.constant 8 : i32
      %mul3A_1326 = arith.muli %scan3A_1319, %mul3A_1325 : i32
      %get3A_1327 = arith.index_cast %mul3A_1326 : i32 to index
      %get3A_1328 = arith.constant 0 : index
      %get3A_1329 = vector.load %arg5[%get3A_1327, %get3A_1328] : memref<4096x128xf32, #tpu.memory_space<vmem>>, vector<8x128xf32>
      %abs3A_1330 = math.absf %get3A_1324 : vector<8x128xf32>
      %neg3A_1331 = arith.constant 0.000000e+00 : f32
      %neg3A_1332 = vector.broadcast %neg3A_1331 : f32 to vector<8x128xf32>
      %neg3A_1333 = arith.subf %neg3A_1332, %abs3A_1330 : vector<8x128xf32>
      %exp3A_1334 = math.exp %neg3A_1333 : vector<8x128xf32>
      %max3A_1335 = arith.constant 0.000000e+00 : f32
      %max3A_1336 = vector.broadcast %max3A_1335 : f32 to vector<8x128xf32>
      %max3A_1337 = arith.maximumf %get3A_1324, %max3A_1336 : vector<8x128xf32>
      %mul3A_1338 = arith.constant 0.979751825 : f32
      %mul3A_1339 = vector.broadcast %mul3A_1338 : f32 to vector<8x128xf32>
      %mul3A_1340 = arith.mulf %mul3A_1339, %exp3A_1334 : vector<8x128xf32>
      %add3A_1341 = arith.constant 9.25303961E-4 : f32
      %add3A_1342 = vector.broadcast %add3A_1341 : f32 to vector<8x128xf32>
      %add3A_1343 = arith.addf %add3A_1342, %mul3A_1340 : vector<8x128xf32>
      %mul3A_1344 = arith.mulf %exp3A_1334, %exp3A_1334 : vector<8x128xf32>
      %mul3A_1345 = arith.constant 0.106683962 : f32
      %mul3A_1346 = vector.broadcast %mul3A_1345 : f32 to vector<8x128xf32>
      %mul3A_1347 = arith.mulf %mul3A_1346, %exp3A_1334 : vector<8x128xf32>
      %add3A_1348 = arith.constant -0.393533558 : f32
      %add3A_1349 = vector.broadcast %add3A_1348 : f32 to vector<8x128xf32>
      %add3A_1350 = arith.addf %add3A_1349, %mul3A_1347 : vector<8x128xf32>
      %mul3A_1351 = arith.mulf %mul3A_1344, %add3A_1350 : vector<8x128xf32>
      %add3A_1352 = arith.addf %add3A_1343, %mul3A_1351 : vector<8x128xf32>
      %add3A_1353 = arith.addf %max3A_1337, %add3A_1352 : vector<8x128xf32>
      %mul3A_1354 = arith.mulf %get3A_1329, %get3A_1324 : vector<8x128xf32>
      %sub3A_1355 = arith.subf %add3A_1353, %mul3A_1354 : vector<8x128xf32>
      %gt3A_1356 = arith.constant 0.000000e+00 : f32
      %gt3A_1357 = vector.broadcast %gt3A_1356 : f32 to vector<8x128xf32>
      %gt3A_1358 = arith.cmpf ogt, %get3A_1324, %gt3A_1357 : vector<8x128xf32>
      %jit3A_1359 = arith.constant 1.000000e+00 : f32
      %jit3A_1360 = arith.constant 0.000000e+00 : f32
      %broadcast_in_dim3A_1361 = vector.broadcast %jit3A_1359 : f32 to vector<8x128xf32>
      %broadcast_in_dim3A_1362 = vector.broadcast %jit3A_1360 : f32 to vector<8x128xf32>
      %select_n3A_1363 = arith.select %gt3A_1358, %broadcast_in_dim3A_1361, %broadcast_in_dim3A_1362 : vector<8x128xi1>, vector<8x128xf32>
      %mul3A_1364 = arith.mulf %get3A_1329, %sub3A_1355 : vector<8x128xf32>
      %mul3A_1365 = arith.mulf %get3A_1329, %select_n3A_1363 : vector<8x128xf32>
      %add3A_1366 = arith.addf %add3A_1313, %mul3A_1364 : vector<8x128xf32>
      %add3A_1367 = arith.addf %add3A_1314, %sub3A_1355 : vector<8x128xf32>
      %add3A_1368 = arith.addf %add3A_1315, %get3A_1329 : vector<8x128xf32>
      %add3A_1369 = arith.addf %add3A_1316, %select_n3A_1363 : vector<8x128xf32>
      %add3A_1370 = arith.addf %add3A_1317, %mul3A_1365 : vector<8x128xf32>
      %scan3A_1371 = arith.constant 25 : i32
      %scan3A_1372 = arith.addi %scan3A_51, %scan3A_1371 : i32
      %mul3A_1373 = arith.constant 8 : i32
      %mul3A_1374 = arith.muli %scan3A_1372, %mul3A_1373 : i32
      %get3A_1375 = arith.index_cast %mul3A_1374 : i32 to index
      %get3A_1376 = arith.constant 0 : index
      %get3A_1377 = vector.load %arg4[%get3A_1375, %get3A_1376] : memref<4096x128xf32, #tpu.memory_space<vmem>>, vector<8x128xf32>
      %mul3A_1378 = arith.constant 8 : i32
      %mul3A_1379 = arith.muli %scan3A_1372, %mul3A_1378 : i32
      %get3A_1380 = arith.index_cast %mul3A_1379 : i32 to index
      %get3A_1381 = arith.constant 0 : index
      %get3A_1382 = vector.load %arg5[%get3A_1380, %get3A_1381] : memref<4096x128xf32, #tpu.memory_space<vmem>>, vector<8x128xf32>
      %abs3A_1383 = math.absf %get3A_1377 : vector<8x128xf32>
      %neg3A_1384 = arith.constant 0.000000e+00 : f32
      %neg3A_1385 = vector.broadcast %neg3A_1384 : f32 to vector<8x128xf32>
      %neg3A_1386 = arith.subf %neg3A_1385, %abs3A_1383 : vector<8x128xf32>
      %exp3A_1387 = math.exp %neg3A_1386 : vector<8x128xf32>
      %max3A_1388 = arith.constant 0.000000e+00 : f32
      %max3A_1389 = vector.broadcast %max3A_1388 : f32 to vector<8x128xf32>
      %max3A_1390 = arith.maximumf %get3A_1377, %max3A_1389 : vector<8x128xf32>
      %mul3A_1391 = arith.constant 0.979751825 : f32
      %mul3A_1392 = vector.broadcast %mul3A_1391 : f32 to vector<8x128xf32>
      %mul3A_1393 = arith.mulf %mul3A_1392, %exp3A_1387 : vector<8x128xf32>
      %add3A_1394 = arith.constant 9.25303961E-4 : f32
      %add3A_1395 = vector.broadcast %add3A_1394 : f32 to vector<8x128xf32>
      %add3A_1396 = arith.addf %add3A_1395, %mul3A_1393 : vector<8x128xf32>
      %mul3A_1397 = arith.mulf %exp3A_1387, %exp3A_1387 : vector<8x128xf32>
      %mul3A_1398 = arith.constant 0.106683962 : f32
      %mul3A_1399 = vector.broadcast %mul3A_1398 : f32 to vector<8x128xf32>
      %mul3A_1400 = arith.mulf %mul3A_1399, %exp3A_1387 : vector<8x128xf32>
      %add3A_1401 = arith.constant -0.393533558 : f32
      %add3A_1402 = vector.broadcast %add3A_1401 : f32 to vector<8x128xf32>
      %add3A_1403 = arith.addf %add3A_1402, %mul3A_1400 : vector<8x128xf32>
      %mul3A_1404 = arith.mulf %mul3A_1397, %add3A_1403 : vector<8x128xf32>
      %add3A_1405 = arith.addf %add3A_1396, %mul3A_1404 : vector<8x128xf32>
      %add3A_1406 = arith.addf %max3A_1390, %add3A_1405 : vector<8x128xf32>
      %mul3A_1407 = arith.mulf %get3A_1382, %get3A_1377 : vector<8x128xf32>
      %sub3A_1408 = arith.subf %add3A_1406, %mul3A_1407 : vector<8x128xf32>
      %gt3A_1409 = arith.constant 0.000000e+00 : f32
      %gt3A_1410 = vector.broadcast %gt3A_1409 : f32 to vector<8x128xf32>
      %gt3A_1411 = arith.cmpf ogt, %get3A_1377, %gt3A_1410 : vector<8x128xf32>
      %jit3A_1412 = arith.constant 1.000000e+00 : f32
      %jit3A_1413 = arith.constant 0.000000e+00 : f32
      %broadcast_in_dim3A_1414 = vector.broadcast %jit3A_1412 : f32 to vector<8x128xf32>
      %broadcast_in_dim3A_1415 = vector.broadcast %jit3A_1413 : f32 to vector<8x128xf32>
      %select_n3A_1416 = arith.select %gt3A_1411, %broadcast_in_dim3A_1414, %broadcast_in_dim3A_1415 : vector<8x128xi1>, vector<8x128xf32>
      %mul3A_1417 = arith.mulf %get3A_1382, %sub3A_1408 : vector<8x128xf32>
      %mul3A_1418 = arith.mulf %get3A_1382, %select_n3A_1416 : vector<8x128xf32>
      %add3A_1419 = arith.addf %add3A_1366, %mul3A_1417 : vector<8x128xf32>
      %add3A_1420 = arith.addf %add3A_1367, %sub3A_1408 : vector<8x128xf32>
      %add3A_1421 = arith.addf %add3A_1368, %get3A_1382 : vector<8x128xf32>
      %add3A_1422 = arith.addf %add3A_1369, %select_n3A_1416 : vector<8x128xf32>
      %add3A_1423 = arith.addf %add3A_1370, %mul3A_1418 : vector<8x128xf32>
      %scan3A_1424 = arith.constant 26 : i32
      %scan3A_1425 = arith.addi %scan3A_51, %scan3A_1424 : i32
      %mul3A_1426 = arith.constant 8 : i32
      %mul3A_1427 = arith.muli %scan3A_1425, %mul3A_1426 : i32
      %get3A_1428 = arith.index_cast %mul3A_1427 : i32 to index
      %get3A_1429 = arith.constant 0 : index
      %get3A_1430 = vector.load %arg4[%get3A_1428, %get3A_1429] : memref<4096x128xf32, #tpu.memory_space<vmem>>, vector<8x128xf32>
      %mul3A_1431 = arith.constant 8 : i32
      %mul3A_1432 = arith.muli %scan3A_1425, %mul3A_1431 : i32
      %get3A_1433 = arith.index_cast %mul3A_1432 : i32 to index
      %get3A_1434 = arith.constant 0 : index
      %get3A_1435 = vector.load %arg5[%get3A_1433, %get3A_1434] : memref<4096x128xf32, #tpu.memory_space<vmem>>, vector<8x128xf32>
      %abs3A_1436 = math.absf %get3A_1430 : vector<8x128xf32>
      %neg3A_1437 = arith.constant 0.000000e+00 : f32
      %neg3A_1438 = vector.broadcast %neg3A_1437 : f32 to vector<8x128xf32>
      %neg3A_1439 = arith.subf %neg3A_1438, %abs3A_1436 : vector<8x128xf32>
      %exp3A_1440 = math.exp %neg3A_1439 : vector<8x128xf32>
      %max3A_1441 = arith.constant 0.000000e+00 : f32
      %max3A_1442 = vector.broadcast %max3A_1441 : f32 to vector<8x128xf32>
      %max3A_1443 = arith.maximumf %get3A_1430, %max3A_1442 : vector<8x128xf32>
      %mul3A_1444 = arith.constant 0.979751825 : f32
      %mul3A_1445 = vector.broadcast %mul3A_1444 : f32 to vector<8x128xf32>
      %mul3A_1446 = arith.mulf %mul3A_1445, %exp3A_1440 : vector<8x128xf32>
      %add3A_1447 = arith.constant 9.25303961E-4 : f32
      %add3A_1448 = vector.broadcast %add3A_1447 : f32 to vector<8x128xf32>
      %add3A_1449 = arith.addf %add3A_1448, %mul3A_1446 : vector<8x128xf32>
      %mul3A_1450 = arith.mulf %exp3A_1440, %exp3A_1440 : vector<8x128xf32>
      %mul3A_1451 = arith.constant 0.106683962 : f32
      %mul3A_1452 = vector.broadcast %mul3A_1451 : f32 to vector<8x128xf32>
      %mul3A_1453 = arith.mulf %mul3A_1452, %exp3A_1440 : vector<8x128xf32>
      %add3A_1454 = arith.constant -0.393533558 : f32
      %add3A_1455 = vector.broadcast %add3A_1454 : f32 to vector<8x128xf32>
      %add3A_1456 = arith.addf %add3A_1455, %mul3A_1453 : vector<8x128xf32>
      %mul3A_1457 = arith.mulf %mul3A_1450, %add3A_1456 : vector<8x128xf32>
      %add3A_1458 = arith.addf %add3A_1449, %mul3A_1457 : vector<8x128xf32>
      %add3A_1459 = arith.addf %max3A_1443, %add3A_1458 : vector<8x128xf32>
      %mul3A_1460 = arith.mulf %get3A_1435, %get3A_1430 : vector<8x128xf32>
      %sub3A_1461 = arith.subf %add3A_1459, %mul3A_1460 : vector<8x128xf32>
      %gt3A_1462 = arith.constant 0.000000e+00 : f32
      %gt3A_1463 = vector.broadcast %gt3A_1462 : f32 to vector<8x128xf32>
      %gt3A_1464 = arith.cmpf ogt, %get3A_1430, %gt3A_1463 : vector<8x128xf32>
      %jit3A_1465 = arith.constant 1.000000e+00 : f32
      %jit3A_1466 = arith.constant 0.000000e+00 : f32
      %broadcast_in_dim3A_1467 = vector.broadcast %jit3A_1465 : f32 to vector<8x128xf32>
      %broadcast_in_dim3A_1468 = vector.broadcast %jit3A_1466 : f32 to vector<8x128xf32>
      %select_n3A_1469 = arith.select %gt3A_1464, %broadcast_in_dim3A_1467, %broadcast_in_dim3A_1468 : vector<8x128xi1>, vector<8x128xf32>
      %mul3A_1470 = arith.mulf %get3A_1435, %sub3A_1461 : vector<8x128xf32>
      %mul3A_1471 = arith.mulf %get3A_1435, %select_n3A_1469 : vector<8x128xf32>
      %add3A_1472 = arith.addf %add3A_1419, %mul3A_1470 : vector<8x128xf32>
      %add3A_1473 = arith.addf %add3A_1420, %sub3A_1461 : vector<8x128xf32>
      %add3A_1474 = arith.addf %add3A_1421, %get3A_1435 : vector<8x128xf32>
      %add3A_1475 = arith.addf %add3A_1422, %select_n3A_1469 : vector<8x128xf32>
      %add3A_1476 = arith.addf %add3A_1423, %mul3A_1471 : vector<8x128xf32>
      %scan3A_1477 = arith.constant 27 : i32
      %scan3A_1478 = arith.addi %scan3A_51, %scan3A_1477 : i32
      %mul3A_1479 = arith.constant 8 : i32
      %mul3A_1480 = arith.muli %scan3A_1478, %mul3A_1479 : i32
      %get3A_1481 = arith.index_cast %mul3A_1480 : i32 to index
      %get3A_1482 = arith.constant 0 : index
      %get3A_1483 = vector.load %arg4[%get3A_1481, %get3A_1482] : memref<4096x128xf32, #tpu.memory_space<vmem>>, vector<8x128xf32>
      %mul3A_1484 = arith.constant 8 : i32
      %mul3A_1485 = arith.muli %scan3A_1478, %mul3A_1484 : i32
      %get3A_1486 = arith.index_cast %mul3A_1485 : i32 to index
      %get3A_1487 = arith.constant 0 : index
      %get3A_1488 = vector.load %arg5[%get3A_1486, %get3A_1487] : memref<4096x128xf32, #tpu.memory_space<vmem>>, vector<8x128xf32>
      %abs3A_1489 = math.absf %get3A_1483 : vector<8x128xf32>
      %neg3A_1490 = arith.constant 0.000000e+00 : f32
      %neg3A_1491 = vector.broadcast %neg3A_1490 : f32 to vector<8x128xf32>
      %neg3A_1492 = arith.subf %neg3A_1491, %abs3A_1489 : vector<8x128xf32>
      %exp3A_1493 = math.exp %neg3A_1492 : vector<8x128xf32>
      %max3A_1494 = arith.constant 0.000000e+00 : f32
      %max3A_1495 = vector.broadcast %max3A_1494 : f32 to vector<8x128xf32>
      %max3A_1496 = arith.maximumf %get3A_1483, %max3A_1495 : vector<8x128xf32>
      %mul3A_1497 = arith.constant 0.979751825 : f32
      %mul3A_1498 = vector.broadcast %mul3A_1497 : f32 to vector<8x128xf32>
      %mul3A_1499 = arith.mulf %mul3A_1498, %exp3A_1493 : vector<8x128xf32>
      %add3A_1500 = arith.constant 9.25303961E-4 : f32
      %add3A_1501 = vector.broadcast %add3A_1500 : f32 to vector<8x128xf32>
      %add3A_1502 = arith.addf %add3A_1501, %mul3A_1499 : vector<8x128xf32>
      %mul3A_1503 = arith.mulf %exp3A_1493, %exp3A_1493 : vector<8x128xf32>
      %mul3A_1504 = arith.constant 0.106683962 : f32
      %mul3A_1505 = vector.broadcast %mul3A_1504 : f32 to vector<8x128xf32>
      %mul3A_1506 = arith.mulf %mul3A_1505, %exp3A_1493 : vector<8x128xf32>
      %add3A_1507 = arith.constant -0.393533558 : f32
      %add3A_1508 = vector.broadcast %add3A_1507 : f32 to vector<8x128xf32>
      %add3A_1509 = arith.addf %add3A_1508, %mul3A_1506 : vector<8x128xf32>
      %mul3A_1510 = arith.mulf %mul3A_1503, %add3A_1509 : vector<8x128xf32>
      %add3A_1511 = arith.addf %add3A_1502, %mul3A_1510 : vector<8x128xf32>
      %add3A_1512 = arith.addf %max3A_1496, %add3A_1511 : vector<8x128xf32>
      %mul3A_1513 = arith.mulf %get3A_1488, %get3A_1483 : vector<8x128xf32>
      %sub3A_1514 = arith.subf %add3A_1512, %mul3A_1513 : vector<8x128xf32>
      %gt3A_1515 = arith.constant 0.000000e+00 : f32
      %gt3A_1516 = vector.broadcast %gt3A_1515 : f32 to vector<8x128xf32>
      %gt3A_1517 = arith.cmpf ogt, %get3A_1483, %gt3A_1516 : vector<8x128xf32>
      %jit3A_1518 = arith.constant 1.000000e+00 : f32
      %jit3A_1519 = arith.constant 0.000000e+00 : f32
      %broadcast_in_dim3A_1520 = vector.broadcast %jit3A_1518 : f32 to vector<8x128xf32>
      %broadcast_in_dim3A_1521 = vector.broadcast %jit3A_1519 : f32 to vector<8x128xf32>
      %select_n3A_1522 = arith.select %gt3A_1517, %broadcast_in_dim3A_1520, %broadcast_in_dim3A_1521 : vector<8x128xi1>, vector<8x128xf32>
      %mul3A_1523 = arith.mulf %get3A_1488, %sub3A_1514 : vector<8x128xf32>
      %mul3A_1524 = arith.mulf %get3A_1488, %select_n3A_1522 : vector<8x128xf32>
      %add3A_1525 = arith.addf %add3A_1472, %mul3A_1523 : vector<8x128xf32>
      %add3A_1526 = arith.addf %add3A_1473, %sub3A_1514 : vector<8x128xf32>
      %add3A_1527 = arith.addf %add3A_1474, %get3A_1488 : vector<8x128xf32>
      %add3A_1528 = arith.addf %add3A_1475, %select_n3A_1522 : vector<8x128xf32>
      %add3A_1529 = arith.addf %add3A_1476, %mul3A_1524 : vector<8x128xf32>
      %scan3A_1530 = arith.constant 28 : i32
      %scan3A_1531 = arith.addi %scan3A_51, %scan3A_1530 : i32
      %mul3A_1532 = arith.constant 8 : i32
      %mul3A_1533 = arith.muli %scan3A_1531, %mul3A_1532 : i32
      %get3A_1534 = arith.index_cast %mul3A_1533 : i32 to index
      %get3A_1535 = arith.constant 0 : index
      %get3A_1536 = vector.load %arg4[%get3A_1534, %get3A_1535] : memref<4096x128xf32, #tpu.memory_space<vmem>>, vector<8x128xf32>
      %mul3A_1537 = arith.constant 8 : i32
      %mul3A_1538 = arith.muli %scan3A_1531, %mul3A_1537 : i32
      %get3A_1539 = arith.index_cast %mul3A_1538 : i32 to index
      %get3A_1540 = arith.constant 0 : index
      %get3A_1541 = vector.load %arg5[%get3A_1539, %get3A_1540] : memref<4096x128xf32, #tpu.memory_space<vmem>>, vector<8x128xf32>
      %abs3A_1542 = math.absf %get3A_1536 : vector<8x128xf32>
      %neg3A_1543 = arith.constant 0.000000e+00 : f32
      %neg3A_1544 = vector.broadcast %neg3A_1543 : f32 to vector<8x128xf32>
      %neg3A_1545 = arith.subf %neg3A_1544, %abs3A_1542 : vector<8x128xf32>
      %exp3A_1546 = math.exp %neg3A_1545 : vector<8x128xf32>
      %max3A_1547 = arith.constant 0.000000e+00 : f32
      %max3A_1548 = vector.broadcast %max3A_1547 : f32 to vector<8x128xf32>
      %max3A_1549 = arith.maximumf %get3A_1536, %max3A_1548 : vector<8x128xf32>
      %mul3A_1550 = arith.constant 0.979751825 : f32
      %mul3A_1551 = vector.broadcast %mul3A_1550 : f32 to vector<8x128xf32>
      %mul3A_1552 = arith.mulf %mul3A_1551, %exp3A_1546 : vector<8x128xf32>
      %add3A_1553 = arith.constant 9.25303961E-4 : f32
      %add3A_1554 = vector.broadcast %add3A_1553 : f32 to vector<8x128xf32>
      %add3A_1555 = arith.addf %add3A_1554, %mul3A_1552 : vector<8x128xf32>
      %mul3A_1556 = arith.mulf %exp3A_1546, %exp3A_1546 : vector<8x128xf32>
      %mul3A_1557 = arith.constant 0.106683962 : f32
      %mul3A_1558 = vector.broadcast %mul3A_1557 : f32 to vector<8x128xf32>
      %mul3A_1559 = arith.mulf %mul3A_1558, %exp3A_1546 : vector<8x128xf32>
      %add3A_1560 = arith.constant -0.393533558 : f32
      %add3A_1561 = vector.broadcast %add3A_1560 : f32 to vector<8x128xf32>
      %add3A_1562 = arith.addf %add3A_1561, %mul3A_1559 : vector<8x128xf32>
      %mul3A_1563 = arith.mulf %mul3A_1556, %add3A_1562 : vector<8x128xf32>
      %add3A_1564 = arith.addf %add3A_1555, %mul3A_1563 : vector<8x128xf32>
      %add3A_1565 = arith.addf %max3A_1549, %add3A_1564 : vector<8x128xf32>
      %mul3A_1566 = arith.mulf %get3A_1541, %get3A_1536 : vector<8x128xf32>
      %sub3A_1567 = arith.subf %add3A_1565, %mul3A_1566 : vector<8x128xf32>
      %gt3A_1568 = arith.constant 0.000000e+00 : f32
      %gt3A_1569 = vector.broadcast %gt3A_1568 : f32 to vector<8x128xf32>
      %gt3A_1570 = arith.cmpf ogt, %get3A_1536, %gt3A_1569 : vector<8x128xf32>
      %jit3A_1571 = arith.constant 1.000000e+00 : f32
      %jit3A_1572 = arith.constant 0.000000e+00 : f32
      %broadcast_in_dim3A_1573 = vector.broadcast %jit3A_1571 : f32 to vector<8x128xf32>
      %broadcast_in_dim3A_1574 = vector.broadcast %jit3A_1572 : f32 to vector<8x128xf32>
      %select_n3A_1575 = arith.select %gt3A_1570, %broadcast_in_dim3A_1573, %broadcast_in_dim3A_1574 : vector<8x128xi1>, vector<8x128xf32>
      %mul3A_1576 = arith.mulf %get3A_1541, %sub3A_1567 : vector<8x128xf32>
      %mul3A_1577 = arith.mulf %get3A_1541, %select_n3A_1575 : vector<8x128xf32>
      %add3A_1578 = arith.addf %add3A_1525, %mul3A_1576 : vector<8x128xf32>
      %add3A_1579 = arith.addf %add3A_1526, %sub3A_1567 : vector<8x128xf32>
      %add3A_1580 = arith.addf %add3A_1527, %get3A_1541 : vector<8x128xf32>
      %add3A_1581 = arith.addf %add3A_1528, %select_n3A_1575 : vector<8x128xf32>
      %add3A_1582 = arith.addf %add3A_1529, %mul3A_1577 : vector<8x128xf32>
      %scan3A_1583 = arith.constant 29 : i32
      %scan3A_1584 = arith.addi %scan3A_51, %scan3A_1583 : i32
      %mul3A_1585 = arith.constant 8 : i32
      %mul3A_1586 = arith.muli %scan3A_1584, %mul3A_1585 : i32
      %get3A_1587 = arith.index_cast %mul3A_1586 : i32 to index
      %get3A_1588 = arith.constant 0 : index
      %get3A_1589 = vector.load %arg4[%get3A_1587, %get3A_1588] : memref<4096x128xf32, #tpu.memory_space<vmem>>, vector<8x128xf32>
      %mul3A_1590 = arith.constant 8 : i32
      %mul3A_1591 = arith.muli %scan3A_1584, %mul3A_1590 : i32
      %get3A_1592 = arith.index_cast %mul3A_1591 : i32 to index
      %get3A_1593 = arith.constant 0 : index
      %get3A_1594 = vector.load %arg5[%get3A_1592, %get3A_1593] : memref<4096x128xf32, #tpu.memory_space<vmem>>, vector<8x128xf32>
      %abs3A_1595 = math.absf %get3A_1589 : vector<8x128xf32>
      %neg3A_1596 = arith.constant 0.000000e+00 : f32
      %neg3A_1597 = vector.broadcast %neg3A_1596 : f32 to vector<8x128xf32>
      %neg3A_1598 = arith.subf %neg3A_1597, %abs3A_1595 : vector<8x128xf32>
      %exp3A_1599 = math.exp %neg3A_1598 : vector<8x128xf32>
      %max3A_1600 = arith.constant 0.000000e+00 : f32
      %max3A_1601 = vector.broadcast %max3A_1600 : f32 to vector<8x128xf32>
      %max3A_1602 = arith.maximumf %get3A_1589, %max3A_1601 : vector<8x128xf32>
      %mul3A_1603 = arith.constant 0.979751825 : f32
      %mul3A_1604 = vector.broadcast %mul3A_1603 : f32 to vector<8x128xf32>
      %mul3A_1605 = arith.mulf %mul3A_1604, %exp3A_1599 : vector<8x128xf32>
      %add3A_1606 = arith.constant 9.25303961E-4 : f32
      %add3A_1607 = vector.broadcast %add3A_1606 : f32 to vector<8x128xf32>
      %add3A_1608 = arith.addf %add3A_1607, %mul3A_1605 : vector<8x128xf32>
      %mul3A_1609 = arith.mulf %exp3A_1599, %exp3A_1599 : vector<8x128xf32>
      %mul3A_1610 = arith.constant 0.106683962 : f32
      %mul3A_1611 = vector.broadcast %mul3A_1610 : f32 to vector<8x128xf32>
      %mul3A_1612 = arith.mulf %mul3A_1611, %exp3A_1599 : vector<8x128xf32>
      %add3A_1613 = arith.constant -0.393533558 : f32
      %add3A_1614 = vector.broadcast %add3A_1613 : f32 to vector<8x128xf32>
      %add3A_1615 = arith.addf %add3A_1614, %mul3A_1612 : vector<8x128xf32>
      %mul3A_1616 = arith.mulf %mul3A_1609, %add3A_1615 : vector<8x128xf32>
      %add3A_1617 = arith.addf %add3A_1608, %mul3A_1616 : vector<8x128xf32>
      %add3A_1618 = arith.addf %max3A_1602, %add3A_1617 : vector<8x128xf32>
      %mul3A_1619 = arith.mulf %get3A_1594, %get3A_1589 : vector<8x128xf32>
      %sub3A_1620 = arith.subf %add3A_1618, %mul3A_1619 : vector<8x128xf32>
      %gt3A_1621 = arith.constant 0.000000e+00 : f32
      %gt3A_1622 = vector.broadcast %gt3A_1621 : f32 to vector<8x128xf32>
      %gt3A_1623 = arith.cmpf ogt, %get3A_1589, %gt3A_1622 : vector<8x128xf32>
      %jit3A_1624 = arith.constant 1.000000e+00 : f32
      %jit3A_1625 = arith.constant 0.000000e+00 : f32
      %broadcast_in_dim3A_1626 = vector.broadcast %jit3A_1624 : f32 to vector<8x128xf32>
      %broadcast_in_dim3A_1627 = vector.broadcast %jit3A_1625 : f32 to vector<8x128xf32>
      %select_n3A_1628 = arith.select %gt3A_1623, %broadcast_in_dim3A_1626, %broadcast_in_dim3A_1627 : vector<8x128xi1>, vector<8x128xf32>
      %mul3A_1629 = arith.mulf %get3A_1594, %sub3A_1620 : vector<8x128xf32>
      %mul3A_1630 = arith.mulf %get3A_1594, %select_n3A_1628 : vector<8x128xf32>
      %add3A_1631 = arith.addf %add3A_1578, %mul3A_1629 : vector<8x128xf32>
      %add3A_1632 = arith.addf %add3A_1579, %sub3A_1620 : vector<8x128xf32>
      %add3A_1633 = arith.addf %add3A_1580, %get3A_1594 : vector<8x128xf32>
      %add3A_1634 = arith.addf %add3A_1581, %select_n3A_1628 : vector<8x128xf32>
      %add3A_1635 = arith.addf %add3A_1582, %mul3A_1630 : vector<8x128xf32>
      %scan3A_1636 = arith.constant 30 : i32
      %scan3A_1637 = arith.addi %scan3A_51, %scan3A_1636 : i32
      %mul3A_1638 = arith.constant 8 : i32
      %mul3A_1639 = arith.muli %scan3A_1637, %mul3A_1638 : i32
      %get3A_1640 = arith.index_cast %mul3A_1639 : i32 to index
      %get3A_1641 = arith.constant 0 : index
      %get3A_1642 = vector.load %arg4[%get3A_1640, %get3A_1641] : memref<4096x128xf32, #tpu.memory_space<vmem>>, vector<8x128xf32>
      %mul3A_1643 = arith.constant 8 : i32
      %mul3A_1644 = arith.muli %scan3A_1637, %mul3A_1643 : i32
      %get3A_1645 = arith.index_cast %mul3A_1644 : i32 to index
      %get3A_1646 = arith.constant 0 : index
      %get3A_1647 = vector.load %arg5[%get3A_1645, %get3A_1646] : memref<4096x128xf32, #tpu.memory_space<vmem>>, vector<8x128xf32>
      %abs3A_1648 = math.absf %get3A_1642 : vector<8x128xf32>
      %neg3A_1649 = arith.constant 0.000000e+00 : f32
      %neg3A_1650 = vector.broadcast %neg3A_1649 : f32 to vector<8x128xf32>
      %neg3A_1651 = arith.subf %neg3A_1650, %abs3A_1648 : vector<8x128xf32>
      %exp3A_1652 = math.exp %neg3A_1651 : vector<8x128xf32>
      %max3A_1653 = arith.constant 0.000000e+00 : f32
      %max3A_1654 = vector.broadcast %max3A_1653 : f32 to vector<8x128xf32>
      %max3A_1655 = arith.maximumf %get3A_1642, %max3A_1654 : vector<8x128xf32>
      %mul3A_1656 = arith.constant 0.979751825 : f32
      %mul3A_1657 = vector.broadcast %mul3A_1656 : f32 to vector<8x128xf32>
      %mul3A_1658 = arith.mulf %mul3A_1657, %exp3A_1652 : vector<8x128xf32>
      %add3A_1659 = arith.constant 9.25303961E-4 : f32
      %add3A_1660 = vector.broadcast %add3A_1659 : f32 to vector<8x128xf32>
      %add3A_1661 = arith.addf %add3A_1660, %mul3A_1658 : vector<8x128xf32>
      %mul3A_1662 = arith.mulf %exp3A_1652, %exp3A_1652 : vector<8x128xf32>
      %mul3A_1663 = arith.constant 0.106683962 : f32
      %mul3A_1664 = vector.broadcast %mul3A_1663 : f32 to vector<8x128xf32>
      %mul3A_1665 = arith.mulf %mul3A_1664, %exp3A_1652 : vector<8x128xf32>
      %add3A_1666 = arith.constant -0.393533558 : f32
      %add3A_1667 = vector.broadcast %add3A_1666 : f32 to vector<8x128xf32>
      %add3A_1668 = arith.addf %add3A_1667, %mul3A_1665 : vector<8x128xf32>
      %mul3A_1669 = arith.mulf %mul3A_1662, %add3A_1668 : vector<8x128xf32>
      %add3A_1670 = arith.addf %add3A_1661, %mul3A_1669 : vector<8x128xf32>
      %add3A_1671 = arith.addf %max3A_1655, %add3A_1670 : vector<8x128xf32>
      %mul3A_1672 = arith.mulf %get3A_1647, %get3A_1642 : vector<8x128xf32>
      %sub3A_1673 = arith.subf %add3A_1671, %mul3A_1672 : vector<8x128xf32>
      %gt3A_1674 = arith.constant 0.000000e+00 : f32
      %gt3A_1675 = vector.broadcast %gt3A_1674 : f32 to vector<8x128xf32>
      %gt3A_1676 = arith.cmpf ogt, %get3A_1642, %gt3A_1675 : vector<8x128xf32>
      %jit3A_1677 = arith.constant 1.000000e+00 : f32
      %jit3A_1678 = arith.constant 0.000000e+00 : f32
      %broadcast_in_dim3A_1679 = vector.broadcast %jit3A_1677 : f32 to vector<8x128xf32>
      %broadcast_in_dim3A_1680 = vector.broadcast %jit3A_1678 : f32 to vector<8x128xf32>
      %select_n3A_1681 = arith.select %gt3A_1676, %broadcast_in_dim3A_1679, %broadcast_in_dim3A_1680 : vector<8x128xi1>, vector<8x128xf32>
      %mul3A_1682 = arith.mulf %get3A_1647, %sub3A_1673 : vector<8x128xf32>
      %mul3A_1683 = arith.mulf %get3A_1647, %select_n3A_1681 : vector<8x128xf32>
      %add3A_1684 = arith.addf %add3A_1631, %mul3A_1682 : vector<8x128xf32>
      %add3A_1685 = arith.addf %add3A_1632, %sub3A_1673 : vector<8x128xf32>
      %add3A_1686 = arith.addf %add3A_1633, %get3A_1647 : vector<8x128xf32>
      %add3A_1687 = arith.addf %add3A_1634, %select_n3A_1681 : vector<8x128xf32>
      %add3A_1688 = arith.addf %add3A_1635, %mul3A_1683 : vector<8x128xf32>
      %scan3A_1689 = arith.constant 31 : i32
      %scan3A_1690 = arith.addi %scan3A_51, %scan3A_1689 : i32
      %mul3A_1691 = arith.constant 8 : i32
      %mul3A_1692 = arith.muli %scan3A_1690, %mul3A_1691 : i32
      %get3A_1693 = arith.index_cast %mul3A_1692 : i32 to index
      %get3A_1694 = arith.constant 0 : index
      %get3A_1695 = vector.load %arg4[%get3A_1693, %get3A_1694] : memref<4096x128xf32, #tpu.memory_space<vmem>>, vector<8x128xf32>
      %mul3A_1696 = arith.constant 8 : i32
      %mul3A_1697 = arith.muli %scan3A_1690, %mul3A_1696 : i32
      %get3A_1698 = arith.index_cast %mul3A_1697 : i32 to index
      %get3A_1699 = arith.constant 0 : index
      %get3A_1700 = vector.load %arg5[%get3A_1698, %get3A_1699] : memref<4096x128xf32, #tpu.memory_space<vmem>>, vector<8x128xf32>
      %abs3A_1701 = math.absf %get3A_1695 : vector<8x128xf32>
      %neg3A_1702 = arith.constant 0.000000e+00 : f32
      %neg3A_1703 = vector.broadcast %neg3A_1702 : f32 to vector<8x128xf32>
      %neg3A_1704 = arith.subf %neg3A_1703, %abs3A_1701 : vector<8x128xf32>
      %exp3A_1705 = math.exp %neg3A_1704 : vector<8x128xf32>
      %max3A_1706 = arith.constant 0.000000e+00 : f32
      %max3A_1707 = vector.broadcast %max3A_1706 : f32 to vector<8x128xf32>
      %max3A_1708 = arith.maximumf %get3A_1695, %max3A_1707 : vector<8x128xf32>
      %mul3A_1709 = arith.constant 0.979751825 : f32
      %mul3A_1710 = vector.broadcast %mul3A_1709 : f32 to vector<8x128xf32>
      %mul3A_1711 = arith.mulf %mul3A_1710, %exp3A_1705 : vector<8x128xf32>
      %add3A_1712 = arith.constant 9.25303961E-4 : f32
      %add3A_1713 = vector.broadcast %add3A_1712 : f32 to vector<8x128xf32>
      %add3A_1714 = arith.addf %add3A_1713, %mul3A_1711 : vector<8x128xf32>
      %mul3A_1715 = arith.mulf %exp3A_1705, %exp3A_1705 : vector<8x128xf32>
      %mul3A_1716 = arith.constant 0.106683962 : f32
      %mul3A_1717 = vector.broadcast %mul3A_1716 : f32 to vector<8x128xf32>
      %mul3A_1718 = arith.mulf %mul3A_1717, %exp3A_1705 : vector<8x128xf32>
      %add3A_1719 = arith.constant -0.393533558 : f32
      %add3A_1720 = vector.broadcast %add3A_1719 : f32 to vector<8x128xf32>
      %add3A_1721 = arith.addf %add3A_1720, %mul3A_1718 : vector<8x128xf32>
      %mul3A_1722 = arith.mulf %mul3A_1715, %add3A_1721 : vector<8x128xf32>
      %add3A_1723 = arith.addf %add3A_1714, %mul3A_1722 : vector<8x128xf32>
      %add3A_1724 = arith.addf %max3A_1708, %add3A_1723 : vector<8x128xf32>
      %mul3A_1725 = arith.mulf %get3A_1700, %get3A_1695 : vector<8x128xf32>
      %sub3A_1726 = arith.subf %add3A_1724, %mul3A_1725 : vector<8x128xf32>
      %gt3A_1727 = arith.constant 0.000000e+00 : f32
      %gt3A_1728 = vector.broadcast %gt3A_1727 : f32 to vector<8x128xf32>
      %gt3A_1729 = arith.cmpf ogt, %get3A_1695, %gt3A_1728 : vector<8x128xf32>
      %jit3A_1730 = arith.constant 1.000000e+00 : f32
      %jit3A_1731 = arith.constant 0.000000e+00 : f32
      %broadcast_in_dim3A_1732 = vector.broadcast %jit3A_1730 : f32 to vector<8x128xf32>
      %broadcast_in_dim3A_1733 = vector.broadcast %jit3A_1731 : f32 to vector<8x128xf32>
      %select_n3A_1734 = arith.select %gt3A_1729, %broadcast_in_dim3A_1732, %broadcast_in_dim3A_1733 : vector<8x128xi1>, vector<8x128xf32>
      %mul3A_1735 = arith.mulf %get3A_1700, %sub3A_1726 : vector<8x128xf32>
      %mul3A_1736 = arith.mulf %get3A_1700, %select_n3A_1734 : vector<8x128xf32>
      %add3A_1737 = arith.addf %add3A_1684, %mul3A_1735 : vector<8x128xf32>
      %add3A_1738 = arith.addf %add3A_1685, %sub3A_1726 : vector<8x128xf32>
      %add3A_1739 = arith.addf %add3A_1686, %get3A_1700 : vector<8x128xf32>
      %add3A_1740 = arith.addf %add3A_1687, %select_n3A_1734 : vector<8x128xf32>
      %add3A_1741 = arith.addf %add3A_1688, %mul3A_1736 : vector<8x128xf32>
      %scan3A_1742 = arith.constant 32 : i32
      %scan3A_1743 = arith.addi %scan3A_51, %scan3A_1742 : i32
      %mul3A_1744 = arith.constant 8 : i32
      %mul3A_1745 = arith.muli %scan3A_1743, %mul3A_1744 : i32
      %get3A_1746 = arith.index_cast %mul3A_1745 : i32 to index
      %get3A_1747 = arith.constant 0 : index
      %get3A_1748 = vector.load %arg4[%get3A_1746, %get3A_1747] : memref<4096x128xf32, #tpu.memory_space<vmem>>, vector<8x128xf32>
      %mul3A_1749 = arith.constant 8 : i32
      %mul3A_1750 = arith.muli %scan3A_1743, %mul3A_1749 : i32
      %get3A_1751 = arith.index_cast %mul3A_1750 : i32 to index
      %get3A_1752 = arith.constant 0 : index
      %get3A_1753 = vector.load %arg5[%get3A_1751, %get3A_1752] : memref<4096x128xf32, #tpu.memory_space<vmem>>, vector<8x128xf32>
      %abs3A_1754 = math.absf %get3A_1748 : vector<8x128xf32>
      %neg3A_1755 = arith.constant 0.000000e+00 : f32
      %neg3A_1756 = vector.broadcast %neg3A_1755 : f32 to vector<8x128xf32>
      %neg3A_1757 = arith.subf %neg3A_1756, %abs3A_1754 : vector<8x128xf32>
      %exp3A_1758 = math.exp %neg3A_1757 : vector<8x128xf32>
      %max3A_1759 = arith.constant 0.000000e+00 : f32
      %max3A_1760 = vector.broadcast %max3A_1759 : f32 to vector<8x128xf32>
      %max3A_1761 = arith.maximumf %get3A_1748, %max3A_1760 : vector<8x128xf32>
      %mul3A_1762 = arith.constant 0.979751825 : f32
      %mul3A_1763 = vector.broadcast %mul3A_1762 : f32 to vector<8x128xf32>
      %mul3A_1764 = arith.mulf %mul3A_1763, %exp3A_1758 : vector<8x128xf32>
      %add3A_1765 = arith.constant 9.25303961E-4 : f32
      %add3A_1766 = vector.broadcast %add3A_1765 : f32 to vector<8x128xf32>
      %add3A_1767 = arith.addf %add3A_1766, %mul3A_1764 : vector<8x128xf32>
      %mul3A_1768 = arith.mulf %exp3A_1758, %exp3A_1758 : vector<8x128xf32>
      %mul3A_1769 = arith.constant 0.106683962 : f32
      %mul3A_1770 = vector.broadcast %mul3A_1769 : f32 to vector<8x128xf32>
      %mul3A_1771 = arith.mulf %mul3A_1770, %exp3A_1758 : vector<8x128xf32>
      %add3A_1772 = arith.constant -0.393533558 : f32
      %add3A_1773 = vector.broadcast %add3A_1772 : f32 to vector<8x128xf32>
      %add3A_1774 = arith.addf %add3A_1773, %mul3A_1771 : vector<8x128xf32>
      %mul3A_1775 = arith.mulf %mul3A_1768, %add3A_1774 : vector<8x128xf32>
      %add3A_1776 = arith.addf %add3A_1767, %mul3A_1775 : vector<8x128xf32>
      %add3A_1777 = arith.addf %max3A_1761, %add3A_1776 : vector<8x128xf32>
      %mul3A_1778 = arith.mulf %get3A_1753, %get3A_1748 : vector<8x128xf32>
      %sub3A_1779 = arith.subf %add3A_1777, %mul3A_1778 : vector<8x128xf32>
      %gt3A_1780 = arith.constant 0.000000e+00 : f32
      %gt3A_1781 = vector.broadcast %gt3A_1780 : f32 to vector<8x128xf32>
      %gt3A_1782 = arith.cmpf ogt, %get3A_1748, %gt3A_1781 : vector<8x128xf32>
      %jit3A_1783 = arith.constant 1.000000e+00 : f32
      %jit3A_1784 = arith.constant 0.000000e+00 : f32
      %broadcast_in_dim3A_1785 = vector.broadcast %jit3A_1783 : f32 to vector<8x128xf32>
      %broadcast_in_dim3A_1786 = vector.broadcast %jit3A_1784 : f32 to vector<8x128xf32>
      %select_n3A_1787 = arith.select %gt3A_1782, %broadcast_in_dim3A_1785, %broadcast_in_dim3A_1786 : vector<8x128xi1>, vector<8x128xf32>
      %mul3A_1788 = arith.mulf %get3A_1753, %sub3A_1779 : vector<8x128xf32>
      %mul3A_1789 = arith.mulf %get3A_1753, %select_n3A_1787 : vector<8x128xf32>
      %add3A_1790 = arith.addf %add3A_1737, %mul3A_1788 : vector<8x128xf32>
      %add3A_1791 = arith.addf %add3A_1738, %sub3A_1779 : vector<8x128xf32>
      %add3A_1792 = arith.addf %add3A_1739, %get3A_1753 : vector<8x128xf32>
      %add3A_1793 = arith.addf %add3A_1740, %select_n3A_1787 : vector<8x128xf32>
      %add3A_1794 = arith.addf %add3A_1741, %mul3A_1789 : vector<8x128xf32>
      %scan3A_1795 = arith.constant 33 : i32
      %scan3A_1796 = arith.addi %scan3A_51, %scan3A_1795 : i32
      %mul3A_1797 = arith.constant 8 : i32
      %mul3A_1798 = arith.muli %scan3A_1796, %mul3A_1797 : i32
      %get3A_1799 = arith.index_cast %mul3A_1798 : i32 to index
      %get3A_1800 = arith.constant 0 : index
      %get3A_1801 = vector.load %arg4[%get3A_1799, %get3A_1800] : memref<4096x128xf32, #tpu.memory_space<vmem>>, vector<8x128xf32>
      %mul3A_1802 = arith.constant 8 : i32
      %mul3A_1803 = arith.muli %scan3A_1796, %mul3A_1802 : i32
      %get3A_1804 = arith.index_cast %mul3A_1803 : i32 to index
      %get3A_1805 = arith.constant 0 : index
      %get3A_1806 = vector.load %arg5[%get3A_1804, %get3A_1805] : memref<4096x128xf32, #tpu.memory_space<vmem>>, vector<8x128xf32>
      %abs3A_1807 = math.absf %get3A_1801 : vector<8x128xf32>
      %neg3A_1808 = arith.constant 0.000000e+00 : f32
      %neg3A_1809 = vector.broadcast %neg3A_1808 : f32 to vector<8x128xf32>
      %neg3A_1810 = arith.subf %neg3A_1809, %abs3A_1807 : vector<8x128xf32>
      %exp3A_1811 = math.exp %neg3A_1810 : vector<8x128xf32>
      %max3A_1812 = arith.constant 0.000000e+00 : f32
      %max3A_1813 = vector.broadcast %max3A_1812 : f32 to vector<8x128xf32>
      %max3A_1814 = arith.maximumf %get3A_1801, %max3A_1813 : vector<8x128xf32>
      %mul3A_1815 = arith.constant 0.979751825 : f32
      %mul3A_1816 = vector.broadcast %mul3A_1815 : f32 to vector<8x128xf32>
      %mul3A_1817 = arith.mulf %mul3A_1816, %exp3A_1811 : vector<8x128xf32>
      %add3A_1818 = arith.constant 9.25303961E-4 : f32
      %add3A_1819 = vector.broadcast %add3A_1818 : f32 to vector<8x128xf32>
      %add3A_1820 = arith.addf %add3A_1819, %mul3A_1817 : vector<8x128xf32>
      %mul3A_1821 = arith.mulf %exp3A_1811, %exp3A_1811 : vector<8x128xf32>
      %mul3A_1822 = arith.constant 0.106683962 : f32
      %mul3A_1823 = vector.broadcast %mul3A_1822 : f32 to vector<8x128xf32>
      %mul3A_1824 = arith.mulf %mul3A_1823, %exp3A_1811 : vector<8x128xf32>
      %add3A_1825 = arith.constant -0.393533558 : f32
      %add3A_1826 = vector.broadcast %add3A_1825 : f32 to vector<8x128xf32>
      %add3A_1827 = arith.addf %add3A_1826, %mul3A_1824 : vector<8x128xf32>
      %mul3A_1828 = arith.mulf %mul3A_1821, %add3A_1827 : vector<8x128xf32>
      %add3A_1829 = arith.addf %add3A_1820, %mul3A_1828 : vector<8x128xf32>
      %add3A_1830 = arith.addf %max3A_1814, %add3A_1829 : vector<8x128xf32>
      %mul3A_1831 = arith.mulf %get3A_1806, %get3A_1801 : vector<8x128xf32>
      %sub3A_1832 = arith.subf %add3A_1830, %mul3A_1831 : vector<8x128xf32>
      %gt3A_1833 = arith.constant 0.000000e+00 : f32
      %gt3A_1834 = vector.broadcast %gt3A_1833 : f32 to vector<8x128xf32>
      %gt3A_1835 = arith.cmpf ogt, %get3A_1801, %gt3A_1834 : vector<8x128xf32>
      %jit3A_1836 = arith.constant 1.000000e+00 : f32
      %jit3A_1837 = arith.constant 0.000000e+00 : f32
      %broadcast_in_dim3A_1838 = vector.broadcast %jit3A_1836 : f32 to vector<8x128xf32>
      %broadcast_in_dim3A_1839 = vector.broadcast %jit3A_1837 : f32 to vector<8x128xf32>
      %select_n3A_1840 = arith.select %gt3A_1835, %broadcast_in_dim3A_1838, %broadcast_in_dim3A_1839 : vector<8x128xi1>, vector<8x128xf32>
      %mul3A_1841 = arith.mulf %get3A_1806, %sub3A_1832 : vector<8x128xf32>
      %mul3A_1842 = arith.mulf %get3A_1806, %select_n3A_1840 : vector<8x128xf32>
      %add3A_1843 = arith.addf %add3A_1790, %mul3A_1841 : vector<8x128xf32>
      %add3A_1844 = arith.addf %add3A_1791, %sub3A_1832 : vector<8x128xf32>
      %add3A_1845 = arith.addf %add3A_1792, %get3A_1806 : vector<8x128xf32>
      %add3A_1846 = arith.addf %add3A_1793, %select_n3A_1840 : vector<8x128xf32>
      %add3A_1847 = arith.addf %add3A_1794, %mul3A_1842 : vector<8x128xf32>
      %scan3A_1848 = arith.constant 34 : i32
      %scan3A_1849 = arith.addi %scan3A_51, %scan3A_1848 : i32
      %mul3A_1850 = arith.constant 8 : i32
      %mul3A_1851 = arith.muli %scan3A_1849, %mul3A_1850 : i32
      %get3A_1852 = arith.index_cast %mul3A_1851 : i32 to index
      %get3A_1853 = arith.constant 0 : index
      %get3A_1854 = vector.load %arg4[%get3A_1852, %get3A_1853] : memref<4096x128xf32, #tpu.memory_space<vmem>>, vector<8x128xf32>
      %mul3A_1855 = arith.constant 8 : i32
      %mul3A_1856 = arith.muli %scan3A_1849, %mul3A_1855 : i32
      %get3A_1857 = arith.index_cast %mul3A_1856 : i32 to index
      %get3A_1858 = arith.constant 0 : index
      %get3A_1859 = vector.load %arg5[%get3A_1857, %get3A_1858] : memref<4096x128xf32, #tpu.memory_space<vmem>>, vector<8x128xf32>
      %abs3A_1860 = math.absf %get3A_1854 : vector<8x128xf32>
      %neg3A_1861 = arith.constant 0.000000e+00 : f32
      %neg3A_1862 = vector.broadcast %neg3A_1861 : f32 to vector<8x128xf32>
      %neg3A_1863 = arith.subf %neg3A_1862, %abs3A_1860 : vector<8x128xf32>
      %exp3A_1864 = math.exp %neg3A_1863 : vector<8x128xf32>
      %max3A_1865 = arith.constant 0.000000e+00 : f32
      %max3A_1866 = vector.broadcast %max3A_1865 : f32 to vector<8x128xf32>
      %max3A_1867 = arith.maximumf %get3A_1854, %max3A_1866 : vector<8x128xf32>
      %mul3A_1868 = arith.constant 0.979751825 : f32
      %mul3A_1869 = vector.broadcast %mul3A_1868 : f32 to vector<8x128xf32>
      %mul3A_1870 = arith.mulf %mul3A_1869, %exp3A_1864 : vector<8x128xf32>
      %add3A_1871 = arith.constant 9.25303961E-4 : f32
      %add3A_1872 = vector.broadcast %add3A_1871 : f32 to vector<8x128xf32>
      %add3A_1873 = arith.addf %add3A_1872, %mul3A_1870 : vector<8x128xf32>
      %mul3A_1874 = arith.mulf %exp3A_1864, %exp3A_1864 : vector<8x128xf32>
      %mul3A_1875 = arith.constant 0.106683962 : f32
      %mul3A_1876 = vector.broadcast %mul3A_1875 : f32 to vector<8x128xf32>
      %mul3A_1877 = arith.mulf %mul3A_1876, %exp3A_1864 : vector<8x128xf32>
      %add3A_1878 = arith.constant -0.393533558 : f32
      %add3A_1879 = vector.broadcast %add3A_1878 : f32 to vector<8x128xf32>
      %add3A_1880 = arith.addf %add3A_1879, %mul3A_1877 : vector<8x128xf32>
      %mul3A_1881 = arith.mulf %mul3A_1874, %add3A_1880 : vector<8x128xf32>
      %add3A_1882 = arith.addf %add3A_1873, %mul3A_1881 : vector<8x128xf32>
      %add3A_1883 = arith.addf %max3A_1867, %add3A_1882 : vector<8x128xf32>
      %mul3A_1884 = arith.mulf %get3A_1859, %get3A_1854 : vector<8x128xf32>
      %sub3A_1885 = arith.subf %add3A_1883, %mul3A_1884 : vector<8x128xf32>
      %gt3A_1886 = arith.constant 0.000000e+00 : f32
      %gt3A_1887 = vector.broadcast %gt3A_1886 : f32 to vector<8x128xf32>
      %gt3A_1888 = arith.cmpf ogt, %get3A_1854, %gt3A_1887 : vector<8x128xf32>
      %jit3A_1889 = arith.constant 1.000000e+00 : f32
      %jit3A_1890 = arith.constant 0.000000e+00 : f32
      %broadcast_in_dim3A_1891 = vector.broadcast %jit3A_1889 : f32 to vector<8x128xf32>
      %broadcast_in_dim3A_1892 = vector.broadcast %jit3A_1890 : f32 to vector<8x128xf32>
      %select_n3A_1893 = arith.select %gt3A_1888, %broadcast_in_dim3A_1891, %broadcast_in_dim3A_1892 : vector<8x128xi1>, vector<8x128xf32>
      %mul3A_1894 = arith.mulf %get3A_1859, %sub3A_1885 : vector<8x128xf32>
      %mul3A_1895 = arith.mulf %get3A_1859, %select_n3A_1893 : vector<8x128xf32>
      %add3A_1896 = arith.addf %add3A_1843, %mul3A_1894 : vector<8x128xf32>
      %add3A_1897 = arith.addf %add3A_1844, %sub3A_1885 : vector<8x128xf32>
      %add3A_1898 = arith.addf %add3A_1845, %get3A_1859 : vector<8x128xf32>
      %add3A_1899 = arith.addf %add3A_1846, %select_n3A_1893 : vector<8x128xf32>
      %add3A_1900 = arith.addf %add3A_1847, %mul3A_1895 : vector<8x128xf32>
      %scan3A_1901 = arith.constant 35 : i32
      %scan3A_1902 = arith.addi %scan3A_51, %scan3A_1901 : i32
      %mul3A_1903 = arith.constant 8 : i32
      %mul3A_1904 = arith.muli %scan3A_1902, %mul3A_1903 : i32
      %get3A_1905 = arith.index_cast %mul3A_1904 : i32 to index
      %get3A_1906 = arith.constant 0 : index
      %get3A_1907 = vector.load %arg4[%get3A_1905, %get3A_1906] : memref<4096x128xf32, #tpu.memory_space<vmem>>, vector<8x128xf32>
      %mul3A_1908 = arith.constant 8 : i32
      %mul3A_1909 = arith.muli %scan3A_1902, %mul3A_1908 : i32
      %get3A_1910 = arith.index_cast %mul3A_1909 : i32 to index
      %get3A_1911 = arith.constant 0 : index
      %get3A_1912 = vector.load %arg5[%get3A_1910, %get3A_1911] : memref<4096x128xf32, #tpu.memory_space<vmem>>, vector<8x128xf32>
      %abs3A_1913 = math.absf %get3A_1907 : vector<8x128xf32>
      %neg3A_1914 = arith.constant 0.000000e+00 : f32
      %neg3A_1915 = vector.broadcast %neg3A_1914 : f32 to vector<8x128xf32>
      %neg3A_1916 = arith.subf %neg3A_1915, %abs3A_1913 : vector<8x128xf32>
      %exp3A_1917 = math.exp %neg3A_1916 : vector<8x128xf32>
      %max3A_1918 = arith.constant 0.000000e+00 : f32
      %max3A_1919 = vector.broadcast %max3A_1918 : f32 to vector<8x128xf32>
      %max3A_1920 = arith.maximumf %get3A_1907, %max3A_1919 : vector<8x128xf32>
      %mul3A_1921 = arith.constant 0.979751825 : f32
      %mul3A_1922 = vector.broadcast %mul3A_1921 : f32 to vector<8x128xf32>
      %mul3A_1923 = arith.mulf %mul3A_1922, %exp3A_1917 : vector<8x128xf32>
      %add3A_1924 = arith.constant 9.25303961E-4 : f32
      %add3A_1925 = vector.broadcast %add3A_1924 : f32 to vector<8x128xf32>
      %add3A_1926 = arith.addf %add3A_1925, %mul3A_1923 : vector<8x128xf32>
      %mul3A_1927 = arith.mulf %exp3A_1917, %exp3A_1917 : vector<8x128xf32>
      %mul3A_1928 = arith.constant 0.106683962 : f32
      %mul3A_1929 = vector.broadcast %mul3A_1928 : f32 to vector<8x128xf32>
      %mul3A_1930 = arith.mulf %mul3A_1929, %exp3A_1917 : vector<8x128xf32>
      %add3A_1931 = arith.constant -0.393533558 : f32
      %add3A_1932 = vector.broadcast %add3A_1931 : f32 to vector<8x128xf32>
      %add3A_1933 = arith.addf %add3A_1932, %mul3A_1930 : vector<8x128xf32>
      %mul3A_1934 = arith.mulf %mul3A_1927, %add3A_1933 : vector<8x128xf32>
      %add3A_1935 = arith.addf %add3A_1926, %mul3A_1934 : vector<8x128xf32>
      %add3A_1936 = arith.addf %max3A_1920, %add3A_1935 : vector<8x128xf32>
      %mul3A_1937 = arith.mulf %get3A_1912, %get3A_1907 : vector<8x128xf32>
      %sub3A_1938 = arith.subf %add3A_1936, %mul3A_1937 : vector<8x128xf32>
      %gt3A_1939 = arith.constant 0.000000e+00 : f32
      %gt3A_1940 = vector.broadcast %gt3A_1939 : f32 to vector<8x128xf32>
      %gt3A_1941 = arith.cmpf ogt, %get3A_1907, %gt3A_1940 : vector<8x128xf32>
      %jit3A_1942 = arith.constant 1.000000e+00 : f32
      %jit3A_1943 = arith.constant 0.000000e+00 : f32
      %broadcast_in_dim3A_1944 = vector.broadcast %jit3A_1942 : f32 to vector<8x128xf32>
      %broadcast_in_dim3A_1945 = vector.broadcast %jit3A_1943 : f32 to vector<8x128xf32>
      %select_n3A_1946 = arith.select %gt3A_1941, %broadcast_in_dim3A_1944, %broadcast_in_dim3A_1945 : vector<8x128xi1>, vector<8x128xf32>
      %mul3A_1947 = arith.mulf %get3A_1912, %sub3A_1938 : vector<8x128xf32>
      %mul3A_1948 = arith.mulf %get3A_1912, %select_n3A_1946 : vector<8x128xf32>
      %add3A_1949 = arith.addf %add3A_1896, %mul3A_1947 : vector<8x128xf32>
      %add3A_1950 = arith.addf %add3A_1897, %sub3A_1938 : vector<8x128xf32>
      %add3A_1951 = arith.addf %add3A_1898, %get3A_1912 : vector<8x128xf32>
      %add3A_1952 = arith.addf %add3A_1899, %select_n3A_1946 : vector<8x128xf32>
      %add3A_1953 = arith.addf %add3A_1900, %mul3A_1948 : vector<8x128xf32>
      %scan3A_1954 = arith.constant 36 : i32
      %scan3A_1955 = arith.addi %scan3A_51, %scan3A_1954 : i32
      %mul3A_1956 = arith.constant 8 : i32
      %mul3A_1957 = arith.muli %scan3A_1955, %mul3A_1956 : i32
      %get3A_1958 = arith.index_cast %mul3A_1957 : i32 to index
      %get3A_1959 = arith.constant 0 : index
      %get3A_1960 = vector.load %arg4[%get3A_1958, %get3A_1959] : memref<4096x128xf32, #tpu.memory_space<vmem>>, vector<8x128xf32>
      %mul3A_1961 = arith.constant 8 : i32
      %mul3A_1962 = arith.muli %scan3A_1955, %mul3A_1961 : i32
      %get3A_1963 = arith.index_cast %mul3A_1962 : i32 to index
      %get3A_1964 = arith.constant 0 : index
      %get3A_1965 = vector.load %arg5[%get3A_1963, %get3A_1964] : memref<4096x128xf32, #tpu.memory_space<vmem>>, vector<8x128xf32>
      %abs3A_1966 = math.absf %get3A_1960 : vector<8x128xf32>
      %neg3A_1967 = arith.constant 0.000000e+00 : f32
      %neg3A_1968 = vector.broadcast %neg3A_1967 : f32 to vector<8x128xf32>
      %neg3A_1969 = arith.subf %neg3A_1968, %abs3A_1966 : vector<8x128xf32>
      %exp3A_1970 = math.exp %neg3A_1969 : vector<8x128xf32>
      %max3A_1971 = arith.constant 0.000000e+00 : f32
      %max3A_1972 = vector.broadcast %max3A_1971 : f32 to vector<8x128xf32>
      %max3A_1973 = arith.maximumf %get3A_1960, %max3A_1972 : vector<8x128xf32>
      %mul3A_1974 = arith.constant 0.979751825 : f32
      %mul3A_1975 = vector.broadcast %mul3A_1974 : f32 to vector<8x128xf32>
      %mul3A_1976 = arith.mulf %mul3A_1975, %exp3A_1970 : vector<8x128xf32>
      %add3A_1977 = arith.constant 9.25303961E-4 : f32
      %add3A_1978 = vector.broadcast %add3A_1977 : f32 to vector<8x128xf32>
      %add3A_1979 = arith.addf %add3A_1978, %mul3A_1976 : vector<8x128xf32>
      %mul3A_1980 = arith.mulf %exp3A_1970, %exp3A_1970 : vector<8x128xf32>
      %mul3A_1981 = arith.constant 0.106683962 : f32
      %mul3A_1982 = vector.broadcast %mul3A_1981 : f32 to vector<8x128xf32>
      %mul3A_1983 = arith.mulf %mul3A_1982, %exp3A_1970 : vector<8x128xf32>
      %add3A_1984 = arith.constant -0.393533558 : f32
      %add3A_1985 = vector.broadcast %add3A_1984 : f32 to vector<8x128xf32>
      %add3A_1986 = arith.addf %add3A_1985, %mul3A_1983 : vector<8x128xf32>
      %mul3A_1987 = arith.mulf %mul3A_1980, %add3A_1986 : vector<8x128xf32>
      %add3A_1988 = arith.addf %add3A_1979, %mul3A_1987 : vector<8x128xf32>
      %add3A_1989 = arith.addf %max3A_1973, %add3A_1988 : vector<8x128xf32>
      %mul3A_1990 = arith.mulf %get3A_1965, %get3A_1960 : vector<8x128xf32>
      %sub3A_1991 = arith.subf %add3A_1989, %mul3A_1990 : vector<8x128xf32>
      %gt3A_1992 = arith.constant 0.000000e+00 : f32
      %gt3A_1993 = vector.broadcast %gt3A_1992 : f32 to vector<8x128xf32>
      %gt3A_1994 = arith.cmpf ogt, %get3A_1960, %gt3A_1993 : vector<8x128xf32>
      %jit3A_1995 = arith.constant 1.000000e+00 : f32
      %jit3A_1996 = arith.constant 0.000000e+00 : f32
      %broadcast_in_dim3A_1997 = vector.broadcast %jit3A_1995 : f32 to vector<8x128xf32>
      %broadcast_in_dim3A_1998 = vector.broadcast %jit3A_1996 : f32 to vector<8x128xf32>
      %select_n3A_1999 = arith.select %gt3A_1994, %broadcast_in_dim3A_1997, %broadcast_in_dim3A_1998 : vector<8x128xi1>, vector<8x128xf32>
      %mul3A_2000 = arith.mulf %get3A_1965, %sub3A_1991 : vector<8x128xf32>
      %mul3A_2001 = arith.mulf %get3A_1965, %select_n3A_1999 : vector<8x128xf32>
      %add3A_2002 = arith.addf %add3A_1949, %mul3A_2000 : vector<8x128xf32>
      %add3A_2003 = arith.addf %add3A_1950, %sub3A_1991 : vector<8x128xf32>
      %add3A_2004 = arith.addf %add3A_1951, %get3A_1965 : vector<8x128xf32>
      %add3A_2005 = arith.addf %add3A_1952, %select_n3A_1999 : vector<8x128xf32>
      %add3A_2006 = arith.addf %add3A_1953, %mul3A_2001 : vector<8x128xf32>
      %scan3A_2007 = arith.constant 37 : i32
      %scan3A_2008 = arith.addi %scan3A_51, %scan3A_2007 : i32
      %mul3A_2009 = arith.constant 8 : i32
      %mul3A_2010 = arith.muli %scan3A_2008, %mul3A_2009 : i32
      %get3A_2011 = arith.index_cast %mul3A_2010 : i32 to index
      %get3A_2012 = arith.constant 0 : index
      %get3A_2013 = vector.load %arg4[%get3A_2011, %get3A_2012] : memref<4096x128xf32, #tpu.memory_space<vmem>>, vector<8x128xf32>
      %mul3A_2014 = arith.constant 8 : i32
      %mul3A_2015 = arith.muli %scan3A_2008, %mul3A_2014 : i32
      %get3A_2016 = arith.index_cast %mul3A_2015 : i32 to index
      %get3A_2017 = arith.constant 0 : index
      %get3A_2018 = vector.load %arg5[%get3A_2016, %get3A_2017] : memref<4096x128xf32, #tpu.memory_space<vmem>>, vector<8x128xf32>
      %abs3A_2019 = math.absf %get3A_2013 : vector<8x128xf32>
      %neg3A_2020 = arith.constant 0.000000e+00 : f32
      %neg3A_2021 = vector.broadcast %neg3A_2020 : f32 to vector<8x128xf32>
      %neg3A_2022 = arith.subf %neg3A_2021, %abs3A_2019 : vector<8x128xf32>
      %exp3A_2023 = math.exp %neg3A_2022 : vector<8x128xf32>
      %max3A_2024 = arith.constant 0.000000e+00 : f32
      %max3A_2025 = vector.broadcast %max3A_2024 : f32 to vector<8x128xf32>
      %max3A_2026 = arith.maximumf %get3A_2013, %max3A_2025 : vector<8x128xf32>
      %mul3A_2027 = arith.constant 0.979751825 : f32
      %mul3A_2028 = vector.broadcast %mul3A_2027 : f32 to vector<8x128xf32>
      %mul3A_2029 = arith.mulf %mul3A_2028, %exp3A_2023 : vector<8x128xf32>
      %add3A_2030 = arith.constant 9.25303961E-4 : f32
      %add3A_2031 = vector.broadcast %add3A_2030 : f32 to vector<8x128xf32>
      %add3A_2032 = arith.addf %add3A_2031, %mul3A_2029 : vector<8x128xf32>
      %mul3A_2033 = arith.mulf %exp3A_2023, %exp3A_2023 : vector<8x128xf32>
      %mul3A_2034 = arith.constant 0.106683962 : f32
      %mul3A_2035 = vector.broadcast %mul3A_2034 : f32 to vector<8x128xf32>
      %mul3A_2036 = arith.mulf %mul3A_2035, %exp3A_2023 : vector<8x128xf32>
      %add3A_2037 = arith.constant -0.393533558 : f32
      %add3A_2038 = vector.broadcast %add3A_2037 : f32 to vector<8x128xf32>
      %add3A_2039 = arith.addf %add3A_2038, %mul3A_2036 : vector<8x128xf32>
      %mul3A_2040 = arith.mulf %mul3A_2033, %add3A_2039 : vector<8x128xf32>
      %add3A_2041 = arith.addf %add3A_2032, %mul3A_2040 : vector<8x128xf32>
      %add3A_2042 = arith.addf %max3A_2026, %add3A_2041 : vector<8x128xf32>
      %mul3A_2043 = arith.mulf %get3A_2018, %get3A_2013 : vector<8x128xf32>
      %sub3A_2044 = arith.subf %add3A_2042, %mul3A_2043 : vector<8x128xf32>
      %gt3A_2045 = arith.constant 0.000000e+00 : f32
      %gt3A_2046 = vector.broadcast %gt3A_2045 : f32 to vector<8x128xf32>
      %gt3A_2047 = arith.cmpf ogt, %get3A_2013, %gt3A_2046 : vector<8x128xf32>
      %jit3A_2048 = arith.constant 1.000000e+00 : f32
      %jit3A_2049 = arith.constant 0.000000e+00 : f32
      %broadcast_in_dim3A_2050 = vector.broadcast %jit3A_2048 : f32 to vector<8x128xf32>
      %broadcast_in_dim3A_2051 = vector.broadcast %jit3A_2049 : f32 to vector<8x128xf32>
      %select_n3A_2052 = arith.select %gt3A_2047, %broadcast_in_dim3A_2050, %broadcast_in_dim3A_2051 : vector<8x128xi1>, vector<8x128xf32>
      %mul3A_2053 = arith.mulf %get3A_2018, %sub3A_2044 : vector<8x128xf32>
      %mul3A_2054 = arith.mulf %get3A_2018, %select_n3A_2052 : vector<8x128xf32>
      %add3A_2055 = arith.addf %add3A_2002, %mul3A_2053 : vector<8x128xf32>
      %add3A_2056 = arith.addf %add3A_2003, %sub3A_2044 : vector<8x128xf32>
      %add3A_2057 = arith.addf %add3A_2004, %get3A_2018 : vector<8x128xf32>
      %add3A_2058 = arith.addf %add3A_2005, %select_n3A_2052 : vector<8x128xf32>
      %add3A_2059 = arith.addf %add3A_2006, %mul3A_2054 : vector<8x128xf32>
      %scan3A_2060 = arith.constant 38 : i32
      %scan3A_2061 = arith.addi %scan3A_51, %scan3A_2060 : i32
      %mul3A_2062 = arith.constant 8 : i32
      %mul3A_2063 = arith.muli %scan3A_2061, %mul3A_2062 : i32
      %get3A_2064 = arith.index_cast %mul3A_2063 : i32 to index
      %get3A_2065 = arith.constant 0 : index
      %get3A_2066 = vector.load %arg4[%get3A_2064, %get3A_2065] : memref<4096x128xf32, #tpu.memory_space<vmem>>, vector<8x128xf32>
      %mul3A_2067 = arith.constant 8 : i32
      %mul3A_2068 = arith.muli %scan3A_2061, %mul3A_2067 : i32
      %get3A_2069 = arith.index_cast %mul3A_2068 : i32 to index
      %get3A_2070 = arith.constant 0 : index
      %get3A_2071 = vector.load %arg5[%get3A_2069, %get3A_2070] : memref<4096x128xf32, #tpu.memory_space<vmem>>, vector<8x128xf32>
      %abs3A_2072 = math.absf %get3A_2066 : vector<8x128xf32>
      %neg3A_2073 = arith.constant 0.000000e+00 : f32
      %neg3A_2074 = vector.broadcast %neg3A_2073 : f32 to vector<8x128xf32>
      %neg3A_2075 = arith.subf %neg3A_2074, %abs3A_2072 : vector<8x128xf32>
      %exp3A_2076 = math.exp %neg3A_2075 : vector<8x128xf32>
      %max3A_2077 = arith.constant 0.000000e+00 : f32
      %max3A_2078 = vector.broadcast %max3A_2077 : f32 to vector<8x128xf32>
      %max3A_2079 = arith.maximumf %get3A_2066, %max3A_2078 : vector<8x128xf32>
      %mul3A_2080 = arith.constant 0.979751825 : f32
      %mul3A_2081 = vector.broadcast %mul3A_2080 : f32 to vector<8x128xf32>
      %mul3A_2082 = arith.mulf %mul3A_2081, %exp3A_2076 : vector<8x128xf32>
      %add3A_2083 = arith.constant 9.25303961E-4 : f32
      %add3A_2084 = vector.broadcast %add3A_2083 : f32 to vector<8x128xf32>
      %add3A_2085 = arith.addf %add3A_2084, %mul3A_2082 : vector<8x128xf32>
      %mul3A_2086 = arith.mulf %exp3A_2076, %exp3A_2076 : vector<8x128xf32>
      %mul3A_2087 = arith.constant 0.106683962 : f32
      %mul3A_2088 = vector.broadcast %mul3A_2087 : f32 to vector<8x128xf32>
      %mul3A_2089 = arith.mulf %mul3A_2088, %exp3A_2076 : vector<8x128xf32>
      %add3A_2090 = arith.constant -0.393533558 : f32
      %add3A_2091 = vector.broadcast %add3A_2090 : f32 to vector<8x128xf32>
      %add3A_2092 = arith.addf %add3A_2091, %mul3A_2089 : vector<8x128xf32>
      %mul3A_2093 = arith.mulf %mul3A_2086, %add3A_2092 : vector<8x128xf32>
      %add3A_2094 = arith.addf %add3A_2085, %mul3A_2093 : vector<8x128xf32>
      %add3A_2095 = arith.addf %max3A_2079, %add3A_2094 : vector<8x128xf32>
      %mul3A_2096 = arith.mulf %get3A_2071, %get3A_2066 : vector<8x128xf32>
      %sub3A_2097 = arith.subf %add3A_2095, %mul3A_2096 : vector<8x128xf32>
      %gt3A_2098 = arith.constant 0.000000e+00 : f32
      %gt3A_2099 = vector.broadcast %gt3A_2098 : f32 to vector<8x128xf32>
      %gt3A_2100 = arith.cmpf ogt, %get3A_2066, %gt3A_2099 : vector<8x128xf32>
      %jit3A_2101 = arith.constant 1.000000e+00 : f32
      %jit3A_2102 = arith.constant 0.000000e+00 : f32
      %broadcast_in_dim3A_2103 = vector.broadcast %jit3A_2101 : f32 to vector<8x128xf32>
      %broadcast_in_dim3A_2104 = vector.broadcast %jit3A_2102 : f32 to vector<8x128xf32>
      %select_n3A_2105 = arith.select %gt3A_2100, %broadcast_in_dim3A_2103, %broadcast_in_dim3A_2104 : vector<8x128xi1>, vector<8x128xf32>
      %mul3A_2106 = arith.mulf %get3A_2071, %sub3A_2097 : vector<8x128xf32>
      %mul3A_2107 = arith.mulf %get3A_2071, %select_n3A_2105 : vector<8x128xf32>
      %add3A_2108 = arith.addf %add3A_2055, %mul3A_2106 : vector<8x128xf32>
      %add3A_2109 = arith.addf %add3A_2056, %sub3A_2097 : vector<8x128xf32>
      %add3A_2110 = arith.addf %add3A_2057, %get3A_2071 : vector<8x128xf32>
      %add3A_2111 = arith.addf %add3A_2058, %select_n3A_2105 : vector<8x128xf32>
      %add3A_2112 = arith.addf %add3A_2059, %mul3A_2107 : vector<8x128xf32>
      %scan3A_2113 = arith.constant 39 : i32
      %scan3A_2114 = arith.addi %scan3A_51, %scan3A_2113 : i32
      %mul3A_2115 = arith.constant 8 : i32
      %mul3A_2116 = arith.muli %scan3A_2114, %mul3A_2115 : i32
      %get3A_2117 = arith.index_cast %mul3A_2116 : i32 to index
      %get3A_2118 = arith.constant 0 : index
      %get3A_2119 = vector.load %arg4[%get3A_2117, %get3A_2118] : memref<4096x128xf32, #tpu.memory_space<vmem>>, vector<8x128xf32>
      %mul3A_2120 = arith.constant 8 : i32
      %mul3A_2121 = arith.muli %scan3A_2114, %mul3A_2120 : i32
      %get3A_2122 = arith.index_cast %mul3A_2121 : i32 to index
      %get3A_2123 = arith.constant 0 : index
      %get3A_2124 = vector.load %arg5[%get3A_2122, %get3A_2123] : memref<4096x128xf32, #tpu.memory_space<vmem>>, vector<8x128xf32>
      %abs3A_2125 = math.absf %get3A_2119 : vector<8x128xf32>
      %neg3A_2126 = arith.constant 0.000000e+00 : f32
      %neg3A_2127 = vector.broadcast %neg3A_2126 : f32 to vector<8x128xf32>
      %neg3A_2128 = arith.subf %neg3A_2127, %abs3A_2125 : vector<8x128xf32>
      %exp3A_2129 = math.exp %neg3A_2128 : vector<8x128xf32>
      %max3A_2130 = arith.constant 0.000000e+00 : f32
      %max3A_2131 = vector.broadcast %max3A_2130 : f32 to vector<8x128xf32>
      %max3A_2132 = arith.maximumf %get3A_2119, %max3A_2131 : vector<8x128xf32>
      %mul3A_2133 = arith.constant 0.979751825 : f32
      %mul3A_2134 = vector.broadcast %mul3A_2133 : f32 to vector<8x128xf32>
      %mul3A_2135 = arith.mulf %mul3A_2134, %exp3A_2129 : vector<8x128xf32>
      %add3A_2136 = arith.constant 9.25303961E-4 : f32
      %add3A_2137 = vector.broadcast %add3A_2136 : f32 to vector<8x128xf32>
      %add3A_2138 = arith.addf %add3A_2137, %mul3A_2135 : vector<8x128xf32>
      %mul3A_2139 = arith.mulf %exp3A_2129, %exp3A_2129 : vector<8x128xf32>
      %mul3A_2140 = arith.constant 0.106683962 : f32
      %mul3A_2141 = vector.broadcast %mul3A_2140 : f32 to vector<8x128xf32>
      %mul3A_2142 = arith.mulf %mul3A_2141, %exp3A_2129 : vector<8x128xf32>
      %add3A_2143 = arith.constant -0.393533558 : f32
      %add3A_2144 = vector.broadcast %add3A_2143 : f32 to vector<8x128xf32>
      %add3A_2145 = arith.addf %add3A_2144, %mul3A_2142 : vector<8x128xf32>
      %mul3A_2146 = arith.mulf %mul3A_2139, %add3A_2145 : vector<8x128xf32>
      %add3A_2147 = arith.addf %add3A_2138, %mul3A_2146 : vector<8x128xf32>
      %add3A_2148 = arith.addf %max3A_2132, %add3A_2147 : vector<8x128xf32>
      %mul3A_2149 = arith.mulf %get3A_2124, %get3A_2119 : vector<8x128xf32>
      %sub3A_2150 = arith.subf %add3A_2148, %mul3A_2149 : vector<8x128xf32>
      %gt3A_2151 = arith.constant 0.000000e+00 : f32
      %gt3A_2152 = vector.broadcast %gt3A_2151 : f32 to vector<8x128xf32>
      %gt3A_2153 = arith.cmpf ogt, %get3A_2119, %gt3A_2152 : vector<8x128xf32>
      %jit3A_2154 = arith.constant 1.000000e+00 : f32
      %jit3A_2155 = arith.constant 0.000000e+00 : f32
      %broadcast_in_dim3A_2156 = vector.broadcast %jit3A_2154 : f32 to vector<8x128xf32>
      %broadcast_in_dim3A_2157 = vector.broadcast %jit3A_2155 : f32 to vector<8x128xf32>
      %select_n3A_2158 = arith.select %gt3A_2153, %broadcast_in_dim3A_2156, %broadcast_in_dim3A_2157 : vector<8x128xi1>, vector<8x128xf32>
      %mul3A_2159 = arith.mulf %get3A_2124, %sub3A_2150 : vector<8x128xf32>
      %mul3A_2160 = arith.mulf %get3A_2124, %select_n3A_2158 : vector<8x128xf32>
      %add3A_2161 = arith.addf %add3A_2108, %mul3A_2159 : vector<8x128xf32>
      %add3A_2162 = arith.addf %add3A_2109, %sub3A_2150 : vector<8x128xf32>
      %add3A_2163 = arith.addf %add3A_2110, %get3A_2124 : vector<8x128xf32>
      %add3A_2164 = arith.addf %add3A_2111, %select_n3A_2158 : vector<8x128xf32>
      %add3A_2165 = arith.addf %add3A_2112, %mul3A_2160 : vector<8x128xf32>
      %scan3A_2166 = arith.constant 40 : i32
      %scan3A_2167 = arith.addi %scan3A_51, %scan3A_2166 : i32
      %mul3A_2168 = arith.constant 8 : i32
      %mul3A_2169 = arith.muli %scan3A_2167, %mul3A_2168 : i32
      %get3A_2170 = arith.index_cast %mul3A_2169 : i32 to index
      %get3A_2171 = arith.constant 0 : index
      %get3A_2172 = vector.load %arg4[%get3A_2170, %get3A_2171] : memref<4096x128xf32, #tpu.memory_space<vmem>>, vector<8x128xf32>
      %mul3A_2173 = arith.constant 8 : i32
      %mul3A_2174 = arith.muli %scan3A_2167, %mul3A_2173 : i32
      %get3A_2175 = arith.index_cast %mul3A_2174 : i32 to index
      %get3A_2176 = arith.constant 0 : index
      %get3A_2177 = vector.load %arg5[%get3A_2175, %get3A_2176] : memref<4096x128xf32, #tpu.memory_space<vmem>>, vector<8x128xf32>
      %abs3A_2178 = math.absf %get3A_2172 : vector<8x128xf32>
      %neg3A_2179 = arith.constant 0.000000e+00 : f32
      %neg3A_2180 = vector.broadcast %neg3A_2179 : f32 to vector<8x128xf32>
      %neg3A_2181 = arith.subf %neg3A_2180, %abs3A_2178 : vector<8x128xf32>
      %exp3A_2182 = math.exp %neg3A_2181 : vector<8x128xf32>
      %max3A_2183 = arith.constant 0.000000e+00 : f32
      %max3A_2184 = vector.broadcast %max3A_2183 : f32 to vector<8x128xf32>
      %max3A_2185 = arith.maximumf %get3A_2172, %max3A_2184 : vector<8x128xf32>
      %mul3A_2186 = arith.constant 0.979751825 : f32
      %mul3A_2187 = vector.broadcast %mul3A_2186 : f32 to vector<8x128xf32>
      %mul3A_2188 = arith.mulf %mul3A_2187, %exp3A_2182 : vector<8x128xf32>
      %add3A_2189 = arith.constant 9.25303961E-4 : f32
      %add3A_2190 = vector.broadcast %add3A_2189 : f32 to vector<8x128xf32>
      %add3A_2191 = arith.addf %add3A_2190, %mul3A_2188 : vector<8x128xf32>
      %mul3A_2192 = arith.mulf %exp3A_2182, %exp3A_2182 : vector<8x128xf32>
      %mul3A_2193 = arith.constant 0.106683962 : f32
      %mul3A_2194 = vector.broadcast %mul3A_2193 : f32 to vector<8x128xf32>
      %mul3A_2195 = arith.mulf %mul3A_2194, %exp3A_2182 : vector<8x128xf32>
      %add3A_2196 = arith.constant -0.393533558 : f32
      %add3A_2197 = vector.broadcast %add3A_2196 : f32 to vector<8x128xf32>
      %add3A_2198 = arith.addf %add3A_2197, %mul3A_2195 : vector<8x128xf32>
      %mul3A_2199 = arith.mulf %mul3A_2192, %add3A_2198 : vector<8x128xf32>
      %add3A_2200 = arith.addf %add3A_2191, %mul3A_2199 : vector<8x128xf32>
      %add3A_2201 = arith.addf %max3A_2185, %add3A_2200 : vector<8x128xf32>
      %mul3A_2202 = arith.mulf %get3A_2177, %get3A_2172 : vector<8x128xf32>
      %sub3A_2203 = arith.subf %add3A_2201, %mul3A_2202 : vector<8x128xf32>
      %gt3A_2204 = arith.constant 0.000000e+00 : f32
      %gt3A_2205 = vector.broadcast %gt3A_2204 : f32 to vector<8x128xf32>
      %gt3A_2206 = arith.cmpf ogt, %get3A_2172, %gt3A_2205 : vector<8x128xf32>
      %jit3A_2207 = arith.constant 1.000000e+00 : f32
      %jit3A_2208 = arith.constant 0.000000e+00 : f32
      %broadcast_in_dim3A_2209 = vector.broadcast %jit3A_2207 : f32 to vector<8x128xf32>
      %broadcast_in_dim3A_2210 = vector.broadcast %jit3A_2208 : f32 to vector<8x128xf32>
      %select_n3A_2211 = arith.select %gt3A_2206, %broadcast_in_dim3A_2209, %broadcast_in_dim3A_2210 : vector<8x128xi1>, vector<8x128xf32>
      %mul3A_2212 = arith.mulf %get3A_2177, %sub3A_2203 : vector<8x128xf32>
      %mul3A_2213 = arith.mulf %get3A_2177, %select_n3A_2211 : vector<8x128xf32>
      %add3A_2214 = arith.addf %add3A_2161, %mul3A_2212 : vector<8x128xf32>
      %add3A_2215 = arith.addf %add3A_2162, %sub3A_2203 : vector<8x128xf32>
      %add3A_2216 = arith.addf %add3A_2163, %get3A_2177 : vector<8x128xf32>
      %add3A_2217 = arith.addf %add3A_2164, %select_n3A_2211 : vector<8x128xf32>
      %add3A_2218 = arith.addf %add3A_2165, %mul3A_2213 : vector<8x128xf32>
      %scan3A_2219 = arith.constant 41 : i32
      %scan3A_2220 = arith.addi %scan3A_51, %scan3A_2219 : i32
      %mul3A_2221 = arith.constant 8 : i32
      %mul3A_2222 = arith.muli %scan3A_2220, %mul3A_2221 : i32
      %get3A_2223 = arith.index_cast %mul3A_2222 : i32 to index
      %get3A_2224 = arith.constant 0 : index
      %get3A_2225 = vector.load %arg4[%get3A_2223, %get3A_2224] : memref<4096x128xf32, #tpu.memory_space<vmem>>, vector<8x128xf32>
      %mul3A_2226 = arith.constant 8 : i32
      %mul3A_2227 = arith.muli %scan3A_2220, %mul3A_2226 : i32
      %get3A_2228 = arith.index_cast %mul3A_2227 : i32 to index
      %get3A_2229 = arith.constant 0 : index
      %get3A_2230 = vector.load %arg5[%get3A_2228, %get3A_2229] : memref<4096x128xf32, #tpu.memory_space<vmem>>, vector<8x128xf32>
      %abs3A_2231 = math.absf %get3A_2225 : vector<8x128xf32>
      %neg3A_2232 = arith.constant 0.000000e+00 : f32
      %neg3A_2233 = vector.broadcast %neg3A_2232 : f32 to vector<8x128xf32>
      %neg3A_2234 = arith.subf %neg3A_2233, %abs3A_2231 : vector<8x128xf32>
      %exp3A_2235 = math.exp %neg3A_2234 : vector<8x128xf32>
      %max3A_2236 = arith.constant 0.000000e+00 : f32
      %max3A_2237 = vector.broadcast %max3A_2236 : f32 to vector<8x128xf32>
      %max3A_2238 = arith.maximumf %get3A_2225, %max3A_2237 : vector<8x128xf32>
      %mul3A_2239 = arith.constant 0.979751825 : f32
      %mul3A_2240 = vector.broadcast %mul3A_2239 : f32 to vector<8x128xf32>
      %mul3A_2241 = arith.mulf %mul3A_2240, %exp3A_2235 : vector<8x128xf32>
      %add3A_2242 = arith.constant 9.25303961E-4 : f32
      %add3A_2243 = vector.broadcast %add3A_2242 : f32 to vector<8x128xf32>
      %add3A_2244 = arith.addf %add3A_2243, %mul3A_2241 : vector<8x128xf32>
      %mul3A_2245 = arith.mulf %exp3A_2235, %exp3A_2235 : vector<8x128xf32>
      %mul3A_2246 = arith.constant 0.106683962 : f32
      %mul3A_2247 = vector.broadcast %mul3A_2246 : f32 to vector<8x128xf32>
      %mul3A_2248 = arith.mulf %mul3A_2247, %exp3A_2235 : vector<8x128xf32>
      %add3A_2249 = arith.constant -0.393533558 : f32
      %add3A_2250 = vector.broadcast %add3A_2249 : f32 to vector<8x128xf32>
      %add3A_2251 = arith.addf %add3A_2250, %mul3A_2248 : vector<8x128xf32>
      %mul3A_2252 = arith.mulf %mul3A_2245, %add3A_2251 : vector<8x128xf32>
      %add3A_2253 = arith.addf %add3A_2244, %mul3A_2252 : vector<8x128xf32>
      %add3A_2254 = arith.addf %max3A_2238, %add3A_2253 : vector<8x128xf32>
      %mul3A_2255 = arith.mulf %get3A_2230, %get3A_2225 : vector<8x128xf32>
      %sub3A_2256 = arith.subf %add3A_2254, %mul3A_2255 : vector<8x128xf32>
      %gt3A_2257 = arith.constant 0.000000e+00 : f32
      %gt3A_2258 = vector.broadcast %gt3A_2257 : f32 to vector<8x128xf32>
      %gt3A_2259 = arith.cmpf ogt, %get3A_2225, %gt3A_2258 : vector<8x128xf32>
      %jit3A_2260 = arith.constant 1.000000e+00 : f32
      %jit3A_2261 = arith.constant 0.000000e+00 : f32
      %broadcast_in_dim3A_2262 = vector.broadcast %jit3A_2260 : f32 to vector<8x128xf32>
      %broadcast_in_dim3A_2263 = vector.broadcast %jit3A_2261 : f32 to vector<8x128xf32>
      %select_n3A_2264 = arith.select %gt3A_2259, %broadcast_in_dim3A_2262, %broadcast_in_dim3A_2263 : vector<8x128xi1>, vector<8x128xf32>
      %mul3A_2265 = arith.mulf %get3A_2230, %sub3A_2256 : vector<8x128xf32>
      %mul3A_2266 = arith.mulf %get3A_2230, %select_n3A_2264 : vector<8x128xf32>
      %add3A_2267 = arith.addf %add3A_2214, %mul3A_2265 : vector<8x128xf32>
      %add3A_2268 = arith.addf %add3A_2215, %sub3A_2256 : vector<8x128xf32>
      %add3A_2269 = arith.addf %add3A_2216, %get3A_2230 : vector<8x128xf32>
      %add3A_2270 = arith.addf %add3A_2217, %select_n3A_2264 : vector<8x128xf32>
      %add3A_2271 = arith.addf %add3A_2218, %mul3A_2266 : vector<8x128xf32>
      %scan3A_2272 = arith.constant 42 : i32
      %scan3A_2273 = arith.addi %scan3A_51, %scan3A_2272 : i32
      %mul3A_2274 = arith.constant 8 : i32
      %mul3A_2275 = arith.muli %scan3A_2273, %mul3A_2274 : i32
      %get3A_2276 = arith.index_cast %mul3A_2275 : i32 to index
      %get3A_2277 = arith.constant 0 : index
      %get3A_2278 = vector.load %arg4[%get3A_2276, %get3A_2277] : memref<4096x128xf32, #tpu.memory_space<vmem>>, vector<8x128xf32>
      %mul3A_2279 = arith.constant 8 : i32
      %mul3A_2280 = arith.muli %scan3A_2273, %mul3A_2279 : i32
      %get3A_2281 = arith.index_cast %mul3A_2280 : i32 to index
      %get3A_2282 = arith.constant 0 : index
      %get3A_2283 = vector.load %arg5[%get3A_2281, %get3A_2282] : memref<4096x128xf32, #tpu.memory_space<vmem>>, vector<8x128xf32>
      %abs3A_2284 = math.absf %get3A_2278 : vector<8x128xf32>
      %neg3A_2285 = arith.constant 0.000000e+00 : f32
      %neg3A_2286 = vector.broadcast %neg3A_2285 : f32 to vector<8x128xf32>
      %neg3A_2287 = arith.subf %neg3A_2286, %abs3A_2284 : vector<8x128xf32>
      %exp3A_2288 = math.exp %neg3A_2287 : vector<8x128xf32>
      %max3A_2289 = arith.constant 0.000000e+00 : f32
      %max3A_2290 = vector.broadcast %max3A_2289 : f32 to vector<8x128xf32>
      %max3A_2291 = arith.maximumf %get3A_2278, %max3A_2290 : vector<8x128xf32>
      %mul3A_2292 = arith.constant 0.979751825 : f32
      %mul3A_2293 = vector.broadcast %mul3A_2292 : f32 to vector<8x128xf32>
      %mul3A_2294 = arith.mulf %mul3A_2293, %exp3A_2288 : vector<8x128xf32>
      %add3A_2295 = arith.constant 9.25303961E-4 : f32
      %add3A_2296 = vector.broadcast %add3A_2295 : f32 to vector<8x128xf32>
      %add3A_2297 = arith.addf %add3A_2296, %mul3A_2294 : vector<8x128xf32>
      %mul3A_2298 = arith.mulf %exp3A_2288, %exp3A_2288 : vector<8x128xf32>
      %mul3A_2299 = arith.constant 0.106683962 : f32
      %mul3A_2300 = vector.broadcast %mul3A_2299 : f32 to vector<8x128xf32>
      %mul3A_2301 = arith.mulf %mul3A_2300, %exp3A_2288 : vector<8x128xf32>
      %add3A_2302 = arith.constant -0.393533558 : f32
      %add3A_2303 = vector.broadcast %add3A_2302 : f32 to vector<8x128xf32>
      %add3A_2304 = arith.addf %add3A_2303, %mul3A_2301 : vector<8x128xf32>
      %mul3A_2305 = arith.mulf %mul3A_2298, %add3A_2304 : vector<8x128xf32>
      %add3A_2306 = arith.addf %add3A_2297, %mul3A_2305 : vector<8x128xf32>
      %add3A_2307 = arith.addf %max3A_2291, %add3A_2306 : vector<8x128xf32>
      %mul3A_2308 = arith.mulf %get3A_2283, %get3A_2278 : vector<8x128xf32>
      %sub3A_2309 = arith.subf %add3A_2307, %mul3A_2308 : vector<8x128xf32>
      %gt3A_2310 = arith.constant 0.000000e+00 : f32
      %gt3A_2311 = vector.broadcast %gt3A_2310 : f32 to vector<8x128xf32>
      %gt3A_2312 = arith.cmpf ogt, %get3A_2278, %gt3A_2311 : vector<8x128xf32>
      %jit3A_2313 = arith.constant 1.000000e+00 : f32
      %jit3A_2314 = arith.constant 0.000000e+00 : f32
      %broadcast_in_dim3A_2315 = vector.broadcast %jit3A_2313 : f32 to vector<8x128xf32>
      %broadcast_in_dim3A_2316 = vector.broadcast %jit3A_2314 : f32 to vector<8x128xf32>
      %select_n3A_2317 = arith.select %gt3A_2312, %broadcast_in_dim3A_2315, %broadcast_in_dim3A_2316 : vector<8x128xi1>, vector<8x128xf32>
      %mul3A_2318 = arith.mulf %get3A_2283, %sub3A_2309 : vector<8x128xf32>
      %mul3A_2319 = arith.mulf %get3A_2283, %select_n3A_2317 : vector<8x128xf32>
      %add3A_2320 = arith.addf %add3A_2267, %mul3A_2318 : vector<8x128xf32>
      %add3A_2321 = arith.addf %add3A_2268, %sub3A_2309 : vector<8x128xf32>
      %add3A_2322 = arith.addf %add3A_2269, %get3A_2283 : vector<8x128xf32>
      %add3A_2323 = arith.addf %add3A_2270, %select_n3A_2317 : vector<8x128xf32>
      %add3A_2324 = arith.addf %add3A_2271, %mul3A_2319 : vector<8x128xf32>
      %scan3A_2325 = arith.constant 43 : i32
      %scan3A_2326 = arith.addi %scan3A_51, %scan3A_2325 : i32
      %mul3A_2327 = arith.constant 8 : i32
      %mul3A_2328 = arith.muli %scan3A_2326, %mul3A_2327 : i32
      %get3A_2329 = arith.index_cast %mul3A_2328 : i32 to index
      %get3A_2330 = arith.constant 0 : index
      %get3A_2331 = vector.load %arg4[%get3A_2329, %get3A_2330] : memref<4096x128xf32, #tpu.memory_space<vmem>>, vector<8x128xf32>
      %mul3A_2332 = arith.constant 8 : i32
      %mul3A_2333 = arith.muli %scan3A_2326, %mul3A_2332 : i32
      %get3A_2334 = arith.index_cast %mul3A_2333 : i32 to index
      %get3A_2335 = arith.constant 0 : index
      %get3A_2336 = vector.load %arg5[%get3A_2334, %get3A_2335] : memref<4096x128xf32, #tpu.memory_space<vmem>>, vector<8x128xf32>
      %abs3A_2337 = math.absf %get3A_2331 : vector<8x128xf32>
      %neg3A_2338 = arith.constant 0.000000e+00 : f32
      %neg3A_2339 = vector.broadcast %neg3A_2338 : f32 to vector<8x128xf32>
      %neg3A_2340 = arith.subf %neg3A_2339, %abs3A_2337 : vector<8x128xf32>
      %exp3A_2341 = math.exp %neg3A_2340 : vector<8x128xf32>
      %max3A_2342 = arith.constant 0.000000e+00 : f32
      %max3A_2343 = vector.broadcast %max3A_2342 : f32 to vector<8x128xf32>
      %max3A_2344 = arith.maximumf %get3A_2331, %max3A_2343 : vector<8x128xf32>
      %mul3A_2345 = arith.constant 0.979751825 : f32
      %mul3A_2346 = vector.broadcast %mul3A_2345 : f32 to vector<8x128xf32>
      %mul3A_2347 = arith.mulf %mul3A_2346, %exp3A_2341 : vector<8x128xf32>
      %add3A_2348 = arith.constant 9.25303961E-4 : f32
      %add3A_2349 = vector.broadcast %add3A_2348 : f32 to vector<8x128xf32>
      %add3A_2350 = arith.addf %add3A_2349, %mul3A_2347 : vector<8x128xf32>
      %mul3A_2351 = arith.mulf %exp3A_2341, %exp3A_2341 : vector<8x128xf32>
      %mul3A_2352 = arith.constant 0.106683962 : f32
      %mul3A_2353 = vector.broadcast %mul3A_2352 : f32 to vector<8x128xf32>
      %mul3A_2354 = arith.mulf %mul3A_2353, %exp3A_2341 : vector<8x128xf32>
      %add3A_2355 = arith.constant -0.393533558 : f32
      %add3A_2356 = vector.broadcast %add3A_2355 : f32 to vector<8x128xf32>
      %add3A_2357 = arith.addf %add3A_2356, %mul3A_2354 : vector<8x128xf32>
      %mul3A_2358 = arith.mulf %mul3A_2351, %add3A_2357 : vector<8x128xf32>
      %add3A_2359 = arith.addf %add3A_2350, %mul3A_2358 : vector<8x128xf32>
      %add3A_2360 = arith.addf %max3A_2344, %add3A_2359 : vector<8x128xf32>
      %mul3A_2361 = arith.mulf %get3A_2336, %get3A_2331 : vector<8x128xf32>
      %sub3A_2362 = arith.subf %add3A_2360, %mul3A_2361 : vector<8x128xf32>
      %gt3A_2363 = arith.constant 0.000000e+00 : f32
      %gt3A_2364 = vector.broadcast %gt3A_2363 : f32 to vector<8x128xf32>
      %gt3A_2365 = arith.cmpf ogt, %get3A_2331, %gt3A_2364 : vector<8x128xf32>
      %jit3A_2366 = arith.constant 1.000000e+00 : f32
      %jit3A_2367 = arith.constant 0.000000e+00 : f32
      %broadcast_in_dim3A_2368 = vector.broadcast %jit3A_2366 : f32 to vector<8x128xf32>
      %broadcast_in_dim3A_2369 = vector.broadcast %jit3A_2367 : f32 to vector<8x128xf32>
      %select_n3A_2370 = arith.select %gt3A_2365, %broadcast_in_dim3A_2368, %broadcast_in_dim3A_2369 : vector<8x128xi1>, vector<8x128xf32>
      %mul3A_2371 = arith.mulf %get3A_2336, %sub3A_2362 : vector<8x128xf32>
      %mul3A_2372 = arith.mulf %get3A_2336, %select_n3A_2370 : vector<8x128xf32>
      %add3A_2373 = arith.addf %add3A_2320, %mul3A_2371 : vector<8x128xf32>
      %add3A_2374 = arith.addf %add3A_2321, %sub3A_2362 : vector<8x128xf32>
      %add3A_2375 = arith.addf %add3A_2322, %get3A_2336 : vector<8x128xf32>
      %add3A_2376 = arith.addf %add3A_2323, %select_n3A_2370 : vector<8x128xf32>
      %add3A_2377 = arith.addf %add3A_2324, %mul3A_2372 : vector<8x128xf32>
      %scan3A_2378 = arith.constant 44 : i32
      %scan3A_2379 = arith.addi %scan3A_51, %scan3A_2378 : i32
      %mul3A_2380 = arith.constant 8 : i32
      %mul3A_2381 = arith.muli %scan3A_2379, %mul3A_2380 : i32
      %get3A_2382 = arith.index_cast %mul3A_2381 : i32 to index
      %get3A_2383 = arith.constant 0 : index
      %get3A_2384 = vector.load %arg4[%get3A_2382, %get3A_2383] : memref<4096x128xf32, #tpu.memory_space<vmem>>, vector<8x128xf32>
      %mul3A_2385 = arith.constant 8 : i32
      %mul3A_2386 = arith.muli %scan3A_2379, %mul3A_2385 : i32
      %get3A_2387 = arith.index_cast %mul3A_2386 : i32 to index
      %get3A_2388 = arith.constant 0 : index
      %get3A_2389 = vector.load %arg5[%get3A_2387, %get3A_2388] : memref<4096x128xf32, #tpu.memory_space<vmem>>, vector<8x128xf32>
      %abs3A_2390 = math.absf %get3A_2384 : vector<8x128xf32>
      %neg3A_2391 = arith.constant 0.000000e+00 : f32
      %neg3A_2392 = vector.broadcast %neg3A_2391 : f32 to vector<8x128xf32>
      %neg3A_2393 = arith.subf %neg3A_2392, %abs3A_2390 : vector<8x128xf32>
      %exp3A_2394 = math.exp %neg3A_2393 : vector<8x128xf32>
      %max3A_2395 = arith.constant 0.000000e+00 : f32
      %max3A_2396 = vector.broadcast %max3A_2395 : f32 to vector<8x128xf32>
      %max3A_2397 = arith.maximumf %get3A_2384, %max3A_2396 : vector<8x128xf32>
      %mul3A_2398 = arith.constant 0.979751825 : f32
      %mul3A_2399 = vector.broadcast %mul3A_2398 : f32 to vector<8x128xf32>
      %mul3A_2400 = arith.mulf %mul3A_2399, %exp3A_2394 : vector<8x128xf32>
      %add3A_2401 = arith.constant 9.25303961E-4 : f32
      %add3A_2402 = vector.broadcast %add3A_2401 : f32 to vector<8x128xf32>
      %add3A_2403 = arith.addf %add3A_2402, %mul3A_2400 : vector<8x128xf32>
      %mul3A_2404 = arith.mulf %exp3A_2394, %exp3A_2394 : vector<8x128xf32>
      %mul3A_2405 = arith.constant 0.106683962 : f32
      %mul3A_2406 = vector.broadcast %mul3A_2405 : f32 to vector<8x128xf32>
      %mul3A_2407 = arith.mulf %mul3A_2406, %exp3A_2394 : vector<8x128xf32>
      %add3A_2408 = arith.constant -0.393533558 : f32
      %add3A_2409 = vector.broadcast %add3A_2408 : f32 to vector<8x128xf32>
      %add3A_2410 = arith.addf %add3A_2409, %mul3A_2407 : vector<8x128xf32>
      %mul3A_2411 = arith.mulf %mul3A_2404, %add3A_2410 : vector<8x128xf32>
      %add3A_2412 = arith.addf %add3A_2403, %mul3A_2411 : vector<8x128xf32>
      %add3A_2413 = arith.addf %max3A_2397, %add3A_2412 : vector<8x128xf32>
      %mul3A_2414 = arith.mulf %get3A_2389, %get3A_2384 : vector<8x128xf32>
      %sub3A_2415 = arith.subf %add3A_2413, %mul3A_2414 : vector<8x128xf32>
      %gt3A_2416 = arith.constant 0.000000e+00 : f32
      %gt3A_2417 = vector.broadcast %gt3A_2416 : f32 to vector<8x128xf32>
      %gt3A_2418 = arith.cmpf ogt, %get3A_2384, %gt3A_2417 : vector<8x128xf32>
      %jit3A_2419 = arith.constant 1.000000e+00 : f32
      %jit3A_2420 = arith.constant 0.000000e+00 : f32
      %broadcast_in_dim3A_2421 = vector.broadcast %jit3A_2419 : f32 to vector<8x128xf32>
      %broadcast_in_dim3A_2422 = vector.broadcast %jit3A_2420 : f32 to vector<8x128xf32>
      %select_n3A_2423 = arith.select %gt3A_2418, %broadcast_in_dim3A_2421, %broadcast_in_dim3A_2422 : vector<8x128xi1>, vector<8x128xf32>
      %mul3A_2424 = arith.mulf %get3A_2389, %sub3A_2415 : vector<8x128xf32>
      %mul3A_2425 = arith.mulf %get3A_2389, %select_n3A_2423 : vector<8x128xf32>
      %add3A_2426 = arith.addf %add3A_2373, %mul3A_2424 : vector<8x128xf32>
      %add3A_2427 = arith.addf %add3A_2374, %sub3A_2415 : vector<8x128xf32>
      %add3A_2428 = arith.addf %add3A_2375, %get3A_2389 : vector<8x128xf32>
      %add3A_2429 = arith.addf %add3A_2376, %select_n3A_2423 : vector<8x128xf32>
      %add3A_2430 = arith.addf %add3A_2377, %mul3A_2425 : vector<8x128xf32>
      %scan3A_2431 = arith.constant 45 : i32
      %scan3A_2432 = arith.addi %scan3A_51, %scan3A_2431 : i32
      %mul3A_2433 = arith.constant 8 : i32
      %mul3A_2434 = arith.muli %scan3A_2432, %mul3A_2433 : i32
      %get3A_2435 = arith.index_cast %mul3A_2434 : i32 to index
      %get3A_2436 = arith.constant 0 : index
      %get3A_2437 = vector.load %arg4[%get3A_2435, %get3A_2436] : memref<4096x128xf32, #tpu.memory_space<vmem>>, vector<8x128xf32>
      %mul3A_2438 = arith.constant 8 : i32
      %mul3A_2439 = arith.muli %scan3A_2432, %mul3A_2438 : i32
      %get3A_2440 = arith.index_cast %mul3A_2439 : i32 to index
      %get3A_2441 = arith.constant 0 : index
      %get3A_2442 = vector.load %arg5[%get3A_2440, %get3A_2441] : memref<4096x128xf32, #tpu.memory_space<vmem>>, vector<8x128xf32>
      %abs3A_2443 = math.absf %get3A_2437 : vector<8x128xf32>
      %neg3A_2444 = arith.constant 0.000000e+00 : f32
      %neg3A_2445 = vector.broadcast %neg3A_2444 : f32 to vector<8x128xf32>
      %neg3A_2446 = arith.subf %neg3A_2445, %abs3A_2443 : vector<8x128xf32>
      %exp3A_2447 = math.exp %neg3A_2446 : vector<8x128xf32>
      %max3A_2448 = arith.constant 0.000000e+00 : f32
      %max3A_2449 = vector.broadcast %max3A_2448 : f32 to vector<8x128xf32>
      %max3A_2450 = arith.maximumf %get3A_2437, %max3A_2449 : vector<8x128xf32>
      %mul3A_2451 = arith.constant 0.979751825 : f32
      %mul3A_2452 = vector.broadcast %mul3A_2451 : f32 to vector<8x128xf32>
      %mul3A_2453 = arith.mulf %mul3A_2452, %exp3A_2447 : vector<8x128xf32>
      %add3A_2454 = arith.constant 9.25303961E-4 : f32
      %add3A_2455 = vector.broadcast %add3A_2454 : f32 to vector<8x128xf32>
      %add3A_2456 = arith.addf %add3A_2455, %mul3A_2453 : vector<8x128xf32>
      %mul3A_2457 = arith.mulf %exp3A_2447, %exp3A_2447 : vector<8x128xf32>
      %mul3A_2458 = arith.constant 0.106683962 : f32
      %mul3A_2459 = vector.broadcast %mul3A_2458 : f32 to vector<8x128xf32>
      %mul3A_2460 = arith.mulf %mul3A_2459, %exp3A_2447 : vector<8x128xf32>
      %add3A_2461 = arith.constant -0.393533558 : f32
      %add3A_2462 = vector.broadcast %add3A_2461 : f32 to vector<8x128xf32>
      %add3A_2463 = arith.addf %add3A_2462, %mul3A_2460 : vector<8x128xf32>
      %mul3A_2464 = arith.mulf %mul3A_2457, %add3A_2463 : vector<8x128xf32>
      %add3A_2465 = arith.addf %add3A_2456, %mul3A_2464 : vector<8x128xf32>
      %add3A_2466 = arith.addf %max3A_2450, %add3A_2465 : vector<8x128xf32>
      %mul3A_2467 = arith.mulf %get3A_2442, %get3A_2437 : vector<8x128xf32>
      %sub3A_2468 = arith.subf %add3A_2466, %mul3A_2467 : vector<8x128xf32>
      %gt3A_2469 = arith.constant 0.000000e+00 : f32
      %gt3A_2470 = vector.broadcast %gt3A_2469 : f32 to vector<8x128xf32>
      %gt3A_2471 = arith.cmpf ogt, %get3A_2437, %gt3A_2470 : vector<8x128xf32>
      %jit3A_2472 = arith.constant 1.000000e+00 : f32
      %jit3A_2473 = arith.constant 0.000000e+00 : f32
      %broadcast_in_dim3A_2474 = vector.broadcast %jit3A_2472 : f32 to vector<8x128xf32>
      %broadcast_in_dim3A_2475 = vector.broadcast %jit3A_2473 : f32 to vector<8x128xf32>
      %select_n3A_2476 = arith.select %gt3A_2471, %broadcast_in_dim3A_2474, %broadcast_in_dim3A_2475 : vector<8x128xi1>, vector<8x128xf32>
      %mul3A_2477 = arith.mulf %get3A_2442, %sub3A_2468 : vector<8x128xf32>
      %mul3A_2478 = arith.mulf %get3A_2442, %select_n3A_2476 : vector<8x128xf32>
      %add3A_2479 = arith.addf %add3A_2426, %mul3A_2477 : vector<8x128xf32>
      %add3A_2480 = arith.addf %add3A_2427, %sub3A_2468 : vector<8x128xf32>
      %add3A_2481 = arith.addf %add3A_2428, %get3A_2442 : vector<8x128xf32>
      %add3A_2482 = arith.addf %add3A_2429, %select_n3A_2476 : vector<8x128xf32>
      %add3A_2483 = arith.addf %add3A_2430, %mul3A_2478 : vector<8x128xf32>
      %scan3A_2484 = arith.constant 46 : i32
      %scan3A_2485 = arith.addi %scan3A_51, %scan3A_2484 : i32
      %mul3A_2486 = arith.constant 8 : i32
      %mul3A_2487 = arith.muli %scan3A_2485, %mul3A_2486 : i32
      %get3A_2488 = arith.index_cast %mul3A_2487 : i32 to index
      %get3A_2489 = arith.constant 0 : index
      %get3A_2490 = vector.load %arg4[%get3A_2488, %get3A_2489] : memref<4096x128xf32, #tpu.memory_space<vmem>>, vector<8x128xf32>
      %mul3A_2491 = arith.constant 8 : i32
      %mul3A_2492 = arith.muli %scan3A_2485, %mul3A_2491 : i32
      %get3A_2493 = arith.index_cast %mul3A_2492 : i32 to index
      %get3A_2494 = arith.constant 0 : index
      %get3A_2495 = vector.load %arg5[%get3A_2493, %get3A_2494] : memref<4096x128xf32, #tpu.memory_space<vmem>>, vector<8x128xf32>
      %abs3A_2496 = math.absf %get3A_2490 : vector<8x128xf32>
      %neg3A_2497 = arith.constant 0.000000e+00 : f32
      %neg3A_2498 = vector.broadcast %neg3A_2497 : f32 to vector<8x128xf32>
      %neg3A_2499 = arith.subf %neg3A_2498, %abs3A_2496 : vector<8x128xf32>
      %exp3A_2500 = math.exp %neg3A_2499 : vector<8x128xf32>
      %max3A_2501 = arith.constant 0.000000e+00 : f32
      %max3A_2502 = vector.broadcast %max3A_2501 : f32 to vector<8x128xf32>
      %max3A_2503 = arith.maximumf %get3A_2490, %max3A_2502 : vector<8x128xf32>
      %mul3A_2504 = arith.constant 0.979751825 : f32
      %mul3A_2505 = vector.broadcast %mul3A_2504 : f32 to vector<8x128xf32>
      %mul3A_2506 = arith.mulf %mul3A_2505, %exp3A_2500 : vector<8x128xf32>
      %add3A_2507 = arith.constant 9.25303961E-4 : f32
      %add3A_2508 = vector.broadcast %add3A_2507 : f32 to vector<8x128xf32>
      %add3A_2509 = arith.addf %add3A_2508, %mul3A_2506 : vector<8x128xf32>
      %mul3A_2510 = arith.mulf %exp3A_2500, %exp3A_2500 : vector<8x128xf32>
      %mul3A_2511 = arith.constant 0.106683962 : f32
      %mul3A_2512 = vector.broadcast %mul3A_2511 : f32 to vector<8x128xf32>
      %mul3A_2513 = arith.mulf %mul3A_2512, %exp3A_2500 : vector<8x128xf32>
      %add3A_2514 = arith.constant -0.393533558 : f32
      %add3A_2515 = vector.broadcast %add3A_2514 : f32 to vector<8x128xf32>
      %add3A_2516 = arith.addf %add3A_2515, %mul3A_2513 : vector<8x128xf32>
      %mul3A_2517 = arith.mulf %mul3A_2510, %add3A_2516 : vector<8x128xf32>
      %add3A_2518 = arith.addf %add3A_2509, %mul3A_2517 : vector<8x128xf32>
      %add3A_2519 = arith.addf %max3A_2503, %add3A_2518 : vector<8x128xf32>
      %mul3A_2520 = arith.mulf %get3A_2495, %get3A_2490 : vector<8x128xf32>
      %sub3A_2521 = arith.subf %add3A_2519, %mul3A_2520 : vector<8x128xf32>
      %gt3A_2522 = arith.constant 0.000000e+00 : f32
      %gt3A_2523 = vector.broadcast %gt3A_2522 : f32 to vector<8x128xf32>
      %gt3A_2524 = arith.cmpf ogt, %get3A_2490, %gt3A_2523 : vector<8x128xf32>
      %jit3A_2525 = arith.constant 1.000000e+00 : f32
      %jit3A_2526 = arith.constant 0.000000e+00 : f32
      %broadcast_in_dim3A_2527 = vector.broadcast %jit3A_2525 : f32 to vector<8x128xf32>
      %broadcast_in_dim3A_2528 = vector.broadcast %jit3A_2526 : f32 to vector<8x128xf32>
      %select_n3A_2529 = arith.select %gt3A_2524, %broadcast_in_dim3A_2527, %broadcast_in_dim3A_2528 : vector<8x128xi1>, vector<8x128xf32>
      %mul3A_2530 = arith.mulf %get3A_2495, %sub3A_2521 : vector<8x128xf32>
      %mul3A_2531 = arith.mulf %get3A_2495, %select_n3A_2529 : vector<8x128xf32>
      %add3A_2532 = arith.addf %add3A_2479, %mul3A_2530 : vector<8x128xf32>
      %add3A_2533 = arith.addf %add3A_2480, %sub3A_2521 : vector<8x128xf32>
      %add3A_2534 = arith.addf %add3A_2481, %get3A_2495 : vector<8x128xf32>
      %add3A_2535 = arith.addf %add3A_2482, %select_n3A_2529 : vector<8x128xf32>
      %add3A_2536 = arith.addf %add3A_2483, %mul3A_2531 : vector<8x128xf32>
      %scan3A_2537 = arith.constant 47 : i32
      %scan3A_2538 = arith.addi %scan3A_51, %scan3A_2537 : i32
      %mul3A_2539 = arith.constant 8 : i32
      %mul3A_2540 = arith.muli %scan3A_2538, %mul3A_2539 : i32
      %get3A_2541 = arith.index_cast %mul3A_2540 : i32 to index
      %get3A_2542 = arith.constant 0 : index
      %get3A_2543 = vector.load %arg4[%get3A_2541, %get3A_2542] : memref<4096x128xf32, #tpu.memory_space<vmem>>, vector<8x128xf32>
      %mul3A_2544 = arith.constant 8 : i32
      %mul3A_2545 = arith.muli %scan3A_2538, %mul3A_2544 : i32
      %get3A_2546 = arith.index_cast %mul3A_2545 : i32 to index
      %get3A_2547 = arith.constant 0 : index
      %get3A_2548 = vector.load %arg5[%get3A_2546, %get3A_2547] : memref<4096x128xf32, #tpu.memory_space<vmem>>, vector<8x128xf32>
      %abs3A_2549 = math.absf %get3A_2543 : vector<8x128xf32>
      %neg3A_2550 = arith.constant 0.000000e+00 : f32
      %neg3A_2551 = vector.broadcast %neg3A_2550 : f32 to vector<8x128xf32>
      %neg3A_2552 = arith.subf %neg3A_2551, %abs3A_2549 : vector<8x128xf32>
      %exp3A_2553 = math.exp %neg3A_2552 : vector<8x128xf32>
      %max3A_2554 = arith.constant 0.000000e+00 : f32
      %max3A_2555 = vector.broadcast %max3A_2554 : f32 to vector<8x128xf32>
      %max3A_2556 = arith.maximumf %get3A_2543, %max3A_2555 : vector<8x128xf32>
      %mul3A_2557 = arith.constant 0.979751825 : f32
      %mul3A_2558 = vector.broadcast %mul3A_2557 : f32 to vector<8x128xf32>
      %mul3A_2559 = arith.mulf %mul3A_2558, %exp3A_2553 : vector<8x128xf32>
      %add3A_2560 = arith.constant 9.25303961E-4 : f32
      %add3A_2561 = vector.broadcast %add3A_2560 : f32 to vector<8x128xf32>
      %add3A_2562 = arith.addf %add3A_2561, %mul3A_2559 : vector<8x128xf32>
      %mul3A_2563 = arith.mulf %exp3A_2553, %exp3A_2553 : vector<8x128xf32>
      %mul3A_2564 = arith.constant 0.106683962 : f32
      %mul3A_2565 = vector.broadcast %mul3A_2564 : f32 to vector<8x128xf32>
      %mul3A_2566 = arith.mulf %mul3A_2565, %exp3A_2553 : vector<8x128xf32>
      %add3A_2567 = arith.constant -0.393533558 : f32
      %add3A_2568 = vector.broadcast %add3A_2567 : f32 to vector<8x128xf32>
      %add3A_2569 = arith.addf %add3A_2568, %mul3A_2566 : vector<8x128xf32>
      %mul3A_2570 = arith.mulf %mul3A_2563, %add3A_2569 : vector<8x128xf32>
      %add3A_2571 = arith.addf %add3A_2562, %mul3A_2570 : vector<8x128xf32>
      %add3A_2572 = arith.addf %max3A_2556, %add3A_2571 : vector<8x128xf32>
      %mul3A_2573 = arith.mulf %get3A_2548, %get3A_2543 : vector<8x128xf32>
      %sub3A_2574 = arith.subf %add3A_2572, %mul3A_2573 : vector<8x128xf32>
      %gt3A_2575 = arith.constant 0.000000e+00 : f32
      %gt3A_2576 = vector.broadcast %gt3A_2575 : f32 to vector<8x128xf32>
      %gt3A_2577 = arith.cmpf ogt, %get3A_2543, %gt3A_2576 : vector<8x128xf32>
      %jit3A_2578 = arith.constant 1.000000e+00 : f32
      %jit3A_2579 = arith.constant 0.000000e+00 : f32
      %broadcast_in_dim3A_2580 = vector.broadcast %jit3A_2578 : f32 to vector<8x128xf32>
      %broadcast_in_dim3A_2581 = vector.broadcast %jit3A_2579 : f32 to vector<8x128xf32>
      %select_n3A_2582 = arith.select %gt3A_2577, %broadcast_in_dim3A_2580, %broadcast_in_dim3A_2581 : vector<8x128xi1>, vector<8x128xf32>
      %mul3A_2583 = arith.mulf %get3A_2548, %sub3A_2574 : vector<8x128xf32>
      %mul3A_2584 = arith.mulf %get3A_2548, %select_n3A_2582 : vector<8x128xf32>
      %add3A_2585 = arith.addf %add3A_2532, %mul3A_2583 : vector<8x128xf32>
      %add3A_2586 = arith.addf %add3A_2533, %sub3A_2574 : vector<8x128xf32>
      %add3A_2587 = arith.addf %add3A_2534, %get3A_2548 : vector<8x128xf32>
      %add3A_2588 = arith.addf %add3A_2535, %select_n3A_2582 : vector<8x128xf32>
      %add3A_2589 = arith.addf %add3A_2536, %mul3A_2584 : vector<8x128xf32>
      %scan3A_2590 = arith.constant 48 : i32
      %scan3A_2591 = arith.addi %scan3A_51, %scan3A_2590 : i32
      %mul3A_2592 = arith.constant 8 : i32
      %mul3A_2593 = arith.muli %scan3A_2591, %mul3A_2592 : i32
      %get3A_2594 = arith.index_cast %mul3A_2593 : i32 to index
      %get3A_2595 = arith.constant 0 : index
      %get3A_2596 = vector.load %arg4[%get3A_2594, %get3A_2595] : memref<4096x128xf32, #tpu.memory_space<vmem>>, vector<8x128xf32>
      %mul3A_2597 = arith.constant 8 : i32
      %mul3A_2598 = arith.muli %scan3A_2591, %mul3A_2597 : i32
      %get3A_2599 = arith.index_cast %mul3A_2598 : i32 to index
      %get3A_2600 = arith.constant 0 : index
      %get3A_2601 = vector.load %arg5[%get3A_2599, %get3A_2600] : memref<4096x128xf32, #tpu.memory_space<vmem>>, vector<8x128xf32>
      %abs3A_2602 = math.absf %get3A_2596 : vector<8x128xf32>
      %neg3A_2603 = arith.constant 0.000000e+00 : f32
      %neg3A_2604 = vector.broadcast %neg3A_2603 : f32 to vector<8x128xf32>
      %neg3A_2605 = arith.subf %neg3A_2604, %abs3A_2602 : vector<8x128xf32>
      %exp3A_2606 = math.exp %neg3A_2605 : vector<8x128xf32>
      %max3A_2607 = arith.constant 0.000000e+00 : f32
      %max3A_2608 = vector.broadcast %max3A_2607 : f32 to vector<8x128xf32>
      %max3A_2609 = arith.maximumf %get3A_2596, %max3A_2608 : vector<8x128xf32>
      %mul3A_2610 = arith.constant 0.979751825 : f32
      %mul3A_2611 = vector.broadcast %mul3A_2610 : f32 to vector<8x128xf32>
      %mul3A_2612 = arith.mulf %mul3A_2611, %exp3A_2606 : vector<8x128xf32>
      %add3A_2613 = arith.constant 9.25303961E-4 : f32
      %add3A_2614 = vector.broadcast %add3A_2613 : f32 to vector<8x128xf32>
      %add3A_2615 = arith.addf %add3A_2614, %mul3A_2612 : vector<8x128xf32>
      %mul3A_2616 = arith.mulf %exp3A_2606, %exp3A_2606 : vector<8x128xf32>
      %mul3A_2617 = arith.constant 0.106683962 : f32
      %mul3A_2618 = vector.broadcast %mul3A_2617 : f32 to vector<8x128xf32>
      %mul3A_2619 = arith.mulf %mul3A_2618, %exp3A_2606 : vector<8x128xf32>
      %add3A_2620 = arith.constant -0.393533558 : f32
      %add3A_2621 = vector.broadcast %add3A_2620 : f32 to vector<8x128xf32>
      %add3A_2622 = arith.addf %add3A_2621, %mul3A_2619 : vector<8x128xf32>
      %mul3A_2623 = arith.mulf %mul3A_2616, %add3A_2622 : vector<8x128xf32>
      %add3A_2624 = arith.addf %add3A_2615, %mul3A_2623 : vector<8x128xf32>
      %add3A_2625 = arith.addf %max3A_2609, %add3A_2624 : vector<8x128xf32>
      %mul3A_2626 = arith.mulf %get3A_2601, %get3A_2596 : vector<8x128xf32>
      %sub3A_2627 = arith.subf %add3A_2625, %mul3A_2626 : vector<8x128xf32>
      %gt3A_2628 = arith.constant 0.000000e+00 : f32
      %gt3A_2629 = vector.broadcast %gt3A_2628 : f32 to vector<8x128xf32>
      %gt3A_2630 = arith.cmpf ogt, %get3A_2596, %gt3A_2629 : vector<8x128xf32>
      %jit3A_2631 = arith.constant 1.000000e+00 : f32
      %jit3A_2632 = arith.constant 0.000000e+00 : f32
      %broadcast_in_dim3A_2633 = vector.broadcast %jit3A_2631 : f32 to vector<8x128xf32>
      %broadcast_in_dim3A_2634 = vector.broadcast %jit3A_2632 : f32 to vector<8x128xf32>
      %select_n3A_2635 = arith.select %gt3A_2630, %broadcast_in_dim3A_2633, %broadcast_in_dim3A_2634 : vector<8x128xi1>, vector<8x128xf32>
      %mul3A_2636 = arith.mulf %get3A_2601, %sub3A_2627 : vector<8x128xf32>
      %mul3A_2637 = arith.mulf %get3A_2601, %select_n3A_2635 : vector<8x128xf32>
      %add3A_2638 = arith.addf %add3A_2585, %mul3A_2636 : vector<8x128xf32>
      %add3A_2639 = arith.addf %add3A_2586, %sub3A_2627 : vector<8x128xf32>
      %add3A_2640 = arith.addf %add3A_2587, %get3A_2601 : vector<8x128xf32>
      %add3A_2641 = arith.addf %add3A_2588, %select_n3A_2635 : vector<8x128xf32>
      %add3A_2642 = arith.addf %add3A_2589, %mul3A_2637 : vector<8x128xf32>
      %scan3A_2643 = arith.constant 49 : i32
      %scan3A_2644 = arith.addi %scan3A_51, %scan3A_2643 : i32
      %mul3A_2645 = arith.constant 8 : i32
      %mul3A_2646 = arith.muli %scan3A_2644, %mul3A_2645 : i32
      %get3A_2647 = arith.index_cast %mul3A_2646 : i32 to index
      %get3A_2648 = arith.constant 0 : index
      %get3A_2649 = vector.load %arg4[%get3A_2647, %get3A_2648] : memref<4096x128xf32, #tpu.memory_space<vmem>>, vector<8x128xf32>
      %mul3A_2650 = arith.constant 8 : i32
      %mul3A_2651 = arith.muli %scan3A_2644, %mul3A_2650 : i32
      %get3A_2652 = arith.index_cast %mul3A_2651 : i32 to index
      %get3A_2653 = arith.constant 0 : index
      %get3A_2654 = vector.load %arg5[%get3A_2652, %get3A_2653] : memref<4096x128xf32, #tpu.memory_space<vmem>>, vector<8x128xf32>
      %abs3A_2655 = math.absf %get3A_2649 : vector<8x128xf32>
      %neg3A_2656 = arith.constant 0.000000e+00 : f32
      %neg3A_2657 = vector.broadcast %neg3A_2656 : f32 to vector<8x128xf32>
      %neg3A_2658 = arith.subf %neg3A_2657, %abs3A_2655 : vector<8x128xf32>
      %exp3A_2659 = math.exp %neg3A_2658 : vector<8x128xf32>
      %max3A_2660 = arith.constant 0.000000e+00 : f32
      %max3A_2661 = vector.broadcast %max3A_2660 : f32 to vector<8x128xf32>
      %max3A_2662 = arith.maximumf %get3A_2649, %max3A_2661 : vector<8x128xf32>
      %mul3A_2663 = arith.constant 0.979751825 : f32
      %mul3A_2664 = vector.broadcast %mul3A_2663 : f32 to vector<8x128xf32>
      %mul3A_2665 = arith.mulf %mul3A_2664, %exp3A_2659 : vector<8x128xf32>
      %add3A_2666 = arith.constant 9.25303961E-4 : f32
      %add3A_2667 = vector.broadcast %add3A_2666 : f32 to vector<8x128xf32>
      %add3A_2668 = arith.addf %add3A_2667, %mul3A_2665 : vector<8x128xf32>
      %mul3A_2669 = arith.mulf %exp3A_2659, %exp3A_2659 : vector<8x128xf32>
      %mul3A_2670 = arith.constant 0.106683962 : f32
      %mul3A_2671 = vector.broadcast %mul3A_2670 : f32 to vector<8x128xf32>
      %mul3A_2672 = arith.mulf %mul3A_2671, %exp3A_2659 : vector<8x128xf32>
      %add3A_2673 = arith.constant -0.393533558 : f32
      %add3A_2674 = vector.broadcast %add3A_2673 : f32 to vector<8x128xf32>
      %add3A_2675 = arith.addf %add3A_2674, %mul3A_2672 : vector<8x128xf32>
      %mul3A_2676 = arith.mulf %mul3A_2669, %add3A_2675 : vector<8x128xf32>
      %add3A_2677 = arith.addf %add3A_2668, %mul3A_2676 : vector<8x128xf32>
      %add3A_2678 = arith.addf %max3A_2662, %add3A_2677 : vector<8x128xf32>
      %mul3A_2679 = arith.mulf %get3A_2654, %get3A_2649 : vector<8x128xf32>
      %sub3A_2680 = arith.subf %add3A_2678, %mul3A_2679 : vector<8x128xf32>
      %gt3A_2681 = arith.constant 0.000000e+00 : f32
      %gt3A_2682 = vector.broadcast %gt3A_2681 : f32 to vector<8x128xf32>
      %gt3A_2683 = arith.cmpf ogt, %get3A_2649, %gt3A_2682 : vector<8x128xf32>
      %jit3A_2684 = arith.constant 1.000000e+00 : f32
      %jit3A_2685 = arith.constant 0.000000e+00 : f32
      %broadcast_in_dim3A_2686 = vector.broadcast %jit3A_2684 : f32 to vector<8x128xf32>
      %broadcast_in_dim3A_2687 = vector.broadcast %jit3A_2685 : f32 to vector<8x128xf32>
      %select_n3A_2688 = arith.select %gt3A_2683, %broadcast_in_dim3A_2686, %broadcast_in_dim3A_2687 : vector<8x128xi1>, vector<8x128xf32>
      %mul3A_2689 = arith.mulf %get3A_2654, %sub3A_2680 : vector<8x128xf32>
      %mul3A_2690 = arith.mulf %get3A_2654, %select_n3A_2688 : vector<8x128xf32>
      %add3A_2691 = arith.addf %add3A_2638, %mul3A_2689 : vector<8x128xf32>
      %add3A_2692 = arith.addf %add3A_2639, %sub3A_2680 : vector<8x128xf32>
      %add3A_2693 = arith.addf %add3A_2640, %get3A_2654 : vector<8x128xf32>
      %add3A_2694 = arith.addf %add3A_2641, %select_n3A_2688 : vector<8x128xf32>
      %add3A_2695 = arith.addf %add3A_2642, %mul3A_2690 : vector<8x128xf32>
      %scan3A_2696 = arith.constant 50 : i32
      %scan3A_2697 = arith.addi %scan3A_51, %scan3A_2696 : i32
      %mul3A_2698 = arith.constant 8 : i32
      %mul3A_2699 = arith.muli %scan3A_2697, %mul3A_2698 : i32
      %get3A_2700 = arith.index_cast %mul3A_2699 : i32 to index
      %get3A_2701 = arith.constant 0 : index
      %get3A_2702 = vector.load %arg4[%get3A_2700, %get3A_2701] : memref<4096x128xf32, #tpu.memory_space<vmem>>, vector<8x128xf32>
      %mul3A_2703 = arith.constant 8 : i32
      %mul3A_2704 = arith.muli %scan3A_2697, %mul3A_2703 : i32
      %get3A_2705 = arith.index_cast %mul3A_2704 : i32 to index
      %get3A_2706 = arith.constant 0 : index
      %get3A_2707 = vector.load %arg5[%get3A_2705, %get3A_2706] : memref<4096x128xf32, #tpu.memory_space<vmem>>, vector<8x128xf32>
      %abs3A_2708 = math.absf %get3A_2702 : vector<8x128xf32>
      %neg3A_2709 = arith.constant 0.000000e+00 : f32
      %neg3A_2710 = vector.broadcast %neg3A_2709 : f32 to vector<8x128xf32>
      %neg3A_2711 = arith.subf %neg3A_2710, %abs3A_2708 : vector<8x128xf32>
      %exp3A_2712 = math.exp %neg3A_2711 : vector<8x128xf32>
      %max3A_2713 = arith.constant 0.000000e+00 : f32
      %max3A_2714 = vector.broadcast %max3A_2713 : f32 to vector<8x128xf32>
      %max3A_2715 = arith.maximumf %get3A_2702, %max3A_2714 : vector<8x128xf32>
      %mul3A_2716 = arith.constant 0.979751825 : f32
      %mul3A_2717 = vector.broadcast %mul3A_2716 : f32 to vector<8x128xf32>
      %mul3A_2718 = arith.mulf %mul3A_2717, %exp3A_2712 : vector<8x128xf32>
      %add3A_2719 = arith.constant 9.25303961E-4 : f32
      %add3A_2720 = vector.broadcast %add3A_2719 : f32 to vector<8x128xf32>
      %add3A_2721 = arith.addf %add3A_2720, %mul3A_2718 : vector<8x128xf32>
      %mul3A_2722 = arith.mulf %exp3A_2712, %exp3A_2712 : vector<8x128xf32>
      %mul3A_2723 = arith.constant 0.106683962 : f32
      %mul3A_2724 = vector.broadcast %mul3A_2723 : f32 to vector<8x128xf32>
      %mul3A_2725 = arith.mulf %mul3A_2724, %exp3A_2712 : vector<8x128xf32>
      %add3A_2726 = arith.constant -0.393533558 : f32
      %add3A_2727 = vector.broadcast %add3A_2726 : f32 to vector<8x128xf32>
      %add3A_2728 = arith.addf %add3A_2727, %mul3A_2725 : vector<8x128xf32>
      %mul3A_2729 = arith.mulf %mul3A_2722, %add3A_2728 : vector<8x128xf32>
      %add3A_2730 = arith.addf %add3A_2721, %mul3A_2729 : vector<8x128xf32>
      %add3A_2731 = arith.addf %max3A_2715, %add3A_2730 : vector<8x128xf32>
      %mul3A_2732 = arith.mulf %get3A_2707, %get3A_2702 : vector<8x128xf32>
      %sub3A_2733 = arith.subf %add3A_2731, %mul3A_2732 : vector<8x128xf32>
      %gt3A_2734 = arith.constant 0.000000e+00 : f32
      %gt3A_2735 = vector.broadcast %gt3A_2734 : f32 to vector<8x128xf32>
      %gt3A_2736 = arith.cmpf ogt, %get3A_2702, %gt3A_2735 : vector<8x128xf32>
      %jit3A_2737 = arith.constant 1.000000e+00 : f32
      %jit3A_2738 = arith.constant 0.000000e+00 : f32
      %broadcast_in_dim3A_2739 = vector.broadcast %jit3A_2737 : f32 to vector<8x128xf32>
      %broadcast_in_dim3A_2740 = vector.broadcast %jit3A_2738 : f32 to vector<8x128xf32>
      %select_n3A_2741 = arith.select %gt3A_2736, %broadcast_in_dim3A_2739, %broadcast_in_dim3A_2740 : vector<8x128xi1>, vector<8x128xf32>
      %mul3A_2742 = arith.mulf %get3A_2707, %sub3A_2733 : vector<8x128xf32>
      %mul3A_2743 = arith.mulf %get3A_2707, %select_n3A_2741 : vector<8x128xf32>
      %add3A_2744 = arith.addf %add3A_2691, %mul3A_2742 : vector<8x128xf32>
      %add3A_2745 = arith.addf %add3A_2692, %sub3A_2733 : vector<8x128xf32>
      %add3A_2746 = arith.addf %add3A_2693, %get3A_2707 : vector<8x128xf32>
      %add3A_2747 = arith.addf %add3A_2694, %select_n3A_2741 : vector<8x128xf32>
      %add3A_2748 = arith.addf %add3A_2695, %mul3A_2743 : vector<8x128xf32>
      %scan3A_2749 = arith.constant 51 : i32
      %scan3A_2750 = arith.addi %scan3A_51, %scan3A_2749 : i32
      %mul3A_2751 = arith.constant 8 : i32
      %mul3A_2752 = arith.muli %scan3A_2750, %mul3A_2751 : i32
      %get3A_2753 = arith.index_cast %mul3A_2752 : i32 to index
      %get3A_2754 = arith.constant 0 : index
      %get3A_2755 = vector.load %arg4[%get3A_2753, %get3A_2754] : memref<4096x128xf32, #tpu.memory_space<vmem>>, vector<8x128xf32>
      %mul3A_2756 = arith.constant 8 : i32
      %mul3A_2757 = arith.muli %scan3A_2750, %mul3A_2756 : i32
      %get3A_2758 = arith.index_cast %mul3A_2757 : i32 to index
      %get3A_2759 = arith.constant 0 : index
      %get3A_2760 = vector.load %arg5[%get3A_2758, %get3A_2759] : memref<4096x128xf32, #tpu.memory_space<vmem>>, vector<8x128xf32>
      %abs3A_2761 = math.absf %get3A_2755 : vector<8x128xf32>
      %neg3A_2762 = arith.constant 0.000000e+00 : f32
      %neg3A_2763 = vector.broadcast %neg3A_2762 : f32 to vector<8x128xf32>
      %neg3A_2764 = arith.subf %neg3A_2763, %abs3A_2761 : vector<8x128xf32>
      %exp3A_2765 = math.exp %neg3A_2764 : vector<8x128xf32>
      %max3A_2766 = arith.constant 0.000000e+00 : f32
      %max3A_2767 = vector.broadcast %max3A_2766 : f32 to vector<8x128xf32>
      %max3A_2768 = arith.maximumf %get3A_2755, %max3A_2767 : vector<8x128xf32>
      %mul3A_2769 = arith.constant 0.979751825 : f32
      %mul3A_2770 = vector.broadcast %mul3A_2769 : f32 to vector<8x128xf32>
      %mul3A_2771 = arith.mulf %mul3A_2770, %exp3A_2765 : vector<8x128xf32>
      %add3A_2772 = arith.constant 9.25303961E-4 : f32
      %add3A_2773 = vector.broadcast %add3A_2772 : f32 to vector<8x128xf32>
      %add3A_2774 = arith.addf %add3A_2773, %mul3A_2771 : vector<8x128xf32>
      %mul3A_2775 = arith.mulf %exp3A_2765, %exp3A_2765 : vector<8x128xf32>
      %mul3A_2776 = arith.constant 0.106683962 : f32
      %mul3A_2777 = vector.broadcast %mul3A_2776 : f32 to vector<8x128xf32>
      %mul3A_2778 = arith.mulf %mul3A_2777, %exp3A_2765 : vector<8x128xf32>
      %add3A_2779 = arith.constant -0.393533558 : f32
      %add3A_2780 = vector.broadcast %add3A_2779 : f32 to vector<8x128xf32>
      %add3A_2781 = arith.addf %add3A_2780, %mul3A_2778 : vector<8x128xf32>
      %mul3A_2782 = arith.mulf %mul3A_2775, %add3A_2781 : vector<8x128xf32>
      %add3A_2783 = arith.addf %add3A_2774, %mul3A_2782 : vector<8x128xf32>
      %add3A_2784 = arith.addf %max3A_2768, %add3A_2783 : vector<8x128xf32>
      %mul3A_2785 = arith.mulf %get3A_2760, %get3A_2755 : vector<8x128xf32>
      %sub3A_2786 = arith.subf %add3A_2784, %mul3A_2785 : vector<8x128xf32>
      %gt3A_2787 = arith.constant 0.000000e+00 : f32
      %gt3A_2788 = vector.broadcast %gt3A_2787 : f32 to vector<8x128xf32>
      %gt3A_2789 = arith.cmpf ogt, %get3A_2755, %gt3A_2788 : vector<8x128xf32>
      %jit3A_2790 = arith.constant 1.000000e+00 : f32
      %jit3A_2791 = arith.constant 0.000000e+00 : f32
      %broadcast_in_dim3A_2792 = vector.broadcast %jit3A_2790 : f32 to vector<8x128xf32>
      %broadcast_in_dim3A_2793 = vector.broadcast %jit3A_2791 : f32 to vector<8x128xf32>
      %select_n3A_2794 = arith.select %gt3A_2789, %broadcast_in_dim3A_2792, %broadcast_in_dim3A_2793 : vector<8x128xi1>, vector<8x128xf32>
      %mul3A_2795 = arith.mulf %get3A_2760, %sub3A_2786 : vector<8x128xf32>
      %mul3A_2796 = arith.mulf %get3A_2760, %select_n3A_2794 : vector<8x128xf32>
      %add3A_2797 = arith.addf %add3A_2744, %mul3A_2795 : vector<8x128xf32>
      %add3A_2798 = arith.addf %add3A_2745, %sub3A_2786 : vector<8x128xf32>
      %add3A_2799 = arith.addf %add3A_2746, %get3A_2760 : vector<8x128xf32>
      %add3A_2800 = arith.addf %add3A_2747, %select_n3A_2794 : vector<8x128xf32>
      %add3A_2801 = arith.addf %add3A_2748, %mul3A_2796 : vector<8x128xf32>
      %scan3A_2802 = arith.constant 52 : i32
      %scan3A_2803 = arith.addi %scan3A_51, %scan3A_2802 : i32
      %mul3A_2804 = arith.constant 8 : i32
      %mul3A_2805 = arith.muli %scan3A_2803, %mul3A_2804 : i32
      %get3A_2806 = arith.index_cast %mul3A_2805 : i32 to index
      %get3A_2807 = arith.constant 0 : index
      %get3A_2808 = vector.load %arg4[%get3A_2806, %get3A_2807] : memref<4096x128xf32, #tpu.memory_space<vmem>>, vector<8x128xf32>
      %mul3A_2809 = arith.constant 8 : i32
      %mul3A_2810 = arith.muli %scan3A_2803, %mul3A_2809 : i32
      %get3A_2811 = arith.index_cast %mul3A_2810 : i32 to index
      %get3A_2812 = arith.constant 0 : index
      %get3A_2813 = vector.load %arg5[%get3A_2811, %get3A_2812] : memref<4096x128xf32, #tpu.memory_space<vmem>>, vector<8x128xf32>
      %abs3A_2814 = math.absf %get3A_2808 : vector<8x128xf32>
      %neg3A_2815 = arith.constant 0.000000e+00 : f32
      %neg3A_2816 = vector.broadcast %neg3A_2815 : f32 to vector<8x128xf32>
      %neg3A_2817 = arith.subf %neg3A_2816, %abs3A_2814 : vector<8x128xf32>
      %exp3A_2818 = math.exp %neg3A_2817 : vector<8x128xf32>
      %max3A_2819 = arith.constant 0.000000e+00 : f32
      %max3A_2820 = vector.broadcast %max3A_2819 : f32 to vector<8x128xf32>
      %max3A_2821 = arith.maximumf %get3A_2808, %max3A_2820 : vector<8x128xf32>
      %mul3A_2822 = arith.constant 0.979751825 : f32
      %mul3A_2823 = vector.broadcast %mul3A_2822 : f32 to vector<8x128xf32>
      %mul3A_2824 = arith.mulf %mul3A_2823, %exp3A_2818 : vector<8x128xf32>
      %add3A_2825 = arith.constant 9.25303961E-4 : f32
      %add3A_2826 = vector.broadcast %add3A_2825 : f32 to vector<8x128xf32>
      %add3A_2827 = arith.addf %add3A_2826, %mul3A_2824 : vector<8x128xf32>
      %mul3A_2828 = arith.mulf %exp3A_2818, %exp3A_2818 : vector<8x128xf32>
      %mul3A_2829 = arith.constant 0.106683962 : f32
      %mul3A_2830 = vector.broadcast %mul3A_2829 : f32 to vector<8x128xf32>
      %mul3A_2831 = arith.mulf %mul3A_2830, %exp3A_2818 : vector<8x128xf32>
      %add3A_2832 = arith.constant -0.393533558 : f32
      %add3A_2833 = vector.broadcast %add3A_2832 : f32 to vector<8x128xf32>
      %add3A_2834 = arith.addf %add3A_2833, %mul3A_2831 : vector<8x128xf32>
      %mul3A_2835 = arith.mulf %mul3A_2828, %add3A_2834 : vector<8x128xf32>
      %add3A_2836 = arith.addf %add3A_2827, %mul3A_2835 : vector<8x128xf32>
      %add3A_2837 = arith.addf %max3A_2821, %add3A_2836 : vector<8x128xf32>
      %mul3A_2838 = arith.mulf %get3A_2813, %get3A_2808 : vector<8x128xf32>
      %sub3A_2839 = arith.subf %add3A_2837, %mul3A_2838 : vector<8x128xf32>
      %gt3A_2840 = arith.constant 0.000000e+00 : f32
      %gt3A_2841 = vector.broadcast %gt3A_2840 : f32 to vector<8x128xf32>
      %gt3A_2842 = arith.cmpf ogt, %get3A_2808, %gt3A_2841 : vector<8x128xf32>
      %jit3A_2843 = arith.constant 1.000000e+00 : f32
      %jit3A_2844 = arith.constant 0.000000e+00 : f32
      %broadcast_in_dim3A_2845 = vector.broadcast %jit3A_2843 : f32 to vector<8x128xf32>
      %broadcast_in_dim3A_2846 = vector.broadcast %jit3A_2844 : f32 to vector<8x128xf32>
      %select_n3A_2847 = arith.select %gt3A_2842, %broadcast_in_dim3A_2845, %broadcast_in_dim3A_2846 : vector<8x128xi1>, vector<8x128xf32>
      %mul3A_2848 = arith.mulf %get3A_2813, %sub3A_2839 : vector<8x128xf32>
      %mul3A_2849 = arith.mulf %get3A_2813, %select_n3A_2847 : vector<8x128xf32>
      %add3A_2850 = arith.addf %add3A_2797, %mul3A_2848 : vector<8x128xf32>
      %add3A_2851 = arith.addf %add3A_2798, %sub3A_2839 : vector<8x128xf32>
      %add3A_2852 = arith.addf %add3A_2799, %get3A_2813 : vector<8x128xf32>
      %add3A_2853 = arith.addf %add3A_2800, %select_n3A_2847 : vector<8x128xf32>
      %add3A_2854 = arith.addf %add3A_2801, %mul3A_2849 : vector<8x128xf32>
      %scan3A_2855 = arith.constant 53 : i32
      %scan3A_2856 = arith.addi %scan3A_51, %scan3A_2855 : i32
      %mul3A_2857 = arith.constant 8 : i32
      %mul3A_2858 = arith.muli %scan3A_2856, %mul3A_2857 : i32
      %get3A_2859 = arith.index_cast %mul3A_2858 : i32 to index
      %get3A_2860 = arith.constant 0 : index
      %get3A_2861 = vector.load %arg4[%get3A_2859, %get3A_2860] : memref<4096x128xf32, #tpu.memory_space<vmem>>, vector<8x128xf32>
      %mul3A_2862 = arith.constant 8 : i32
      %mul3A_2863 = arith.muli %scan3A_2856, %mul3A_2862 : i32
      %get3A_2864 = arith.index_cast %mul3A_2863 : i32 to index
      %get3A_2865 = arith.constant 0 : index
      %get3A_2866 = vector.load %arg5[%get3A_2864, %get3A_2865] : memref<4096x128xf32, #tpu.memory_space<vmem>>, vector<8x128xf32>
      %abs3A_2867 = math.absf %get3A_2861 : vector<8x128xf32>
      %neg3A_2868 = arith.constant 0.000000e+00 : f32
      %neg3A_2869 = vector.broadcast %neg3A_2868 : f32 to vector<8x128xf32>
      %neg3A_2870 = arith.subf %neg3A_2869, %abs3A_2867 : vector<8x128xf32>
      %exp3A_2871 = math.exp %neg3A_2870 : vector<8x128xf32>
      %max3A_2872 = arith.constant 0.000000e+00 : f32
      %max3A_2873 = vector.broadcast %max3A_2872 : f32 to vector<8x128xf32>
      %max3A_2874 = arith.maximumf %get3A_2861, %max3A_2873 : vector<8x128xf32>
      %mul3A_2875 = arith.constant 0.979751825 : f32
      %mul3A_2876 = vector.broadcast %mul3A_2875 : f32 to vector<8x128xf32>
      %mul3A_2877 = arith.mulf %mul3A_2876, %exp3A_2871 : vector<8x128xf32>
      %add3A_2878 = arith.constant 9.25303961E-4 : f32
      %add3A_2879 = vector.broadcast %add3A_2878 : f32 to vector<8x128xf32>
      %add3A_2880 = arith.addf %add3A_2879, %mul3A_2877 : vector<8x128xf32>
      %mul3A_2881 = arith.mulf %exp3A_2871, %exp3A_2871 : vector<8x128xf32>
      %mul3A_2882 = arith.constant 0.106683962 : f32
      %mul3A_2883 = vector.broadcast %mul3A_2882 : f32 to vector<8x128xf32>
      %mul3A_2884 = arith.mulf %mul3A_2883, %exp3A_2871 : vector<8x128xf32>
      %add3A_2885 = arith.constant -0.393533558 : f32
      %add3A_2886 = vector.broadcast %add3A_2885 : f32 to vector<8x128xf32>
      %add3A_2887 = arith.addf %add3A_2886, %mul3A_2884 : vector<8x128xf32>
      %mul3A_2888 = arith.mulf %mul3A_2881, %add3A_2887 : vector<8x128xf32>
      %add3A_2889 = arith.addf %add3A_2880, %mul3A_2888 : vector<8x128xf32>
      %add3A_2890 = arith.addf %max3A_2874, %add3A_2889 : vector<8x128xf32>
      %mul3A_2891 = arith.mulf %get3A_2866, %get3A_2861 : vector<8x128xf32>
      %sub3A_2892 = arith.subf %add3A_2890, %mul3A_2891 : vector<8x128xf32>
      %gt3A_2893 = arith.constant 0.000000e+00 : f32
      %gt3A_2894 = vector.broadcast %gt3A_2893 : f32 to vector<8x128xf32>
      %gt3A_2895 = arith.cmpf ogt, %get3A_2861, %gt3A_2894 : vector<8x128xf32>
      %jit3A_2896 = arith.constant 1.000000e+00 : f32
      %jit3A_2897 = arith.constant 0.000000e+00 : f32
      %broadcast_in_dim3A_2898 = vector.broadcast %jit3A_2896 : f32 to vector<8x128xf32>
      %broadcast_in_dim3A_2899 = vector.broadcast %jit3A_2897 : f32 to vector<8x128xf32>
      %select_n3A_2900 = arith.select %gt3A_2895, %broadcast_in_dim3A_2898, %broadcast_in_dim3A_2899 : vector<8x128xi1>, vector<8x128xf32>
      %mul3A_2901 = arith.mulf %get3A_2866, %sub3A_2892 : vector<8x128xf32>
      %mul3A_2902 = arith.mulf %get3A_2866, %select_n3A_2900 : vector<8x128xf32>
      %add3A_2903 = arith.addf %add3A_2850, %mul3A_2901 : vector<8x128xf32>
      %add3A_2904 = arith.addf %add3A_2851, %sub3A_2892 : vector<8x128xf32>
      %add3A_2905 = arith.addf %add3A_2852, %get3A_2866 : vector<8x128xf32>
      %add3A_2906 = arith.addf %add3A_2853, %select_n3A_2900 : vector<8x128xf32>
      %add3A_2907 = arith.addf %add3A_2854, %mul3A_2902 : vector<8x128xf32>
      %scan3A_2908 = arith.constant 54 : i32
      %scan3A_2909 = arith.addi %scan3A_51, %scan3A_2908 : i32
      %mul3A_2910 = arith.constant 8 : i32
      %mul3A_2911 = arith.muli %scan3A_2909, %mul3A_2910 : i32
      %get3A_2912 = arith.index_cast %mul3A_2911 : i32 to index
      %get3A_2913 = arith.constant 0 : index
      %get3A_2914 = vector.load %arg4[%get3A_2912, %get3A_2913] : memref<4096x128xf32, #tpu.memory_space<vmem>>, vector<8x128xf32>
      %mul3A_2915 = arith.constant 8 : i32
      %mul3A_2916 = arith.muli %scan3A_2909, %mul3A_2915 : i32
      %get3A_2917 = arith.index_cast %mul3A_2916 : i32 to index
      %get3A_2918 = arith.constant 0 : index
      %get3A_2919 = vector.load %arg5[%get3A_2917, %get3A_2918] : memref<4096x128xf32, #tpu.memory_space<vmem>>, vector<8x128xf32>
      %abs3A_2920 = math.absf %get3A_2914 : vector<8x128xf32>
      %neg3A_2921 = arith.constant 0.000000e+00 : f32
      %neg3A_2922 = vector.broadcast %neg3A_2921 : f32 to vector<8x128xf32>
      %neg3A_2923 = arith.subf %neg3A_2922, %abs3A_2920 : vector<8x128xf32>
      %exp3A_2924 = math.exp %neg3A_2923 : vector<8x128xf32>
      %max3A_2925 = arith.constant 0.000000e+00 : f32
      %max3A_2926 = vector.broadcast %max3A_2925 : f32 to vector<8x128xf32>
      %max3A_2927 = arith.maximumf %get3A_2914, %max3A_2926 : vector<8x128xf32>
      %mul3A_2928 = arith.constant 0.979751825 : f32
      %mul3A_2929 = vector.broadcast %mul3A_2928 : f32 to vector<8x128xf32>
      %mul3A_2930 = arith.mulf %mul3A_2929, %exp3A_2924 : vector<8x128xf32>
      %add3A_2931 = arith.constant 9.25303961E-4 : f32
      %add3A_2932 = vector.broadcast %add3A_2931 : f32 to vector<8x128xf32>
      %add3A_2933 = arith.addf %add3A_2932, %mul3A_2930 : vector<8x128xf32>
      %mul3A_2934 = arith.mulf %exp3A_2924, %exp3A_2924 : vector<8x128xf32>
      %mul3A_2935 = arith.constant 0.106683962 : f32
      %mul3A_2936 = vector.broadcast %mul3A_2935 : f32 to vector<8x128xf32>
      %mul3A_2937 = arith.mulf %mul3A_2936, %exp3A_2924 : vector<8x128xf32>
      %add3A_2938 = arith.constant -0.393533558 : f32
      %add3A_2939 = vector.broadcast %add3A_2938 : f32 to vector<8x128xf32>
      %add3A_2940 = arith.addf %add3A_2939, %mul3A_2937 : vector<8x128xf32>
      %mul3A_2941 = arith.mulf %mul3A_2934, %add3A_2940 : vector<8x128xf32>
      %add3A_2942 = arith.addf %add3A_2933, %mul3A_2941 : vector<8x128xf32>
      %add3A_2943 = arith.addf %max3A_2927, %add3A_2942 : vector<8x128xf32>
      %mul3A_2944 = arith.mulf %get3A_2919, %get3A_2914 : vector<8x128xf32>
      %sub3A_2945 = arith.subf %add3A_2943, %mul3A_2944 : vector<8x128xf32>
      %gt3A_2946 = arith.constant 0.000000e+00 : f32
      %gt3A_2947 = vector.broadcast %gt3A_2946 : f32 to vector<8x128xf32>
      %gt3A_2948 = arith.cmpf ogt, %get3A_2914, %gt3A_2947 : vector<8x128xf32>
      %jit3A_2949 = arith.constant 1.000000e+00 : f32
      %jit3A_2950 = arith.constant 0.000000e+00 : f32
      %broadcast_in_dim3A_2951 = vector.broadcast %jit3A_2949 : f32 to vector<8x128xf32>
      %broadcast_in_dim3A_2952 = vector.broadcast %jit3A_2950 : f32 to vector<8x128xf32>
      %select_n3A_2953 = arith.select %gt3A_2948, %broadcast_in_dim3A_2951, %broadcast_in_dim3A_2952 : vector<8x128xi1>, vector<8x128xf32>
      %mul3A_2954 = arith.mulf %get3A_2919, %sub3A_2945 : vector<8x128xf32>
      %mul3A_2955 = arith.mulf %get3A_2919, %select_n3A_2953 : vector<8x128xf32>
      %add3A_2956 = arith.addf %add3A_2903, %mul3A_2954 : vector<8x128xf32>
      %add3A_2957 = arith.addf %add3A_2904, %sub3A_2945 : vector<8x128xf32>
      %add3A_2958 = arith.addf %add3A_2905, %get3A_2919 : vector<8x128xf32>
      %add3A_2959 = arith.addf %add3A_2906, %select_n3A_2953 : vector<8x128xf32>
      %add3A_2960 = arith.addf %add3A_2907, %mul3A_2955 : vector<8x128xf32>
      %scan3A_2961 = arith.constant 55 : i32
      %scan3A_2962 = arith.addi %scan3A_51, %scan3A_2961 : i32
      %mul3A_2963 = arith.constant 8 : i32
      %mul3A_2964 = arith.muli %scan3A_2962, %mul3A_2963 : i32
      %get3A_2965 = arith.index_cast %mul3A_2964 : i32 to index
      %get3A_2966 = arith.constant 0 : index
      %get3A_2967 = vector.load %arg4[%get3A_2965, %get3A_2966] : memref<4096x128xf32, #tpu.memory_space<vmem>>, vector<8x128xf32>
      %mul3A_2968 = arith.constant 8 : i32
      %mul3A_2969 = arith.muli %scan3A_2962, %mul3A_2968 : i32
      %get3A_2970 = arith.index_cast %mul3A_2969 : i32 to index
      %get3A_2971 = arith.constant 0 : index
      %get3A_2972 = vector.load %arg5[%get3A_2970, %get3A_2971] : memref<4096x128xf32, #tpu.memory_space<vmem>>, vector<8x128xf32>
      %abs3A_2973 = math.absf %get3A_2967 : vector<8x128xf32>
      %neg3A_2974 = arith.constant 0.000000e+00 : f32
      %neg3A_2975 = vector.broadcast %neg3A_2974 : f32 to vector<8x128xf32>
      %neg3A_2976 = arith.subf %neg3A_2975, %abs3A_2973 : vector<8x128xf32>
      %exp3A_2977 = math.exp %neg3A_2976 : vector<8x128xf32>
      %max3A_2978 = arith.constant 0.000000e+00 : f32
      %max3A_2979 = vector.broadcast %max3A_2978 : f32 to vector<8x128xf32>
      %max3A_2980 = arith.maximumf %get3A_2967, %max3A_2979 : vector<8x128xf32>
      %mul3A_2981 = arith.constant 0.979751825 : f32
      %mul3A_2982 = vector.broadcast %mul3A_2981 : f32 to vector<8x128xf32>
      %mul3A_2983 = arith.mulf %mul3A_2982, %exp3A_2977 : vector<8x128xf32>
      %add3A_2984 = arith.constant 9.25303961E-4 : f32
      %add3A_2985 = vector.broadcast %add3A_2984 : f32 to vector<8x128xf32>
      %add3A_2986 = arith.addf %add3A_2985, %mul3A_2983 : vector<8x128xf32>
      %mul3A_2987 = arith.mulf %exp3A_2977, %exp3A_2977 : vector<8x128xf32>
      %mul3A_2988 = arith.constant 0.106683962 : f32
      %mul3A_2989 = vector.broadcast %mul3A_2988 : f32 to vector<8x128xf32>
      %mul3A_2990 = arith.mulf %mul3A_2989, %exp3A_2977 : vector<8x128xf32>
      %add3A_2991 = arith.constant -0.393533558 : f32
      %add3A_2992 = vector.broadcast %add3A_2991 : f32 to vector<8x128xf32>
      %add3A_2993 = arith.addf %add3A_2992, %mul3A_2990 : vector<8x128xf32>
      %mul3A_2994 = arith.mulf %mul3A_2987, %add3A_2993 : vector<8x128xf32>
      %add3A_2995 = arith.addf %add3A_2986, %mul3A_2994 : vector<8x128xf32>
      %add3A_2996 = arith.addf %max3A_2980, %add3A_2995 : vector<8x128xf32>
      %mul3A_2997 = arith.mulf %get3A_2972, %get3A_2967 : vector<8x128xf32>
      %sub3A_2998 = arith.subf %add3A_2996, %mul3A_2997 : vector<8x128xf32>
      %gt3A_2999 = arith.constant 0.000000e+00 : f32
      %gt3A_3000 = vector.broadcast %gt3A_2999 : f32 to vector<8x128xf32>
      %gt3A_3001 = arith.cmpf ogt, %get3A_2967, %gt3A_3000 : vector<8x128xf32>
      %jit3A_3002 = arith.constant 1.000000e+00 : f32
      %jit3A_3003 = arith.constant 0.000000e+00 : f32
      %broadcast_in_dim3A_3004 = vector.broadcast %jit3A_3002 : f32 to vector<8x128xf32>
      %broadcast_in_dim3A_3005 = vector.broadcast %jit3A_3003 : f32 to vector<8x128xf32>
      %select_n3A_3006 = arith.select %gt3A_3001, %broadcast_in_dim3A_3004, %broadcast_in_dim3A_3005 : vector<8x128xi1>, vector<8x128xf32>
      %mul3A_3007 = arith.mulf %get3A_2972, %sub3A_2998 : vector<8x128xf32>
      %mul3A_3008 = arith.mulf %get3A_2972, %select_n3A_3006 : vector<8x128xf32>
      %add3A_3009 = arith.addf %add3A_2956, %mul3A_3007 : vector<8x128xf32>
      %add3A_3010 = arith.addf %add3A_2957, %sub3A_2998 : vector<8x128xf32>
      %add3A_3011 = arith.addf %add3A_2958, %get3A_2972 : vector<8x128xf32>
      %add3A_3012 = arith.addf %add3A_2959, %select_n3A_3006 : vector<8x128xf32>
      %add3A_3013 = arith.addf %add3A_2960, %mul3A_3008 : vector<8x128xf32>
      %scan3A_3014 = arith.constant 56 : i32
      %scan3A_3015 = arith.addi %scan3A_51, %scan3A_3014 : i32
      %mul3A_3016 = arith.constant 8 : i32
      %mul3A_3017 = arith.muli %scan3A_3015, %mul3A_3016 : i32
      %get3A_3018 = arith.index_cast %mul3A_3017 : i32 to index
      %get3A_3019 = arith.constant 0 : index
      %get3A_3020 = vector.load %arg4[%get3A_3018, %get3A_3019] : memref<4096x128xf32, #tpu.memory_space<vmem>>, vector<8x128xf32>
      %mul3A_3021 = arith.constant 8 : i32
      %mul3A_3022 = arith.muli %scan3A_3015, %mul3A_3021 : i32
      %get3A_3023 = arith.index_cast %mul3A_3022 : i32 to index
      %get3A_3024 = arith.constant 0 : index
      %get3A_3025 = vector.load %arg5[%get3A_3023, %get3A_3024] : memref<4096x128xf32, #tpu.memory_space<vmem>>, vector<8x128xf32>
      %abs3A_3026 = math.absf %get3A_3020 : vector<8x128xf32>
      %neg3A_3027 = arith.constant 0.000000e+00 : f32
      %neg3A_3028 = vector.broadcast %neg3A_3027 : f32 to vector<8x128xf32>
      %neg3A_3029 = arith.subf %neg3A_3028, %abs3A_3026 : vector<8x128xf32>
      %exp3A_3030 = math.exp %neg3A_3029 : vector<8x128xf32>
      %max3A_3031 = arith.constant 0.000000e+00 : f32
      %max3A_3032 = vector.broadcast %max3A_3031 : f32 to vector<8x128xf32>
      %max3A_3033 = arith.maximumf %get3A_3020, %max3A_3032 : vector<8x128xf32>
      %mul3A_3034 = arith.constant 0.979751825 : f32
      %mul3A_3035 = vector.broadcast %mul3A_3034 : f32 to vector<8x128xf32>
      %mul3A_3036 = arith.mulf %mul3A_3035, %exp3A_3030 : vector<8x128xf32>
      %add3A_3037 = arith.constant 9.25303961E-4 : f32
      %add3A_3038 = vector.broadcast %add3A_3037 : f32 to vector<8x128xf32>
      %add3A_3039 = arith.addf %add3A_3038, %mul3A_3036 : vector<8x128xf32>
      %mul3A_3040 = arith.mulf %exp3A_3030, %exp3A_3030 : vector<8x128xf32>
      %mul3A_3041 = arith.constant 0.106683962 : f32
      %mul3A_3042 = vector.broadcast %mul3A_3041 : f32 to vector<8x128xf32>
      %mul3A_3043 = arith.mulf %mul3A_3042, %exp3A_3030 : vector<8x128xf32>
      %add3A_3044 = arith.constant -0.393533558 : f32
      %add3A_3045 = vector.broadcast %add3A_3044 : f32 to vector<8x128xf32>
      %add3A_3046 = arith.addf %add3A_3045, %mul3A_3043 : vector<8x128xf32>
      %mul3A_3047 = arith.mulf %mul3A_3040, %add3A_3046 : vector<8x128xf32>
      %add3A_3048 = arith.addf %add3A_3039, %mul3A_3047 : vector<8x128xf32>
      %add3A_3049 = arith.addf %max3A_3033, %add3A_3048 : vector<8x128xf32>
      %mul3A_3050 = arith.mulf %get3A_3025, %get3A_3020 : vector<8x128xf32>
      %sub3A_3051 = arith.subf %add3A_3049, %mul3A_3050 : vector<8x128xf32>
      %gt3A_3052 = arith.constant 0.000000e+00 : f32
      %gt3A_3053 = vector.broadcast %gt3A_3052 : f32 to vector<8x128xf32>
      %gt3A_3054 = arith.cmpf ogt, %get3A_3020, %gt3A_3053 : vector<8x128xf32>
      %jit3A_3055 = arith.constant 1.000000e+00 : f32
      %jit3A_3056 = arith.constant 0.000000e+00 : f32
      %broadcast_in_dim3A_3057 = vector.broadcast %jit3A_3055 : f32 to vector<8x128xf32>
      %broadcast_in_dim3A_3058 = vector.broadcast %jit3A_3056 : f32 to vector<8x128xf32>
      %select_n3A_3059 = arith.select %gt3A_3054, %broadcast_in_dim3A_3057, %broadcast_in_dim3A_3058 : vector<8x128xi1>, vector<8x128xf32>
      %mul3A_3060 = arith.mulf %get3A_3025, %sub3A_3051 : vector<8x128xf32>
      %mul3A_3061 = arith.mulf %get3A_3025, %select_n3A_3059 : vector<8x128xf32>
      %add3A_3062 = arith.addf %add3A_3009, %mul3A_3060 : vector<8x128xf32>
      %add3A_3063 = arith.addf %add3A_3010, %sub3A_3051 : vector<8x128xf32>
      %add3A_3064 = arith.addf %add3A_3011, %get3A_3025 : vector<8x128xf32>
      %add3A_3065 = arith.addf %add3A_3012, %select_n3A_3059 : vector<8x128xf32>
      %add3A_3066 = arith.addf %add3A_3013, %mul3A_3061 : vector<8x128xf32>
      %scan3A_3067 = arith.constant 57 : i32
      %scan3A_3068 = arith.addi %scan3A_51, %scan3A_3067 : i32
      %mul3A_3069 = arith.constant 8 : i32
      %mul3A_3070 = arith.muli %scan3A_3068, %mul3A_3069 : i32
      %get3A_3071 = arith.index_cast %mul3A_3070 : i32 to index
      %get3A_3072 = arith.constant 0 : index
      %get3A_3073 = vector.load %arg4[%get3A_3071, %get3A_3072] : memref<4096x128xf32, #tpu.memory_space<vmem>>, vector<8x128xf32>
      %mul3A_3074 = arith.constant 8 : i32
      %mul3A_3075 = arith.muli %scan3A_3068, %mul3A_3074 : i32
      %get3A_3076 = arith.index_cast %mul3A_3075 : i32 to index
      %get3A_3077 = arith.constant 0 : index
      %get3A_3078 = vector.load %arg5[%get3A_3076, %get3A_3077] : memref<4096x128xf32, #tpu.memory_space<vmem>>, vector<8x128xf32>
      %abs3A_3079 = math.absf %get3A_3073 : vector<8x128xf32>
      %neg3A_3080 = arith.constant 0.000000e+00 : f32
      %neg3A_3081 = vector.broadcast %neg3A_3080 : f32 to vector<8x128xf32>
      %neg3A_3082 = arith.subf %neg3A_3081, %abs3A_3079 : vector<8x128xf32>
      %exp3A_3083 = math.exp %neg3A_3082 : vector<8x128xf32>
      %max3A_3084 = arith.constant 0.000000e+00 : f32
      %max3A_3085 = vector.broadcast %max3A_3084 : f32 to vector<8x128xf32>
      %max3A_3086 = arith.maximumf %get3A_3073, %max3A_3085 : vector<8x128xf32>
      %mul3A_3087 = arith.constant 0.979751825 : f32
      %mul3A_3088 = vector.broadcast %mul3A_3087 : f32 to vector<8x128xf32>
      %mul3A_3089 = arith.mulf %mul3A_3088, %exp3A_3083 : vector<8x128xf32>
      %add3A_3090 = arith.constant 9.25303961E-4 : f32
      %add3A_3091 = vector.broadcast %add3A_3090 : f32 to vector<8x128xf32>
      %add3A_3092 = arith.addf %add3A_3091, %mul3A_3089 : vector<8x128xf32>
      %mul3A_3093 = arith.mulf %exp3A_3083, %exp3A_3083 : vector<8x128xf32>
      %mul3A_3094 = arith.constant 0.106683962 : f32
      %mul3A_3095 = vector.broadcast %mul3A_3094 : f32 to vector<8x128xf32>
      %mul3A_3096 = arith.mulf %mul3A_3095, %exp3A_3083 : vector<8x128xf32>
      %add3A_3097 = arith.constant -0.393533558 : f32
      %add3A_3098 = vector.broadcast %add3A_3097 : f32 to vector<8x128xf32>
      %add3A_3099 = arith.addf %add3A_3098, %mul3A_3096 : vector<8x128xf32>
      %mul3A_3100 = arith.mulf %mul3A_3093, %add3A_3099 : vector<8x128xf32>
      %add3A_3101 = arith.addf %add3A_3092, %mul3A_3100 : vector<8x128xf32>
      %add3A_3102 = arith.addf %max3A_3086, %add3A_3101 : vector<8x128xf32>
      %mul3A_3103 = arith.mulf %get3A_3078, %get3A_3073 : vector<8x128xf32>
      %sub3A_3104 = arith.subf %add3A_3102, %mul3A_3103 : vector<8x128xf32>
      %gt3A_3105 = arith.constant 0.000000e+00 : f32
      %gt3A_3106 = vector.broadcast %gt3A_3105 : f32 to vector<8x128xf32>
      %gt3A_3107 = arith.cmpf ogt, %get3A_3073, %gt3A_3106 : vector<8x128xf32>
      %jit3A_3108 = arith.constant 1.000000e+00 : f32
      %jit3A_3109 = arith.constant 0.000000e+00 : f32
      %broadcast_in_dim3A_3110 = vector.broadcast %jit3A_3108 : f32 to vector<8x128xf32>
      %broadcast_in_dim3A_3111 = vector.broadcast %jit3A_3109 : f32 to vector<8x128xf32>
      %select_n3A_3112 = arith.select %gt3A_3107, %broadcast_in_dim3A_3110, %broadcast_in_dim3A_3111 : vector<8x128xi1>, vector<8x128xf32>
      %mul3A_3113 = arith.mulf %get3A_3078, %sub3A_3104 : vector<8x128xf32>
      %mul3A_3114 = arith.mulf %get3A_3078, %select_n3A_3112 : vector<8x128xf32>
      %add3A_3115 = arith.addf %add3A_3062, %mul3A_3113 : vector<8x128xf32>
      %add3A_3116 = arith.addf %add3A_3063, %sub3A_3104 : vector<8x128xf32>
      %add3A_3117 = arith.addf %add3A_3064, %get3A_3078 : vector<8x128xf32>
      %add3A_3118 = arith.addf %add3A_3065, %select_n3A_3112 : vector<8x128xf32>
      %add3A_3119 = arith.addf %add3A_3066, %mul3A_3114 : vector<8x128xf32>
      %scan3A_3120 = arith.constant 58 : i32
      %scan3A_3121 = arith.addi %scan3A_51, %scan3A_3120 : i32
      %mul3A_3122 = arith.constant 8 : i32
      %mul3A_3123 = arith.muli %scan3A_3121, %mul3A_3122 : i32
      %get3A_3124 = arith.index_cast %mul3A_3123 : i32 to index
      %get3A_3125 = arith.constant 0 : index
      %get3A_3126 = vector.load %arg4[%get3A_3124, %get3A_3125] : memref<4096x128xf32, #tpu.memory_space<vmem>>, vector<8x128xf32>
      %mul3A_3127 = arith.constant 8 : i32
      %mul3A_3128 = arith.muli %scan3A_3121, %mul3A_3127 : i32
      %get3A_3129 = arith.index_cast %mul3A_3128 : i32 to index
      %get3A_3130 = arith.constant 0 : index
      %get3A_3131 = vector.load %arg5[%get3A_3129, %get3A_3130] : memref<4096x128xf32, #tpu.memory_space<vmem>>, vector<8x128xf32>
      %abs3A_3132 = math.absf %get3A_3126 : vector<8x128xf32>
      %neg3A_3133 = arith.constant 0.000000e+00 : f32
      %neg3A_3134 = vector.broadcast %neg3A_3133 : f32 to vector<8x128xf32>
      %neg3A_3135 = arith.subf %neg3A_3134, %abs3A_3132 : vector<8x128xf32>
      %exp3A_3136 = math.exp %neg3A_3135 : vector<8x128xf32>
      %max3A_3137 = arith.constant 0.000000e+00 : f32
      %max3A_3138 = vector.broadcast %max3A_3137 : f32 to vector<8x128xf32>
      %max3A_3139 = arith.maximumf %get3A_3126, %max3A_3138 : vector<8x128xf32>
      %mul3A_3140 = arith.constant 0.979751825 : f32
      %mul3A_3141 = vector.broadcast %mul3A_3140 : f32 to vector<8x128xf32>
      %mul3A_3142 = arith.mulf %mul3A_3141, %exp3A_3136 : vector<8x128xf32>
      %add3A_3143 = arith.constant 9.25303961E-4 : f32
      %add3A_3144 = vector.broadcast %add3A_3143 : f32 to vector<8x128xf32>
      %add3A_3145 = arith.addf %add3A_3144, %mul3A_3142 : vector<8x128xf32>
      %mul3A_3146 = arith.mulf %exp3A_3136, %exp3A_3136 : vector<8x128xf32>
      %mul3A_3147 = arith.constant 0.106683962 : f32
      %mul3A_3148 = vector.broadcast %mul3A_3147 : f32 to vector<8x128xf32>
      %mul3A_3149 = arith.mulf %mul3A_3148, %exp3A_3136 : vector<8x128xf32>
      %add3A_3150 = arith.constant -0.393533558 : f32
      %add3A_3151 = vector.broadcast %add3A_3150 : f32 to vector<8x128xf32>
      %add3A_3152 = arith.addf %add3A_3151, %mul3A_3149 : vector<8x128xf32>
      %mul3A_3153 = arith.mulf %mul3A_3146, %add3A_3152 : vector<8x128xf32>
      %add3A_3154 = arith.addf %add3A_3145, %mul3A_3153 : vector<8x128xf32>
      %add3A_3155 = arith.addf %max3A_3139, %add3A_3154 : vector<8x128xf32>
      %mul3A_3156 = arith.mulf %get3A_3131, %get3A_3126 : vector<8x128xf32>
      %sub3A_3157 = arith.subf %add3A_3155, %mul3A_3156 : vector<8x128xf32>
      %gt3A_3158 = arith.constant 0.000000e+00 : f32
      %gt3A_3159 = vector.broadcast %gt3A_3158 : f32 to vector<8x128xf32>
      %gt3A_3160 = arith.cmpf ogt, %get3A_3126, %gt3A_3159 : vector<8x128xf32>
      %jit3A_3161 = arith.constant 1.000000e+00 : f32
      %jit3A_3162 = arith.constant 0.000000e+00 : f32
      %broadcast_in_dim3A_3163 = vector.broadcast %jit3A_3161 : f32 to vector<8x128xf32>
      %broadcast_in_dim3A_3164 = vector.broadcast %jit3A_3162 : f32 to vector<8x128xf32>
      %select_n3A_3165 = arith.select %gt3A_3160, %broadcast_in_dim3A_3163, %broadcast_in_dim3A_3164 : vector<8x128xi1>, vector<8x128xf32>
      %mul3A_3166 = arith.mulf %get3A_3131, %sub3A_3157 : vector<8x128xf32>
      %mul3A_3167 = arith.mulf %get3A_3131, %select_n3A_3165 : vector<8x128xf32>
      %add3A_3168 = arith.addf %add3A_3115, %mul3A_3166 : vector<8x128xf32>
      %add3A_3169 = arith.addf %add3A_3116, %sub3A_3157 : vector<8x128xf32>
      %add3A_3170 = arith.addf %add3A_3117, %get3A_3131 : vector<8x128xf32>
      %add3A_3171 = arith.addf %add3A_3118, %select_n3A_3165 : vector<8x128xf32>
      %add3A_3172 = arith.addf %add3A_3119, %mul3A_3167 : vector<8x128xf32>
      %scan3A_3173 = arith.constant 59 : i32
      %scan3A_3174 = arith.addi %scan3A_51, %scan3A_3173 : i32
      %mul3A_3175 = arith.constant 8 : i32
      %mul3A_3176 = arith.muli %scan3A_3174, %mul3A_3175 : i32
      %get3A_3177 = arith.index_cast %mul3A_3176 : i32 to index
      %get3A_3178 = arith.constant 0 : index
      %get3A_3179 = vector.load %arg4[%get3A_3177, %get3A_3178] : memref<4096x128xf32, #tpu.memory_space<vmem>>, vector<8x128xf32>
      %mul3A_3180 = arith.constant 8 : i32
      %mul3A_3181 = arith.muli %scan3A_3174, %mul3A_3180 : i32
      %get3A_3182 = arith.index_cast %mul3A_3181 : i32 to index
      %get3A_3183 = arith.constant 0 : index
      %get3A_3184 = vector.load %arg5[%get3A_3182, %get3A_3183] : memref<4096x128xf32, #tpu.memory_space<vmem>>, vector<8x128xf32>
      %abs3A_3185 = math.absf %get3A_3179 : vector<8x128xf32>
      %neg3A_3186 = arith.constant 0.000000e+00 : f32
      %neg3A_3187 = vector.broadcast %neg3A_3186 : f32 to vector<8x128xf32>
      %neg3A_3188 = arith.subf %neg3A_3187, %abs3A_3185 : vector<8x128xf32>
      %exp3A_3189 = math.exp %neg3A_3188 : vector<8x128xf32>
      %max3A_3190 = arith.constant 0.000000e+00 : f32
      %max3A_3191 = vector.broadcast %max3A_3190 : f32 to vector<8x128xf32>
      %max3A_3192 = arith.maximumf %get3A_3179, %max3A_3191 : vector<8x128xf32>
      %mul3A_3193 = arith.constant 0.979751825 : f32
      %mul3A_3194 = vector.broadcast %mul3A_3193 : f32 to vector<8x128xf32>
      %mul3A_3195 = arith.mulf %mul3A_3194, %exp3A_3189 : vector<8x128xf32>
      %add3A_3196 = arith.constant 9.25303961E-4 : f32
      %add3A_3197 = vector.broadcast %add3A_3196 : f32 to vector<8x128xf32>
      %add3A_3198 = arith.addf %add3A_3197, %mul3A_3195 : vector<8x128xf32>
      %mul3A_3199 = arith.mulf %exp3A_3189, %exp3A_3189 : vector<8x128xf32>
      %mul3A_3200 = arith.constant 0.106683962 : f32
      %mul3A_3201 = vector.broadcast %mul3A_3200 : f32 to vector<8x128xf32>
      %mul3A_3202 = arith.mulf %mul3A_3201, %exp3A_3189 : vector<8x128xf32>
      %add3A_3203 = arith.constant -0.393533558 : f32
      %add3A_3204 = vector.broadcast %add3A_3203 : f32 to vector<8x128xf32>
      %add3A_3205 = arith.addf %add3A_3204, %mul3A_3202 : vector<8x128xf32>
      %mul3A_3206 = arith.mulf %mul3A_3199, %add3A_3205 : vector<8x128xf32>
      %add3A_3207 = arith.addf %add3A_3198, %mul3A_3206 : vector<8x128xf32>
      %add3A_3208 = arith.addf %max3A_3192, %add3A_3207 : vector<8x128xf32>
      %mul3A_3209 = arith.mulf %get3A_3184, %get3A_3179 : vector<8x128xf32>
      %sub3A_3210 = arith.subf %add3A_3208, %mul3A_3209 : vector<8x128xf32>
      %gt3A_3211 = arith.constant 0.000000e+00 : f32
      %gt3A_3212 = vector.broadcast %gt3A_3211 : f32 to vector<8x128xf32>
      %gt3A_3213 = arith.cmpf ogt, %get3A_3179, %gt3A_3212 : vector<8x128xf32>
      %jit3A_3214 = arith.constant 1.000000e+00 : f32
      %jit3A_3215 = arith.constant 0.000000e+00 : f32
      %broadcast_in_dim3A_3216 = vector.broadcast %jit3A_3214 : f32 to vector<8x128xf32>
      %broadcast_in_dim3A_3217 = vector.broadcast %jit3A_3215 : f32 to vector<8x128xf32>
      %select_n3A_3218 = arith.select %gt3A_3213, %broadcast_in_dim3A_3216, %broadcast_in_dim3A_3217 : vector<8x128xi1>, vector<8x128xf32>
      %mul3A_3219 = arith.mulf %get3A_3184, %sub3A_3210 : vector<8x128xf32>
      %mul3A_3220 = arith.mulf %get3A_3184, %select_n3A_3218 : vector<8x128xf32>
      %add3A_3221 = arith.addf %add3A_3168, %mul3A_3219 : vector<8x128xf32>
      %add3A_3222 = arith.addf %add3A_3169, %sub3A_3210 : vector<8x128xf32>
      %add3A_3223 = arith.addf %add3A_3170, %get3A_3184 : vector<8x128xf32>
      %add3A_3224 = arith.addf %add3A_3171, %select_n3A_3218 : vector<8x128xf32>
      %add3A_3225 = arith.addf %add3A_3172, %mul3A_3220 : vector<8x128xf32>
      %scan3A_3226 = arith.constant 60 : i32
      %scan3A_3227 = arith.addi %scan3A_51, %scan3A_3226 : i32
      %mul3A_3228 = arith.constant 8 : i32
      %mul3A_3229 = arith.muli %scan3A_3227, %mul3A_3228 : i32
      %get3A_3230 = arith.index_cast %mul3A_3229 : i32 to index
      %get3A_3231 = arith.constant 0 : index
      %get3A_3232 = vector.load %arg4[%get3A_3230, %get3A_3231] : memref<4096x128xf32, #tpu.memory_space<vmem>>, vector<8x128xf32>
      %mul3A_3233 = arith.constant 8 : i32
      %mul3A_3234 = arith.muli %scan3A_3227, %mul3A_3233 : i32
      %get3A_3235 = arith.index_cast %mul3A_3234 : i32 to index
      %get3A_3236 = arith.constant 0 : index
      %get3A_3237 = vector.load %arg5[%get3A_3235, %get3A_3236] : memref<4096x128xf32, #tpu.memory_space<vmem>>, vector<8x128xf32>
      %abs3A_3238 = math.absf %get3A_3232 : vector<8x128xf32>
      %neg3A_3239 = arith.constant 0.000000e+00 : f32
      %neg3A_3240 = vector.broadcast %neg3A_3239 : f32 to vector<8x128xf32>
      %neg3A_3241 = arith.subf %neg3A_3240, %abs3A_3238 : vector<8x128xf32>
      %exp3A_3242 = math.exp %neg3A_3241 : vector<8x128xf32>
      %max3A_3243 = arith.constant 0.000000e+00 : f32
      %max3A_3244 = vector.broadcast %max3A_3243 : f32 to vector<8x128xf32>
      %max3A_3245 = arith.maximumf %get3A_3232, %max3A_3244 : vector<8x128xf32>
      %mul3A_3246 = arith.constant 0.979751825 : f32
      %mul3A_3247 = vector.broadcast %mul3A_3246 : f32 to vector<8x128xf32>
      %mul3A_3248 = arith.mulf %mul3A_3247, %exp3A_3242 : vector<8x128xf32>
      %add3A_3249 = arith.constant 9.25303961E-4 : f32
      %add3A_3250 = vector.broadcast %add3A_3249 : f32 to vector<8x128xf32>
      %add3A_3251 = arith.addf %add3A_3250, %mul3A_3248 : vector<8x128xf32>
      %mul3A_3252 = arith.mulf %exp3A_3242, %exp3A_3242 : vector<8x128xf32>
      %mul3A_3253 = arith.constant 0.106683962 : f32
      %mul3A_3254 = vector.broadcast %mul3A_3253 : f32 to vector<8x128xf32>
      %mul3A_3255 = arith.mulf %mul3A_3254, %exp3A_3242 : vector<8x128xf32>
      %add3A_3256 = arith.constant -0.393533558 : f32
      %add3A_3257 = vector.broadcast %add3A_3256 : f32 to vector<8x128xf32>
      %add3A_3258 = arith.addf %add3A_3257, %mul3A_3255 : vector<8x128xf32>
      %mul3A_3259 = arith.mulf %mul3A_3252, %add3A_3258 : vector<8x128xf32>
      %add3A_3260 = arith.addf %add3A_3251, %mul3A_3259 : vector<8x128xf32>
      %add3A_3261 = arith.addf %max3A_3245, %add3A_3260 : vector<8x128xf32>
      %mul3A_3262 = arith.mulf %get3A_3237, %get3A_3232 : vector<8x128xf32>
      %sub3A_3263 = arith.subf %add3A_3261, %mul3A_3262 : vector<8x128xf32>
      %gt3A_3264 = arith.constant 0.000000e+00 : f32
      %gt3A_3265 = vector.broadcast %gt3A_3264 : f32 to vector<8x128xf32>
      %gt3A_3266 = arith.cmpf ogt, %get3A_3232, %gt3A_3265 : vector<8x128xf32>
      %jit3A_3267 = arith.constant 1.000000e+00 : f32
      %jit3A_3268 = arith.constant 0.000000e+00 : f32
      %broadcast_in_dim3A_3269 = vector.broadcast %jit3A_3267 : f32 to vector<8x128xf32>
      %broadcast_in_dim3A_3270 = vector.broadcast %jit3A_3268 : f32 to vector<8x128xf32>
      %select_n3A_3271 = arith.select %gt3A_3266, %broadcast_in_dim3A_3269, %broadcast_in_dim3A_3270 : vector<8x128xi1>, vector<8x128xf32>
      %mul3A_3272 = arith.mulf %get3A_3237, %sub3A_3263 : vector<8x128xf32>
      %mul3A_3273 = arith.mulf %get3A_3237, %select_n3A_3271 : vector<8x128xf32>
      %add3A_3274 = arith.addf %add3A_3221, %mul3A_3272 : vector<8x128xf32>
      %add3A_3275 = arith.addf %add3A_3222, %sub3A_3263 : vector<8x128xf32>
      %add3A_3276 = arith.addf %add3A_3223, %get3A_3237 : vector<8x128xf32>
      %add3A_3277 = arith.addf %add3A_3224, %select_n3A_3271 : vector<8x128xf32>
      %add3A_3278 = arith.addf %add3A_3225, %mul3A_3273 : vector<8x128xf32>
      %scan3A_3279 = arith.constant 61 : i32
      %scan3A_3280 = arith.addi %scan3A_51, %scan3A_3279 : i32
      %mul3A_3281 = arith.constant 8 : i32
      %mul3A_3282 = arith.muli %scan3A_3280, %mul3A_3281 : i32
      %get3A_3283 = arith.index_cast %mul3A_3282 : i32 to index
      %get3A_3284 = arith.constant 0 : index
      %get3A_3285 = vector.load %arg4[%get3A_3283, %get3A_3284] : memref<4096x128xf32, #tpu.memory_space<vmem>>, vector<8x128xf32>
      %mul3A_3286 = arith.constant 8 : i32
      %mul3A_3287 = arith.muli %scan3A_3280, %mul3A_3286 : i32
      %get3A_3288 = arith.index_cast %mul3A_3287 : i32 to index
      %get3A_3289 = arith.constant 0 : index
      %get3A_3290 = vector.load %arg5[%get3A_3288, %get3A_3289] : memref<4096x128xf32, #tpu.memory_space<vmem>>, vector<8x128xf32>
      %abs3A_3291 = math.absf %get3A_3285 : vector<8x128xf32>
      %neg3A_3292 = arith.constant 0.000000e+00 : f32
      %neg3A_3293 = vector.broadcast %neg3A_3292 : f32 to vector<8x128xf32>
      %neg3A_3294 = arith.subf %neg3A_3293, %abs3A_3291 : vector<8x128xf32>
      %exp3A_3295 = math.exp %neg3A_3294 : vector<8x128xf32>
      %max3A_3296 = arith.constant 0.000000e+00 : f32
      %max3A_3297 = vector.broadcast %max3A_3296 : f32 to vector<8x128xf32>
      %max3A_3298 = arith.maximumf %get3A_3285, %max3A_3297 : vector<8x128xf32>
      %mul3A_3299 = arith.constant 0.979751825 : f32
      %mul3A_3300 = vector.broadcast %mul3A_3299 : f32 to vector<8x128xf32>
      %mul3A_3301 = arith.mulf %mul3A_3300, %exp3A_3295 : vector<8x128xf32>
      %add3A_3302 = arith.constant 9.25303961E-4 : f32
      %add3A_3303 = vector.broadcast %add3A_3302 : f32 to vector<8x128xf32>
      %add3A_3304 = arith.addf %add3A_3303, %mul3A_3301 : vector<8x128xf32>
      %mul3A_3305 = arith.mulf %exp3A_3295, %exp3A_3295 : vector<8x128xf32>
      %mul3A_3306 = arith.constant 0.106683962 : f32
      %mul3A_3307 = vector.broadcast %mul3A_3306 : f32 to vector<8x128xf32>
      %mul3A_3308 = arith.mulf %mul3A_3307, %exp3A_3295 : vector<8x128xf32>
      %add3A_3309 = arith.constant -0.393533558 : f32
      %add3A_3310 = vector.broadcast %add3A_3309 : f32 to vector<8x128xf32>
      %add3A_3311 = arith.addf %add3A_3310, %mul3A_3308 : vector<8x128xf32>
      %mul3A_3312 = arith.mulf %mul3A_3305, %add3A_3311 : vector<8x128xf32>
      %add3A_3313 = arith.addf %add3A_3304, %mul3A_3312 : vector<8x128xf32>
      %add3A_3314 = arith.addf %max3A_3298, %add3A_3313 : vector<8x128xf32>
      %mul3A_3315 = arith.mulf %get3A_3290, %get3A_3285 : vector<8x128xf32>
      %sub3A_3316 = arith.subf %add3A_3314, %mul3A_3315 : vector<8x128xf32>
      %gt3A_3317 = arith.constant 0.000000e+00 : f32
      %gt3A_3318 = vector.broadcast %gt3A_3317 : f32 to vector<8x128xf32>
      %gt3A_3319 = arith.cmpf ogt, %get3A_3285, %gt3A_3318 : vector<8x128xf32>
      %jit3A_3320 = arith.constant 1.000000e+00 : f32
      %jit3A_3321 = arith.constant 0.000000e+00 : f32
      %broadcast_in_dim3A_3322 = vector.broadcast %jit3A_3320 : f32 to vector<8x128xf32>
      %broadcast_in_dim3A_3323 = vector.broadcast %jit3A_3321 : f32 to vector<8x128xf32>
      %select_n3A_3324 = arith.select %gt3A_3319, %broadcast_in_dim3A_3322, %broadcast_in_dim3A_3323 : vector<8x128xi1>, vector<8x128xf32>
      %mul3A_3325 = arith.mulf %get3A_3290, %sub3A_3316 : vector<8x128xf32>
      %mul3A_3326 = arith.mulf %get3A_3290, %select_n3A_3324 : vector<8x128xf32>
      %add3A_3327 = arith.addf %add3A_3274, %mul3A_3325 : vector<8x128xf32>
      %add3A_3328 = arith.addf %add3A_3275, %sub3A_3316 : vector<8x128xf32>
      %add3A_3329 = arith.addf %add3A_3276, %get3A_3290 : vector<8x128xf32>
      %add3A_3330 = arith.addf %add3A_3277, %select_n3A_3324 : vector<8x128xf32>
      %add3A_3331 = arith.addf %add3A_3278, %mul3A_3326 : vector<8x128xf32>
      %scan3A_3332 = arith.constant 62 : i32
      %scan3A_3333 = arith.addi %scan3A_51, %scan3A_3332 : i32
      %mul3A_3334 = arith.constant 8 : i32
      %mul3A_3335 = arith.muli %scan3A_3333, %mul3A_3334 : i32
      %get3A_3336 = arith.index_cast %mul3A_3335 : i32 to index
      %get3A_3337 = arith.constant 0 : index
      %get3A_3338 = vector.load %arg4[%get3A_3336, %get3A_3337] : memref<4096x128xf32, #tpu.memory_space<vmem>>, vector<8x128xf32>
      %mul3A_3339 = arith.constant 8 : i32
      %mul3A_3340 = arith.muli %scan3A_3333, %mul3A_3339 : i32
      %get3A_3341 = arith.index_cast %mul3A_3340 : i32 to index
      %get3A_3342 = arith.constant 0 : index
      %get3A_3343 = vector.load %arg5[%get3A_3341, %get3A_3342] : memref<4096x128xf32, #tpu.memory_space<vmem>>, vector<8x128xf32>
      %abs3A_3344 = math.absf %get3A_3338 : vector<8x128xf32>
      %neg3A_3345 = arith.constant 0.000000e+00 : f32
      %neg3A_3346 = vector.broadcast %neg3A_3345 : f32 to vector<8x128xf32>
      %neg3A_3347 = arith.subf %neg3A_3346, %abs3A_3344 : vector<8x128xf32>
      %exp3A_3348 = math.exp %neg3A_3347 : vector<8x128xf32>
      %max3A_3349 = arith.constant 0.000000e+00 : f32
      %max3A_3350 = vector.broadcast %max3A_3349 : f32 to vector<8x128xf32>
      %max3A_3351 = arith.maximumf %get3A_3338, %max3A_3350 : vector<8x128xf32>
      %mul3A_3352 = arith.constant 0.979751825 : f32
      %mul3A_3353 = vector.broadcast %mul3A_3352 : f32 to vector<8x128xf32>
      %mul3A_3354 = arith.mulf %mul3A_3353, %exp3A_3348 : vector<8x128xf32>
      %add3A_3355 = arith.constant 9.25303961E-4 : f32
      %add3A_3356 = vector.broadcast %add3A_3355 : f32 to vector<8x128xf32>
      %add3A_3357 = arith.addf %add3A_3356, %mul3A_3354 : vector<8x128xf32>
      %mul3A_3358 = arith.mulf %exp3A_3348, %exp3A_3348 : vector<8x128xf32>
      %mul3A_3359 = arith.constant 0.106683962 : f32
      %mul3A_3360 = vector.broadcast %mul3A_3359 : f32 to vector<8x128xf32>
      %mul3A_3361 = arith.mulf %mul3A_3360, %exp3A_3348 : vector<8x128xf32>
      %add3A_3362 = arith.constant -0.393533558 : f32
      %add3A_3363 = vector.broadcast %add3A_3362 : f32 to vector<8x128xf32>
      %add3A_3364 = arith.addf %add3A_3363, %mul3A_3361 : vector<8x128xf32>
      %mul3A_3365 = arith.mulf %mul3A_3358, %add3A_3364 : vector<8x128xf32>
      %add3A_3366 = arith.addf %add3A_3357, %mul3A_3365 : vector<8x128xf32>
      %add3A_3367 = arith.addf %max3A_3351, %add3A_3366 : vector<8x128xf32>
      %mul3A_3368 = arith.mulf %get3A_3343, %get3A_3338 : vector<8x128xf32>
      %sub3A_3369 = arith.subf %add3A_3367, %mul3A_3368 : vector<8x128xf32>
      %gt3A_3370 = arith.constant 0.000000e+00 : f32
      %gt3A_3371 = vector.broadcast %gt3A_3370 : f32 to vector<8x128xf32>
      %gt3A_3372 = arith.cmpf ogt, %get3A_3338, %gt3A_3371 : vector<8x128xf32>
      %jit3A_3373 = arith.constant 1.000000e+00 : f32
      %jit3A_3374 = arith.constant 0.000000e+00 : f32
      %broadcast_in_dim3A_3375 = vector.broadcast %jit3A_3373 : f32 to vector<8x128xf32>
      %broadcast_in_dim3A_3376 = vector.broadcast %jit3A_3374 : f32 to vector<8x128xf32>
      %select_n3A_3377 = arith.select %gt3A_3372, %broadcast_in_dim3A_3375, %broadcast_in_dim3A_3376 : vector<8x128xi1>, vector<8x128xf32>
      %mul3A_3378 = arith.mulf %get3A_3343, %sub3A_3369 : vector<8x128xf32>
      %mul3A_3379 = arith.mulf %get3A_3343, %select_n3A_3377 : vector<8x128xf32>
      %add3A_3380 = arith.addf %add3A_3327, %mul3A_3378 : vector<8x128xf32>
      %add3A_3381 = arith.addf %add3A_3328, %sub3A_3369 : vector<8x128xf32>
      %add3A_3382 = arith.addf %add3A_3329, %get3A_3343 : vector<8x128xf32>
      %add3A_3383 = arith.addf %add3A_3330, %select_n3A_3377 : vector<8x128xf32>
      %add3A_3384 = arith.addf %add3A_3331, %mul3A_3379 : vector<8x128xf32>
      %scan3A_3385 = arith.constant 63 : i32
      %scan3A_3386 = arith.addi %scan3A_51, %scan3A_3385 : i32
      %mul3A_3387 = arith.constant 8 : i32
      %mul3A_3388 = arith.muli %scan3A_3386, %mul3A_3387 : i32
      %get3A_3389 = arith.index_cast %mul3A_3388 : i32 to index
      %get3A_3390 = arith.constant 0 : index
      %get3A_3391 = vector.load %arg4[%get3A_3389, %get3A_3390] : memref<4096x128xf32, #tpu.memory_space<vmem>>, vector<8x128xf32>
      %mul3A_3392 = arith.constant 8 : i32
      %mul3A_3393 = arith.muli %scan3A_3386, %mul3A_3392 : i32
      %get3A_3394 = arith.index_cast %mul3A_3393 : i32 to index
      %get3A_3395 = arith.constant 0 : index
      %get3A_3396 = vector.load %arg5[%get3A_3394, %get3A_3395] : memref<4096x128xf32, #tpu.memory_space<vmem>>, vector<8x128xf32>
      %abs3A_3397 = math.absf %get3A_3391 : vector<8x128xf32>
      %neg3A_3398 = arith.constant 0.000000e+00 : f32
      %neg3A_3399 = vector.broadcast %neg3A_3398 : f32 to vector<8x128xf32>
      %neg3A_3400 = arith.subf %neg3A_3399, %abs3A_3397 : vector<8x128xf32>
      %exp3A_3401 = math.exp %neg3A_3400 : vector<8x128xf32>
      %max3A_3402 = arith.constant 0.000000e+00 : f32
      %max3A_3403 = vector.broadcast %max3A_3402 : f32 to vector<8x128xf32>
      %max3A_3404 = arith.maximumf %get3A_3391, %max3A_3403 : vector<8x128xf32>
      %mul3A_3405 = arith.constant 0.979751825 : f32
      %mul3A_3406 = vector.broadcast %mul3A_3405 : f32 to vector<8x128xf32>
      %mul3A_3407 = arith.mulf %mul3A_3406, %exp3A_3401 : vector<8x128xf32>
      %add3A_3408 = arith.constant 9.25303961E-4 : f32
      %add3A_3409 = vector.broadcast %add3A_3408 : f32 to vector<8x128xf32>
      %add3A_3410 = arith.addf %add3A_3409, %mul3A_3407 : vector<8x128xf32>
      %mul3A_3411 = arith.mulf %exp3A_3401, %exp3A_3401 : vector<8x128xf32>
      %mul3A_3412 = arith.constant 0.106683962 : f32
      %mul3A_3413 = vector.broadcast %mul3A_3412 : f32 to vector<8x128xf32>
      %mul3A_3414 = arith.mulf %mul3A_3413, %exp3A_3401 : vector<8x128xf32>
      %add3A_3415 = arith.constant -0.393533558 : f32
      %add3A_3416 = vector.broadcast %add3A_3415 : f32 to vector<8x128xf32>
      %add3A_3417 = arith.addf %add3A_3416, %mul3A_3414 : vector<8x128xf32>
      %mul3A_3418 = arith.mulf %mul3A_3411, %add3A_3417 : vector<8x128xf32>
      %add3A_3419 = arith.addf %add3A_3410, %mul3A_3418 : vector<8x128xf32>
      %add3A_3420 = arith.addf %max3A_3404, %add3A_3419 : vector<8x128xf32>
      %mul3A_3421 = arith.mulf %get3A_3396, %get3A_3391 : vector<8x128xf32>
      %sub3A_3422 = arith.subf %add3A_3420, %mul3A_3421 : vector<8x128xf32>
      %gt3A_3423 = arith.constant 0.000000e+00 : f32
      %gt3A_3424 = vector.broadcast %gt3A_3423 : f32 to vector<8x128xf32>
      %gt3A_3425 = arith.cmpf ogt, %get3A_3391, %gt3A_3424 : vector<8x128xf32>
      %jit3A_3426 = arith.constant 1.000000e+00 : f32
      %jit3A_3427 = arith.constant 0.000000e+00 : f32
      %broadcast_in_dim3A_3428 = vector.broadcast %jit3A_3426 : f32 to vector<8x128xf32>
      %broadcast_in_dim3A_3429 = vector.broadcast %jit3A_3427 : f32 to vector<8x128xf32>
      %select_n3A_3430 = arith.select %gt3A_3425, %broadcast_in_dim3A_3428, %broadcast_in_dim3A_3429 : vector<8x128xi1>, vector<8x128xf32>
      %mul3A_3431 = arith.mulf %get3A_3396, %sub3A_3422 : vector<8x128xf32>
      %mul3A_3432 = arith.mulf %get3A_3396, %select_n3A_3430 : vector<8x128xf32>
      %add3A_3433 = arith.addf %add3A_3380, %mul3A_3431 : vector<8x128xf32>
      %add3A_3434 = arith.addf %add3A_3381, %sub3A_3422 : vector<8x128xf32>
      %add3A_3435 = arith.addf %add3A_3382, %get3A_3396 : vector<8x128xf32>
      %add3A_3436 = arith.addf %add3A_3383, %select_n3A_3430 : vector<8x128xf32>
      %add3A_3437 = arith.addf %add3A_3384, %mul3A_3432 : vector<8x128xf32>
      scf.yield %add3A_3433, %add3A_3434, %add3A_3435, %add3A_3436, %add3A_3437 : vector<8x128xf32>, vector<8x128xf32>, vector<8x128xf32>, vector<8x128xf32>, vector<8x128xf32>
    }
    %scan3A_16 = arith.constant 512 : i32
    %get3A_17 = arith.constant 0 : index
    %get3A_18 = arith.constant 0 : index
    %get3A_19 = vector.load %arg3[%get3A_17, %get3A_18] : memref<40x128xf32, #tpu.memory_space<vmem>>, vector<8x128xf32>
    %add3A = arith.addf %get3A_19, %scan3A_15#0 : vector<8x128xf32>
    %swap3A_20 = arith.constant 0 : index
    %swap3A_21 = arith.constant 0 : index
    %swap3A_22 = vector.load %arg3[%swap3A_20, %swap3A_21] : memref<40x128xf32, #tpu.memory_space<vmem>>, vector<8x128xf32>
    tpu.vector_store %arg3[%swap3A_20, %swap3A_21], %add3A {strides = array<i32>} : memref<40x128xf32, #tpu.memory_space<vmem>>, vector<8x128xf32>,
    %get3A_23 = arith.constant 8 : index
    %get3A_24 = arith.constant 0 : index
    %get3A_25 = vector.load %arg3[%get3A_23, %get3A_24] : memref<40x128xf32, #tpu.memory_space<vmem>>, vector<8x128xf32>
    %add3A_26 = arith.addf %get3A_25, %scan3A_15#1 : vector<8x128xf32>
    %swap3A_27 = arith.constant 8 : index
    %swap3A_28 = arith.constant 0 : index
    %swap3A_29 = vector.load %arg3[%swap3A_27, %swap3A_28] : memref<40x128xf32, #tpu.memory_space<vmem>>, vector<8x128xf32>
    tpu.vector_store %arg3[%swap3A_27, %swap3A_28], %add3A_26 {strides = array<i32>} : memref<40x128xf32, #tpu.memory_space<vmem>>, vector<8x128xf32>,
    %get3A_30 = arith.constant 16 : index
    %get3A_31 = arith.constant 0 : index
    %get3A_32 = vector.load %arg3[%get3A_30, %get3A_31] : memref<40x128xf32, #tpu.memory_space<vmem>>, vector<8x128xf32>
    %add3A_33 = arith.addf %get3A_32, %scan3A_15#2 : vector<8x128xf32>
    %swap3A_34 = arith.constant 16 : index
    %swap3A_35 = arith.constant 0 : index
    %swap3A_36 = vector.load %arg3[%swap3A_34, %swap3A_35] : memref<40x128xf32, #tpu.memory_space<vmem>>, vector<8x128xf32>
    tpu.vector_store %arg3[%swap3A_34, %swap3A_35], %add3A_33 {strides = array<i32>} : memref<40x128xf32, #tpu.memory_space<vmem>>, vector<8x128xf32>,
    %get3A_37 = arith.constant 24 : index
    %get3A_38 = arith.constant 0 : index
    %get3A_39 = vector.load %arg3[%get3A_37, %get3A_38] : memref<40x128xf32, #tpu.memory_space<vmem>>, vector<8x128xf32>
    %add3A_40 = arith.addf %get3A_39, %scan3A_15#3 : vector<8x128xf32>
    %swap3A_41 = arith.constant 24 : index
    %swap3A_42 = arith.constant 0 : index
    %swap3A_43 = vector.load %arg3[%swap3A_41, %swap3A_42] : memref<40x128xf32, #tpu.memory_space<vmem>>, vector<8x128xf32>
    tpu.vector_store %arg3[%swap3A_41, %swap3A_42], %add3A_40 {strides = array<i32>} : memref<40x128xf32, #tpu.memory_space<vmem>>, vector<8x128xf32>,
    %get3A_44 = arith.constant 32 : index
    %get3A_45 = arith.constant 0 : index
    %get3A_46 = vector.load %arg3[%get3A_44, %get3A_45] : memref<40x128xf32, #tpu.memory_space<vmem>>, vector<8x128xf32>
    %add3A_47 = arith.addf %get3A_46, %scan3A_15#4 : vector<8x128xf32>
    %swap3A_48 = arith.constant 32 : index
    %swap3A_49 = arith.constant 0 : index
    %swap3A_50 = vector.load %arg3[%swap3A_48, %swap3A_49] : memref<40x128xf32, #tpu.memory_space<vmem>>, vector<8x128xf32>
    tpu.vector_store %arg3[%swap3A_48, %swap3A_49], %add3A_47 {strides = array<i32>} : memref<40x128xf32, #tpu.memory_space<vmem>>, vector<8x128xf32>,
    return
  }
  func.func @transform_0(%arg0: i32) -> i32 {
    %add3A = arith.constant 0 : i32
    %add3A_0 = arith.addi %arg0, %add3A : i32
    %c0_i32 = arith.constant 0 : i32
    return %add3A_0 : i32
  }
  func.func @transform_1(%arg0: i32) -> i32 {
    %add3A = arith.constant 0 : i32
    %add3A_0 = arith.addi %arg0, %add3A : i32
    %c0_i32 = arith.constant 0 : i32
    return %add3A_0 : i32
  }
  func.func @transform_2(%arg0: i32) -> (i32, i32) {
    %c0_i32 = arith.constant 0 : i32
    %c0_i32_0 = arith.constant 0 : i32
    %c0_i32_1 = arith.constant 0 : i32
    return %c0_i32, %c0_i32_0 : i32, i32
  }
}

</mosaic_0001>

<sc_bundles>
// kernel: kernel.4.cloned.1.call-start
scs
__scs_entry_jumppad:
0x0: {  	(pc) =	sbr.rel $0x88, $3  }
0x1: {  	(tag) =	ssettag $0x0;
	lr =	simm.s32 $0x1  }
0x2: {  	[smem:$0x3F9F] =	sst lr;
	_ =	strace $0xD0000000  }
0x3: {  	_ = 	snop  }
0x4: {  	_ = 	snop  }
0x5: {  	_ = 	snop  }
0x6: {  	_ = 	snop  }
0x7: {  	_ = 	snop  }
__scs_overlays_trampoline_lowered:
0x8: {  	[smem:$0x3FAE] =	sst s0  }
0x9: {  	[smem:$0x3FAF] =	sst s1  }
0xa: {  	[smem:$0x3FB0] =	sst s2  }
0xb: {  	[smem:$0x3FB1] =	sst s3  }
0xc: {  	[smem:$0x3FB2] =	sst s4  }
0xd: {  	[smem:$0x3FB3] =	sst s5  }
0xe: {  	[smem:$0x3FB4] =	sst s6  }
0xf: {  	[smem:$0x3FB5] =	sst s7  }
0x10: {  	[smem:$0x3FB6] =	sst s8  }
0x11: {  	[smem:$0x3FB7] =	sst s9;
	s0 =	simm.s32 @!p0 $0x0  }
0x12: {  	s1 =	sld [smem:$0x3F9D];
	s0 =	simm.s32 @p0 $0x1  }
0x13: {  	[smem:$0x3FB8] =	sst s0;
	s0 =	simm.s32 @!p1 $0x0  }
0x14: {  	s2 =	sld [smem:$0x3F9C];
	s0 =	simm.s32 @p1 $0x1  }
0x15: {  	[smem:$0x3FB9] =	sst s0;
	s0 =	simm.s32 @!p2 $0x0  }
0x16: {  	s3 =	sld [smem:$0x3FDB];
	s0 =	simm.s32 @p2 $0x1  }
0x17: {  	s4 =	simm.s32 $0x1BF5;
	[smem:$0x3FBB] =	sst s0  }
0x18: {  	s0 =	sld [smem:$0x3F9E];
	_ =	swait.ge [sflag:s4], $0x0  }
0x19: {  	s7 =	sld [smem:$0x3F9F]  }
0x1a: {  	s8 =	sadd.s32 $0xFFFFE003, lr  }
0x1b: {  	s9 =	sadd.s32 $0xFFFFFEF7, lr;
	s5 =	simm.s32 $0xFFFFFFFF;
	p2 =	slt.u32 s8, $0xFFFFF086  }
0x1c: {  	p1 =	slt.u32 s9, $0xF7A;
	s5 =	simm.s32 @!p2 $0x0  }
0x1d: {  	s5 =	simm.s32 @p1 $0x1;
	p0 =	seq.s32 s7, s2  }
0x1e: {  	s7 =	smul.u32 @!p0 $0xF7A, s2;
	p2 =	seq.s32 @!p0 s5, $0x0  }
0x1f: {  	s9 =	smul.u32 $0xF7A, s1;
	s8 =	simm.s32 @!p0 $0x1BF5;
	p2 =	por !p2, p0  }
0x20: {  	[sflag:s8] =	ssyncset.s32 @!p0 $0xFFFFF086;
	s6 =	sadd.s32 @!p0 s3, s7;
	s7 =	simm.s32 @!p0 $0x108  }
0x21: {  	s3 =	sadd.s32 s3, s9;
	s6 =	sadd.s32 @!p0 $0x88, s6;
	s7 =	simm.s32 @p2 $0x1082  }
0x22: {  	[simem:s7], [sflag:s8] =	dma.local @!p0 [hbm:s6], $0xF7A  }
0x23: {  	s9 =	sor.u32 $0xD0000000, s2;
	s6 =	simm.s32 $0x108;
	_ =	swait.ge @!p0 [sflag:s8], $0x0  }
0x24: {  	s3 =	sadd.s32 $0x88, s3;
	s6 =	simm.s32 @!p1 $0x1082;
	[sflag:s4] =	ssyncset.s32 $0xFFFFF086  }
0x25: {  	[simem:s6], [sflag:s4] =	dma.local [hbm:s3], $0xF7A  }
0x26: {  	[smem:$0x3F9F] =	sst s1;
	(tag) =	ssettag s2;
	_ =	strace s9  }
0x27: {  	s1 =	sld [smem:$0x3FAF]  }
0x28: {  	s2 =	sld [smem:$0x3FB0]  }
0x29: {  	s4 =	sld [smem:$0x3FB2]  }
0x2a: {  	p0 =	seq.s32 s5, $0x0;
	s5 =	sld [smem:$0x3FB3]  }
0x2b: {  	s6 =	sld [smem:$0x3FB4]  }
0x2c: {  	s7 =	sld [smem:$0x3FB5]  }
0x2d: {  	s3 =	simm.s32 $0x108;
	s8 =	sld [smem:$0x3FB6]  }
0x2e: {  	s3 =	simm.s32 @!p0 $0x1082;
	s9 =	sld [smem:$0x3FB7]  }
0x2f: {  	lr =	sadd.s32 s0, s3;
	s0 =	sld [smem:$0x3FAE]  }
0x30: {  	s3 =	sld [smem:$0x3FB1]  }
0x31: {  	[smem:$0x3FBA] =	sst s10  }
0x32: {  	s10 =	sld [smem:$0x3FB8];
	_ =	sdelay $0x3  }
0x33: {  	p0 =	seq.s32 s10, $0x1;
	s10 =	sld [smem:$0x3FBA];
	_ =	sdelay $0x3  }
0x34: {  	[smem:$0x3FBA] =	sst s10  }
0x35: {  	s10 =	sld [smem:$0x3FB9];
	_ =	sdelay $0x3  }
0x36: {  	p1 =	seq.s32 s10, $0x1;
	s10 =	sld [smem:$0x3FBA];
	_ =	sdelay $0x3  }
0x37: {  	[smem:$0x3FBA] =	sst s10  }
0x38: {  	s10 =	sld [smem:$0x3FBB]  }
0x39: {  	_ = 	snop;
	(pc) =	sbr.ind lr, $3  }
0x3a: {  	_ = 	snop  }
0x3b: {  	_ = 	snop  }
0x3c: {  	p2 =	seq.s32 s10, $0x1;
	s10 =	sld [smem:$0x3FBA]  }
0x3d: {  	_ =	shalt  }
0x3e: {  	_ =	shalt  }
0x3f: {  	_ =	shalt  }
0x40: {  	_ =	shalt  }
0x41: {  	_ =	shalt  }
0x42: {  	_ =	shalt  }
0x43: {  	_ =	shalt  }
0x44: {  	_ =	shalt  }
0x45: {  	_ =	shalt  }
0x46: {  	_ =	shalt  }
0x47: {  	_ =	shalt  }
0x48: {  	_ =	shalt  }
0x49: {  	_ =	shalt  }
0x4a: {  	_ =	shalt  }
0x4b: {  	_ =	shalt  }
0x4c: {  	_ =	shalt  }
0x4d: {  	_ =	shalt  }
0x4e: {  	_ =	shalt  }
0x4f: {  	_ =	shalt  }
0x50: {  	_ =	shalt  }
0x51: {  	_ =	shalt  }
0x52: {  	_ =	shalt  }
0x53: {  	_ =	shalt  }
0x54: {  	_ =	shalt  }
0x55: {  	_ =	shalt  }
0x56: {  	_ =	shalt  }
0x57: {  	_ =	shalt  }
0x58: {  	_ =	shalt  }
0x59: {  	_ =	shalt  }
0x5a: {  	_ =	shalt  }
0x5b: {  	_ =	shalt  }
0x5c: {  	_ =	shalt  }
0x5d: {  	_ =	shalt  }
0x5e: {  	_ =	shalt  }
0x5f: {  	_ =	shalt  }
0x60: {  	_ =	shalt  }
0x61: {  	_ =	shalt  }
0x62: {  	_ =	shalt  }
0x63: {  	_ =	shalt  }
0x64: {  	_ =	shalt  }
0x65: {  	_ =	shalt  }
0x66: {  	_ =	shalt  }
0x67: {  	_ =	shalt  }
0x68: {  	_ =	shalt  }
0x69: {  	_ =	shalt  }
0x6a: {  	_ =	shalt  }
0x6b: {  	_ =	shalt  }
0x6c: {  	_ =	shalt  }
0x6d: {  	_ =	shalt  }
0x6e: {  	_ =	shalt  }
0x6f: {  	_ =	shalt  }
0x70: {  	_ =	shalt  }
0x71: {  	_ =	shalt  }
0x72: {  	_ =	shalt  }
0x73: {  	_ =	shalt  }
0x74: {  	_ =	shalt  }
0x75: {  	_ =	shalt  }
0x76: {  	_ =	shalt  }
0x77: {  	_ =	shalt  }
0x78: {  	_ =	shalt  }
0x79: {  	_ =	shalt  }
0x7a: {  	_ =	shalt  }
0x7b: {  	_ =	shalt  }
0x7c: {  	_ =	shalt  }
0x7d: {  	_ =	shalt  }
0x7e: {  	_ =	shalt  }
0x7f: {  	_ =	shalt  }
0x80: {  	_ =	shalt  }
0x81: {  	_ =	shalt  }
0x82: {  	_ =	shalt  }
0x83: {  	_ =	shalt  }
0x84: {  	_ =	shalt  }
0x85: {  	_ =	shalt  }
0x86: {  	_ =	shalt  }
0x87: {  	_ =	shalt  }
.Lfunc_end0:
.L_simem_size_0:
called_computation_lowered:
.L_overlay_start_0:
0x88: {  	s2 =	sld [smem:$0x3FD9]  }
0x89: {  	s3 =	sld [smem:$0x3FFE];
	_ =	sdelay $0x1  }
0x8a: {  	s1 =	srdreg.scid  }
0x8b: {  	s0 =	sand.u32 $0x1, s1  }
0x8c: {  	s17 =	sshll.u32 s0, $0xA;
	s2 =	sadd.s32 s3, s2  }
0x8d: {  	s2 =	sadd.s32 s2, s17  }
0x8e: {  	[smem:$0x3FC6] =	sst s2  }
0x8f: {  	_ = 	snop  }
0x90: {  	s2 =	sld [smem:$0x3FC9]  }
0x91: {  	s18 =	sld [smem:$0x3FC8];
	(tm) =	ssettm $0x1  }
0x92: {  	s4 =	sld [smem:$0x3FFB];
	_ =	sdelay $0x3  }
0x93: {  	_ =	strace s4  }
0x94: {  	s4 =	sld [smem:$0x3FFC];
	_ =	sdelay $0x3  }
0x95: {  	_ =	strace s4  }
0x96: {  	s4 =	sld [smem:$0x3FFD];
	_ =	sdelay $0x3  }
0x97: {  	_ =	strace s4  }
0x98: {  	_ =	strace $0x8FFFFFFF  }
0x99: {  	s19 =	sld [smem:$0x3FDB];
	_ =	sdelay $0x1  }
0x9a: {  	s5 =	simm.s32 $_scs_section_size  }
0x9b: {  	s6 =	simm.s32 $_size__tile_overlayer_lowered;
	s7 =	simm.s32 $_tile_overlayer_lowered  }
0x9c: {  	s22 =	simm.s32 $0x1BFF;
	s21 =	sshll.u32 s7, $0x1;
	s4 =	sadd.s32 s5, s19  }
0x9d: {  	s8 =	simm.s32 $0x0;
	s20 =	sshll.u32 s6, $0x1;
	s6 =	sadd.s32 s21, s4  }
0x9e: {  	[timem:s8], [sflag:s22] =	dma.local [hbm:s6], s20  }
0x9f: {  	_ =	swait.ge [sflag:s22], s20  }
0xa0: {  	s5 =	ssub.s32 $0x0, s20;
	[sflag:s22] =	ssyncset.done $0x0  }
0xa1: {  	[sflag:s22] =	ssyncadd.s32 s5;
	_ =	sdelay $0x1  }
0xa2: {  	s23 =	simm.s32 $0x1B8B  }
0xa3: {  	_ =	swait.ge [sflag:s23], $0x1  }
0xa4: {  	[sflag:s23] =	ssyncset.done $0x0  }
0xa5: {  	s25 =	simm.s32 $0x1B8E;
	s24 =	sld [smem:$0x3FFE];
	[sflag:s23] =	ssyncadd.s32 $0xFFFFFFFF  }
0xa6: {  	s26 =	simm.s32 $execute0_lowered;
	[smem:$0x3FD2] =	sst s25  }
0xa7: {  	s6 =	sshll.u32 s26, $0x1;
	_ =	strace $0x80000046;
	[dreg:$0x1] =	wrdreg $0xFFFFFFFF  }
0xa8: {  	s28 =	simm.s32 $_size_execute0_lowered;
	s4 =	sadd.s32 s4, s6;
	[dreg:$0x0] =	wrdreg $0x0  }
0xa9: {  	s6 =	sshll.u32 s28, $0x1;
	[dreg:$0x2] =	wrdreg s4  }
0xaa: {  	[dreg:$0x3] =	wrdreg s6  }
0xab: {  	[dreg:$0x4] =	wrdreg $0xC0  }
0xac: {  	_ =	task [dreg:s8], $0x5FFFF  }
0xad: {  	[dreg:$0x1] =	wrdreg $0xFFFFFFFF  }
0xae: {  	[dreg:$0x0] =	wrdreg $0x60  }
0xaf: {  	[dreg:$0x2] =	wrdreg s2  }
0xb0: {  	[dreg:$0x3] =	wrdreg s18  }
0xb1: {  	[dreg:$0x4] =	wrdreg s24  }
0xb2: {  	[dreg:$0x5] =	wrdreg $0x9  }
0xb3: {  	_ =	task.clear_ibuf [dreg:s8], $0x6FFFF;
	_ =	strace $0x90000046  }
0xb4: {  	s29 =	simm.s32 $0x9;
	_ =	strace $0x80000048  }
0xb5: {  	_ =	swait.ge [sflag:s29], $0x1  }
0xb6: {  	[sflag:s29] =	ssyncadd.s32 $0xFFFFFFFF  }
0xb7: {  	_ =	strace $0x90000048  }
0xb8: {  	_ =	sfence  }
0xb9: {  	s30 =	sld [smem:$0x0];
	_ =	sdelay $0x2  }
0xba: {  	s31 =	sshll.u32 s1, $0xD;
	s1 =	sshrl.u32 s1, $0x2  }
0xbb: {  	s3 =	sand.u32 $0x4000, s31;
	s1 =	sadd.s32 s1, s30  }
0xbc: {  	s0 =	sor.u32 s3, s0;
	s1 =	sshll.u32 s1, $0x11  }
0xbd: {  	s0 =	sor.u32 s1, s0  }
0xbe: {  	s0 =	sadd.s32 $0x8F2B, s0  }
0xbf: {  	[sflag:s0] =	ssyncadd.remote.s32 $0x1  }
0xc0: {  	_ =	sfence.sel $0xFFFF  }
0xc1: {  	[dreg:$0x0] =	wrdreg $0xFFFFFFFF;
	(pc) =	sbr.abs _section_cstart, $3  }
0xc2: {  	[dreg:$0x1] =	wrdreg $0xFFFFFFFF  }
0xc3: {  	_ =	task.clear_ibuf [dreg:s8], $0x2FFFF;
	_ =	strace $0x9FFFFFFF  }
0xc4: {  	(tm) =	ssettm $0x7FFFFFFF  }
0xc5: {  	_ =	shalt  }
tec
execute0_lowered:
.L_overlay_start_1:
0x0: {  	(tag) =	ssettag $0x1  }
0x1: {  	s5 =	rddreg [dreg:$0x0]  }
0x2: {  	s0 =	srdreg.scid;
	s6 =	rddreg [dreg:$0x1]  }
0x3: {  	s7 =	rddreg [dreg:$0x2];
	s1 =	stileid.u32;
	s12 =	simm.s32 $0xC000  }
0x4: {  	s13 =	simm.s32 $0x2;
	s14 =	simm.s32 $0x10000;
	s3 =	sand.u32 $0x1, s0  }
0x5: {  	s15 =	simm.s32 $0x3;
	s16 =	simm.s32 $0x0;
	s2 =	sshll.u32 s3, $0x4  }
0x6: {  	s0 =	rddreg [dreg:$0x3];
	s3 =	ssub.s32 $0x2, s3;
	s8 =	sor.u32 s1, s2  }
0x7: {  	s2 =	simm.s32 $0x0;
	s4 =	sshrl.u32 s3, $0x1;
	s9 =	sshll.u32 s8, $0xC  }
0x8: {  	[smem:$0x7FF] =	sst s2;
	s11 =	ssub.s32 s3, s4;
	s8 =	sshll.u32 s8, $0x7  }
0x9: {  	s10 =	sor.u32 $0x60000, s9;
	_ =	strace $0x80000047;
	s9 =	sor.u32 $0x60800, s9  }
0xa: {  	s7 =	sadd.s32 s7, s8;
	s8 =	smax.u32 s11, $0x1;
	s11 =	simm.s32 $0x4000  }
0xb: {  	s3 =	sadd.s32 s5, s10;
	s4 =	sadd.s32 s6, s10;
	s5 =	sadd.s32 s5, s9  }
0xc: {  	v0 =	vimm.f32 $0.0e+00;
	s6 =	sadd.s32 s6, s9;
	s9 =	simm.s32 $0x8000;
	s10 =	simm.s32 $0x1  }
.LBB2_1:
0xd: {  	[tilespmem:s2], [sflag:$0x1] =	stream.linear.gather [hbm4b:s3+s2], $0x4000, $0x38;
	[tilespmem:$0x10400] =	vst v63  }
0xe: {  	_ = 	snop  }
0xf: {  	[tilespmem:s9], [sflag:$0x1] =	stream.linear.gather [hbm4b:s4+s2], $0x4000, $0x38;
	[tilespmem:$0x10400] =	vst v63  }
0x10: {  	_ =	swait.ge [sflag:s10], $0x4000  }
0x11: {  	[sflag:s10] =	ssyncset.done $0x0  }
0x12: {  	[sflag:s10] =	ssyncadd.s32 $0xFFFFC000  }
0x13: {  	_ =	swait.ge [sflag:s10], $0x4000  }
0x14: {  	[sflag:s10] =	ssyncset.done $0x0  }
0x15: {  	[sflag:s10] =	ssyncadd.s32 $0xFFFFC000  }
0x16: {  	[tilespmem:s11], [sflag:$0x2] =	stream.linear.gather [hbm4b:s5+s2], $0x4000, $0x38;
	[tilespmem:$0x10400] =	vst v63  }
0x17: {  	s17 =	simm.s32 $0x20  }
0x18: {  	[tilespmem:s12], [sflag:$0x2] =	stream.linear.gather [hbm4b:s6+s2], $0x4000, $0x38;
	[tilespmem:$0x10400] =	vst v63  }
0x19: {  	v5 =	vld [tilespmem:s17+$0x10]  }
0x1a: {  	v7 =	vld [tilespmem:s17+$0x0]  }
0x1b: {  	v6 =	vld [tilespmem:s17+$0xFFFFFFE0]  }
0x1c: {  	v8 =	vld [tilespmem:s17+$0xFFFFFFF0];
	_ =	sdelay $0x1  }
0x1d: {  	v1 =	vand.u32 $0x7FFFFFFF, v5  }
0x1e: {  	v2 =	vand.u32 $0x7FFFFFFF, v7;
	v1 =	vsub.f32 $0.0e+00, v1  }
0x1f: {  	v3 =	vand.u32 $0x7FFFFFFF, v6;
	v2 =	vsub.f32 $0.0e+00, v2  }
0x20: {  	v4 =	vand.u32 $0x7FFFFFFF, v8;
	v3 =	vsub.f32 $0.0e+00, v3;
	v1 =	vmul.f32 $1.442695020e+00, v1  }
0x21: {  	v4 =	vsub.f32 $0.0e+00, v4;
	v2 =	vmul.f32 $1.442695020e+00, v2  }
0x22: {  	v3 =	vmul.f32 $1.442695020e+00, v3;
	(erf) = vpow2.f32 v1  }
0x23: {  	s17 =	simm.s32 $0x8020;
	(erf) = vpow2.f32 v2;
	v2 =	vmul.f32 $1.442695020e+00, v4  }
0x24: {  	v1 =	vld [tilespmem:s17+$0x10];
	(erf) = vpow2.f32 v3  }
0x25: {  	v4 =	vld [tilespmem:s17+$0xFFFFFFE0];
	(erf) = vpow2.f32 v2  }
0x26: {  	v3 =	vld [tilespmem:s17+$0x0]  }
0x27: {  	v2 =	vld [tilespmem:s17+$0xFFFFFFF0]  }
0x28: {  	v9 =	vimm.f32 $0.0e+00  }
0x29: {  	v10 =	vimm.f32 $0.0e+00;
	vm0 =	vgt.f32 v5, $0.0e+00;
	vm1 =	vgt.f32 v7, $0.0e+00  }
0x2a: {  	v13 =	vmax.f32 v5, $0.0e+00;
	vm2 =	vgt.f32 v8, $0.0e+00;
	v11 =	vmul.f32 v1, v5  }
0x2b: {  	v15 =	vmax.f32 v7, $0.0e+00;
	v16 =	vmul.f32 v4, v6;
	v12 =	vmul.f32 v3, v7;
	v20 =	vpop (erf)  }
0x2c: {  	vm3 =	vgt.f32 v6, $0.0e+00;
	v14 =	vmul.f32 v2, v8;
	v21 =	vpop (erf);
	v17 =	vmul.f32 $9.797518250e-01, v20  }
0x2d: {  	v19 =	vmax.f32 v8, $0.0e+00;
	v18 =	vmul.f32 v20, v20;
	v5 =	vpop (erf);
	v22 =	vmul.f32 $9.797518250e-01, v21  }
0x2e: {  	v8 =	vimm.f32 $0.0e+00;
	v7 =	vmul.f32 $1.066839620e-01, v5;
	v25 =	vpop (erf);
	v24 =	vmul.f32 $9.797518250e-01, v5  }
0x2f: {  	v26 =	vmul.f32 v5, v5;
	v5 =	vimm.f32 $0.0e+00;
	v23 =	vmul.f32 $9.797518250e-01, v25  }
0x30: {  	s18 =	simm.s32 $0x0;
	s19 =	simm.s32 $0x60;
	v28 =	vmul.f32 $1.066839620e-01, v25;
	v27 =	vadd.f32 $-3.935335580e-01, v7;
	v7 =	vimm.f32 $0.0e+00  }
.LBB2_2:
0x31: {  	v29 =	vld [tilespmem:s19+$0x10];
	v30 =	vmax.f32 v6, $0.0e+00;
	v25 =	vmul.f32 v25, v25;
	v6 =	vmul.f32 $1.066839620e-01, v21  }
0x32: {  	v24 =	vadd.f32 $9.253039610e-04, v24;
	v31 =	vld [tilespmem:s19+$0x0];
	v26 =	vmul.f32 v27, v26;
	v27 =	vadd.f32 $-3.935335580e-01, v28  }
0x33: {  	v21 =	vmul.f32 v21, v21;
	v20 =	vmul.f32 $1.066839620e-01, v20;
	v28 =	vld [tilespmem:s19+$0xFFFFFFF0];
	v32 =	vadd.f32 $-3.935335580e-01, v6  }
0x34: {  	v23 =	vadd.f32 $9.253039610e-04, v23;
	v6 =	vld [tilespmem:s19+$0xFFFFFFE0];
	v24 =	vadd.f32 v26, v24;
	v25 =	vmul.f32 v27, v25  }
0x35: {  	v22 =	vadd.f32 $9.253039610e-04, v22;
	v20 =	vadd.f32 $-3.935335580e-01, v20;
	v21 =	vmul.f32 v32, v21  }
0x36: {  	v26 =	vand.u32 $0x7FFFFFFF, v29;
	v24 =	vadd.f32 v24, v30;
	v23 =	vadd.f32 v25, v23  }
0x37: {  	v17 =	vadd.f32 $9.253039610e-04, v17;
	v18 =	vmul.f32 v20, v18;
	v21 =	vadd.f32 v21, v22  }
0x38: {  	v20 =	vand.u32 $0x7FFFFFFF, v31;
	v16 =	vsub.f32 v24, v16;
	v19 =	vadd.f32 v23, v19  }
0x39: {  	v17 =	vadd.f32 v18, v17;
	v23 =	vand.u32 $0x7FFFFFFF, v28;
	v22 =	vand.u32 $0x7FFFFFFF, v6  }
0x3a: {  	v15 =	vadd.f32 v21, v15;
	v18 =	vmul.f32 v16, v4;
	v14 =	vsub.f32 v19, v14  }
0x3b: {  	v21 =	vsel vm2, $0x3F800000, v0;
	v13 =	vadd.f32 v17, v13;
	v19 =	vsub.f32 $0.0e+00, v26  }
0x3c: {  	v12 =	vsub.f32 v15, v12;
	v7 =	vadd.f32 v18, v7;
	v17 =	vmul.f32 v14, v2  }
0x3d: {  	v15 =	vsub.f32 $0.0e+00, v23;
	v18 =	vsub.f32 $0.0e+00, v20;
	v20 =	vsel vm3, $0x3F800000, v0  }
0x3e: {  	v11 =	vsub.f32 v13, v11;
	v7 =	vadd.f32 v17, v7;
	v17 =	vmul.f32 v12, v3  }
0x3f: {  	v13 =	vsub.f32 $0.0e+00, v22;
	v23 =	vmul.f32 v21, v2;
	v22 =	vmul.f32 v20, v4  }
0x40: {  	v19 =	vmul.f32 $1.442695020e+00, v19;
	v7 =	vadd.f32 v17, v7;
	v17 =	vmul.f32 v11, v1  }
0x41: {  	v24 =	vsel vm1, $0x3F800000, v0;
	v15 =	vmul.f32 $1.442695020e+00, v15;
	v18 =	vmul.f32 $1.442695020e+00, v18  }
0x42: {  	s18 =	sadd.s32 $0x4, s18;
	v13 =	vmul.f32 $1.442695020e+00, v13;
	(erf) = vpow2.f32 v19;
	v7 =	vadd.f32 v17, v7  }
0x43: {  	s17 =	sadd.s32 $0x40, s17;
	p0 =	slt.u32 s18, $0x3FC;
	v9 =	vadd.f32 v16, v9;
	v4 =	vadd.f32 v4, v10;
	(erf) = vpow2.f32 v18  }
0x44: {  	v8 =	vadd.f32 v20, v8;
	v5 =	vadd.f32 v22, v5;
	v16 =	vld [tilespmem:s17+$0x10];
	(erf) = vpow2.f32 v13  }
0x45: {  	v9 =	vadd.f32 v14, v9;
	v10 =	vadd.f32 v2, v4;
	v13 =	vld [tilespmem:s17+$0x0];
	(erf) = vpow2.f32 v15  }
0x46: {  	v14 =	vmul.f32 v24, v3;
	v8 =	vadd.f32 v21, v8;
	v5 =	vadd.f32 v23, v5;
	v2 =	vld [tilespmem:s17+$0xFFFFFFF0]  }
0x47: {  	v9 =	vadd.f32 v12, v9;
	v12 =	vsel vm0, $0x3F800000, v0;
	v15 =	vadd.f32 v3, v10;
	v4 =	vld [tilespmem:s17+$0xFFFFFFE0]  }
0x48: {  	v8 =	vadd.f32 v24, v8;
	v5 =	vadd.f32 v14, v5;
	v14 =	vmul.f32 v12, v1  }
0x49: {  	vm0 =	vgt.f32 v29, $0.0e+00;
	v9 =	vadd.f32 v11, v9;
	v10 =	vadd.f32 v1, v15;
	v1 =	vmovc v16  }
0x4a: {  	vm1 =	vgt.f32 v31, $0.0e+00;
	v8 =	vadd.f32 v12, v8;
	v5 =	vadd.f32 v14, v5;
	v3 =	vmovc v13  }
0x4b: {  	v13 =	vmax.f32 v29, $0.0e+00;
	v11 =	vmul.f32 v1, v29;
	v12 =	vmul.f32 v3, v31;
	v20 =	vpop (erf)  }
.Ltmp0:
0x4c: {  	vm2 =	vgt.f32 v28, $0.0e+00;
	v14 =	vmul.f32 v2, v28;
	v16 =	vmul.f32 v4, v6;
	v21 =	vpop (erf);
	(pc) =	sbr.rel @p0 .LBB2_2-.Ltmp0, $4  }
0x4d: {  	v15 =	vmax.f32 v31, $0.0e+00;
	v17 =	vmul.f32 $9.797518250e-01, v20;
	v18 =	vmul.f32 v20, v20;
	v26 =	vpop (erf)  }
0x4e: {  	vm3 =	vgt.f32 v6, $0.0e+00;
	v22 =	vmul.f32 $9.797518250e-01, v21;
	v27 =	vmul.f32 $1.066839620e-01, v26;
	v25 =	vpop (erf)  }
0x4f: {  	v19 =	vmax.f32 v28, $0.0e+00;
	v24 =	vmul.f32 $9.797518250e-01, v26;
	v23 =	vmul.f32 $9.797518250e-01, v25  }
0x50: {  	s19 =	sadd.s32 $0x40, s19;
	v26 =	vmul.f32 v26, v26;
	v28 =	vmul.f32 $1.066839620e-01, v25;
	v27 =	vadd.f32 $-3.935335580e-01, v27  }
0x51: {  	v6 =	vmax.f32 v6, $0.0e+00;
	v25 =	vmul.f32 v25, v25;
	v29 =	vmul.f32 $1.066839620e-01, v21  }
0x52: {  	v24 =	vadd.f32 $9.253039610e-04, v24;
	v26 =	vmul.f32 v27, v26;
	v27 =	vadd.f32 $-3.935335580e-01, v28  }
0x53: {  	v21 =	vmul.f32 v21, v21;
	v20 =	vmul.f32 $1.066839620e-01, v20;
	v28 =	vadd.f32 $-3.935335580e-01, v29  }
0x54: {  	v23 =	vadd.f32 $9.253039610e-04, v23;
	v24 =	vadd.f32 v26, v24;
	v25 =	vmul.f32 v27, v25  }
0x55: {  	v22 =	vadd.f32 $9.253039610e-04, v22;
	_ =	swait.ge [sflag:s13], $0x4000;
	v20 =	vadd.f32 $-3.935335580e-01, v20;
	v21 =	vmul.f32 v28, v21  }
0x56: {  	[sflag:s13] =	ssyncset.done $0x0;
	v6 =	vadd.f32 v24, v6;
	v23 =	vadd.f32 v25, v23  }
0x57: {  	v17 =	vadd.f32 $9.253039610e-04, v17;
	[sflag:s13] =	ssyncadd.s32 $0xFFFFC000;
	v18 =	vmul.f32 v20, v18;
	v21 =	vadd.f32 v21, v22  }
0x58: {  	_ =	swait.ge [sflag:s13], $0x4000;
	v16 =	vsub.f32 v6, v16;
	v6 =	vadd.f32 v23, v19  }
0x59: {  	[sflag:s13] =	ssyncset.done $0x0;
	v17 =	vadd.f32 v18, v17  }
0x5a: {  	s17 =	simm.s32 $0x4020;
	[sflag:s13] =	ssyncadd.s32 $0xFFFFC000;
	v18 =	vmul.f32 v16, v4;
	v14 =	vsub.f32 v6, v14;
	v6 =	vadd.f32 v21, v15  }
0x5b: {  	v13 =	vadd.f32 v17, v13;
	v15 =	vld [tilespmem:s17+$0x10]  }
0x5c: {  	v19 =	vld [tilespmem:s17+$0x0];
	v17 =	vadd.f32 v18, v7;
	v18 =	vmul.f32 v14, v2;
	v12 =	vsub.f32 v6, v12  }
0x5d: {  	v10 =	vadd.f32 v4, v10;
	v7 =	vld [tilespmem:s17+$0xFFFFFFE0]  }
0x5e: {  	v11 =	vsub.f32 v13, v11;
	v6 =	vadd.f32 v18, v17;
	v17 =	vmul.f32 v12, v3  }
0x5f: {  	v10 =	vadd.f32 v2, v10;
	v20 =	vsel vm2, $0x3F800000, v0;
	v23 =	vld [tilespmem:s17+$0xFFFFFFF0]  }
0x60: {  	v22 =	vand.u32 $0x7FFFFFFF, v15;
	v6 =	vadd.f32 v17, v6;
	v17 =	vmul.f32 v11, v1  }
0x61: {  	v24 =	vsel vm1, $0x3F800000, v0;
	v25 =	vand.u32 $0x7FFFFFFF, v19;
	v22 =	vsub.f32 $0.0e+00, v22  }
0x62: {  	v25 =	vsub.f32 $0.0e+00, v25;
	v6 =	vadd.f32 v17, v6;
	v17 =	vand.u32 $0x7FFFFFFF, v7  }
0x63: {  	v21 =	vsel vm3, $0x3F800000, v0;
	v22 =	vmul.f32 $1.442695020e+00, v22;
	v17 =	vsub.f32 $0.0e+00, v17  }
0x64: {  	v9 =	vadd.f32 v16, v9;
	v26 =	vand.u32 $0x7FFFFFFF, v23;
	v25 =	vmul.f32 $1.442695020e+00, v25  }
0x65: {  	v16 =	vsub.f32 $0.0e+00, v26;
	(erf) = vpow2.f32 v22;
	v17 =	vmul.f32 $1.442695020e+00, v17  }
0x66: {  	v13 =	vmul.f32 v21, v4;
	v8 =	vadd.f32 v21, v8;
	s17 =	simm.s32 $0xC020;
	(erf) = vpow2.f32 v25  }
0x67: {  	v9 =	vadd.f32 v14, v9;
	v4 =	vld [tilespmem:s17+$0x10];
	v16 =	vmul.f32 $1.442695020e+00, v16;
	(erf) = vpow2.f32 v17  }
0x68: {  	v14 =	vmul.f32 v24, v3;
	v13 =	vadd.f32 v13, v5;
	v8 =	vadd.f32 v20, v8;
	v5 =	vld [tilespmem:s17+$0x0]  }
0x69: {  	v18 =	vmul.f32 v20, v2;
	v9 =	vadd.f32 v12, v9;
	v2 =	vld [tilespmem:s17+$0xFFFFFFF0];
	(erf) = vpow2.f32 v16  }
0x6a: {  	vm1 =	vgt.f32 v19, $0.0e+00;
	v12 =	vadd.f32 v3, v10;
	v3 =	vld [tilespmem:s17+$0xFFFFFFE0];
	v8 =	vadd.f32 v24, v8  }
0x6b: {  	vm2 =	vgt.f32 v23, $0.0e+00;
	v13 =	vadd.f32 v18, v13;
	v10 =	vadd.f32 v11, v9  }
0x6c: {  	v9 =	vadd.f32 v1, v12;
	vm3 =	vgt.f32 v7, $0.0e+00;
	v16 =	vsel vm0, $0x3F800000, v0  }
0x6d: {  	v13 =	vadd.f32 v14, v13;
	v12 =	vmul.f32 v5, v19;
	v14 =	vmul.f32 v16, v1  }
0x6e: {  	v11 =	vmul.f32 v4, v15;
	vm0 =	vgt.f32 v15, $0.0e+00;
	v8 =	vadd.f32 v16, v8;
	v20 =	vpop (erf)  }
0x6f: {  	v16 =	vmul.f32 v3, v7;
	v1 =	vadd.f32 v14, v13;
	v14 =	vmul.f32 v2, v23;
	v21 =	vpop (erf)  }
0x70: {  	v13 =	vmax.f32 v15, $0.0e+00;
	v17 =	vmul.f32 $9.797518250e-01, v20;
	v18 =	vmul.f32 v20, v20;
	v26 =	vpop (erf)  }
0x71: {  	v15 =	vmax.f32 v19, $0.0e+00;
	v22 =	vmul.f32 $9.797518250e-01, v21;
	v27 =	vmul.f32 $1.066839620e-01, v26  }
0x72: {  	s19 =	simm.s32 $0x4060;
	v19 =	vmax.f32 v23, $0.0e+00;
	v25 =	vpop (erf);
	v24 =	vmul.f32 $9.797518250e-01, v26;
	v26 =	vmul.f32 v26, v26  }
0x73: {  	s18 =	simm.s32 $0x0;
	v23 =	vmul.f32 $9.797518250e-01, v25;
	v28 =	vmul.f32 $1.066839620e-01, v25;
	v27 =	vadd.f32 $-3.935335580e-01, v27  }
.LBB2_4:
0x74: {  	v29 =	vld [tilespmem:s19+$0x10];
	v30 =	vmax.f32 v7, $0.0e+00;
	v25 =	vmul.f32 v25, v25;
	v7 =	vmul.f32 $1.066839620e-01, v21  }
0x75: {  	v24 =	vadd.f32 $9.253039610e-04, v24;
	v31 =	vld [tilespmem:s19+$0x0];
	v26 =	vmul.f32 v27, v26;
	v27 =	vadd.f32 $-3.935335580e-01, v28  }
0x76: {  	v21 =	vmul.f32 v21, v21;
	v20 =	vmul.f32 $1.066839620e-01, v20;
	v28 =	vld [tilespmem:s19+$0xFFFFFFF0];
	v32 =	vadd.f32 $-3.935335580e-01, v7  }
0x77: {  	v23 =	vadd.f32 $9.253039610e-04, v23;
	v7 =	vld [tilespmem:s19+$0xFFFFFFE0];
	v24 =	vadd.f32 v26, v24;
	v25 =	vmul.f32 v27, v25  }
0x78: {  	v22 =	vadd.f32 $9.253039610e-04, v22;
	v20 =	vadd.f32 $-3.935335580e-01, v20;
	v21 =	vmul.f32 v32, v21  }
0x79: {  	v26 =	vand.u32 $0x7FFFFFFF, v29;
	v24 =	vadd.f32 v24, v30;
	v23 =	vadd.f32 v25, v23  }
0x7a: {  	v17 =	vadd.f32 $9.253039610e-04, v17;
	v18 =	vmul.f32 v20, v18;
	v21 =	vadd.f32 v21, v22  }
0x7b: {  	v20 =	vand.u32 $0x7FFFFFFF, v31;
	v16 =	vsub.f32 v24, v16;
	v19 =	vadd.f32 v23, v19  }
0x7c: {  	v17 =	vadd.f32 v18, v17;
	v23 =	vand.u32 $0x7FFFFFFF, v28;
	v22 =	vand.u32 $0x7FFFFFFF, v7  }
0x7d: {  	v15 =	vadd.f32 v21, v15;
	v18 =	vmul.f32 v16, v3;
	v14 =	vsub.f32 v19, v14  }
0x7e: {  	v21 =	vsel vm2, $0x3F800000, v0;
	v13 =	vadd.f32 v17, v13;
	v19 =	vsub.f32 $0.0e+00, v26  }
0x7f: {  	v12 =	vsub.f32 v15, v12;
	v6 =	vadd.f32 v18, v6;
	v17 =	vmul.f32 v14, v2  }
0x80: {  	v15 =	vsub.f32 $0.0e+00, v23;
	v18 =	vsub.f32 $0.0e+00, v20;
	v20 =	vsel vm3, $0x3F800000, v0  }
0x81: {  	v11 =	vsub.f32 v13, v11;
	v6 =	vadd.f32 v17, v6;
	v17 =	vmul.f32 v12, v5  }
0x82: {  	v13 =	vsub.f32 $0.0e+00, v22;
	v23 =	vmul.f32 v21, v2;
	v22 =	vmul.f32 v20, v3  }
0x83: {  	v19 =	vmul.f32 $1.442695020e+00, v19;
	v6 =	vadd.f32 v17, v6;
	v17 =	vmul.f32 v11, v4  }
0x84: {  	v24 =	vsel vm1, $0x3F800000, v0;
	v15 =	vmul.f32 $1.442695020e+00, v15;
	v18 =	vmul.f32 $1.442695020e+00, v18  }
0x85: {  	s18 =	sadd.s32 $0x4, s18;
	v13 =	vmul.f32 $1.442695020e+00, v13;
	(erf) = vpow2.f32 v19;
	v6 =	vadd.f32 v17, v6  }
0x86: {  	s17 =	sadd.s32 $0x40, s17;
	p0 =	slt.u32 s18, $0x3FC;
	v10 =	vadd.f32 v16, v10;
	v3 =	vadd.f32 v3, v9;
	(erf) = vpow2.f32 v18  }
0x87: {  	v8 =	vadd.f32 v20, v8;
	v1 =	vadd.f32 v22, v1;
	v16 =	vld [tilespmem:s17+$0x10];
	(erf) = vpow2.f32 v13  }
0x88: {  	v9 =	vadd.f32 v14, v10;
	v10 =	vadd.f32 v2, v3;
	v13 =	vld [tilespmem:s17+$0x0];
	(erf) = vpow2.f32 v15  }
0x89: {  	v14 =	vmul.f32 v24, v5;
	v8 =	vadd.f32 v21, v8;
	v1 =	vadd.f32 v23, v1;
	v2 =	vld [tilespmem:s17+$0xFFFFFFF0]  }
0x8a: {  	v9 =	vadd.f32 v12, v9;
	v12 =	vsel vm0, $0x3F800000, v0;
	v15 =	vadd.f32 v5, v10;
	v3 =	vld [tilespmem:s17+$0xFFFFFFE0]  }
0x8b: {  	v8 =	vadd.f32 v24, v8;
	v1 =	vadd.f32 v14, v1;
	v14 =	vmul.f32 v12, v4  }
0x8c: {  	vm0 =	vgt.f32 v29, $0.0e+00;
	v10 =	vadd.f32 v11, v9;
	v9 =	vadd.f32 v4, v15;
	v4 =	vmovc v16  }
0x8d: {  	vm1 =	vgt.f32 v31, $0.0e+00;
	v8 =	vadd.f32 v12, v8;
	v1 =	vadd.f32 v14, v1;
	v5 =	vmovc v13  }
0x8e: {  	v13 =	vmax.f32 v29, $0.0e+00;
	v11 =	vmul.f32 v4, v29;
	v12 =	vmul.f32 v5, v31;
	v20 =	vpop (erf)  }
.Ltmp1:
0x8f: {  	vm2 =	vgt.f32 v28, $0.0e+00;
	v14 =	vmul.f32 v2, v28;
	v16 =	vmul.f32 v3, v7;
	v21 =	vpop (erf);
	(pc) =	sbr.rel @p0 .LBB2_4-.Ltmp1, $4  }
0x90: {  	v15 =	vmax.f32 v31, $0.0e+00;
	v17 =	vmul.f32 $9.797518250e-01, v20;
	v18 =	vmul.f32 v20, v20;
	v26 =	vpop (erf)  }
0x91: {  	vm3 =	vgt.f32 v7, $0.0e+00;
	v22 =	vmul.f32 $9.797518250e-01, v21;
	v27 =	vmul.f32 $1.066839620e-01, v26;
	v25 =	vpop (erf)  }
0x92: {  	v19 =	vmax.f32 v28, $0.0e+00;
	v24 =	vmul.f32 $9.797518250e-01, v26;
	v23 =	vmul.f32 $9.797518250e-01, v25  }
0x93: {  	s19 =	sadd.s32 $0x40, s19;
	v26 =	vmul.f32 v26, v26;
	v28 =	vmul.f32 $1.066839620e-01, v25;
	v27 =	vadd.f32 $-3.935335580e-01, v27  }
0x94: {  	v7 =	vmax.f32 v7, $0.0e+00;
	v25 =	vmul.f32 v25, v25  }
0x95: {  	v29 =	vmul.f32 $1.066839620e-01, v21;
	v24 =	vadd.f32 $9.253039610e-04, v24;
	v53 =	vmul.f32 v21, v21  }
0x96: {  	v20 =	vmul.f32 $1.066839620e-01, v20;
	v23 =	vadd.f32 $9.253039610e-04, v23;
	v22 =	vadd.f32 $9.253039610e-04, v22  }
0x97: {  	v17 =	vadd.f32 $9.253039610e-04, v17;
	v57 =	vsel vm3, $0x3F800000, v0;
	v26 =	vmul.f32 v27, v26  }
0x98: {  	v52 =	vadd.f32 $-3.935335580e-01, v28;
	v58 =	vmul.f32 v57, v3;
	v8 =	vadd.f32 v57, v8  }
0x99: {  	v59 =	vsel vm2, $0x3F800000, v0;
	v54 =	vadd.f32 $-3.935335580e-01, v29;
	v20 =	vadd.f32 $-3.935335580e-01, v20  }
0x9a: {  	v24 =	vadd.f32 v26, v24;
	v25 =	vmul.f32 v52, v25;
	v1 =	vadd.f32 v58, v1  }
0x9b: {  	v8 =	vadd.f32 v59, v8;
	v21 =	vmul.f32 v54, v53;
	v18 =	vmul.f32 v20, v18  }
0x9c: {  	v7 =	vadd.f32 v24, v7;
	v23 =	vadd.f32 v25, v23  }
0x9d: {  	v60 =	vmul.f32 v59, v2;
	v21 =	vadd.f32 v21, v22;
	v17 =	vadd.f32 v18, v17  }
0x9e: {  	v7 =	vsub.f32 v7, v16;
	v55 =	vadd.f32 v23, v19  }
0x9f: {  	v1 =	vadd.f32 v60, v1;
	v15 =	vadd.f32 v21, v15  }
0xa0: {  	v13 =	vadd.f32 v17, v13;
	v56 =	vmul.f32 v7, v3;
	v14 =	vsub.f32 v55, v14  }
0xa1: {  	v7 =	vadd.f32 v7, v10;
	v3 =	vadd.f32 v3, v9  }
0xa2: {  	v12 =	vsub.f32 v15, v12;
	v6 =	vadd.f32 v56, v6;
	v16 =	vmul.f32 v14, v2  }
0xa3: {  	v7 =	vadd.f32 v14, v7;
	v2 =	vadd.f32 v2, v3;
	v3 =	vsel vm1, $0x3F800000, v0  }
0xa4: {  	v11 =	vsub.f32 v13, v11;
	v61 =	vmul.f32 v3, v5;
	v3 =	vadd.f32 v3, v8  }
0xa5: {  	v62 =	vsel vm0, $0x3F800000, v0;
	[tilespmem:$0x10280] =	vst v0;
	v6 =	vadd.f32 v16, v6;
	v7 =	vadd.f32 v12, v7  }
0xa6: {  	[tilespmem:$0x10300] =	vst v0;
	v15 =	vmul.f32 v12, v5;
	v2 =	vadd.f32 v5, v2;
	v3 =	vadd.f32 v62, v3  }
0xa7: {  	[tilespmem:$0x10380] =	vst v0;
	v63 =	vmul.f32 v62, v4;
	v1 =	vadd.f32 v61, v1;
	v7 =	vadd.f32 v11, v7  }
0xa8: {  	v13 =	vmul.f32 v11, v4;
	v6 =	vadd.f32 v15, v6;
	v2 =	vadd.f32 v4, v2;
	[tilespmem:$0x10180] =	vst v3  }
0xa9: {  	v1 =	vadd.f32 v63, v1;
	[tilespmem:$0x10080] =	vst v7  }
0xaa: {  	s16 =	sadd.s32 $0x1, s16;
	v6 =	vadd.f32 v13, v6;
	[tilespmem:$0x10100] =	vst v2  }
0xab: {  	p0 =	sne.s32 s16, s8;
	[tilespmem:$0x10200] =	vst v1  }
.Ltmp2:
0xac: {  	[tilespmem:$0x10000] =	vst v6;
	(pc) =	sbr.rel @p0 .LBB2_1-.Ltmp2, $4  }
0xad: {  	[hbm4b:s7+s2] =	stream.linear.scatter [tilespmem:s14], [sflag:$0x3], $0x400, $0x38;
	[tilespmem:$0x10400] =	vst v63  }
0xae: {  	_ =	swait.ge [sflag:s15], $0x400  }
0xaf: {  	[sflag:s15] =	ssyncset.done $0x0  }
0xb0: {  	[sflag:s15] =	ssyncadd.s32 $0xFFFFFC00  }
0xb1: {  	_ =	sfence.sel $0x180000  }
0xb2: {  	[bflag:$0x0] =	sbarrier.arrive $0xFFFF  }
0xb3: {  	p0 =	sne.s32 s1, $0x0;
	_ =	strace $0x90000047  }
0xb4: {  	s0 =	sadd.s32 @!p0 $0x100000, s0;
	[bflag:$0x2] =	sbarrier.arrive $0xFFFF  }
0xb5: {  	[sflag:s0] =	ssyncadd.tile.s32 @!p0 $0x1;
	_ =	shalt  }
.Lfunc_end2:
_tile_overlayer_lowered:
.L_overlay_start_2:
0xb6: {  	(tag) =	ssettag $0x2  }
0xb7: {  	s0 =	rddreg [dreg:$0x0];
	s2 =	stileid.u32  }
0xb8: {  	s1 =	rddreg [dreg:$0x1];
	p0 =	sne.s32 s2, $0x0  }
0xb9: {  	s3 =	rddreg [dreg:$0x2];
	[bflag:$0x3] =	sbarrier.arrive $0xFFFF;
	s2 =	simm.s32 @!p0 $0x1C03  }
0xba: {  	[timem:s3], [sflag:s2] =	dma.local @!p0 [hbm:s0], s1  }
0xbb: {  	s0 =	simm.s32 @!p0 $0x3  }
0xbc: {  	_ =	swait.ge @!p0 [sflag:s0], s1  }
0xbd: {  	s1 =	ssub.s32 @!p0 $0x0, s1;
	[sflag:s0] =	ssyncset.done @!p0 $0x0  }
0xbe: {  	[sflag:s0] =	ssyncadd.s32 @!p0 s1  }
0xbf: {  	[bflag:$0x3] =	sbarrier.arrive $0xFFFF  }
0xc0: {  	_ =	shalt  }

</sc_bundles>
